<compile_context>
chip_gen: v7x
topology: tpu7x:2x2x1
jax: 0.10.2.dev20260603
libtpu: 0.0.44.dev20260713+nightly
codegen_flags: <defaults>
</compile_context>

<pallas_src>
import functools

import jax
import jax.numpy as jnp
from jax import lax
from jax.experimental import pallas as pl
from jax.experimental.pallas import tpu as pltpu
from jax.experimental.pallas import tpu_sc as plsc

NUM_EMB = 1000000
EMB_DIM = 32
BATCH = 16384

_NUM_CORES = 2
_NUM_SUBCORES = 16
_LANES = 16
_BINS = 31
_COLS_PER_BIN = 256
_CHUNK_COLS = 6
_CHUNK_W = _CHUNK_COLS * 128
_NCHUNK = -(-_COLS_PER_BIN // _CHUNK_COLS) + 1
_SROWS = 64
_SGRP = _SROWS // _LANES
_MAX_C0 = (NUM_EMB - _CHUNK_W) // 128
_TAIL = (NUM_EMB // 128) * 128
_IGNORE = -1

_mesh = plsc.VectorSubcoreMesh(core_axis_name="c", subcore_axis_name="s")


@functools.partial(
    pl.kernel,
    mesh=_mesh,
    out_type=jax.ShapeDtypeStruct((BATCH, 128), jnp.float32),
    scratch_types=[
        pltpu.VMEM((BATCH,), jnp.int32),
        pltpu.VMEM((BATCH + _LANES,), jnp.int32),
        pltpu.VMEM((BATCH + _LANES,), jnp.int32),
        pltpu.VMEM((2, 32, _CHUNK_W), jnp.float32),
        pltpu.VMEM((_SROWS, 128), jnp.float32),
        pltpu.VMEM((1, _SROWS), jnp.int32),
        pltpu.VMEM((64, EMB_DIM), jnp.float32),
        pltpu.SemaphoreType.DMA,
        pltpu.SemaphoreType.DMA,
        pltpu.SemaphoreType.DMA,
    ],
    compiler_params=pltpu.CompilerParams(needs_layout_passes=False),
)
def _embed_scan(wt_hbm, wtail_hbm, idx_hbm, out_hbm, idx_v, selb_v, cselb_v,
                buf_v, stage_v, cidx_v, tail_v, sem0, sem1, ssem):
    t = lax.axis_index("s") * _NUM_CORES + lax.axis_index("c")
    lane = lax.iota(jnp.int32, _LANES)

    def _chunk_c0(c):
        return lax.min(t * _COLS_PER_BIN + c * _CHUNK_COLS, jnp.int32(_MAX_C0))

    def _start(c, b, sem):
        col = pl.multiple_of(_chunk_c0(c) * 128, 128)
        pltpu.async_copy(
            wt_hbm.at[pl.ds(0, 32), pl.ds(col, _CHUNK_W)], buf_v.at[b], sem
        )

    @pl.when(t < _BINS)
    def _prime():
        _start(jnp.int32(0), 0, sem0)

    pltpu.sync_copy(idx_hbm, idx_v)

    def _filt(g, cnt):
        r16 = idx_v[pl.ds(g * _LANES, _LANES)]
        b16 = g * _LANES + lane
        m = lax.shift_right_logical(r16, 15) == t
        plsc.store_compressed(selb_v.at[pl.ds(cnt, _LANES)], b16, mask=m)
        pc = plsc.all_reduce_population_count(m)
        return cnt + lax.reduce_max(pc, (0,))

    cnt = lax.fori_loop(0, BATCH // _LANES, _filt, jnp.int32(0))
    n_groups = lax.div(cnt + (_LANES - 1), jnp.int32(_LANES))

    def _prefilter(row0, width):
        def _pf(g, k):
            off = g * _LANES
            b16 = selb_v[pl.ds(off, _LANES)]
            vm = (off + lane) < cnt
            b16c = b16 & (BATCH - 1)
            r16 = plsc.load_gather(idx_v, [b16c])
            d = r16 - row0
            m = vm & (d >= 0) & (d < width)
            plsc.store_compressed(cselb_v.at[pl.ds(k, _LANES)], b16c, mask=m)
            pc = plsc.all_reduce_population_count(m)
            return k + lax.reduce_max(pc, (0,))

        return lax.fori_loop(0, n_groups, _pf, jnp.int32(0))

    def _extract(k, row0, width, src, tail_layout):
        kg = lax.div(k + (_LANES - 1), jnp.int32(_LANES))
        nf = lax.div(kg + (_SGRP - 1), jnp.int32(_SGRP))

        def _flush(f, _):
            ign = jnp.full((_LANES,), _IGNORE, jnp.int32)
            for q in range(_SGRP):
                cidx_v[0, pl.ds(q * _LANES, _LANES)] = ign

            def _one(g2, _):
                g = f * _SGRP + g2
                off = g * _LANES
                b16 = cselb_v[pl.ds(off, _LANES)]
                vm = (off + lane) < k
                b16c = b16 & (BATCH - 1)
                r16 = plsc.load_gather(idx_v, [b16c])
                d = r16 - row0
                m = vm & (d >= 0) & (d < width)
                lc = lax.select(m, d, jnp.zeros_like(d))
                srow = g2 * _LANES + lane
                for j in range(EMB_DIM):
                    jv = jnp.full((_LANES,), j, jnp.int32)
                    if tail_layout:
                        v = plsc.load_gather(src, [lc, jv], mask=m)
                    else:
                        v = plsc.load_gather(src, [jv, lc], mask=m)
                    plsc.store_scatter(stage_v, [srow, jv], v)
                dst = lax.select(m, b16c, jnp.full((_LANES,), _IGNORE,
                                                   jnp.int32))
                cidx_v[0, pl.ds(g2 * _LANES, _LANES)] = dst
                return 0

            lax.fori_loop(0, lax.min(jnp.int32(_SGRP), kg - f * _SGRP),
                          _one, 0)
            pltpu.async_copy(
                stage_v,
                out_hbm.at[plsc.Indices(cidx_v.at[0], ignored_value=_IGNORE)],
                ssem,
            ).wait()
            return 0

        lax.fori_loop(0, nf, _flush, 0)

    def _wait_slab(sem):
        pltpu.make_async_copy(
            wt_hbm.at[pl.ds(0, 32), pl.ds(0, _CHUNK_W)], buf_v.at[0], sem
        ).wait()

    def _do_chunk(c, b):
        row0 = _chunk_c0(c) * 128
        k = _prefilter(row0, _CHUNK_W)
        _wait_slab(sem0 if b == 0 else sem1)
        _extract(k, row0, _CHUNK_W, buf_v.at[b], tail_layout=False)

    @pl.when(t < _BINS)
    def _stream():
        def _pair(c2, _):
            c_a = c2 * 2
            _start(c_a + 1, 1, sem1)
            _do_chunk(c_a, 0)
            _start(c_a + 2, 0, sem0)
            _do_chunk(c_a + 1, 1)
            return 0

        lax.fori_loop(0, _NCHUNK // 2, _pair, 0)
        _wait_slab(sem0)

    @pl.when(t == _BINS - 1)
    def _tail():
        pltpu.sync_copy(wtail_hbm, tail_v)
        k = _prefilter(jnp.int32(_TAIL), NUM_EMB - _TAIL)
        _extract(k, jnp.int32(_TAIL), NUM_EMB - _TAIL, tail_v,
                 tail_layout=True)


def kernel(g, x, W):
    del g
    idx = x.reshape(BATCH)
    wt = W.T
    wtail = W[_TAIL:, :]
    out128 = _embed_scan(wt, wtail, idx)
    return out128[:, :EMB_DIM]

# --- scband reference (transcript-rebuilt; emitter-appended) ---
"""Pipeline reference for scband-embedding-layer-68049461838040 (READ-ONLY COPY).

The authoritative reference and input builder live on the scoring server;
editing this copy changes nothing except your own understanding.
"""

import jax, jax.numpy as jnp
import numpy as np

NUM_EMB = 1000000
EMB_DIM = 32
BATCH = 16384


def setup_inputs(seed: int = 0) -> dict:
    key = jax.random.key(seed)
    k1, k2 = jax.random.split(key)
    scale = 1.0 / (EMB_DIM ** 0.5)
    # nn.Embedding weight init: uniform(-scale, scale)
    W = jax.random.uniform(k1, (NUM_EMB, EMB_DIM), minval=-scale, maxval=scale, dtype=jnp.float32)
    x = jax.random.randint(k2, (BATCH, 1), 0, NUM_EMB, dtype=jnp.int32)
    g = jnp.zeros((1,), dtype=jnp.int32)  # graph arg, unused by forward
    return {"g": g, "x": x, "W": W}


def reference(g, x, W):
    # forward: self.embedding(x.squeeze())
    idx = jnp.squeeze(x)
    return jnp.take(W, idx, axis=0)

if __name__ == "__main__":
    import jax
    _d = setup_inputs()
    print(jax.jit(kernel)(*tuple(_d.values())))

</pallas_src>

<mosaic_0001>
#map = affine_map<(d0, d1) -> (0, 0)>
#map1 = affine_map<(d0, d1) -> (0)>
module attributes {stable_mosaic.version = 14 : i64} {
  func.func @_embed_scan(%arg0: i32, %arg1: i32, %arg2: memref<32x1000000xf32, #tpu.memory_space<hbm>>, %arg3: memref<64x32xf32, #tpu.memory_space<hbm>>, %arg4: memref<16384xi32, #tpu.memory_space<hbm>>, %arg5: memref<16384x128xf32, #tpu.memory_space<hbm>>, %arg6: memref<16384xi32, #tpu.memory_space<vmem>>, %arg7: memref<16400xi32, #tpu.memory_space<vmem>>, %arg8: memref<16400xi32, #tpu.memory_space<vmem>>, %arg9: memref<2x32x768xf32, #tpu.memory_space<vmem>>, %arg10: memref<64x128xf32, #tpu.memory_space<vmem>>, %arg11: memref<1x64xi32, #tpu.memory_space<vmem>>, %arg12: memref<64x32xf32, #tpu.memory_space<vmem>>, %arg13: memref<!tpu.dma_semaphore, #tpu.memory_space<semaphore_mem>>, %arg14: memref<!tpu.dma_semaphore, #tpu.memory_space<semaphore_mem>>, %arg15: memref<!tpu.dma_semaphore, #tpu.memory_space<semaphore_mem>>) attributes {dimension_semantics = [#tpu.dimension_semantics<core_parallel>, #tpu.dimension_semantics<subcore_parallel>], iteration_bounds = array<i64: 2, 16>, scalar_prefetch = 0 : i64, scratch_operands = 10 : i64, tpu.core_type = #tpu.core_type<sc_vector_subcore>, window_params = [{transform_indices = #map}, {transform_indices = #map}, {transform_indices = #map1}, {transform_indices = #map}]} {
    %mul3A = arith.constant 2 : i32
    %mul3A_0 = arith.muli %arg1, %mul3A : i32
    %add3A = arith.addi %mul3A_0, %arg0 : i32
    %iota3A = tpu.iota {dimensions = array<i32: 0>} : vector<16xi32>
    %lt3A = arith.constant 31 : i32
    %lt3A_1 = arith.cmpi slt, %add3A, %lt3A : i32
    %convert_element_type3A = arith.extui %lt3A_1 : i1 to i32
    %cond3A = arith.constant 0 : i32
    %cond3A_2 = arith.cmpi ne, %convert_element_type3A, %cond3A : i32
    scf.if %cond3A_2 {
      %mul3A_21 = arith.constant 256 : i32
      %mul3A_22 = arith.muli %add3A, %mul3A_21 : i32
      %mul3A_23 = arith.constant 0 : i32
      %mul3A_24 = arith.constant 6 : i32
      %mul3A_25 = arith.muli %mul3A_23, %mul3A_24 : i32
      %add3A_26 = arith.addi %mul3A_22, %mul3A_25 : i32
      %min3A = arith.constant 7806 : i32
      %min3A_27 = arith.minsi %add3A_26, %min3A : i32
      %mul3A_28 = arith.constant 128 : i32
      %mul3A_29 = arith.muli %min3A_27, %mul3A_28 : i32
      %multiple_of3A = tpu.assume_multiple %mul3A_29, 128 : i32
      %dma_start3A = arith.constant 0 : i32
      %dma_start3A_30 = arith.constant 0 : i32
      %dma_start3A_31 = arith.constant 0 : i32
      %dma_start3A_32 = tpu.memref_slice %arg9[%dma_start3A, %dma_start3A_30, %dma_start3A_31] : memref<2x32x768xf32, #tpu.memory_space<vmem>> -> memref<1x32x768xf32, #tpu.memory_space<vmem>>
      %dma_start3A_33 = tpu.memref_squeeze %dma_start3A_32 : memref<1x32x768xf32, #tpu.memory_space<vmem>> -> memref<32x768xf32, #tpu.memory_space<vmem>>
      %dma_start3A_34 = arith.constant 0 : i32
      %dma_start3A_35 = tpu.memref_slice %arg2[%dma_start3A_34, %multiple_of3A] : memref<32x1000000xf32, #tpu.memory_space<hbm>> -> memref<32x768xf32, #tpu.memory_space<hbm>>
      %dma_start3A_36 = arith.constant 0 : i32
      %dma_start3A_37 = arith.constant 0 : i32
      %dma_start3A_38 = tpu.memref_slice %arg9[%dma_start3A, %dma_start3A_36, %dma_start3A_37] : memref<2x32x768xf32, #tpu.memory_space<vmem>> -> memref<1x32x768xf32, #tpu.memory_space<vmem>>
      %dma_start3A_39 = tpu.memref_squeeze %dma_start3A_38 : memref<1x32x768xf32, #tpu.memory_space<vmem>> -> memref<32x768xf32, #tpu.memory_space<vmem>>
      %dma_start3A_40 = arith.constant 0 : i32
      %dma_start3A_41 = tpu.memref_slice %arg2[%dma_start3A_40, %multiple_of3A] : memref<32x1000000xf32, #tpu.memory_space<hbm>> -> memref<32x768xf32, #tpu.memory_space<hbm>>
      tpu.enqueue_dma source(%dma_start3A_41 : memref<32x768xf32, #tpu.memory_space<hbm>>) target(%dma_start3A_39 : memref<32x768xf32, #tpu.memory_space<vmem>>) target_semaphore(%arg13 : memref<!tpu.dma_semaphore, #tpu.memory_space<semaphore_mem>>)
    } else {
    }
    "tpu.region"() ({
      %run_scoped3A = tpu.sem_alloc : memref<!tpu.dma_semaphore, #tpu.memory_space<semaphore_mem>>
      tpu.enqueue_dma source(%arg4 : memref<16384xi32, #tpu.memory_space<hbm>>) target(%arg6 : memref<16384xi32, #tpu.memory_space<vmem>>) target_semaphore(%run_scoped3A : memref<!tpu.dma_semaphore, #tpu.memory_space<semaphore_mem>>)
      tpu.wait_dma2 semaphore(%run_scoped3A : memref<!tpu.dma_semaphore, #tpu.memory_space<semaphore_mem>>) src(%arg4 : memref<16384xi32, #tpu.memory_space<hbm>>) dst(%arg6 : memref<16384xi32, #tpu.memory_space<vmem>>)
      tpu.yield
    }) : () -> ()
    %scan3A = arith.constant 0 : i32
    %scan3A_3 = arith.constant 0 : i32
    %scan3A_4 = arith.constant 1024 : i32
    %scan3A_5 = arith.addi %scan3A_3, %scan3A_4 : i32
    %scan3A_6 = arith.constant 1 : i32
    %scan3A_7 = scf.for %scan3A_21 = %scan3A_3 to %scan3A_5 step %scan3A_6 iter_args(%scan3A_22 = %scan3A) -> (i32)  : i32 {
      %mul3A_23 = arith.constant 16 : i32
      %mul3A_24 = arith.muli %scan3A_21, %mul3A_23 : i32
      %get3A = arith.index_cast %mul3A_24 : i32 to index
      %get3A_25 = tpu.vector_load %arg6[%get3A] {strides = array<i32>} : memref<16384xi32, #tpu.memory_space<vmem>>, vector<16xi32>,
      %mul3A_26 = arith.constant 16 : i32
      %mul3A_27 = arith.muli %scan3A_21, %mul3A_26 : i32
      %add3A_28 = vector.broadcast %mul3A_27 : i32 to vector<16xi32>
      %add3A_29 = arith.addi %add3A_28, %iota3A : vector<16xi32>
      %shift_right_logical3A = arith.constant 15 : i32
      %shift_right_logical3A_30 = vector.broadcast %shift_right_logical3A : i32 to vector<16xi32>
      %shift_right_logical3A_31 = arith.shrui %get3A_25, %shift_right_logical3A_30 : vector<16xi32>
      %eq3A_32 = vector.broadcast %add3A : i32 to vector<16xi32>
      %eq3A_33 = arith.cmpi eq, %shift_right_logical3A_31, %eq3A_32 : vector<16xi32>
      %swap3A = arith.index_cast %scan3A_22 : i32 to index
      %swap3A_34 = tpu.vector_load %arg7[%swap3A] masked %eq3A_33 {strides = array<i32>} : memref<16400xi32, #tpu.memory_space<vmem>>, vector<16xi32>, vector<16xi1>
      tpu.vector_store %arg7[%swap3A], %add3A_29 masked %eq3A_33 {strides = array<i32>} : memref<16400xi32, #tpu.memory_space<vmem>>, vector<16xi32>, vector<16xi1>
      %all_reduce_population_count3A = tpu.all_reduce %eq3A_33 {dim = 0 : i64, kind = #tpu.reduction_kind<sum>} : vector<16xi1> -> vector<16xi32>
      %reduce_max3A = arith.constant true
      %reduce_max3A_35 = vector.broadcast %reduce_max3A : i1 to vector<16xi1>
      %reduce_max3A_36 = arith.constant -2147483648 : i32
      %reduce_max3A_37 = vector.broadcast %reduce_max3A_36 : i32 to vector<16xi32>
      %reduce_max3A_38 = arith.xori %all_reduce_population_count3A, %reduce_max3A_37 : vector<16xi32>
      %reduce_max3A_39 = tpu.scan <max>, %reduce_max3A_38 masked %reduce_max3A_35 : vector<16xi32>, vector<16xi1> -> vector<16xi32>
      %reduce_max3A_40 = arith.xori %reduce_max3A_39, %reduce_max3A_37 : vector<16xi32>
      %reduce_max3A_41 = vector.extract %reduce_max3A_40[15] : i32 from vector<16xi32>
      %add3A_42 = arith.addi %scan3A_22, %reduce_max3A_41 : i32
      scf.yield %add3A_42 : i32
    }
    %scan3A_8 = arith.constant 1024 : i32
    %add3A_9 = arith.constant 15 : i32
    %add3A_10 = arith.addi %scan3A_7, %add3A_9 : i32
    %div3A = arith.constant 16 : i32
    %div3A_11 = arith.divsi %add3A_10, %div3A : i32
    %lt3A_12 = arith.constant 31 : i32
    %lt3A_13 = arith.cmpi slt, %add3A, %lt3A_12 : i32
    %convert_element_type3A_14 = arith.extui %lt3A_13 : i1 to i32
    %cond3A_15 = arith.constant 0 : i32
    %cond3A_16 = arith.cmpi ne, %convert_element_type3A_14, %cond3A_15 : i32
    scf.if %cond3A_16 {
      %scan3A_21 = arith.constant 0 : i32
      %scan3A_22 = arith.constant 0 : i32
      %scan3A_23 = arith.constant 22 : i32
      %scan3A_24 = arith.addi %scan3A_22, %scan3A_23 : i32
      %scan3A_25 = arith.constant 1 : i32
      %scan3A_26 = scf.for %scan3A_42 = %scan3A_22 to %scan3A_24 step %scan3A_25 iter_args(%scan3A_43 = %scan3A_21) -> (i32)  : i32 {
        %mul3A_44 = arith.constant 2 : i32
        %mul3A_45 = arith.muli %scan3A_42, %mul3A_44 : i32
        %add3A_46 = arith.constant 1 : i32
        %add3A_47 = arith.addi %mul3A_45, %add3A_46 : i32
        %mul3A_48 = arith.constant 256 : i32
        %mul3A_49 = arith.muli %add3A, %mul3A_48 : i32
        %mul3A_50 = arith.constant 6 : i32
        %mul3A_51 = arith.muli %add3A_47, %mul3A_50 : i32
        %add3A_52 = arith.addi %mul3A_49, %mul3A_51 : i32
        %min3A = arith.constant 7806 : i32
        %min3A_53 = arith.minsi %add3A_52, %min3A : i32
        %mul3A_54 = arith.constant 128 : i32
        %mul3A_55 = arith.muli %min3A_53, %mul3A_54 : i32
        %multiple_of3A = tpu.assume_multiple %mul3A_55, 128 : i32
        %dma_start3A = arith.constant 1 : i32
        %dma_start3A_56 = arith.constant 0 : i32
        %dma_start3A_57 = arith.constant 0 : i32
        %dma_start3A_58 = tpu.memref_slice %arg9[%dma_start3A, %dma_start3A_56, %dma_start3A_57] : memref<2x32x768xf32, #tpu.memory_space<vmem>> -> memref<1x32x768xf32, #tpu.memory_space<vmem>>
        %dma_start3A_59 = tpu.memref_squeeze %dma_start3A_58 : memref<1x32x768xf32, #tpu.memory_space<vmem>> -> memref<32x768xf32, #tpu.memory_space<vmem>>
        %dma_start3A_60 = arith.constant 0 : i32
        %dma_start3A_61 = tpu.memref_slice %arg2[%dma_start3A_60, %multiple_of3A] : memref<32x1000000xf32, #tpu.memory_space<hbm>> -> memref<32x768xf32, #tpu.memory_space<hbm>>
        %dma_start3A_62 = arith.constant 0 : i32
        %dma_start3A_63 = arith.constant 0 : i32
        %dma_start3A_64 = tpu.memref_slice %arg9[%dma_start3A, %dma_start3A_62, %dma_start3A_63] : memref<2x32x768xf32, #tpu.memory_space<vmem>> -> memref<1x32x768xf32, #tpu.memory_space<vmem>>
        %dma_start3A_65 = tpu.memref_squeeze %dma_start3A_64 : memref<1x32x768xf32, #tpu.memory_space<vmem>> -> memref<32x768xf32, #tpu.memory_space<vmem>>
        %dma_start3A_66 = arith.constant 0 : i32
        %dma_start3A_67 = tpu.memref_slice %arg2[%dma_start3A_66, %multiple_of3A] : memref<32x1000000xf32, #tpu.memory_space<hbm>> -> memref<32x768xf32, #tpu.memory_space<hbm>>
        tpu.enqueue_dma source(%dma_start3A_67 : memref<32x768xf32, #tpu.memory_space<hbm>>) target(%dma_start3A_65 : memref<32x768xf32, #tpu.memory_space<vmem>>) target_semaphore(%arg14 : memref<!tpu.dma_semaphore, #tpu.memory_space<semaphore_mem>>)
        %mul3A_68 = arith.constant 256 : i32
        %mul3A_69 = arith.muli %add3A, %mul3A_68 : i32
        %mul3A_70 = arith.constant 6 : i32
        %mul3A_71 = arith.muli %mul3A_45, %mul3A_70 : i32
        %add3A_72 = arith.addi %mul3A_69, %mul3A_71 : i32
        %min3A_73 = arith.constant 7806 : i32
        %min3A_74 = arith.minsi %add3A_72, %min3A_73 : i32
        %mul3A_75 = arith.constant 128 : i32
        %mul3A_76 = arith.muli %min3A_74, %mul3A_75 : i32
        %while3A = arith.constant 0 : i32
        %while3A_77 = arith.constant 0 : i32
        %while3A_78 = arith.subi %div3A_11, %while3A : i32
        %while3A_79 = arith.addi %while3A, %while3A_78 : i32
        %while3A_80 = arith.constant 1 : i32
        %while3A_81 = arith.divsi %while3A_78, %while3A_80 : i32
        %while3A_82 = arith.muli %while3A_81, %while3A_80 : i32
        %while3A_83 = arith.addi %while3A, %while3A_82 : i32
        %while3A_84 = arith.constant 1 : i32
        %while3A_85 = scf.for %while3A_209 = %while3A to %while3A_83 step %while3A_84 iter_args(%while3A_210 = %while3A_77) -> (i32)  : i32 {
          %mul3A_211 = arith.constant 16 : i32
          %mul3A_212 = arith.muli %while3A_209, %mul3A_211 : i32
          %get3A = arith.index_cast %mul3A_212 : i32 to index
          %get3A_213 = tpu.vector_load %arg7[%get3A] {strides = array<i32>} : memref<16400xi32, #tpu.memory_space<vmem>>, vector<16xi32>,
          %add3A_214 = vector.broadcast %mul3A_212 : i32 to vector<16xi32>
          %add3A_215 = arith.addi %add3A_214, %iota3A : vector<16xi32>
          %lt3A_216 = vector.broadcast %scan3A_7 : i32 to vector<16xi32>
          %lt3A_217 = arith.cmpi slt, %add3A_215, %lt3A_216 : vector<16xi32>
          %and3A = arith.constant 16383 : i32
          %and3A_218 = vector.broadcast %and3A : i32 to vector<16xi32>
          %and3A_219 = arith.andi %get3A_213, %and3A_218 : vector<16xi32>
          %gather3A = tpu.vector_load_idx %arg6[%and3A_219] : memref<16384xi32, #tpu.memory_space<vmem>>[vector<16xi32>], vector<16xi32>,
          %sub3A = vector.broadcast %mul3A_76 : i32 to vector<16xi32>
          %sub3A_220 = arith.subi %gather3A, %sub3A : vector<16xi32>
          %ge3A = arith.constant 0 : i32
          %ge3A_221 = vector.broadcast %ge3A : i32 to vector<16xi32>
          %ge3A_222 = arith.cmpi sge, %sub3A_220, %ge3A_221 : vector<16xi32>
          %and3A_223 = arith.andi %lt3A_217, %ge3A_222 : vector<16xi1>
          %lt3A_224 = arith.constant 768 : i32
          %lt3A_225 = vector.broadcast %lt3A_224 : i32 to vector<16xi32>
          %lt3A_226 = arith.cmpi slt, %sub3A_220, %lt3A_225 : vector<16xi32>
          %and3A_227 = arith.andi %and3A_223, %lt3A_226 : vector<16xi1>
          %swap3A = arith.index_cast %while3A_210 : i32 to index
          %swap3A_228 = tpu.vector_load %arg8[%swap3A] masked %and3A_227 {strides = array<i32>} : memref<16400xi32, #tpu.memory_space<vmem>>, vector<16xi32>, vector<16xi1>
          tpu.vector_store %arg8[%swap3A], %and3A_219 masked %and3A_227 {strides = array<i32>} : memref<16400xi32, #tpu.memory_space<vmem>>, vector<16xi32>, vector<16xi1>
          %all_reduce_population_count3A = tpu.all_reduce %and3A_227 {dim = 0 : i64, kind = #tpu.reduction_kind<sum>} : vector<16xi1> -> vector<16xi32>
          %reduce_max3A = arith.constant true
          %reduce_max3A_229 = vector.broadcast %reduce_max3A : i1 to vector<16xi1>
          %reduce_max3A_230 = arith.constant -2147483648 : i32
          %reduce_max3A_231 = vector.broadcast %reduce_max3A_230 : i32 to vector<16xi32>
          %reduce_max3A_232 = arith.xori %all_reduce_population_count3A, %reduce_max3A_231 : vector<16xi32>
          %reduce_max3A_233 = tpu.scan <max>, %reduce_max3A_232 masked %reduce_max3A_229 : vector<16xi32>, vector<16xi1> -> vector<16xi32>
          %reduce_max3A_234 = arith.xori %reduce_max3A_233, %reduce_max3A_231 : vector<16xi32>
          %reduce_max3A_235 = vector.extract %reduce_max3A_234[15] : i32 from vector<16xi32>
          %add3A_236 = arith.addi %while3A_210, %reduce_max3A_235 : i32
          scf.yield %add3A_236 : i32
        }
        %while3A_86 = arith.constant 1 : i32
        %while3A_87 = scf.for %while3A_209 = %while3A_83 to %while3A_79 step %while3A_86 iter_args(%while3A_210 = %while3A_85) -> (i32)  : i32 {
          %mul3A_211 = arith.constant 16 : i32
          %mul3A_212 = arith.muli %while3A_209, %mul3A_211 : i32
          %get3A = arith.index_cast %mul3A_212 : i32 to index
          %get3A_213 = tpu.vector_load %arg7[%get3A] {strides = array<i32>} : memref<16400xi32, #tpu.memory_space<vmem>>, vector<16xi32>,
          %add3A_214 = vector.broadcast %mul3A_212 : i32 to vector<16xi32>
          %add3A_215 = arith.addi %add3A_214, %iota3A : vector<16xi32>
          %lt3A_216 = vector.broadcast %scan3A_7 : i32 to vector<16xi32>
          %lt3A_217 = arith.cmpi slt, %add3A_215, %lt3A_216 : vector<16xi32>
          %and3A = arith.constant 16383 : i32
          %and3A_218 = vector.broadcast %and3A : i32 to vector<16xi32>
          %and3A_219 = arith.andi %get3A_213, %and3A_218 : vector<16xi32>
          %gather3A = tpu.vector_load_idx %arg6[%and3A_219] : memref<16384xi32, #tpu.memory_space<vmem>>[vector<16xi32>], vector<16xi32>,
          %sub3A = vector.broadcast %mul3A_76 : i32 to vector<16xi32>
          %sub3A_220 = arith.subi %gather3A, %sub3A : vector<16xi32>
          %ge3A = arith.constant 0 : i32
          %ge3A_221 = vector.broadcast %ge3A : i32 to vector<16xi32>
          %ge3A_222 = arith.cmpi sge, %sub3A_220, %ge3A_221 : vector<16xi32>
          %and3A_223 = arith.andi %lt3A_217, %ge3A_222 : vector<16xi1>
          %lt3A_224 = arith.constant 768 : i32
          %lt3A_225 = vector.broadcast %lt3A_224 : i32 to vector<16xi32>
          %lt3A_226 = arith.cmpi slt, %sub3A_220, %lt3A_225 : vector<16xi32>
          %and3A_227 = arith.andi %and3A_223, %lt3A_226 : vector<16xi1>
          %swap3A = arith.index_cast %while3A_210 : i32 to index
          %swap3A_228 = tpu.vector_load %arg8[%swap3A] masked %and3A_227 {strides = array<i32>} : memref<16400xi32, #tpu.memory_space<vmem>>, vector<16xi32>, vector<16xi1>
          tpu.vector_store %arg8[%swap3A], %and3A_219 masked %and3A_227 {strides = array<i32>} : memref<16400xi32, #tpu.memory_space<vmem>>, vector<16xi32>, vector<16xi1>
          %all_reduce_population_count3A = tpu.all_reduce %and3A_227 {dim = 0 : i64, kind = #tpu.reduction_kind<sum>} : vector<16xi1> -> vector<16xi32>
          %reduce_max3A = arith.constant true
          %reduce_max3A_229 = vector.broadcast %reduce_max3A : i1 to vector<16xi1>
          %reduce_max3A_230 = arith.constant -2147483648 : i32
          %reduce_max3A_231 = vector.broadcast %reduce_max3A_230 : i32 to vector<16xi32>
          %reduce_max3A_232 = arith.xori %all_reduce_population_count3A, %reduce_max3A_231 : vector<16xi32>
          %reduce_max3A_233 = tpu.scan <max>, %reduce_max3A_232 masked %reduce_max3A_229 : vector<16xi32>, vector<16xi1> -> vector<16xi32>
          %reduce_max3A_234 = arith.xori %reduce_max3A_233, %reduce_max3A_231 : vector<16xi32>
          %reduce_max3A_235 = vector.extract %reduce_max3A_234[15] : i32 from vector<16xi32>
          %add3A_236 = arith.addi %while3A_210, %reduce_max3A_235 : i32
          scf.yield %add3A_236 : i32
        }
        %dma_wait3A_88 = arith.constant 0 : i32
        %dma_wait3A_89 = arith.constant 0 : i32
        %dma_wait3A_90 = arith.constant 0 : i32
        %dma_wait3A_91 = tpu.memref_slice %arg9[%dma_wait3A_88, %dma_wait3A_89, %dma_wait3A_90] : memref<2x32x768xf32, #tpu.memory_space<vmem>> -> memref<1x32x768xf32, #tpu.memory_space<vmem>>
        %dma_wait3A_92 = tpu.memref_squeeze %dma_wait3A_91 : memref<1x32x768xf32, #tpu.memory_space<vmem>> -> memref<32x768xf32, #tpu.memory_space<vmem>>
        %dma_wait3A_93 = arith.constant 0 : i32
        %dma_wait3A_94 = arith.constant 0 : i32
        %dma_wait3A_95 = tpu.memref_slice %arg2[%dma_wait3A_93, %dma_wait3A_94] : memref<32x1000000xf32, #tpu.memory_space<hbm>> -> memref<32x768xf32, #tpu.memory_space<hbm>>
        %dma_wait3A_96 = arith.constant 0 : i32
        %dma_wait3A_97 = arith.constant 0 : i32
        %dma_wait3A_98 = tpu.memref_slice %arg9[%dma_wait3A_88, %dma_wait3A_96, %dma_wait3A_97] : memref<2x32x768xf32, #tpu.memory_space<vmem>> -> memref<1x32x768xf32, #tpu.memory_space<vmem>>
        %dma_wait3A_99 = tpu.memref_squeeze %dma_wait3A_98 : memref<1x32x768xf32, #tpu.memory_space<vmem>> -> memref<32x768xf32, #tpu.memory_space<vmem>>
        %dma_wait3A_100 = arith.constant 0 : i32
        %dma_wait3A_101 = arith.constant 0 : i32
        %dma_wait3A_102 = tpu.memref_slice %arg2[%dma_wait3A_100, %dma_wait3A_101] : memref<32x1000000xf32, #tpu.memory_space<hbm>> -> memref<32x768xf32, #tpu.memory_space<hbm>>
        tpu.wait_dma2 semaphore(%arg13 : memref<!tpu.dma_semaphore, #tpu.memory_space<semaphore_mem>>) src(%dma_wait3A_102 : memref<32x768xf32, #tpu.memory_space<hbm>>) dst(%dma_wait3A_99 : memref<32x768xf32, #tpu.memory_space<vmem>>)
        %add3A_103 = arith.constant 15 : i32
        %add3A_104 = arith.addi %while3A_87, %add3A_103 : i32
        %div3A_105 = arith.constant 16 : i32
        %div3A_106 = arith.divsi %add3A_104, %div3A_105 : i32
        %add3A_107 = arith.constant 3 : i32
        %add3A_108 = arith.addi %div3A_106, %add3A_107 : i32
        %div3A_109 = arith.constant 4 : i32
        %div3A_110 = arith.divsi %add3A_108, %div3A_109 : i32
        %while3A_111 = arith.constant 0 : i32
        %while3A_112 = arith.constant 0 : i32
        %while3A_113 = arith.constant 0 : i32
        %while3A_114 = arith.subi %div3A_110, %while3A_112 : i32
        %while3A_115 = arith.addi %while3A_112, %while3A_114 : i32
        %while3A_116 = arith.constant 1 : i32
        %while3A_117 = arith.divsi %while3A_114, %while3A_116 : i32
        %while3A_118 = arith.muli %while3A_117, %while3A_116 : i32
        %while3A_119 = arith.addi %while3A_112, %while3A_118 : i32
        %while3A_120 = arith.constant 1 : i32
        %while3A_121 = scf.for %while3A_209 = %while3A_112 to %while3A_119 step %while3A_120 iter_args(%while3A_210 = %while3A_113) -> (i32)  : i32 {
          %broadcast_in_dim3A = arith.constant -1 : i32
          %broadcast_in_dim3A_211 = vector.broadcast %broadcast_in_dim3A : i32 to vector<16xi32>
          %swap3A = arith.constant 0 : i32
          %swap3A_212 = arith.index_cast %swap3A : i32 to index
          %swap3A_213 = arith.constant 0 : index
          %swap3A_214 = tpu.vector_load %arg11[%swap3A_212, %swap3A_213] {strides = array<i32>} : memref<1x64xi32, #tpu.memory_space<vmem>>, vector<16xi32>,
          tpu.vector_store %arg11[%swap3A_212, %swap3A_213], %broadcast_in_dim3A_211 {strides = array<i32>} : memref<1x64xi32, #tpu.memory_space<vmem>>, vector<16xi32>,
          %swap3A_215 = arith.constant 0 : i32
          %swap3A_216 = arith.index_cast %swap3A_215 : i32 to index
          %swap3A_217 = arith.constant 16 : index
          %swap3A_218 = tpu.vector_load %arg11[%swap3A_216, %swap3A_217] {strides = array<i32>} : memref<1x64xi32, #tpu.memory_space<vmem>>, vector<16xi32>,
          tpu.vector_store %arg11[%swap3A_216, %swap3A_217], %broadcast_in_dim3A_211 {strides = array<i32>} : memref<1x64xi32, #tpu.memory_space<vmem>>, vector<16xi32>,
          %swap3A_219 = arith.constant 0 : i32
          %swap3A_220 = arith.index_cast %swap3A_219 : i32 to index
          %swap3A_221 = arith.constant 32 : index
          %swap3A_222 = tpu.vector_load %arg11[%swap3A_220, %swap3A_221] {strides = array<i32>} : memref<1x64xi32, #tpu.memory_space<vmem>>, vector<16xi32>,
          tpu.vector_store %arg11[%swap3A_220, %swap3A_221], %broadcast_in_dim3A_211 {strides = array<i32>} : memref<1x64xi32, #tpu.memory_space<vmem>>, vector<16xi32>,
          %swap3A_223 = arith.constant 0 : i32
          %swap3A_224 = arith.index_cast %swap3A_223 : i32 to index
          %swap3A_225 = arith.constant 48 : index
          %swap3A_226 = tpu.vector_load %arg11[%swap3A_224, %swap3A_225] {strides = array<i32>} : memref<1x64xi32, #tpu.memory_space<vmem>>, vector<16xi32>,
          tpu.vector_store %arg11[%swap3A_224, %swap3A_225], %broadcast_in_dim3A_211 {strides = array<i32>} : memref<1x64xi32, #tpu.memory_space<vmem>>, vector<16xi32>,
          %mul3A_227 = arith.constant 4 : i32
          %mul3A_228 = arith.muli %while3A_209, %mul3A_227 : i32
          %sub3A = arith.subi %div3A_106, %mul3A_228 : i32
          %min3A_229 = arith.constant 4 : i32
          %min3A_230 = arith.minsi %min3A_229, %sub3A : i32
          %while3A_231 = arith.constant 0 : i32
          %while3A_232 = arith.constant 0 : i32
          %while3A_233 = arith.subi %min3A_230, %while3A_231 : i32
          %while3A_234 = arith.addi %while3A_231, %while3A_233 : i32
          %while3A_235 = arith.constant 1 : i32
          %while3A_236 = arith.divsi %while3A_233, %while3A_235 : i32
          %while3A_237 = arith.muli %while3A_236, %while3A_235 : i32
          %while3A_238 = arith.addi %while3A_231, %while3A_237 : i32
          %while3A_239 = arith.constant 1 : i32
          %while3A_240 = scf.for %while3A_259 = %while3A_231 to %while3A_238 step %while3A_239 iter_args(%while3A_260 = %while3A_232) -> (i32)  : i32 {
            %mul3A_261 = arith.constant 4 : i32
            %mul3A_262 = arith.muli %while3A_209, %mul3A_261 : i32
            %add3A_263 = arith.addi %mul3A_262, %while3A_259 : i32
            %mul3A_264 = arith.constant 16 : i32
            %mul3A_265 = arith.muli %add3A_263, %mul3A_264 : i32
            %get3A = arith.index_cast %mul3A_265 : i32 to index
            %get3A_266 = tpu.vector_load %arg8[%get3A] {strides = array<i32>} : memref<16400xi32, #tpu.memory_space<vmem>>, vector<16xi32>,
            %add3A_267 = vector.broadcast %mul3A_265 : i32 to vector<16xi32>
            %add3A_268 = arith.addi %add3A_267, %iota3A : vector<16xi32>
            %lt3A_269 = vector.broadcast %while3A_87 : i32 to vector<16xi32>
            %lt3A_270 = arith.cmpi slt, %add3A_268, %lt3A_269 : vector<16xi32>
            %and3A = arith.constant 16383 : i32
            %and3A_271 = vector.broadcast %and3A : i32 to vector<16xi32>
            %and3A_272 = arith.andi %get3A_266, %and3A_271 : vector<16xi32>
            %gather3A = tpu.vector_load_idx %arg6[%and3A_272] : memref<16384xi32, #tpu.memory_space<vmem>>[vector<16xi32>], vector<16xi32>,
            %sub3A_273 = vector.broadcast %mul3A_76 : i32 to vector<16xi32>
            %sub3A_274 = arith.subi %gather3A, %sub3A_273 : vector<16xi32>
            %ge3A = arith.constant 0 : i32
            %ge3A_275 = vector.broadcast %ge3A : i32 to vector<16xi32>
            %ge3A_276 = arith.cmpi sge, %sub3A_274, %ge3A_275 : vector<16xi32>
            %and3A_277 = arith.andi %lt3A_270, %ge3A_276 : vector<16xi1>
            %lt3A_278 = arith.constant 768 : i32
            %lt3A_279 = vector.broadcast %lt3A_278 : i32 to vector<16xi32>
            %lt3A_280 = arith.cmpi slt, %sub3A_274, %lt3A_279 : vector<16xi32>
            %and3A_281 = arith.andi %and3A_277, %lt3A_280 : vector<16xi1>
            %broadcast_in_dim3A_282 = arith.constant 0 : i32
            %broadcast_in_dim3A_283 = vector.broadcast %broadcast_in_dim3A_282 : i32 to vector<16xi32>
            %select_n3A = arith.select %and3A_281, %sub3A_274, %broadcast_in_dim3A_283 : vector<16xi1>, vector<16xi32>
            %mul3A_284 = arith.constant 16 : i32
            %mul3A_285 = arith.muli %while3A_259, %mul3A_284 : i32
            %add3A_286 = vector.broadcast %mul3A_285 : i32 to vector<16xi32>
            %add3A_287 = arith.addi %add3A_286, %iota3A : vector<16xi32>
            %broadcast_in_dim3A_288 = arith.constant 0 : i32
            %broadcast_in_dim3A_289 = vector.broadcast %broadcast_in_dim3A_288 : i32 to vector<16xi32>
            %gather3A_290 = arith.constant 0 : i32
            %gather3A_291 = arith.constant 0 : i32
            %gather3A_292 = tpu.memref_slice %arg9[%while3A_111, %gather3A_290, %gather3A_291] : memref<2x32x768xf32, #tpu.memory_space<vmem>> -> memref<1x32x768xf32, #tpu.memory_space<vmem>>
            %gather3A_293 = tpu.memref_squeeze %gather3A_292 : memref<1x32x768xf32, #tpu.memory_space<vmem>> -> memref<32x768xf32, #tpu.memory_space<vmem>>
            %gather3A_294 = tpu.vector_load_idx %gather3A_293[%broadcast_in_dim3A_289, %select_n3A] masked %and3A_281 : memref<32x768xf32, #tpu.memory_space<vmem>>[vector<16xi32>, vector<16xi32>], vector<16xf32>, vector<16xi1>
            tpu.vector_store_idx %arg10[%add3A_287, %broadcast_in_dim3A_289], %gather3A_294 : memref<64x128xf32, #tpu.memory_space<vmem>>[vector<16xi32>, vector<16xi32>], vector<16xf32>,
            %broadcast_in_dim3A_295 = arith.constant 1 : i32
            %broadcast_in_dim3A_296 = vector.broadcast %broadcast_in_dim3A_295 : i32 to vector<16xi32>
            %gather3A_297 = arith.constant 0 : i32
            %gather3A_298 = arith.constant 0 : i32
            %gather3A_299 = tpu.memref_slice %arg9[%while3A_111, %gather3A_297, %gather3A_298] : memref<2x32x768xf32, #tpu.memory_space<vmem>> -> memref<1x32x768xf32, #tpu.memory_space<vmem>>
            %gather3A_300 = tpu.memref_squeeze %gather3A_299 : memref<1x32x768xf32, #tpu.memory_space<vmem>> -> memref<32x768xf32, #tpu.memory_space<vmem>>
            %gather3A_301 = tpu.vector_load_idx %gather3A_300[%broadcast_in_dim3A_296, %select_n3A] masked %and3A_281 : memref<32x768xf32, #tpu.memory_space<vmem>>[vector<16xi32>, vector<16xi32>], vector<16xf32>, vector<16xi1>
            tpu.vector_store_idx %arg10[%add3A_287, %broadcast_in_dim3A_296], %gather3A_301 : memref<64x128xf32, #tpu.memory_space<vmem>>[vector<16xi32>, vector<16xi32>], vector<16xf32>,
            %broadcast_in_dim3A_302 = arith.constant 2 : i32
            %broadcast_in_dim3A_303 = vector.broadcast %broadcast_in_dim3A_302 : i32 to vector<16xi32>
            %gather3A_304 = arith.constant 0 : i32
            %gather3A_305 = arith.constant 0 : i32
            %gather3A_306 = tpu.memref_slice %arg9[%while3A_111, %gather3A_304, %gather3A_305] : memref<2x32x768xf32, #tpu.memory_space<vmem>> -> memref<1x32x768xf32, #tpu.memory_space<vmem>>
            %gather3A_307 = tpu.memref_squeeze %gather3A_306 : memref<1x32x768xf32, #tpu.memory_space<vmem>> -> memref<32x768xf32, #tpu.memory_space<vmem>>
            %gather3A_308 = tpu.vector_load_idx %gather3A_307[%broadcast_in_dim3A_303, %select_n3A] masked %and3A_281 : memref<32x768xf32, #tpu.memory_space<vmem>>[vector<16xi32>, vector<16xi32>], vector<16xf32>, vector<16xi1>
            tpu.vector_store_idx %arg10[%add3A_287, %broadcast_in_dim3A_303], %gather3A_308 : memref<64x128xf32, #tpu.memory_space<vmem>>[vector<16xi32>, vector<16xi32>], vector<16xf32>,
            %broadcast_in_dim3A_309 = arith.constant 3 : i32
            %broadcast_in_dim3A_310 = vector.broadcast %broadcast_in_dim3A_309 : i32 to vector<16xi32>
            %gather3A_311 = arith.constant 0 : i32
            %gather3A_312 = arith.constant 0 : i32
            %gather3A_313 = tpu.memref_slice %arg9[%while3A_111, %gather3A_311, %gather3A_312] : memref<2x32x768xf32, #tpu.memory_space<vmem>> -> memref<1x32x768xf32, #tpu.memory_space<vmem>>
            %gather3A_314 = tpu.memref_squeeze %gather3A_313 : memref<1x32x768xf32, #tpu.memory_space<vmem>> -> memref<32x768xf32, #tpu.memory_space<vmem>>
            %gather3A_315 = tpu.vector_load_idx %gather3A_314[%broadcast_in_dim3A_310, %select_n3A] masked %and3A_281 : memref<32x768xf32, #tpu.memory_space<vmem>>[vector<16xi32>, vector<16xi32>], vector<16xf32>, vector<16xi1>
            tpu.vector_store_idx %arg10[%add3A_287, %broadcast_in_dim3A_310], %gather3A_315 : memref<64x128xf32, #tpu.memory_space<vmem>>[vector<16xi32>, vector<16xi32>], vector<16xf32>,
            %broadcast_in_dim3A_316 = arith.constant 4 : i32
            %broadcast_in_dim3A_317 = vector.broadcast %broadcast_in_dim3A_316 : i32 to vector<16xi32>
            %gather3A_318 = arith.constant 0 : i32
            %gather3A_319 = arith.constant 0 : i32
            %gather3A_320 = tpu.memref_slice %arg9[%while3A_111, %gather3A_318, %gather3A_319] : memref<2x32x768xf32, #tpu.memory_space<vmem>> -> memref<1x32x768xf32, #tpu.memory_space<vmem>>
            %gather3A_321 = tpu.memref_squeeze %gather3A_320 : memref<1x32x768xf32, #tpu.memory_space<vmem>> -> memref<32x768xf32, #tpu.memory_space<vmem>>
            %gather3A_322 = tpu.vector_load_idx %gather3A_321[%broadcast_in_dim3A_317, %select_n3A] masked %and3A_281 : memref<32x768xf32, #tpu.memory_space<vmem>>[vector<16xi32>, vector<16xi32>], vector<16xf32>, vector<16xi1>
            tpu.vector_store_idx %arg10[%add3A_287, %broadcast_in_dim3A_317], %gather3A_322 : memref<64x128xf32, #tpu.memory_space<vmem>>[vector<16xi32>, vector<16xi32>], vector<16xf32>,
            %broadcast_in_dim3A_323 = arith.constant 5 : i32
            %broadcast_in_dim3A_324 = vector.broadcast %broadcast_in_dim3A_323 : i32 to vector<16xi32>
            %gather3A_325 = arith.constant 0 : i32
            %gather3A_326 = arith.constant 0 : i32
            %gather3A_327 = tpu.memref_slice %arg9[%while3A_111, %gather3A_325, %gather3A_326] : memref<2x32x768xf32, #tpu.memory_space<vmem>> -> memref<1x32x768xf32, #tpu.memory_space<vmem>>
            %gather3A_328 = tpu.memref_squeeze %gather3A_327 : memref<1x32x768xf32, #tpu.memory_space<vmem>> -> memref<32x768xf32, #tpu.memory_space<vmem>>
            %gather3A_329 = tpu.vector_load_idx %gather3A_328[%broadcast_in_dim3A_324, %select_n3A] masked %and3A_281 : memref<32x768xf32, #tpu.memory_space<vmem>>[vector<16xi32>, vector<16xi32>], vector<16xf32>, vector<16xi1>
            tpu.vector_store_idx %arg10[%add3A_287, %broadcast_in_dim3A_324], %gather3A_329 : memref<64x128xf32, #tpu.memory_space<vmem>>[vector<16xi32>, vector<16xi32>], vector<16xf32>,
            %broadcast_in_dim3A_330 = arith.constant 6 : i32
            %broadcast_in_dim3A_331 = vector.broadcast %broadcast_in_dim3A_330 : i32 to vector<16xi32>
            %gather3A_332 = arith.constant 0 : i32
            %gather3A_333 = arith.constant 0 : i32
            %gather3A_334 = tpu.memref_slice %arg9[%while3A_111, %gather3A_332, %gather3A_333] : memref<2x32x768xf32, #tpu.memory_space<vmem>> -> memref<1x32x768xf32, #tpu.memory_space<vmem>>
            %gather3A_335 = tpu.memref_squeeze %gather3A_334 : memref<1x32x768xf32, #tpu.memory_space<vmem>> -> memref<32x768xf32, #tpu.memory_space<vmem>>
            %gather3A_336 = tpu.vector_load_idx %gather3A_335[%broadcast_in_dim3A_331, %select_n3A] masked %and3A_281 : memref<32x768xf32, #tpu.memory_space<vmem>>[vector<16xi32>, vector<16xi32>], vector<16xf32>, vector<16xi1>
            tpu.vector_store_idx %arg10[%add3A_287, %broadcast_in_dim3A_331], %gather3A_336 : memref<64x128xf32, #tpu.memory_space<vmem>>[vector<16xi32>, vector<16xi32>], vector<16xf32>,
            %broadcast_in_dim3A_337 = arith.constant 7 : i32
            %broadcast_in_dim3A_338 = vector.broadcast %broadcast_in_dim3A_337 : i32 to vector<16xi32>
            %gather3A_339 = arith.constant 0 : i32
            %gather3A_340 = arith.constant 0 : i32
            %gather3A_341 = tpu.memref_slice %arg9[%while3A_111, %gather3A_339, %gather3A_340] : memref<2x32x768xf32, #tpu.memory_space<vmem>> -> memref<1x32x768xf32, #tpu.memory_space<vmem>>
            %gather3A_342 = tpu.memref_squeeze %gather3A_341 : memref<1x32x768xf32, #tpu.memory_space<vmem>> -> memref<32x768xf32, #tpu.memory_space<vmem>>
            %gather3A_343 = tpu.vector_load_idx %gather3A_342[%broadcast_in_dim3A_338, %select_n3A] masked %and3A_281 : memref<32x768xf32, #tpu.memory_space<vmem>>[vector<16xi32>, vector<16xi32>], vector<16xf32>, vector<16xi1>
            tpu.vector_store_idx %arg10[%add3A_287, %broadcast_in_dim3A_338], %gather3A_343 : memref<64x128xf32, #tpu.memory_space<vmem>>[vector<16xi32>, vector<16xi32>], vector<16xf32>,
            %broadcast_in_dim3A_344 = arith.constant 8 : i32
            %broadcast_in_dim3A_345 = vector.broadcast %broadcast_in_dim3A_344 : i32 to vector<16xi32>
            %gather3A_346 = arith.constant 0 : i32
            %gather3A_347 = arith.constant 0 : i32
            %gather3A_348 = tpu.memref_slice %arg9[%while3A_111, %gather3A_346, %gather3A_347] : memref<2x32x768xf32, #tpu.memory_space<vmem>> -> memref<1x32x768xf32, #tpu.memory_space<vmem>>
            %gather3A_349 = tpu.memref_squeeze %gather3A_348 : memref<1x32x768xf32, #tpu.memory_space<vmem>> -> memref<32x768xf32, #tpu.memory_space<vmem>>
            %gather3A_350 = tpu.vector_load_idx %gather3A_349[%broadcast_in_dim3A_345, %select_n3A] masked %and3A_281 : memref<32x768xf32, #tpu.memory_space<vmem>>[vector<16xi32>, vector<16xi32>], vector<16xf32>, vector<16xi1>
            tpu.vector_store_idx %arg10[%add3A_287, %broadcast_in_dim3A_345], %gather3A_350 : memref<64x128xf32, #tpu.memory_space<vmem>>[vector<16xi32>, vector<16xi32>], vector<16xf32>,
            %broadcast_in_dim3A_351 = arith.constant 9 : i32
            %broadcast_in_dim3A_352 = vector.broadcast %broadcast_in_dim3A_351 : i32 to vector<16xi32>
            %gather3A_353 = arith.constant 0 : i32
            %gather3A_354 = arith.constant 0 : i32
            %gather3A_355 = tpu.memref_slice %arg9[%while3A_111, %gather3A_353, %gather3A_354] : memref<2x32x768xf32, #tpu.memory_space<vmem>> -> memref<1x32x768xf32, #tpu.memory_space<vmem>>
            %gather3A_356 = tpu.memref_squeeze %gather3A_355 : memref<1x32x768xf32, #tpu.memory_space<vmem>> -> memref<32x768xf32, #tpu.memory_space<vmem>>
            %gather3A_357 = tpu.vector_load_idx %gather3A_356[%broadcast_in_dim3A_352, %select_n3A] masked %and3A_281 : memref<32x768xf32, #tpu.memory_space<vmem>>[vector<16xi32>, vector<16xi32>], vector<16xf32>, vector<16xi1>
            tpu.vector_store_idx %arg10[%add3A_287, %broadcast_in_dim3A_352], %gather3A_357 : memref<64x128xf32, #tpu.memory_space<vmem>>[vector<16xi32>, vector<16xi32>], vector<16xf32>,
            %broadcast_in_dim3A_358 = arith.constant 10 : i32
            %broadcast_in_dim3A_359 = vector.broadcast %broadcast_in_dim3A_358 : i32 to vector<16xi32>
            %gather3A_360 = arith.constant 0 : i32
            %gather3A_361 = arith.constant 0 : i32
            %gather3A_362 = tpu.memref_slice %arg9[%while3A_111, %gather3A_360, %gather3A_361] : memref<2x32x768xf32, #tpu.memory_space<vmem>> -> memref<1x32x768xf32, #tpu.memory_space<vmem>>
            %gather3A_363 = tpu.memref_squeeze %gather3A_362 : memref<1x32x768xf32, #tpu.memory_space<vmem>> -> memref<32x768xf32, #tpu.memory_space<vmem>>
            %gather3A_364 = tpu.vector_load_idx %gather3A_363[%broadcast_in_dim3A_359, %select_n3A] masked %and3A_281 : memref<32x768xf32, #tpu.memory_space<vmem>>[vector<16xi32>, vector<16xi32>], vector<16xf32>, vector<16xi1>
            tpu.vector_store_idx %arg10[%add3A_287, %broadcast_in_dim3A_359], %gather3A_364 : memref<64x128xf32, #tpu.memory_space<vmem>>[vector<16xi32>, vector<16xi32>], vector<16xf32>,
            %broadcast_in_dim3A_365 = arith.constant 11 : i32
            %broadcast_in_dim3A_366 = vector.broadcast %broadcast_in_dim3A_365 : i32 to vector<16xi32>
            %gather3A_367 = arith.constant 0 : i32
            %gather3A_368 = arith.constant 0 : i32
            %gather3A_369 = tpu.memref_slice %arg9[%while3A_111, %gather3A_367, %gather3A_368] : memref<2x32x768xf32, #tpu.memory_space<vmem>> -> memref<1x32x768xf32, #tpu.memory_space<vmem>>
            %gather3A_370 = tpu.memref_squeeze %gather3A_369 : memref<1x32x768xf32, #tpu.memory_space<vmem>> -> memref<32x768xf32, #tpu.memory_space<vmem>>
            %gather3A_371 = tpu.vector_load_idx %gather3A_370[%broadcast_in_dim3A_366, %select_n3A] masked %and3A_281 : memref<32x768xf32, #tpu.memory_space<vmem>>[vector<16xi32>, vector<16xi32>], vector<16xf32>, vector<16xi1>
            tpu.vector_store_idx %arg10[%add3A_287, %broadcast_in_dim3A_366], %gather3A_371 : memref<64x128xf32, #tpu.memory_space<vmem>>[vector<16xi32>, vector<16xi32>], vector<16xf32>,
            %broadcast_in_dim3A_372 = arith.constant 12 : i32
            %broadcast_in_dim3A_373 = vector.broadcast %broadcast_in_dim3A_372 : i32 to vector<16xi32>
            %gather3A_374 = arith.constant 0 : i32
            %gather3A_375 = arith.constant 0 : i32
            %gather3A_376 = tpu.memref_slice %arg9[%while3A_111, %gather3A_374, %gather3A_375] : memref<2x32x768xf32, #tpu.memory_space<vmem>> -> memref<1x32x768xf32, #tpu.memory_space<vmem>>
            %gather3A_377 = tpu.memref_squeeze %gather3A_376 : memref<1x32x768xf32, #tpu.memory_space<vmem>> -> memref<32x768xf32, #tpu.memory_space<vmem>>
            %gather3A_378 = tpu.vector_load_idx %gather3A_377[%broadcast_in_dim3A_373, %select_n3A] masked %and3A_281 : memref<32x768xf32, #tpu.memory_space<vmem>>[vector<16xi32>, vector<16xi32>], vector<16xf32>, vector<16xi1>
            tpu.vector_store_idx %arg10[%add3A_287, %broadcast_in_dim3A_373], %gather3A_378 : memref<64x128xf32, #tpu.memory_space<vmem>>[vector<16xi32>, vector<16xi32>], vector<16xf32>,
            %broadcast_in_dim3A_379 = arith.constant 13 : i32
            %broadcast_in_dim3A_380 = vector.broadcast %broadcast_in_dim3A_379 : i32 to vector<16xi32>
            %gather3A_381 = arith.constant 0 : i32
            %gather3A_382 = arith.constant 0 : i32
            %gather3A_383 = tpu.memref_slice %arg9[%while3A_111, %gather3A_381, %gather3A_382] : memref<2x32x768xf32, #tpu.memory_space<vmem>> -> memref<1x32x768xf32, #tpu.memory_space<vmem>>
            %gather3A_384 = tpu.memref_squeeze %gather3A_383 : memref<1x32x768xf32, #tpu.memory_space<vmem>> -> memref<32x768xf32, #tpu.memory_space<vmem>>
            %gather3A_385 = tpu.vector_load_idx %gather3A_384[%broadcast_in_dim3A_380, %select_n3A] masked %and3A_281 : memref<32x768xf32, #tpu.memory_space<vmem>>[vector<16xi32>, vector<16xi32>], vector<16xf32>, vector<16xi1>
            tpu.vector_store_idx %arg10[%add3A_287, %broadcast_in_dim3A_380], %gather3A_385 : memref<64x128xf32, #tpu.memory_space<vmem>>[vector<16xi32>, vector<16xi32>], vector<16xf32>,
            %broadcast_in_dim3A_386 = arith.constant 14 : i32
            %broadcast_in_dim3A_387 = vector.broadcast %broadcast_in_dim3A_386 : i32 to vector<16xi32>
            %gather3A_388 = arith.constant 0 : i32
            %gather3A_389 = arith.constant 0 : i32
            %gather3A_390 = tpu.memref_slice %arg9[%while3A_111, %gather3A_388, %gather3A_389] : memref<2x32x768xf32, #tpu.memory_space<vmem>> -> memref<1x32x768xf32, #tpu.memory_space<vmem>>
            %gather3A_391 = tpu.memref_squeeze %gather3A_390 : memref<1x32x768xf32, #tpu.memory_space<vmem>> -> memref<32x768xf32, #tpu.memory_space<vmem>>
            %gather3A_392 = tpu.vector_load_idx %gather3A_391[%broadcast_in_dim3A_387, %select_n3A] masked %and3A_281 : memref<32x768xf32, #tpu.memory_space<vmem>>[vector<16xi32>, vector<16xi32>], vector<16xf32>, vector<16xi1>
            tpu.vector_store_idx %arg10[%add3A_287, %broadcast_in_dim3A_387], %gather3A_392 : memref<64x128xf32, #tpu.memory_space<vmem>>[vector<16xi32>, vector<16xi32>], vector<16xf32>,
            %broadcast_in_dim3A_393 = arith.constant 15 : i32
            %broadcast_in_dim3A_394 = vector.broadcast %broadcast_in_dim3A_393 : i32 to vector<16xi32>
            %gather3A_395 = arith.constant 0 : i32
            %gather3A_396 = arith.constant 0 : i32
            %gather3A_397 = tpu.memref_slice %arg9[%while3A_111, %gather3A_395, %gather3A_396] : memref<2x32x768xf32, #tpu.memory_space<vmem>> -> memref<1x32x768xf32, #tpu.memory_space<vmem>>
            %gather3A_398 = tpu.memref_squeeze %gather3A_397 : memref<1x32x768xf32, #tpu.memory_space<vmem>> -> memref<32x768xf32, #tpu.memory_space<vmem>>
            %gather3A_399 = tpu.vector_load_idx %gather3A_398[%broadcast_in_dim3A_394, %select_n3A] masked %and3A_281 : memref<32x768xf32, #tpu.memory_space<vmem>>[vector<16xi32>, vector<16xi32>], vector<16xf32>, vector<16xi1>
            tpu.vector_store_idx %arg10[%add3A_287, %broadcast_in_dim3A_394], %gather3A_399 : memref<64x128xf32, #tpu.memory_space<vmem>>[vector<16xi32>, vector<16xi32>], vector<16xf32>,
            %broadcast_in_dim3A_400 = arith.constant 16 : i32
            %broadcast_in_dim3A_401 = vector.broadcast %broadcast_in_dim3A_400 : i32 to vector<16xi32>
            %gather3A_402 = arith.constant 0 : i32
            %gather3A_403 = arith.constant 0 : i32
            %gather3A_404 = tpu.memref_slice %arg9[%while3A_111, %gather3A_402, %gather3A_403] : memref<2x32x768xf32, #tpu.memory_space<vmem>> -> memref<1x32x768xf32, #tpu.memory_space<vmem>>
            %gather3A_405 = tpu.memref_squeeze %gather3A_404 : memref<1x32x768xf32, #tpu.memory_space<vmem>> -> memref<32x768xf32, #tpu.memory_space<vmem>>
            %gather3A_406 = tpu.vector_load_idx %gather3A_405[%broadcast_in_dim3A_401, %select_n3A] masked %and3A_281 : memref<32x768xf32, #tpu.memory_space<vmem>>[vector<16xi32>, vector<16xi32>], vector<16xf32>, vector<16xi1>
            tpu.vector_store_idx %arg10[%add3A_287, %broadcast_in_dim3A_401], %gather3A_406 : memref<64x128xf32, #tpu.memory_space<vmem>>[vector<16xi32>, vector<16xi32>], vector<16xf32>,
            %broadcast_in_dim3A_407 = arith.constant 17 : i32
            %broadcast_in_dim3A_408 = vector.broadcast %broadcast_in_dim3A_407 : i32 to vector<16xi32>
            %gather3A_409 = arith.constant 0 : i32
            %gather3A_410 = arith.constant 0 : i32
            %gather3A_411 = tpu.memref_slice %arg9[%while3A_111, %gather3A_409, %gather3A_410] : memref<2x32x768xf32, #tpu.memory_space<vmem>> -> memref<1x32x768xf32, #tpu.memory_space<vmem>>
            %gather3A_412 = tpu.memref_squeeze %gather3A_411 : memref<1x32x768xf32, #tpu.memory_space<vmem>> -> memref<32x768xf32, #tpu.memory_space<vmem>>
            %gather3A_413 = tpu.vector_load_idx %gather3A_412[%broadcast_in_dim3A_408, %select_n3A] masked %and3A_281 : memref<32x768xf32, #tpu.memory_space<vmem>>[vector<16xi32>, vector<16xi32>], vector<16xf32>, vector<16xi1>
            tpu.vector_store_idx %arg10[%add3A_287, %broadcast_in_dim3A_408], %gather3A_413 : memref<64x128xf32, #tpu.memory_space<vmem>>[vector<16xi32>, vector<16xi32>], vector<16xf32>,
            %broadcast_in_dim3A_414 = arith.constant 18 : i32
            %broadcast_in_dim3A_415 = vector.broadcast %broadcast_in_dim3A_414 : i32 to vector<16xi32>
            %gather3A_416 = arith.constant 0 : i32
            %gather3A_417 = arith.constant 0 : i32
            %gather3A_418 = tpu.memref_slice %arg9[%while3A_111, %gather3A_416, %gather3A_417] : memref<2x32x768xf32, #tpu.memory_space<vmem>> -> memref<1x32x768xf32, #tpu.memory_space<vmem>>
            %gather3A_419 = tpu.memref_squeeze %gather3A_418 : memref<1x32x768xf32, #tpu.memory_space<vmem>> -> memref<32x768xf32, #tpu.memory_space<vmem>>
            %gather3A_420 = tpu.vector_load_idx %gather3A_419[%broadcast_in_dim3A_415, %select_n3A] masked %and3A_281 : memref<32x768xf32, #tpu.memory_space<vmem>>[vector<16xi32>, vector<16xi32>], vector<16xf32>, vector<16xi1>
            tpu.vector_store_idx %arg10[%add3A_287, %broadcast_in_dim3A_415], %gather3A_420 : memref<64x128xf32, #tpu.memory_space<vmem>>[vector<16xi32>, vector<16xi32>], vector<16xf32>,
            %broadcast_in_dim3A_421 = arith.constant 19 : i32
            %broadcast_in_dim3A_422 = vector.broadcast %broadcast_in_dim3A_421 : i32 to vector<16xi32>
            %gather3A_423 = arith.constant 0 : i32
            %gather3A_424 = arith.constant 0 : i32
            %gather3A_425 = tpu.memref_slice %arg9[%while3A_111, %gather3A_423, %gather3A_424] : memref<2x32x768xf32, #tpu.memory_space<vmem>> -> memref<1x32x768xf32, #tpu.memory_space<vmem>>
            %gather3A_426 = tpu.memref_squeeze %gather3A_425 : memref<1x32x768xf32, #tpu.memory_space<vmem>> -> memref<32x768xf32, #tpu.memory_space<vmem>>
            %gather3A_427 = tpu.vector_load_idx %gather3A_426[%broadcast_in_dim3A_422, %select_n3A] masked %and3A_281 : memref<32x768xf32, #tpu.memory_space<vmem>>[vector<16xi32>, vector<16xi32>], vector<16xf32>, vector<16xi1>
            tpu.vector_store_idx %arg10[%add3A_287, %broadcast_in_dim3A_422], %gather3A_427 : memref<64x128xf32, #tpu.memory_space<vmem>>[vector<16xi32>, vector<16xi32>], vector<16xf32>,
            %broadcast_in_dim3A_428 = arith.constant 20 : i32
            %broadcast_in_dim3A_429 = vector.broadcast %broadcast_in_dim3A_428 : i32 to vector<16xi32>
            %gather3A_430 = arith.constant 0 : i32
            %gather3A_431 = arith.constant 0 : i32
            %gather3A_432 = tpu.memref_slice %arg9[%while3A_111, %gather3A_430, %gather3A_431] : memref<2x32x768xf32, #tpu.memory_space<vmem>> -> memref<1x32x768xf32, #tpu.memory_space<vmem>>
            %gather3A_433 = tpu.memref_squeeze %gather3A_432 : memref<1x32x768xf32, #tpu.memory_space<vmem>> -> memref<32x768xf32, #tpu.memory_space<vmem>>
            %gather3A_434 = tpu.vector_load_idx %gather3A_433[%broadcast_in_dim3A_429, %select_n3A] masked %and3A_281 : memref<32x768xf32, #tpu.memory_space<vmem>>[vector<16xi32>, vector<16xi32>], vector<16xf32>, vector<16xi1>
            tpu.vector_store_idx %arg10[%add3A_287, %broadcast_in_dim3A_429], %gather3A_434 : memref<64x128xf32, #tpu.memory_space<vmem>>[vector<16xi32>, vector<16xi32>], vector<16xf32>,
            %broadcast_in_dim3A_435 = arith.constant 21 : i32
            %broadcast_in_dim3A_436 = vector.broadcast %broadcast_in_dim3A_435 : i32 to vector<16xi32>
            %gather3A_437 = arith.constant 0 : i32
            %gather3A_438 = arith.constant 0 : i32
            %gather3A_439 = tpu.memref_slice %arg9[%while3A_111, %gather3A_437, %gather3A_438] : memref<2x32x768xf32, #tpu.memory_space<vmem>> -> memref<1x32x768xf32, #tpu.memory_space<vmem>>
            %gather3A_440 = tpu.memref_squeeze %gather3A_439 : memref<1x32x768xf32, #tpu.memory_space<vmem>> -> memref<32x768xf32, #tpu.memory_space<vmem>>
            %gather3A_441 = tpu.vector_load_idx %gather3A_440[%broadcast_in_dim3A_436, %select_n3A] masked %and3A_281 : memref<32x768xf32, #tpu.memory_space<vmem>>[vector<16xi32>, vector<16xi32>], vector<16xf32>, vector<16xi1>
            tpu.vector_store_idx %arg10[%add3A_287, %broadcast_in_dim3A_436], %gather3A_441 : memref<64x128xf32, #tpu.memory_space<vmem>>[vector<16xi32>, vector<16xi32>], vector<16xf32>,
            %broadcast_in_dim3A_442 = arith.constant 22 : i32
            %broadcast_in_dim3A_443 = vector.broadcast %broadcast_in_dim3A_442 : i32 to vector<16xi32>
            %gather3A_444 = arith.constant 0 : i32
            %gather3A_445 = arith.constant 0 : i32
            %gather3A_446 = tpu.memref_slice %arg9[%while3A_111, %gather3A_444, %gather3A_445] : memref<2x32x768xf32, #tpu.memory_space<vmem>> -> memref<1x32x768xf32, #tpu.memory_space<vmem>>
            %gather3A_447 = tpu.memref_squeeze %gather3A_446 : memref<1x32x768xf32, #tpu.memory_space<vmem>> -> memref<32x768xf32, #tpu.memory_space<vmem>>
            %gather3A_448 = tpu.vector_load_idx %gather3A_447[%broadcast_in_dim3A_443, %select_n3A] masked %and3A_281 : memref<32x768xf32, #tpu.memory_space<vmem>>[vector<16xi32>, vector<16xi32>], vector<16xf32>, vector<16xi1>
            tpu.vector_store_idx %arg10[%add3A_287, %broadcast_in_dim3A_443], %gather3A_448 : memref<64x128xf32, #tpu.memory_space<vmem>>[vector<16xi32>, vector<16xi32>], vector<16xf32>,
            %broadcast_in_dim3A_449 = arith.constant 23 : i32
            %broadcast_in_dim3A_450 = vector.broadcast %broadcast_in_dim3A_449 : i32 to vector<16xi32>
            %gather3A_451 = arith.constant 0 : i32
            %gather3A_452 = arith.constant 0 : i32
            %gather3A_453 = tpu.memref_slice %arg9[%while3A_111, %gather3A_451, %gather3A_452] : memref<2x32x768xf32, #tpu.memory_space<vmem>> -> memref<1x32x768xf32, #tpu.memory_space<vmem>>
            %gather3A_454 = tpu.memref_squeeze %gather3A_453 : memref<1x32x768xf32, #tpu.memory_space<vmem>> -> memref<32x768xf32, #tpu.memory_space<vmem>>
            %gather3A_455 = tpu.vector_load_idx %gather3A_454[%broadcast_in_dim3A_450, %select_n3A] masked %and3A_281 : memref<32x768xf32, #tpu.memory_space<vmem>>[vector<16xi32>, vector<16xi32>], vector<16xf32>, vector<16xi1>
            tpu.vector_store_idx %arg10[%add3A_287, %broadcast_in_dim3A_450], %gather3A_455 : memref<64x128xf32, #tpu.memory_space<vmem>>[vector<16xi32>, vector<16xi32>], vector<16xf32>,
            %broadcast_in_dim3A_456 = arith.constant 24 : i32
            %broadcast_in_dim3A_457 = vector.broadcast %broadcast_in_dim3A_456 : i32 to vector<16xi32>
            %gather3A_458 = arith.constant 0 : i32
            %gather3A_459 = arith.constant 0 : i32
            %gather3A_460 = tpu.memref_slice %arg9[%while3A_111, %gather3A_458, %gather3A_459] : memref<2x32x768xf32, #tpu.memory_space<vmem>> -> memref<1x32x768xf32, #tpu.memory_space<vmem>>
            %gather3A_461 = tpu.memref_squeeze %gather3A_460 : memref<1x32x768xf32, #tpu.memory_space<vmem>> -> memref<32x768xf32, #tpu.memory_space<vmem>>
            %gather3A_462 = tpu.vector_load_idx %gather3A_461[%broadcast_in_dim3A_457, %select_n3A] masked %and3A_281 : memref<32x768xf32, #tpu.memory_space<vmem>>[vector<16xi32>, vector<16xi32>], vector<16xf32>, vector<16xi1>
            tpu.vector_store_idx %arg10[%add3A_287, %broadcast_in_dim3A_457], %gather3A_462 : memref<64x128xf32, #tpu.memory_space<vmem>>[vector<16xi32>, vector<16xi32>], vector<16xf32>,
            %broadcast_in_dim3A_463 = arith.constant 25 : i32
            %broadcast_in_dim3A_464 = vector.broadcast %broadcast_in_dim3A_463 : i32 to vector<16xi32>
            %gather3A_465 = arith.constant 0 : i32
            %gather3A_466 = arith.constant 0 : i32
            %gather3A_467 = tpu.memref_slice %arg9[%while3A_111, %gather3A_465, %gather3A_466] : memref<2x32x768xf32, #tpu.memory_space<vmem>> -> memref<1x32x768xf32, #tpu.memory_space<vmem>>
            %gather3A_468 = tpu.memref_squeeze %gather3A_467 : memref<1x32x768xf32, #tpu.memory_space<vmem>> -> memref<32x768xf32, #tpu.memory_space<vmem>>
            %gather3A_469 = tpu.vector_load_idx %gather3A_468[%broadcast_in_dim3A_464, %select_n3A] masked %and3A_281 : memref<32x768xf32, #tpu.memory_space<vmem>>[vector<16xi32>, vector<16xi32>], vector<16xf32>, vector<16xi1>
            tpu.vector_store_idx %arg10[%add3A_287, %broadcast_in_dim3A_464], %gather3A_469 : memref<64x128xf32, #tpu.memory_space<vmem>>[vector<16xi32>, vector<16xi32>], vector<16xf32>,
            %broadcast_in_dim3A_470 = arith.constant 26 : i32
            %broadcast_in_dim3A_471 = vector.broadcast %broadcast_in_dim3A_470 : i32 to vector<16xi32>
            %gather3A_472 = arith.constant 0 : i32
            %gather3A_473 = arith.constant 0 : i32
            %gather3A_474 = tpu.memref_slice %arg9[%while3A_111, %gather3A_472, %gather3A_473] : memref<2x32x768xf32, #tpu.memory_space<vmem>> -> memref<1x32x768xf32, #tpu.memory_space<vmem>>
            %gather3A_475 = tpu.memref_squeeze %gather3A_474 : memref<1x32x768xf32, #tpu.memory_space<vmem>> -> memref<32x768xf32, #tpu.memory_space<vmem>>
            %gather3A_476 = tpu.vector_load_idx %gather3A_475[%broadcast_in_dim3A_471, %select_n3A] masked %and3A_281 : memref<32x768xf32, #tpu.memory_space<vmem>>[vector<16xi32>, vector<16xi32>], vector<16xf32>, vector<16xi1>
            tpu.vector_store_idx %arg10[%add3A_287, %broadcast_in_dim3A_471], %gather3A_476 : memref<64x128xf32, #tpu.memory_space<vmem>>[vector<16xi32>, vector<16xi32>], vector<16xf32>,
            %broadcast_in_dim3A_477 = arith.constant 27 : i32
            %broadcast_in_dim3A_478 = vector.broadcast %broadcast_in_dim3A_477 : i32 to vector<16xi32>
            %gather3A_479 = arith.constant 0 : i32
            %gather3A_480 = arith.constant 0 : i32
            %gather3A_481 = tpu.memref_slice %arg9[%while3A_111, %gather3A_479, %gather3A_480] : memref<2x32x768xf32, #tpu.memory_space<vmem>> -> memref<1x32x768xf32, #tpu.memory_space<vmem>>
            %gather3A_482 = tpu.memref_squeeze %gather3A_481 : memref<1x32x768xf32, #tpu.memory_space<vmem>> -> memref<32x768xf32, #tpu.memory_space<vmem>>
            %gather3A_483 = tpu.vector_load_idx %gather3A_482[%broadcast_in_dim3A_478, %select_n3A] masked %and3A_281 : memref<32x768xf32, #tpu.memory_space<vmem>>[vector<16xi32>, vector<16xi32>], vector<16xf32>, vector<16xi1>
            tpu.vector_store_idx %arg10[%add3A_287, %broadcast_in_dim3A_478], %gather3A_483 : memref<64x128xf32, #tpu.memory_space<vmem>>[vector<16xi32>, vector<16xi32>], vector<16xf32>,
            %broadcast_in_dim3A_484 = arith.constant 28 : i32
            %broadcast_in_dim3A_485 = vector.broadcast %broadcast_in_dim3A_484 : i32 to vector<16xi32>
            %gather3A_486 = arith.constant 0 : i32
            %gather3A_487 = arith.constant 0 : i32
            %gather3A_488 = tpu.memref_slice %arg9[%while3A_111, %gather3A_486, %gather3A_487] : memref<2x32x768xf32, #tpu.memory_space<vmem>> -> memref<1x32x768xf32, #tpu.memory_space<vmem>>
            %gather3A_489 = tpu.memref_squeeze %gather3A_488 : memref<1x32x768xf32, #tpu.memory_space<vmem>> -> memref<32x768xf32, #tpu.memory_space<vmem>>
            %gather3A_490 = tpu.vector_load_idx %gather3A_489[%broadcast_in_dim3A_485, %select_n3A] masked %and3A_281 : memref<32x768xf32, #tpu.memory_space<vmem>>[vector<16xi32>, vector<16xi32>], vector<16xf32>, vector<16xi1>
            tpu.vector_store_idx %arg10[%add3A_287, %broadcast_in_dim3A_485], %gather3A_490 : memref<64x128xf32, #tpu.memory_space<vmem>>[vector<16xi32>, vector<16xi32>], vector<16xf32>,
            %broadcast_in_dim3A_491 = arith.constant 29 : i32
            %broadcast_in_dim3A_492 = vector.broadcast %broadcast_in_dim3A_491 : i32 to vector<16xi32>
            %gather3A_493 = arith.constant 0 : i32
            %gather3A_494 = arith.constant 0 : i32
            %gather3A_495 = tpu.memref_slice %arg9[%while3A_111, %gather3A_493, %gather3A_494] : memref<2x32x768xf32, #tpu.memory_space<vmem>> -> memref<1x32x768xf32, #tpu.memory_space<vmem>>
            %gather3A_496 = tpu.memref_squeeze %gather3A_495 : memref<1x32x768xf32, #tpu.memory_space<vmem>> -> memref<32x768xf32, #tpu.memory_space<vmem>>
            %gather3A_497 = tpu.vector_load_idx %gather3A_496[%broadcast_in_dim3A_492, %select_n3A] masked %and3A_281 : memref<32x768xf32, #tpu.memory_space<vmem>>[vector<16xi32>, vector<16xi32>], vector<16xf32>, vector<16xi1>
            tpu.vector_store_idx %arg10[%add3A_287, %broadcast_in_dim3A_492], %gather3A_497 : memref<64x128xf32, #tpu.memory_space<vmem>>[vector<16xi32>, vector<16xi32>], vector<16xf32>,
            %broadcast_in_dim3A_498 = arith.constant 30 : i32
            %broadcast_in_dim3A_499 = vector.broadcast %broadcast_in_dim3A_498 : i32 to vector<16xi32>
            %gather3A_500 = arith.constant 0 : i32
            %gather3A_501 = arith.constant 0 : i32
            %gather3A_502 = tpu.memref_slice %arg9[%while3A_111, %gather3A_500, %gather3A_501] : memref<2x32x768xf32, #tpu.memory_space<vmem>> -> memref<1x32x768xf32, #tpu.memory_space<vmem>>
            %gather3A_503 = tpu.memref_squeeze %gather3A_502 : memref<1x32x768xf32, #tpu.memory_space<vmem>> -> memref<32x768xf32, #tpu.memory_space<vmem>>
            %gather3A_504 = tpu.vector_load_idx %gather3A_503[%broadcast_in_dim3A_499, %select_n3A] masked %and3A_281 : memref<32x768xf32, #tpu.memory_space<vmem>>[vector<16xi32>, vector<16xi32>], vector<16xf32>, vector<16xi1>
            tpu.vector_store_idx %arg10[%add3A_287, %broadcast_in_dim3A_499], %gather3A_504 : memref<64x128xf32, #tpu.memory_space<vmem>>[vector<16xi32>, vector<16xi32>], vector<16xf32>,
            %broadcast_in_dim3A_505 = arith.constant 31 : i32
            %broadcast_in_dim3A_506 = vector.broadcast %broadcast_in_dim3A_505 : i32 to vector<16xi32>
            %gather3A_507 = arith.constant 0 : i32
            %gather3A_508 = arith.constant 0 : i32
            %gather3A_509 = tpu.memref_slice %arg9[%while3A_111, %gather3A_507, %gather3A_508] : memref<2x32x768xf32, #tpu.memory_space<vmem>> -> memref<1x32x768xf32, #tpu.memory_space<vmem>>
            %gather3A_510 = tpu.memref_squeeze %gather3A_509 : memref<1x32x768xf32, #tpu.memory_space<vmem>> -> memref<32x768xf32, #tpu.memory_space<vmem>>
            %gather3A_511 = tpu.vector_load_idx %gather3A_510[%broadcast_in_dim3A_506, %select_n3A] masked %and3A_281 : memref<32x768xf32, #tpu.memory_space<vmem>>[vector<16xi32>, vector<16xi32>], vector<16xf32>, vector<16xi1>
            tpu.vector_store_idx %arg10[%add3A_287, %broadcast_in_dim3A_506], %gather3A_511 : memref<64x128xf32, #tpu.memory_space<vmem>>[vector<16xi32>, vector<16xi32>], vector<16xf32>,
            %broadcast_in_dim3A_512 = arith.constant -1 : i32
            %broadcast_in_dim3A_513 = vector.broadcast %broadcast_in_dim3A_512 : i32 to vector<16xi32>
            %select_n3A_514 = arith.select %and3A_281, %and3A_272, %broadcast_in_dim3A_513 : vector<16xi1>, vector<16xi32>
            %mul3A_515 = arith.constant 16 : i32
            %mul3A_516 = arith.muli %while3A_259, %mul3A_515 : i32
            %swap3A_517 = arith.constant 0 : i32
            %swap3A_518 = arith.index_cast %swap3A_517 : i32 to index
            %swap3A_519 = arith.index_cast %mul3A_516 : i32 to index
            %swap3A_520 = tpu.vector_load %arg11[%swap3A_518, %swap3A_519] {strides = array<i32>} : memref<1x64xi32, #tpu.memory_space<vmem>>, vector<16xi32>,
            tpu.vector_store %arg11[%swap3A_518, %swap3A_519], %select_n3A_514 {strides = array<i32>} : memref<1x64xi32, #tpu.memory_space<vmem>>, vector<16xi32>,
            %while3A_521 = arith.constant 0 : i32
            scf.yield %while3A_521 : i32
          }
          %while3A_241 = arith.constant 1 : i32
          %while3A_242 = scf.for %while3A_259 = %while3A_238 to %while3A_234 step %while3A_241 iter_args(%while3A_260 = %while3A_240) -> (i32)  : i32 {
            %mul3A_261 = arith.constant 4 : i32
            %mul3A_262 = arith.muli %while3A_209, %mul3A_261 : i32
            %add3A_263 = arith.addi %mul3A_262, %while3A_259 : i32
            %mul3A_264 = arith.constant 16 : i32
            %mul3A_265 = arith.muli %add3A_263, %mul3A_264 : i32
            %get3A = arith.index_cast %mul3A_265 : i32 to index
            %get3A_266 = tpu.vector_load %arg8[%get3A] {strides = array<i32>} : memref<16400xi32, #tpu.memory_space<vmem>>, vector<16xi32>,
            %add3A_267 = vector.broadcast %mul3A_265 : i32 to vector<16xi32>
            %add3A_268 = arith.addi %add3A_267, %iota3A : vector<16xi32>
            %lt3A_269 = vector.broadcast %while3A_87 : i32 to vector<16xi32>
            %lt3A_270 = arith.cmpi slt, %add3A_268, %lt3A_269 : vector<16xi32>
            %and3A = arith.constant 16383 : i32
            %and3A_271 = vector.broadcast %and3A : i32 to vector<16xi32>
            %and3A_272 = arith.andi %get3A_266, %and3A_271 : vector<16xi32>
            %gather3A = tpu.vector_load_idx %arg6[%and3A_272] : memref<16384xi32, #tpu.memory_space<vmem>>[vector<16xi32>], vector<16xi32>,
            %sub3A_273 = vector.broadcast %mul3A_76 : i32 to vector<16xi32>
            %sub3A_274 = arith.subi %gather3A, %sub3A_273 : vector<16xi32>
            %ge3A = arith.constant 0 : i32
            %ge3A_275 = vector.broadcast %ge3A : i32 to vector<16xi32>
            %ge3A_276 = arith.cmpi sge, %sub3A_274, %ge3A_275 : vector<16xi32>
            %and3A_277 = arith.andi %lt3A_270, %ge3A_276 : vector<16xi1>
            %lt3A_278 = arith.constant 768 : i32
            %lt3A_279 = vector.broadcast %lt3A_278 : i32 to vector<16xi32>
            %lt3A_280 = arith.cmpi slt, %sub3A_274, %lt3A_279 : vector<16xi32>
            %and3A_281 = arith.andi %and3A_277, %lt3A_280 : vector<16xi1>
            %broadcast_in_dim3A_282 = arith.constant 0 : i32
            %broadcast_in_dim3A_283 = vector.broadcast %broadcast_in_dim3A_282 : i32 to vector<16xi32>
            %select_n3A = arith.select %and3A_281, %sub3A_274, %broadcast_in_dim3A_283 : vector<16xi1>, vector<16xi32>
            %mul3A_284 = arith.constant 16 : i32
            %mul3A_285 = arith.muli %while3A_259, %mul3A_284 : i32
            %add3A_286 = vector.broadcast %mul3A_285 : i32 to vector<16xi32>
            %add3A_287 = arith.addi %add3A_286, %iota3A : vector<16xi32>
            %broadcast_in_dim3A_288 = arith.constant 0 : i32
            %broadcast_in_dim3A_289 = vector.broadcast %broadcast_in_dim3A_288 : i32 to vector<16xi32>
            %gather3A_290 = arith.constant 0 : i32
            %gather3A_291 = arith.constant 0 : i32
            %gather3A_292 = tpu.memref_slice %arg9[%while3A_111, %gather3A_290, %gather3A_291] : memref<2x32x768xf32, #tpu.memory_space<vmem>> -> memref<1x32x768xf32, #tpu.memory_space<vmem>>
            %gather3A_293 = tpu.memref_squeeze %gather3A_292 : memref<1x32x768xf32, #tpu.memory_space<vmem>> -> memref<32x768xf32, #tpu.memory_space<vmem>>
            %gather3A_294 = tpu.vector_load_idx %gather3A_293[%broadcast_in_dim3A_289, %select_n3A] masked %and3A_281 : memref<32x768xf32, #tpu.memory_space<vmem>>[vector<16xi32>, vector<16xi32>], vector<16xf32>, vector<16xi1>
            tpu.vector_store_idx %arg10[%add3A_287, %broadcast_in_dim3A_289], %gather3A_294 : memref<64x128xf32, #tpu.memory_space<vmem>>[vector<16xi32>, vector<16xi32>], vector<16xf32>,
            %broadcast_in_dim3A_295 = arith.constant 1 : i32
            %broadcast_in_dim3A_296 = vector.broadcast %broadcast_in_dim3A_295 : i32 to vector<16xi32>
            %gather3A_297 = arith.constant 0 : i32
            %gather3A_298 = arith.constant 0 : i32
            %gather3A_299 = tpu.memref_slice %arg9[%while3A_111, %gather3A_297, %gather3A_298] : memref<2x32x768xf32, #tpu.memory_space<vmem>> -> memref<1x32x768xf32, #tpu.memory_space<vmem>>
            %gather3A_300 = tpu.memref_squeeze %gather3A_299 : memref<1x32x768xf32, #tpu.memory_space<vmem>> -> memref<32x768xf32, #tpu.memory_space<vmem>>
            %gather3A_301 = tpu.vector_load_idx %gather3A_300[%broadcast_in_dim3A_296, %select_n3A] masked %and3A_281 : memref<32x768xf32, #tpu.memory_space<vmem>>[vector<16xi32>, vector<16xi32>], vector<16xf32>, vector<16xi1>
            tpu.vector_store_idx %arg10[%add3A_287, %broadcast_in_dim3A_296], %gather3A_301 : memref<64x128xf32, #tpu.memory_space<vmem>>[vector<16xi32>, vector<16xi32>], vector<16xf32>,
            %broadcast_in_dim3A_302 = arith.constant 2 : i32
            %broadcast_in_dim3A_303 = vector.broadcast %broadcast_in_dim3A_302 : i32 to vector<16xi32>
            %gather3A_304 = arith.constant 0 : i32
            %gather3A_305 = arith.constant 0 : i32
            %gather3A_306 = tpu.memref_slice %arg9[%while3A_111, %gather3A_304, %gather3A_305] : memref<2x32x768xf32, #tpu.memory_space<vmem>> -> memref<1x32x768xf32, #tpu.memory_space<vmem>>
            %gather3A_307 = tpu.memref_squeeze %gather3A_306 : memref<1x32x768xf32, #tpu.memory_space<vmem>> -> memref<32x768xf32, #tpu.memory_space<vmem>>
            %gather3A_308 = tpu.vector_load_idx %gather3A_307[%broadcast_in_dim3A_303, %select_n3A] masked %and3A_281 : memref<32x768xf32, #tpu.memory_space<vmem>>[vector<16xi32>, vector<16xi32>], vector<16xf32>, vector<16xi1>
            tpu.vector_store_idx %arg10[%add3A_287, %broadcast_in_dim3A_303], %gather3A_308 : memref<64x128xf32, #tpu.memory_space<vmem>>[vector<16xi32>, vector<16xi32>], vector<16xf32>,
            %broadcast_in_dim3A_309 = arith.constant 3 : i32
            %broadcast_in_dim3A_310 = vector.broadcast %broadcast_in_dim3A_309 : i32 to vector<16xi32>
            %gather3A_311 = arith.constant 0 : i32
            %gather3A_312 = arith.constant 0 : i32
            %gather3A_313 = tpu.memref_slice %arg9[%while3A_111, %gather3A_311, %gather3A_312] : memref<2x32x768xf32, #tpu.memory_space<vmem>> -> memref<1x32x768xf32, #tpu.memory_space<vmem>>
            %gather3A_314 = tpu.memref_squeeze %gather3A_313 : memref<1x32x768xf32, #tpu.memory_space<vmem>> -> memref<32x768xf32, #tpu.memory_space<vmem>>
            %gather3A_315 = tpu.vector_load_idx %gather3A_314[%broadcast_in_dim3A_310, %select_n3A] masked %and3A_281 : memref<32x768xf32, #tpu.memory_space<vmem>>[vector<16xi32>, vector<16xi32>], vector<16xf32>, vector<16xi1>
            tpu.vector_store_idx %arg10[%add3A_287, %broadcast_in_dim3A_310], %gather3A_315 : memref<64x128xf32, #tpu.memory_space<vmem>>[vector<16xi32>, vector<16xi32>], vector<16xf32>,
            %broadcast_in_dim3A_316 = arith.constant 4 : i32
            %broadcast_in_dim3A_317 = vector.broadcast %broadcast_in_dim3A_316 : i32 to vector<16xi32>
            %gather3A_318 = arith.constant 0 : i32
            %gather3A_319 = arith.constant 0 : i32
            %gather3A_320 = tpu.memref_slice %arg9[%while3A_111, %gather3A_318, %gather3A_319] : memref<2x32x768xf32, #tpu.memory_space<vmem>> -> memref<1x32x768xf32, #tpu.memory_space<vmem>>
            %gather3A_321 = tpu.memref_squeeze %gather3A_320 : memref<1x32x768xf32, #tpu.memory_space<vmem>> -> memref<32x768xf32, #tpu.memory_space<vmem>>
            %gather3A_322 = tpu.vector_load_idx %gather3A_321[%broadcast_in_dim3A_317, %select_n3A] masked %and3A_281 : memref<32x768xf32, #tpu.memory_space<vmem>>[vector<16xi32>, vector<16xi32>], vector<16xf32>, vector<16xi1>
            tpu.vector_store_idx %arg10[%add3A_287, %broadcast_in_dim3A_317], %gather3A_322 : memref<64x128xf32, #tpu.memory_space<vmem>>[vector<16xi32>, vector<16xi32>], vector<16xf32>,
            %broadcast_in_dim3A_323 = arith.constant 5 : i32
            %broadcast_in_dim3A_324 = vector.broadcast %broadcast_in_dim3A_323 : i32 to vector<16xi32>
            %gather3A_325 = arith.constant 0 : i32
            %gather3A_326 = arith.constant 0 : i32
            %gather3A_327 = tpu.memref_slice %arg9[%while3A_111, %gather3A_325, %gather3A_326] : memref<2x32x768xf32, #tpu.memory_space<vmem>> -> memref<1x32x768xf32, #tpu.memory_space<vmem>>
            %gather3A_328 = tpu.memref_squeeze %gather3A_327 : memref<1x32x768xf32, #tpu.memory_space<vmem>> -> memref<32x768xf32, #tpu.memory_space<vmem>>
            %gather3A_329 = tpu.vector_load_idx %gather3A_328[%broadcast_in_dim3A_324, %select_n3A] masked %and3A_281 : memref<32x768xf32, #tpu.memory_space<vmem>>[vector<16xi32>, vector<16xi32>], vector<16xf32>, vector<16xi1>
            tpu.vector_store_idx %arg10[%add3A_287, %broadcast_in_dim3A_324], %gather3A_329 : memref<64x128xf32, #tpu.memory_space<vmem>>[vector<16xi32>, vector<16xi32>], vector<16xf32>,
            %broadcast_in_dim3A_330 = arith.constant 6 : i32
            %broadcast_in_dim3A_331 = vector.broadcast %broadcast_in_dim3A_330 : i32 to vector<16xi32>
            %gather3A_332 = arith.constant 0 : i32
            %gather3A_333 = arith.constant 0 : i32
            %gather3A_334 = tpu.memref_slice %arg9[%while3A_111, %gather3A_332, %gather3A_333] : memref<2x32x768xf32, #tpu.memory_space<vmem>> -> memref<1x32x768xf32, #tpu.memory_space<vmem>>
            %gather3A_335 = tpu.memref_squeeze %gather3A_334 : memref<1x32x768xf32, #tpu.memory_space<vmem>> -> memref<32x768xf32, #tpu.memory_space<vmem>>
            %gather3A_336 = tpu.vector_load_idx %gather3A_335[%broadcast_in_dim3A_331, %select_n3A] masked %and3A_281 : memref<32x768xf32, #tpu.memory_space<vmem>>[vector<16xi32>, vector<16xi32>], vector<16xf32>, vector<16xi1>
            tpu.vector_store_idx %arg10[%add3A_287, %broadcast_in_dim3A_331], %gather3A_336 : memref<64x128xf32, #tpu.memory_space<vmem>>[vector<16xi32>, vector<16xi32>], vector<16xf32>,
            %broadcast_in_dim3A_337 = arith.constant 7 : i32
            %broadcast_in_dim3A_338 = vector.broadcast %broadcast_in_dim3A_337 : i32 to vector<16xi32>
            %gather3A_339 = arith.constant 0 : i32
            %gather3A_340 = arith.constant 0 : i32
            %gather3A_341 = tpu.memref_slice %arg9[%while3A_111, %gather3A_339, %gather3A_340] : memref<2x32x768xf32, #tpu.memory_space<vmem>> -> memref<1x32x768xf32, #tpu.memory_space<vmem>>
            %gather3A_342 = tpu.memref_squeeze %gather3A_341 : memref<1x32x768xf32, #tpu.memory_space<vmem>> -> memref<32x768xf32, #tpu.memory_space<vmem>>
            %gather3A_343 = tpu.vector_load_idx %gather3A_342[%broadcast_in_dim3A_338, %select_n3A] masked %and3A_281 : memref<32x768xf32, #tpu.memory_space<vmem>>[vector<16xi32>, vector<16xi32>], vector<16xf32>, vector<16xi1>
            tpu.vector_store_idx %arg10[%add3A_287, %broadcast_in_dim3A_338], %gather3A_343 : memref<64x128xf32, #tpu.memory_space<vmem>>[vector<16xi32>, vector<16xi32>], vector<16xf32>,
            %broadcast_in_dim3A_344 = arith.constant 8 : i32
            %broadcast_in_dim3A_345 = vector.broadcast %broadcast_in_dim3A_344 : i32 to vector<16xi32>
            %gather3A_346 = arith.constant 0 : i32
            %gather3A_347 = arith.constant 0 : i32
            %gather3A_348 = tpu.memref_slice %arg9[%while3A_111, %gather3A_346, %gather3A_347] : memref<2x32x768xf32, #tpu.memory_space<vmem>> -> memref<1x32x768xf32, #tpu.memory_space<vmem>>
            %gather3A_349 = tpu.memref_squeeze %gather3A_348 : memref<1x32x768xf32, #tpu.memory_space<vmem>> -> memref<32x768xf32, #tpu.memory_space<vmem>>
            %gather3A_350 = tpu.vector_load_idx %gather3A_349[%broadcast_in_dim3A_345, %select_n3A] masked %and3A_281 : memref<32x768xf32, #tpu.memory_space<vmem>>[vector<16xi32>, vector<16xi32>], vector<16xf32>, vector<16xi1>
            tpu.vector_store_idx %arg10[%add3A_287, %broadcast_in_dim3A_345], %gather3A_350 : memref<64x128xf32, #tpu.memory_space<vmem>>[vector<16xi32>, vector<16xi32>], vector<16xf32>,
            %broadcast_in_dim3A_351 = arith.constant 9 : i32
            %broadcast_in_dim3A_352 = vector.broadcast %broadcast_in_dim3A_351 : i32 to vector<16xi32>
            %gather3A_353 = arith.constant 0 : i32
            %gather3A_354 = arith.constant 0 : i32
            %gather3A_355 = tpu.memref_slice %arg9[%while3A_111, %gather3A_353, %gather3A_354] : memref<2x32x768xf32, #tpu.memory_space<vmem>> -> memref<1x32x768xf32, #tpu.memory_space<vmem>>
            %gather3A_356 = tpu.memref_squeeze %gather3A_355 : memref<1x32x768xf32, #tpu.memory_space<vmem>> -> memref<32x768xf32, #tpu.memory_space<vmem>>
            %gather3A_357 = tpu.vector_load_idx %gather3A_356[%broadcast_in_dim3A_352, %select_n3A] masked %and3A_281 : memref<32x768xf32, #tpu.memory_space<vmem>>[vector<16xi32>, vector<16xi32>], vector<16xf32>, vector<16xi1>
            tpu.vector_store_idx %arg10[%add3A_287, %broadcast_in_dim3A_352], %gather3A_357 : memref<64x128xf32, #tpu.memory_space<vmem>>[vector<16xi32>, vector<16xi32>], vector<16xf32>,
            %broadcast_in_dim3A_358 = arith.constant 10 : i32
            %broadcast_in_dim3A_359 = vector.broadcast %broadcast_in_dim3A_358 : i32 to vector<16xi32>
            %gather3A_360 = arith.constant 0 : i32
            %gather3A_361 = arith.constant 0 : i32
            %gather3A_362 = tpu.memref_slice %arg9[%while3A_111, %gather3A_360, %gather3A_361] : memref<2x32x768xf32, #tpu.memory_space<vmem>> -> memref<1x32x768xf32, #tpu.memory_space<vmem>>
            %gather3A_363 = tpu.memref_squeeze %gather3A_362 : memref<1x32x768xf32, #tpu.memory_space<vmem>> -> memref<32x768xf32, #tpu.memory_space<vmem>>
            %gather3A_364 = tpu.vector_load_idx %gather3A_363[%broadcast_in_dim3A_359, %select_n3A] masked %and3A_281 : memref<32x768xf32, #tpu.memory_space<vmem>>[vector<16xi32>, vector<16xi32>], vector<16xf32>, vector<16xi1>
            tpu.vector_store_idx %arg10[%add3A_287, %broadcast_in_dim3A_359], %gather3A_364 : memref<64x128xf32, #tpu.memory_space<vmem>>[vector<16xi32>, vector<16xi32>], vector<16xf32>,
            %broadcast_in_dim3A_365 = arith.constant 11 : i32
            %broadcast_in_dim3A_366 = vector.broadcast %broadcast_in_dim3A_365 : i32 to vector<16xi32>
            %gather3A_367 = arith.constant 0 : i32
            %gather3A_368 = arith.constant 0 : i32
            %gather3A_369 = tpu.memref_slice %arg9[%while3A_111, %gather3A_367, %gather3A_368] : memref<2x32x768xf32, #tpu.memory_space<vmem>> -> memref<1x32x768xf32, #tpu.memory_space<vmem>>
            %gather3A_370 = tpu.memref_squeeze %gather3A_369 : memref<1x32x768xf32, #tpu.memory_space<vmem>> -> memref<32x768xf32, #tpu.memory_space<vmem>>
            %gather3A_371 = tpu.vector_load_idx %gather3A_370[%broadcast_in_dim3A_366, %select_n3A] masked %and3A_281 : memref<32x768xf32, #tpu.memory_space<vmem>>[vector<16xi32>, vector<16xi32>], vector<16xf32>, vector<16xi1>
            tpu.vector_store_idx %arg10[%add3A_287, %broadcast_in_dim3A_366], %gather3A_371 : memref<64x128xf32, #tpu.memory_space<vmem>>[vector<16xi32>, vector<16xi32>], vector<16xf32>,
            %broadcast_in_dim3A_372 = arith.constant 12 : i32
            %broadcast_in_dim3A_373 = vector.broadcast %broadcast_in_dim3A_372 : i32 to vector<16xi32>
            %gather3A_374 = arith.constant 0 : i32
            %gather3A_375 = arith.constant 0 : i32
            %gather3A_376 = tpu.memref_slice %arg9[%while3A_111, %gather3A_374, %gather3A_375] : memref<2x32x768xf32, #tpu.memory_space<vmem>> -> memref<1x32x768xf32, #tpu.memory_space<vmem>>
            %gather3A_377 = tpu.memref_squeeze %gather3A_376 : memref<1x32x768xf32, #tpu.memory_space<vmem>> -> memref<32x768xf32, #tpu.memory_space<vmem>>
            %gather3A_378 = tpu.vector_load_idx %gather3A_377[%broadcast_in_dim3A_373, %select_n3A] masked %and3A_281 : memref<32x768xf32, #tpu.memory_space<vmem>>[vector<16xi32>, vector<16xi32>], vector<16xf32>, vector<16xi1>
            tpu.vector_store_idx %arg10[%add3A_287, %broadcast_in_dim3A_373], %gather3A_378 : memref<64x128xf32, #tpu.memory_space<vmem>>[vector<16xi32>, vector<16xi32>], vector<16xf32>,
            %broadcast_in_dim3A_379 = arith.constant 13 : i32
            %broadcast_in_dim3A_380 = vector.broadcast %broadcast_in_dim3A_379 : i32 to vector<16xi32>
            %gather3A_381 = arith.constant 0 : i32
            %gather3A_382 = arith.constant 0 : i32
            %gather3A_383 = tpu.memref_slice %arg9[%while3A_111, %gather3A_381, %gather3A_382] : memref<2x32x768xf32, #tpu.memory_space<vmem>> -> memref<1x32x768xf32, #tpu.memory_space<vmem>>
            %gather3A_384 = tpu.memref_squeeze %gather3A_383 : memref<1x32x768xf32, #tpu.memory_space<vmem>> -> memref<32x768xf32, #tpu.memory_space<vmem>>
            %gather3A_385 = tpu.vector_load_idx %gather3A_384[%broadcast_in_dim3A_380, %select_n3A] masked %and3A_281 : memref<32x768xf32, #tpu.memory_space<vmem>>[vector<16xi32>, vector<16xi32>], vector<16xf32>, vector<16xi1>
            tpu.vector_store_idx %arg10[%add3A_287, %broadcast_in_dim3A_380], %gather3A_385 : memref<64x128xf32, #tpu.memory_space<vmem>>[vector<16xi32>, vector<16xi32>], vector<16xf32>,
            %broadcast_in_dim3A_386 = arith.constant 14 : i32
            %broadcast_in_dim3A_387 = vector.broadcast %broadcast_in_dim3A_386 : i32 to vector<16xi32>
            %gather3A_388 = arith.constant 0 : i32
            %gather3A_389 = arith.constant 0 : i32
            %gather3A_390 = tpu.memref_slice %arg9[%while3A_111, %gather3A_388, %gather3A_389] : memref<2x32x768xf32, #tpu.memory_space<vmem>> -> memref<1x32x768xf32, #tpu.memory_space<vmem>>
            %gather3A_391 = tpu.memref_squeeze %gather3A_390 : memref<1x32x768xf32, #tpu.memory_space<vmem>> -> memref<32x768xf32, #tpu.memory_space<vmem>>
            %gather3A_392 = tpu.vector_load_idx %gather3A_391[%broadcast_in_dim3A_387, %select_n3A] masked %and3A_281 : memref<32x768xf32, #tpu.memory_space<vmem>>[vector<16xi32>, vector<16xi32>], vector<16xf32>, vector<16xi1>
            tpu.vector_store_idx %arg10[%add3A_287, %broadcast_in_dim3A_387], %gather3A_392 : memref<64x128xf32, #tpu.memory_space<vmem>>[vector<16xi32>, vector<16xi32>], vector<16xf32>,
            %broadcast_in_dim3A_393 = arith.constant 15 : i32
            %broadcast_in_dim3A_394 = vector.broadcast %broadcast_in_dim3A_393 : i32 to vector<16xi32>
            %gather3A_395 = arith.constant 0 : i32
            %gather3A_396 = arith.constant 0 : i32
            %gather3A_397 = tpu.memref_slice %arg9[%while3A_111, %gather3A_395, %gather3A_396] : memref<2x32x768xf32, #tpu.memory_space<vmem>> -> memref<1x32x768xf32, #tpu.memory_space<vmem>>
            %gather3A_398 = tpu.memref_squeeze %gather3A_397 : memref<1x32x768xf32, #tpu.memory_space<vmem>> -> memref<32x768xf32, #tpu.memory_space<vmem>>
            %gather3A_399 = tpu.vector_load_idx %gather3A_398[%broadcast_in_dim3A_394, %select_n3A] masked %and3A_281 : memref<32x768xf32, #tpu.memory_space<vmem>>[vector<16xi32>, vector<16xi32>], vector<16xf32>, vector<16xi1>
            tpu.vector_store_idx %arg10[%add3A_287, %broadcast_in_dim3A_394], %gather3A_399 : memref<64x128xf32, #tpu.memory_space<vmem>>[vector<16xi32>, vector<16xi32>], vector<16xf32>,
            %broadcast_in_dim3A_400 = arith.constant 16 : i32
            %broadcast_in_dim3A_401 = vector.broadcast %broadcast_in_dim3A_400 : i32 to vector<16xi32>
            %gather3A_402 = arith.constant 0 : i32
            %gather3A_403 = arith.constant 0 : i32
            %gather3A_404 = tpu.memref_slice %arg9[%while3A_111, %gather3A_402, %gather3A_403] : memref<2x32x768xf32, #tpu.memory_space<vmem>> -> memref<1x32x768xf32, #tpu.memory_space<vmem>>
            %gather3A_405 = tpu.memref_squeeze %gather3A_404 : memref<1x32x768xf32, #tpu.memory_space<vmem>> -> memref<32x768xf32, #tpu.memory_space<vmem>>
            %gather3A_406 = tpu.vector_load_idx %gather3A_405[%broadcast_in_dim3A_401, %select_n3A] masked %and3A_281 : memref<32x768xf32, #tpu.memory_space<vmem>>[vector<16xi32>, vector<16xi32>], vector<16xf32>, vector<16xi1>
            tpu.vector_store_idx %arg10[%add3A_287, %broadcast_in_dim3A_401], %gather3A_406 : memref<64x128xf32, #tpu.memory_space<vmem>>[vector<16xi32>, vector<16xi32>], vector<16xf32>,
            %broadcast_in_dim3A_407 = arith.constant 17 : i32
            %broadcast_in_dim3A_408 = vector.broadcast %broadcast_in_dim3A_407 : i32 to vector<16xi32>
            %gather3A_409 = arith.constant 0 : i32
            %gather3A_410 = arith.constant 0 : i32
            %gather3A_411 = tpu.memref_slice %arg9[%while3A_111, %gather3A_409, %gather3A_410] : memref<2x32x768xf32, #tpu.memory_space<vmem>> -> memref<1x32x768xf32, #tpu.memory_space<vmem>>
            %gather3A_412 = tpu.memref_squeeze %gather3A_411 : memref<1x32x768xf32, #tpu.memory_space<vmem>> -> memref<32x768xf32, #tpu.memory_space<vmem>>
            %gather3A_413 = tpu.vector_load_idx %gather3A_412[%broadcast_in_dim3A_408, %select_n3A] masked %and3A_281 : memref<32x768xf32, #tpu.memory_space<vmem>>[vector<16xi32>, vector<16xi32>], vector<16xf32>, vector<16xi1>
            tpu.vector_store_idx %arg10[%add3A_287, %broadcast_in_dim3A_408], %gather3A_413 : memref<64x128xf32, #tpu.memory_space<vmem>>[vector<16xi32>, vector<16xi32>], vector<16xf32>,
            %broadcast_in_dim3A_414 = arith.constant 18 : i32
            %broadcast_in_dim3A_415 = vector.broadcast %broadcast_in_dim3A_414 : i32 to vector<16xi32>
            %gather3A_416 = arith.constant 0 : i32
            %gather3A_417 = arith.constant 0 : i32
            %gather3A_418 = tpu.memref_slice %arg9[%while3A_111, %gather3A_416, %gather3A_417] : memref<2x32x768xf32, #tpu.memory_space<vmem>> -> memref<1x32x768xf32, #tpu.memory_space<vmem>>
            %gather3A_419 = tpu.memref_squeeze %gather3A_418 : memref<1x32x768xf32, #tpu.memory_space<vmem>> -> memref<32x768xf32, #tpu.memory_space<vmem>>
            %gather3A_420 = tpu.vector_load_idx %gather3A_419[%broadcast_in_dim3A_415, %select_n3A] masked %and3A_281 : memref<32x768xf32, #tpu.memory_space<vmem>>[vector<16xi32>, vector<16xi32>], vector<16xf32>, vector<16xi1>
            tpu.vector_store_idx %arg10[%add3A_287, %broadcast_in_dim3A_415], %gather3A_420 : memref<64x128xf32, #tpu.memory_space<vmem>>[vector<16xi32>, vector<16xi32>], vector<16xf32>,
            %broadcast_in_dim3A_421 = arith.constant 19 : i32
            %broadcast_in_dim3A_422 = vector.broadcast %broadcast_in_dim3A_421 : i32 to vector<16xi32>
            %gather3A_423 = arith.constant 0 : i32
            %gather3A_424 = arith.constant 0 : i32
            %gather3A_425 = tpu.memref_slice %arg9[%while3A_111, %gather3A_423, %gather3A_424] : memref<2x32x768xf32, #tpu.memory_space<vmem>> -> memref<1x32x768xf32, #tpu.memory_space<vmem>>
            %gather3A_426 = tpu.memref_squeeze %gather3A_425 : memref<1x32x768xf32, #tpu.memory_space<vmem>> -> memref<32x768xf32, #tpu.memory_space<vmem>>
            %gather3A_427 = tpu.vector_load_idx %gather3A_426[%broadcast_in_dim3A_422, %select_n3A] masked %and3A_281 : memref<32x768xf32, #tpu.memory_space<vmem>>[vector<16xi32>, vector<16xi32>], vector<16xf32>, vector<16xi1>
            tpu.vector_store_idx %arg10[%add3A_287, %broadcast_in_dim3A_422], %gather3A_427 : memref<64x128xf32, #tpu.memory_space<vmem>>[vector<16xi32>, vector<16xi32>], vector<16xf32>,
            %broadcast_in_dim3A_428 = arith.constant 20 : i32
            %broadcast_in_dim3A_429 = vector.broadcast %broadcast_in_dim3A_428 : i32 to vector<16xi32>
            %gather3A_430 = arith.constant 0 : i32
            %gather3A_431 = arith.constant 0 : i32
            %gather3A_432 = tpu.memref_slice %arg9[%while3A_111, %gather3A_430, %gather3A_431] : memref<2x32x768xf32, #tpu.memory_space<vmem>> -> memref<1x32x768xf32, #tpu.memory_space<vmem>>
            %gather3A_433 = tpu.memref_squeeze %gather3A_432 : memref<1x32x768xf32, #tpu.memory_space<vmem>> -> memref<32x768xf32, #tpu.memory_space<vmem>>
            %gather3A_434 = tpu.vector_load_idx %gather3A_433[%broadcast_in_dim3A_429, %select_n3A] masked %and3A_281 : memref<32x768xf32, #tpu.memory_space<vmem>>[vector<16xi32>, vector<16xi32>], vector<16xf32>, vector<16xi1>
            tpu.vector_store_idx %arg10[%add3A_287, %broadcast_in_dim3A_429], %gather3A_434 : memref<64x128xf32, #tpu.memory_space<vmem>>[vector<16xi32>, vector<16xi32>], vector<16xf32>,
            %broadcast_in_dim3A_435 = arith.constant 21 : i32
            %broadcast_in_dim3A_436 = vector.broadcast %broadcast_in_dim3A_435 : i32 to vector<16xi32>
            %gather3A_437 = arith.constant 0 : i32
            %gather3A_438 = arith.constant 0 : i32
            %gather3A_439 = tpu.memref_slice %arg9[%while3A_111, %gather3A_437, %gather3A_438] : memref<2x32x768xf32, #tpu.memory_space<vmem>> -> memref<1x32x768xf32, #tpu.memory_space<vmem>>
            %gather3A_440 = tpu.memref_squeeze %gather3A_439 : memref<1x32x768xf32, #tpu.memory_space<vmem>> -> memref<32x768xf32, #tpu.memory_space<vmem>>
            %gather3A_441 = tpu.vector_load_idx %gather3A_440[%broadcast_in_dim3A_436, %select_n3A] masked %and3A_281 : memref<32x768xf32, #tpu.memory_space<vmem>>[vector<16xi32>, vector<16xi32>], vector<16xf32>, vector<16xi1>
            tpu.vector_store_idx %arg10[%add3A_287, %broadcast_in_dim3A_436], %gather3A_441 : memref<64x128xf32, #tpu.memory_space<vmem>>[vector<16xi32>, vector<16xi32>], vector<16xf32>,
            %broadcast_in_dim3A_442 = arith.constant 22 : i32
            %broadcast_in_dim3A_443 = vector.broadcast %broadcast_in_dim3A_442 : i32 to vector<16xi32>
            %gather3A_444 = arith.constant 0 : i32
            %gather3A_445 = arith.constant 0 : i32
            %gather3A_446 = tpu.memref_slice %arg9[%while3A_111, %gather3A_444, %gather3A_445] : memref<2x32x768xf32, #tpu.memory_space<vmem>> -> memref<1x32x768xf32, #tpu.memory_space<vmem>>
            %gather3A_447 = tpu.memref_squeeze %gather3A_446 : memref<1x32x768xf32, #tpu.memory_space<vmem>> -> memref<32x768xf32, #tpu.memory_space<vmem>>
            %gather3A_448 = tpu.vector_load_idx %gather3A_447[%broadcast_in_dim3A_443, %select_n3A] masked %and3A_281 : memref<32x768xf32, #tpu.memory_space<vmem>>[vector<16xi32>, vector<16xi32>], vector<16xf32>, vector<16xi1>
            tpu.vector_store_idx %arg10[%add3A_287, %broadcast_in_dim3A_443], %gather3A_448 : memref<64x128xf32, #tpu.memory_space<vmem>>[vector<16xi32>, vector<16xi32>], vector<16xf32>,
            %broadcast_in_dim3A_449 = arith.constant 23 : i32
            %broadcast_in_dim3A_450 = vector.broadcast %broadcast_in_dim3A_449 : i32 to vector<16xi32>
            %gather3A_451 = arith.constant 0 : i32
            %gather3A_452 = arith.constant 0 : i32
            %gather3A_453 = tpu.memref_slice %arg9[%while3A_111, %gather3A_451, %gather3A_452] : memref<2x32x768xf32, #tpu.memory_space<vmem>> -> memref<1x32x768xf32, #tpu.memory_space<vmem>>
            %gather3A_454 = tpu.memref_squeeze %gather3A_453 : memref<1x32x768xf32, #tpu.memory_space<vmem>> -> memref<32x768xf32, #tpu.memory_space<vmem>>
            %gather3A_455 = tpu.vector_load_idx %gather3A_454[%broadcast_in_dim3A_450, %select_n3A] masked %and3A_281 : memref<32x768xf32, #tpu.memory_space<vmem>>[vector<16xi32>, vector<16xi32>], vector<16xf32>, vector<16xi1>
            tpu.vector_store_idx %arg10[%add3A_287, %broadcast_in_dim3A_450], %gather3A_455 : memref<64x128xf32, #tpu.memory_space<vmem>>[vector<16xi32>, vector<16xi32>], vector<16xf32>,
            %broadcast_in_dim3A_456 = arith.constant 24 : i32
            %broadcast_in_dim3A_457 = vector.broadcast %broadcast_in_dim3A_456 : i32 to vector<16xi32>
            %gather3A_458 = arith.constant 0 : i32
            %gather3A_459 = arith.constant 0 : i32
            %gather3A_460 = tpu.memref_slice %arg9[%while3A_111, %gather3A_458, %gather3A_459] : memref<2x32x768xf32, #tpu.memory_space<vmem>> -> memref<1x32x768xf32, #tpu.memory_space<vmem>>
            %gather3A_461 = tpu.memref_squeeze %gather3A_460 : memref<1x32x768xf32, #tpu.memory_space<vmem>> -> memref<32x768xf32, #tpu.memory_space<vmem>>
            %gather3A_462 = tpu.vector_load_idx %gather3A_461[%broadcast_in_dim3A_457, %select_n3A] masked %and3A_281 : memref<32x768xf32, #tpu.memory_space<vmem>>[vector<16xi32>, vector<16xi32>], vector<16xf32>, vector<16xi1>
            tpu.vector_store_idx %arg10[%add3A_287, %broadcast_in_dim3A_457], %gather3A_462 : memref<64x128xf32, #tpu.memory_space<vmem>>[vector<16xi32>, vector<16xi32>], vector<16xf32>,
            %broadcast_in_dim3A_463 = arith.constant 25 : i32
            %broadcast_in_dim3A_464 = vector.broadcast %broadcast_in_dim3A_463 : i32 to vector<16xi32>
            %gather3A_465 = arith.constant 0 : i32
            %gather3A_466 = arith.constant 0 : i32
            %gather3A_467 = tpu.memref_slice %arg9[%while3A_111, %gather3A_465, %gather3A_466] : memref<2x32x768xf32, #tpu.memory_space<vmem>> -> memref<1x32x768xf32, #tpu.memory_space<vmem>>
            %gather3A_468 = tpu.memref_squeeze %gather3A_467 : memref<1x32x768xf32, #tpu.memory_space<vmem>> -> memref<32x768xf32, #tpu.memory_space<vmem>>
            %gather3A_469 = tpu.vector_load_idx %gather3A_468[%broadcast_in_dim3A_464, %select_n3A] masked %and3A_281 : memref<32x768xf32, #tpu.memory_space<vmem>>[vector<16xi32>, vector<16xi32>], vector<16xf32>, vector<16xi1>
            tpu.vector_store_idx %arg10[%add3A_287, %broadcast_in_dim3A_464], %gather3A_469 : memref<64x128xf32, #tpu.memory_space<vmem>>[vector<16xi32>, vector<16xi32>], vector<16xf32>,
            %broadcast_in_dim3A_470 = arith.constant 26 : i32
            %broadcast_in_dim3A_471 = vector.broadcast %broadcast_in_dim3A_470 : i32 to vector<16xi32>
            %gather3A_472 = arith.constant 0 : i32
            %gather3A_473 = arith.constant 0 : i32
            %gather3A_474 = tpu.memref_slice %arg9[%while3A_111, %gather3A_472, %gather3A_473] : memref<2x32x768xf32, #tpu.memory_space<vmem>> -> memref<1x32x768xf32, #tpu.memory_space<vmem>>
            %gather3A_475 = tpu.memref_squeeze %gather3A_474 : memref<1x32x768xf32, #tpu.memory_space<vmem>> -> memref<32x768xf32, #tpu.memory_space<vmem>>
            %gather3A_476 = tpu.vector_load_idx %gather3A_475[%broadcast_in_dim3A_471, %select_n3A] masked %and3A_281 : memref<32x768xf32, #tpu.memory_space<vmem>>[vector<16xi32>, vector<16xi32>], vector<16xf32>, vector<16xi1>
            tpu.vector_store_idx %arg10[%add3A_287, %broadcast_in_dim3A_471], %gather3A_476 : memref<64x128xf32, #tpu.memory_space<vmem>>[vector<16xi32>, vector<16xi32>], vector<16xf32>,
            %broadcast_in_dim3A_477 = arith.constant 27 : i32
            %broadcast_in_dim3A_478 = vector.broadcast %broadcast_in_dim3A_477 : i32 to vector<16xi32>
            %gather3A_479 = arith.constant 0 : i32
            %gather3A_480 = arith.constant 0 : i32
            %gather3A_481 = tpu.memref_slice %arg9[%while3A_111, %gather3A_479, %gather3A_480] : memref<2x32x768xf32, #tpu.memory_space<vmem>> -> memref<1x32x768xf32, #tpu.memory_space<vmem>>
            %gather3A_482 = tpu.memref_squeeze %gather3A_481 : memref<1x32x768xf32, #tpu.memory_space<vmem>> -> memref<32x768xf32, #tpu.memory_space<vmem>>
            %gather3A_483 = tpu.vector_load_idx %gather3A_482[%broadcast_in_dim3A_478, %select_n3A] masked %and3A_281 : memref<32x768xf32, #tpu.memory_space<vmem>>[vector<16xi32>, vector<16xi32>], vector<16xf32>, vector<16xi1>
            tpu.vector_store_idx %arg10[%add3A_287, %broadcast_in_dim3A_478], %gather3A_483 : memref<64x128xf32, #tpu.memory_space<vmem>>[vector<16xi32>, vector<16xi32>], vector<16xf32>,
            %broadcast_in_dim3A_484 = arith.constant 28 : i32
            %broadcast_in_dim3A_485 = vector.broadcast %broadcast_in_dim3A_484 : i32 to vector<16xi32>
            %gather3A_486 = arith.constant 0 : i32
            %gather3A_487 = arith.constant 0 : i32
            %gather3A_488 = tpu.memref_slice %arg9[%while3A_111, %gather3A_486, %gather3A_487] : memref<2x32x768xf32, #tpu.memory_space<vmem>> -> memref<1x32x768xf32, #tpu.memory_space<vmem>>
            %gather3A_489 = tpu.memref_squeeze %gather3A_488 : memref<1x32x768xf32, #tpu.memory_space<vmem>> -> memref<32x768xf32, #tpu.memory_space<vmem>>
            %gather3A_490 = tpu.vector_load_idx %gather3A_489[%broadcast_in_dim3A_485, %select_n3A] masked %and3A_281 : memref<32x768xf32, #tpu.memory_space<vmem>>[vector<16xi32>, vector<16xi32>], vector<16xf32>, vector<16xi1>
            tpu.vector_store_idx %arg10[%add3A_287, %broadcast_in_dim3A_485], %gather3A_490 : memref<64x128xf32, #tpu.memory_space<vmem>>[vector<16xi32>, vector<16xi32>], vector<16xf32>,
            %broadcast_in_dim3A_491 = arith.constant 29 : i32
            %broadcast_in_dim3A_492 = vector.broadcast %broadcast_in_dim3A_491 : i32 to vector<16xi32>
            %gather3A_493 = arith.constant 0 : i32
            %gather3A_494 = arith.constant 0 : i32
            %gather3A_495 = tpu.memref_slice %arg9[%while3A_111, %gather3A_493, %gather3A_494] : memref<2x32x768xf32, #tpu.memory_space<vmem>> -> memref<1x32x768xf32, #tpu.memory_space<vmem>>
            %gather3A_496 = tpu.memref_squeeze %gather3A_495 : memref<1x32x768xf32, #tpu.memory_space<vmem>> -> memref<32x768xf32, #tpu.memory_space<vmem>>
            %gather3A_497 = tpu.vector_load_idx %gather3A_496[%broadcast_in_dim3A_492, %select_n3A] masked %and3A_281 : memref<32x768xf32, #tpu.memory_space<vmem>>[vector<16xi32>, vector<16xi32>], vector<16xf32>, vector<16xi1>
            tpu.vector_store_idx %arg10[%add3A_287, %broadcast_in_dim3A_492], %gather3A_497 : memref<64x128xf32, #tpu.memory_space<vmem>>[vector<16xi32>, vector<16xi32>], vector<16xf32>,
            %broadcast_in_dim3A_498 = arith.constant 30 : i32
            %broadcast_in_dim3A_499 = vector.broadcast %broadcast_in_dim3A_498 : i32 to vector<16xi32>
            %gather3A_500 = arith.constant 0 : i32
            %gather3A_501 = arith.constant 0 : i32
            %gather3A_502 = tpu.memref_slice %arg9[%while3A_111, %gather3A_500, %gather3A_501] : memref<2x32x768xf32, #tpu.memory_space<vmem>> -> memref<1x32x768xf32, #tpu.memory_space<vmem>>
            %gather3A_503 = tpu.memref_squeeze %gather3A_502 : memref<1x32x768xf32, #tpu.memory_space<vmem>> -> memref<32x768xf32, #tpu.memory_space<vmem>>
            %gather3A_504 = tpu.vector_load_idx %gather3A_503[%broadcast_in_dim3A_499, %select_n3A] masked %and3A_281 : memref<32x768xf32, #tpu.memory_space<vmem>>[vector<16xi32>, vector<16xi32>], vector<16xf32>, vector<16xi1>
            tpu.vector_store_idx %arg10[%add3A_287, %broadcast_in_dim3A_499], %gather3A_504 : memref<64x128xf32, #tpu.memory_space<vmem>>[vector<16xi32>, vector<16xi32>], vector<16xf32>,
            %broadcast_in_dim3A_505 = arith.constant 31 : i32
            %broadcast_in_dim3A_506 = vector.broadcast %broadcast_in_dim3A_505 : i32 to vector<16xi32>
            %gather3A_507 = arith.constant 0 : i32
            %gather3A_508 = arith.constant 0 : i32
            %gather3A_509 = tpu.memref_slice %arg9[%while3A_111, %gather3A_507, %gather3A_508] : memref<2x32x768xf32, #tpu.memory_space<vmem>> -> memref<1x32x768xf32, #tpu.memory_space<vmem>>
            %gather3A_510 = tpu.memref_squeeze %gather3A_509 : memref<1x32x768xf32, #tpu.memory_space<vmem>> -> memref<32x768xf32, #tpu.memory_space<vmem>>
            %gather3A_511 = tpu.vector_load_idx %gather3A_510[%broadcast_in_dim3A_506, %select_n3A] masked %and3A_281 : memref<32x768xf32, #tpu.memory_space<vmem>>[vector<16xi32>, vector<16xi32>], vector<16xf32>, vector<16xi1>
            tpu.vector_store_idx %arg10[%add3A_287, %broadcast_in_dim3A_506], %gather3A_511 : memref<64x128xf32, #tpu.memory_space<vmem>>[vector<16xi32>, vector<16xi32>], vector<16xf32>,
            %broadcast_in_dim3A_512 = arith.constant -1 : i32
            %broadcast_in_dim3A_513 = vector.broadcast %broadcast_in_dim3A_512 : i32 to vector<16xi32>
            %select_n3A_514 = arith.select %and3A_281, %and3A_272, %broadcast_in_dim3A_513 : vector<16xi1>, vector<16xi32>
            %mul3A_515 = arith.constant 16 : i32
            %mul3A_516 = arith.muli %while3A_259, %mul3A_515 : i32
            %swap3A_517 = arith.constant 0 : i32
            %swap3A_518 = arith.index_cast %swap3A_517 : i32 to index
            %swap3A_519 = arith.index_cast %mul3A_516 : i32 to index
            %swap3A_520 = tpu.vector_load %arg11[%swap3A_518, %swap3A_519] {strides = array<i32>} : memref<1x64xi32, #tpu.memory_space<vmem>>, vector<16xi32>,
            tpu.vector_store %arg11[%swap3A_518, %swap3A_519], %select_n3A_514 {strides = array<i32>} : memref<1x64xi32, #tpu.memory_space<vmem>>, vector<16xi32>,
            %while3A_521 = arith.constant 0 : i32
            scf.yield %while3A_521 : i32
          }
          %dma_start3A_243 = arith.constant 0 : i32
          %dma_start3A_244 = arith.constant 0 : i32
          %dma_start3A_245 = tpu.memref_slice %arg11[%dma_start3A_243, %dma_start3A_244] : memref<1x64xi32, #tpu.memory_space<vmem>> -> memref<1x64xi32, #tpu.memory_space<vmem>>
          %dma_start3A_246 = tpu.memref_squeeze %dma_start3A_245 : memref<1x64xi32, #tpu.memory_space<vmem>> -> memref<64xi32, #tpu.memory_space<vmem>>
          %dma_start3A_247 = arith.constant 0 : i32
          %dma_start3A_248 = arith.constant 0 : i32
          %dma_start3A_249 = tpu.memref_slice %arg5[%dma_start3A_247, %dma_start3A_248] : memref<16384x128xf32, #tpu.memory_space<hbm>> -> memref<16384x128xf32, #tpu.memory_space<hbm>>
          %dma_start3A_250 = arith.constant -1 : i32
          tpu.enqueue_indirect_dma source(%arg10 : memref<64x128xf32, #tpu.memory_space<vmem>>) target(%dma_start3A_249 : memref<16384x128xf32, #tpu.memory_space<hbm>>) offsets(%dma_start3A_246 : memref<64xi32, #tpu.memory_space<vmem>>) offset_filter(%dma_start3A_250) semaphore(%arg15 : memref<!tpu.dma_semaphore, #tpu.memory_space<semaphore_mem>>)
          %dma_wait3A_251 = arith.constant 0 : i32
          %dma_wait3A_252 = arith.constant 0 : i32
          %dma_wait3A_253 = tpu.memref_slice %arg11[%dma_wait3A_251, %dma_wait3A_252] : memref<1x64xi32, #tpu.memory_space<vmem>> -> memref<1x64xi32, #tpu.memory_space<vmem>>
          %dma_wait3A_254 = tpu.memref_squeeze %dma_wait3A_253 : memref<1x64xi32, #tpu.memory_space<vmem>> -> memref<64xi32, #tpu.memory_space<vmem>>
          %dma_wait3A_255 = arith.constant 0 : i32
          %dma_wait3A_256 = arith.constant 0 : i32
          %dma_wait3A_257 = tpu.memref_slice %arg5[%dma_wait3A_255, %dma_wait3A_256] : memref<16384x128xf32, #tpu.memory_space<hbm>> -> memref<16384x128xf32, #tpu.memory_space<hbm>>
          tpu.wait_indirect_dma semaphore(%arg15 : memref<!tpu.dma_semaphore, #tpu.memory_space<semaphore_mem>>) src(%arg10 : memref<64x128xf32, #tpu.memory_space<vmem>>) dst(%dma_wait3A_257 : memref<16384x128xf32, #tpu.memory_space<hbm>>)
          %while3A_258 = arith.constant 0 : i32
          scf.yield %while3A_258 : i32
        }
        %while3A_122 = arith.constant 1 : i32
        %while3A_123 = scf.for %while3A_209 = %while3A_119 to %while3A_115 step %while3A_122 iter_args(%while3A_210 = %while3A_121) -> (i32)  : i32 {
          %broadcast_in_dim3A = arith.constant -1 : i32
          %broadcast_in_dim3A_211 = vector.broadcast %broadcast_in_dim3A : i32 to vector<16xi32>
          %swap3A = arith.constant 0 : i32
          %swap3A_212 = arith.index_cast %swap3A : i32 to index
          %swap3A_213 = arith.constant 0 : index
          %swap3A_214 = tpu.vector_load %arg11[%swap3A_212, %swap3A_213] {strides = array<i32>} : memref<1x64xi32, #tpu.memory_space<vmem>>, vector<16xi32>,
          tpu.vector_store %arg11[%swap3A_212, %swap3A_213], %broadcast_in_dim3A_211 {strides = array<i32>} : memref<1x64xi32, #tpu.memory_space<vmem>>, vector<16xi32>,
          %swap3A_215 = arith.constant 0 : i32
          %swap3A_216 = arith.index_cast %swap3A_215 : i32 to index
          %swap3A_217 = arith.constant 16 : index
          %swap3A_218 = tpu.vector_load %arg11[%swap3A_216, %swap3A_217] {strides = array<i32>} : memref<1x64xi32, #tpu.memory_space<vmem>>, vector<16xi32>,
          tpu.vector_store %arg11[%swap3A_216, %swap3A_217], %broadcast_in_dim3A_211 {strides = array<i32>} : memref<1x64xi32, #tpu.memory_space<vmem>>, vector<16xi32>,
          %swap3A_219 = arith.constant 0 : i32
          %swap3A_220 = arith.index_cast %swap3A_219 : i32 to index
          %swap3A_221 = arith.constant 32 : index
          %swap3A_222 = tpu.vector_load %arg11[%swap3A_220, %swap3A_221] {strides = array<i32>} : memref<1x64xi32, #tpu.memory_space<vmem>>, vector<16xi32>,
          tpu.vector_store %arg11[%swap3A_220, %swap3A_221], %broadcast_in_dim3A_211 {strides = array<i32>} : memref<1x64xi32, #tpu.memory_space<vmem>>, vector<16xi32>,
          %swap3A_223 = arith.constant 0 : i32
          %swap3A_224 = arith.index_cast %swap3A_223 : i32 to index
          %swap3A_225 = arith.constant 48 : index
          %swap3A_226 = tpu.vector_load %arg11[%swap3A_224, %swap3A_225] {strides = array<i32>} : memref<1x64xi32, #tpu.memory_space<vmem>>, vector<16xi32>,
          tpu.vector_store %arg11[%swap3A_224, %swap3A_225], %broadcast_in_dim3A_211 {strides = array<i32>} : memref<1x64xi32, #tpu.memory_space<vmem>>, vector<16xi32>,
          %mul3A_227 = arith.constant 4 : i32
          %mul3A_228 = arith.muli %while3A_209, %mul3A_227 : i32
          %sub3A = arith.subi %div3A_106, %mul3A_228 : i32
          %min3A_229 = arith.constant 4 : i32
          %min3A_230 = arith.minsi %min3A_229, %sub3A : i32
          %while3A_231 = arith.constant 0 : i32
          %while3A_232 = arith.constant 0 : i32
          %while3A_233 = arith.subi %min3A_230, %while3A_231 : i32
          %while3A_234 = arith.addi %while3A_231, %while3A_233 : i32
          %while3A_235 = arith.constant 1 : i32
          %while3A_236 = arith.divsi %while3A_233, %while3A_235 : i32
          %while3A_237 = arith.muli %while3A_236, %while3A_235 : i32
          %while3A_238 = arith.addi %while3A_231, %while3A_237 : i32
          %while3A_239 = arith.constant 1 : i32
          %while3A_240 = scf.for %while3A_259 = %while3A_231 to %while3A_238 step %while3A_239 iter_args(%while3A_260 = %while3A_232) -> (i32)  : i32 {
            %mul3A_261 = arith.constant 4 : i32
            %mul3A_262 = arith.muli %while3A_209, %mul3A_261 : i32
            %add3A_263 = arith.addi %mul3A_262, %while3A_259 : i32
            %mul3A_264 = arith.constant 16 : i32
            %mul3A_265 = arith.muli %add3A_263, %mul3A_264 : i32
            %get3A = arith.index_cast %mul3A_265 : i32 to index
            %get3A_266 = tpu.vector_load %arg8[%get3A] {strides = array<i32>} : memref<16400xi32, #tpu.memory_space<vmem>>, vector<16xi32>,
            %add3A_267 = vector.broadcast %mul3A_265 : i32 to vector<16xi32>
            %add3A_268 = arith.addi %add3A_267, %iota3A : vector<16xi32>
            %lt3A_269 = vector.broadcast %while3A_87 : i32 to vector<16xi32>
            %lt3A_270 = arith.cmpi slt, %add3A_268, %lt3A_269 : vector<16xi32>
            %and3A = arith.constant 16383 : i32
            %and3A_271 = vector.broadcast %and3A : i32 to vector<16xi32>
            %and3A_272 = arith.andi %get3A_266, %and3A_271 : vector<16xi32>
            %gather3A = tpu.vector_load_idx %arg6[%and3A_272] : memref<16384xi32, #tpu.memory_space<vmem>>[vector<16xi32>], vector<16xi32>,
            %sub3A_273 = vector.broadcast %mul3A_76 : i32 to vector<16xi32>
            %sub3A_274 = arith.subi %gather3A, %sub3A_273 : vector<16xi32>
            %ge3A = arith.constant 0 : i32
            %ge3A_275 = vector.broadcast %ge3A : i32 to vector<16xi32>
            %ge3A_276 = arith.cmpi sge, %sub3A_274, %ge3A_275 : vector<16xi32>
            %and3A_277 = arith.andi %lt3A_270, %ge3A_276 : vector<16xi1>
            %lt3A_278 = arith.constant 768 : i32
            %lt3A_279 = vector.broadcast %lt3A_278 : i32 to vector<16xi32>
            %lt3A_280 = arith.cmpi slt, %sub3A_274, %lt3A_279 : vector<16xi32>
            %and3A_281 = arith.andi %and3A_277, %lt3A_280 : vector<16xi1>
            %broadcast_in_dim3A_282 = arith.constant 0 : i32
            %broadcast_in_dim3A_283 = vector.broadcast %broadcast_in_dim3A_282 : i32 to vector<16xi32>
            %select_n3A = arith.select %and3A_281, %sub3A_274, %broadcast_in_dim3A_283 : vector<16xi1>, vector<16xi32>
            %mul3A_284 = arith.constant 16 : i32
            %mul3A_285 = arith.muli %while3A_259, %mul3A_284 : i32
            %add3A_286 = vector.broadcast %mul3A_285 : i32 to vector<16xi32>
            %add3A_287 = arith.addi %add3A_286, %iota3A : vector<16xi32>
            %broadcast_in_dim3A_288 = arith.constant 0 : i32
            %broadcast_in_dim3A_289 = vector.broadcast %broadcast_in_dim3A_288 : i32 to vector<16xi32>
            %gather3A_290 = arith.constant 0 : i32
            %gather3A_291 = arith.constant 0 : i32
            %gather3A_292 = tpu.memref_slice %arg9[%while3A_111, %gather3A_290, %gather3A_291] : memref<2x32x768xf32, #tpu.memory_space<vmem>> -> memref<1x32x768xf32, #tpu.memory_space<vmem>>
            %gather3A_293 = tpu.memref_squeeze %gather3A_292 : memref<1x32x768xf32, #tpu.memory_space<vmem>> -> memref<32x768xf32, #tpu.memory_space<vmem>>
            %gather3A_294 = tpu.vector_load_idx %gather3A_293[%broadcast_in_dim3A_289, %select_n3A] masked %and3A_281 : memref<32x768xf32, #tpu.memory_space<vmem>>[vector<16xi32>, vector<16xi32>], vector<16xf32>, vector<16xi1>
            tpu.vector_store_idx %arg10[%add3A_287, %broadcast_in_dim3A_289], %gather3A_294 : memref<64x128xf32, #tpu.memory_space<vmem>>[vector<16xi32>, vector<16xi32>], vector<16xf32>,
            %broadcast_in_dim3A_295 = arith.constant 1 : i32
            %broadcast_in_dim3A_296 = vector.broadcast %broadcast_in_dim3A_295 : i32 to vector<16xi32>
            %gather3A_297 = arith.constant 0 : i32
            %gather3A_298 = arith.constant 0 : i32
            %gather3A_299 = tpu.memref_slice %arg9[%while3A_111, %gather3A_297, %gather3A_298] : memref<2x32x768xf32, #tpu.memory_space<vmem>> -> memref<1x32x768xf32, #tpu.memory_space<vmem>>
            %gather3A_300 = tpu.memref_squeeze %gather3A_299 : memref<1x32x768xf32, #tpu.memory_space<vmem>> -> memref<32x768xf32, #tpu.memory_space<vmem>>
            %gather3A_301 = tpu.vector_load_idx %gather3A_300[%broadcast_in_dim3A_296, %select_n3A] masked %and3A_281 : memref<32x768xf32, #tpu.memory_space<vmem>>[vector<16xi32>, vector<16xi32>], vector<16xf32>, vector<16xi1>
            tpu.vector_store_idx %arg10[%add3A_287, %broadcast_in_dim3A_296], %gather3A_301 : memref<64x128xf32, #tpu.memory_space<vmem>>[vector<16xi32>, vector<16xi32>], vector<16xf32>,
            %broadcast_in_dim3A_302 = arith.constant 2 : i32
            %broadcast_in_dim3A_303 = vector.broadcast %broadcast_in_dim3A_302 : i32 to vector<16xi32>
            %gather3A_304 = arith.constant 0 : i32
            %gather3A_305 = arith.constant 0 : i32
            %gather3A_306 = tpu.memref_slice %arg9[%while3A_111, %gather3A_304, %gather3A_305] : memref<2x32x768xf32, #tpu.memory_space<vmem>> -> memref<1x32x768xf32, #tpu.memory_space<vmem>>
            %gather3A_307 = tpu.memref_squeeze %gather3A_306 : memref<1x32x768xf32, #tpu.memory_space<vmem>> -> memref<32x768xf32, #tpu.memory_space<vmem>>
            %gather3A_308 = tpu.vector_load_idx %gather3A_307[%broadcast_in_dim3A_303, %select_n3A] masked %and3A_281 : memref<32x768xf32, #tpu.memory_space<vmem>>[vector<16xi32>, vector<16xi32>], vector<16xf32>, vector<16xi1>
            tpu.vector_store_idx %arg10[%add3A_287, %broadcast_in_dim3A_303], %gather3A_308 : memref<64x128xf32, #tpu.memory_space<vmem>>[vector<16xi32>, vector<16xi32>], vector<16xf32>,
            %broadcast_in_dim3A_309 = arith.constant 3 : i32
            %broadcast_in_dim3A_310 = vector.broadcast %broadcast_in_dim3A_309 : i32 to vector<16xi32>
            %gather3A_311 = arith.constant 0 : i32
            %gather3A_312 = arith.constant 0 : i32
            %gather3A_313 = tpu.memref_slice %arg9[%while3A_111, %gather3A_311, %gather3A_312] : memref<2x32x768xf32, #tpu.memory_space<vmem>> -> memref<1x32x768xf32, #tpu.memory_space<vmem>>
            %gather3A_314 = tpu.memref_squeeze %gather3A_313 : memref<1x32x768xf32, #tpu.memory_space<vmem>> -> memref<32x768xf32, #tpu.memory_space<vmem>>
            %gather3A_315 = tpu.vector_load_idx %gather3A_314[%broadcast_in_dim3A_310, %select_n3A] masked %and3A_281 : memref<32x768xf32, #tpu.memory_space<vmem>>[vector<16xi32>, vector<16xi32>], vector<16xf32>, vector<16xi1>
            tpu.vector_store_idx %arg10[%add3A_287, %broadcast_in_dim3A_310], %gather3A_315 : memref<64x128xf32, #tpu.memory_space<vmem>>[vector<16xi32>, vector<16xi32>], vector<16xf32>,
            %broadcast_in_dim3A_316 = arith.constant 4 : i32
            %broadcast_in_dim3A_317 = vector.broadcast %broadcast_in_dim3A_316 : i32 to vector<16xi32>
            %gather3A_318 = arith.constant 0 : i32
            %gather3A_319 = arith.constant 0 : i32
            %gather3A_320 = tpu.memref_slice %arg9[%while3A_111, %gather3A_318, %gather3A_319] : memref<2x32x768xf32, #tpu.memory_space<vmem>> -> memref<1x32x768xf32, #tpu.memory_space<vmem>>
            %gather3A_321 = tpu.memref_squeeze %gather3A_320 : memref<1x32x768xf32, #tpu.memory_space<vmem>> -> memref<32x768xf32, #tpu.memory_space<vmem>>
            %gather3A_322 = tpu.vector_load_idx %gather3A_321[%broadcast_in_dim3A_317, %select_n3A] masked %and3A_281 : memref<32x768xf32, #tpu.memory_space<vmem>>[vector<16xi32>, vector<16xi32>], vector<16xf32>, vector<16xi1>
            tpu.vector_store_idx %arg10[%add3A_287, %broadcast_in_dim3A_317], %gather3A_322 : memref<64x128xf32, #tpu.memory_space<vmem>>[vector<16xi32>, vector<16xi32>], vector<16xf32>,
            %broadcast_in_dim3A_323 = arith.constant 5 : i32
            %broadcast_in_dim3A_324 = vector.broadcast %broadcast_in_dim3A_323 : i32 to vector<16xi32>
            %gather3A_325 = arith.constant 0 : i32
            %gather3A_326 = arith.constant 0 : i32
            %gather3A_327 = tpu.memref_slice %arg9[%while3A_111, %gather3A_325, %gather3A_326] : memref<2x32x768xf32, #tpu.memory_space<vmem>> -> memref<1x32x768xf32, #tpu.memory_space<vmem>>
            %gather3A_328 = tpu.memref_squeeze %gather3A_327 : memref<1x32x768xf32, #tpu.memory_space<vmem>> -> memref<32x768xf32, #tpu.memory_space<vmem>>
            %gather3A_329 = tpu.vector_load_idx %gather3A_328[%broadcast_in_dim3A_324, %select_n3A] masked %and3A_281 : memref<32x768xf32, #tpu.memory_space<vmem>>[vector<16xi32>, vector<16xi32>], vector<16xf32>, vector<16xi1>
            tpu.vector_store_idx %arg10[%add3A_287, %broadcast_in_dim3A_324], %gather3A_329 : memref<64x128xf32, #tpu.memory_space<vmem>>[vector<16xi32>, vector<16xi32>], vector<16xf32>,
            %broadcast_in_dim3A_330 = arith.constant 6 : i32
            %broadcast_in_dim3A_331 = vector.broadcast %broadcast_in_dim3A_330 : i32 to vector<16xi32>
            %gather3A_332 = arith.constant 0 : i32
            %gather3A_333 = arith.constant 0 : i32
            %gather3A_334 = tpu.memref_slice %arg9[%while3A_111, %gather3A_332, %gather3A_333] : memref<2x32x768xf32, #tpu.memory_space<vmem>> -> memref<1x32x768xf32, #tpu.memory_space<vmem>>
            %gather3A_335 = tpu.memref_squeeze %gather3A_334 : memref<1x32x768xf32, #tpu.memory_space<vmem>> -> memref<32x768xf32, #tpu.memory_space<vmem>>
            %gather3A_336 = tpu.vector_load_idx %gather3A_335[%broadcast_in_dim3A_331, %select_n3A] masked %and3A_281 : memref<32x768xf32, #tpu.memory_space<vmem>>[vector<16xi32>, vector<16xi32>], vector<16xf32>, vector<16xi1>
            tpu.vector_store_idx %arg10[%add3A_287, %broadcast_in_dim3A_331], %gather3A_336 : memref<64x128xf32, #tpu.memory_space<vmem>>[vector<16xi32>, vector<16xi32>], vector<16xf32>,
            %broadcast_in_dim3A_337 = arith.constant 7 : i32
            %broadcast_in_dim3A_338 = vector.broadcast %broadcast_in_dim3A_337 : i32 to vector<16xi32>
            %gather3A_339 = arith.constant 0 : i32
            %gather3A_340 = arith.constant 0 : i32
            %gather3A_341 = tpu.memref_slice %arg9[%while3A_111, %gather3A_339, %gather3A_340] : memref<2x32x768xf32, #tpu.memory_space<vmem>> -> memref<1x32x768xf32, #tpu.memory_space<vmem>>
            %gather3A_342 = tpu.memref_squeeze %gather3A_341 : memref<1x32x768xf32, #tpu.memory_space<vmem>> -> memref<32x768xf32, #tpu.memory_space<vmem>>
            %gather3A_343 = tpu.vector_load_idx %gather3A_342[%broadcast_in_dim3A_338, %select_n3A] masked %and3A_281 : memref<32x768xf32, #tpu.memory_space<vmem>>[vector<16xi32>, vector<16xi32>], vector<16xf32>, vector<16xi1>
            tpu.vector_store_idx %arg10[%add3A_287, %broadcast_in_dim3A_338], %gather3A_343 : memref<64x128xf32, #tpu.memory_space<vmem>>[vector<16xi32>, vector<16xi32>], vector<16xf32>,
            %broadcast_in_dim3A_344 = arith.constant 8 : i32
            %broadcast_in_dim3A_345 = vector.broadcast %broadcast_in_dim3A_344 : i32 to vector<16xi32>
            %gather3A_346 = arith.constant 0 : i32
            %gather3A_347 = arith.constant 0 : i32
            %gather3A_348 = tpu.memref_slice %arg9[%while3A_111, %gather3A_346, %gather3A_347] : memref<2x32x768xf32, #tpu.memory_space<vmem>> -> memref<1x32x768xf32, #tpu.memory_space<vmem>>
            %gather3A_349 = tpu.memref_squeeze %gather3A_348 : memref<1x32x768xf32, #tpu.memory_space<vmem>> -> memref<32x768xf32, #tpu.memory_space<vmem>>
            %gather3A_350 = tpu.vector_load_idx %gather3A_349[%broadcast_in_dim3A_345, %select_n3A] masked %and3A_281 : memref<32x768xf32, #tpu.memory_space<vmem>>[vector<16xi32>, vector<16xi32>], vector<16xf32>, vector<16xi1>
            tpu.vector_store_idx %arg10[%add3A_287, %broadcast_in_dim3A_345], %gather3A_350 : memref<64x128xf32, #tpu.memory_space<vmem>>[vector<16xi32>, vector<16xi32>], vector<16xf32>,
            %broadcast_in_dim3A_351 = arith.constant 9 : i32
            %broadcast_in_dim3A_352 = vector.broadcast %broadcast_in_dim3A_351 : i32 to vector<16xi32>
            %gather3A_353 = arith.constant 0 : i32
            %gather3A_354 = arith.constant 0 : i32
            %gather3A_355 = tpu.memref_slice %arg9[%while3A_111, %gather3A_353, %gather3A_354] : memref<2x32x768xf32, #tpu.memory_space<vmem>> -> memref<1x32x768xf32, #tpu.memory_space<vmem>>
            %gather3A_356 = tpu.memref_squeeze %gather3A_355 : memref<1x32x768xf32, #tpu.memory_space<vmem>> -> memref<32x768xf32, #tpu.memory_space<vmem>>
            %gather3A_357 = tpu.vector_load_idx %gather3A_356[%broadcast_in_dim3A_352, %select_n3A] masked %and3A_281 : memref<32x768xf32, #tpu.memory_space<vmem>>[vector<16xi32>, vector<16xi32>], vector<16xf32>, vector<16xi1>
            tpu.vector_store_idx %arg10[%add3A_287, %broadcast_in_dim3A_352], %gather3A_357 : memref<64x128xf32, #tpu.memory_space<vmem>>[vector<16xi32>, vector<16xi32>], vector<16xf32>,
            %broadcast_in_dim3A_358 = arith.constant 10 : i32
            %broadcast_in_dim3A_359 = vector.broadcast %broadcast_in_dim3A_358 : i32 to vector<16xi32>
            %gather3A_360 = arith.constant 0 : i32
            %gather3A_361 = arith.constant 0 : i32
            %gather3A_362 = tpu.memref_slice %arg9[%while3A_111, %gather3A_360, %gather3A_361] : memref<2x32x768xf32, #tpu.memory_space<vmem>> -> memref<1x32x768xf32, #tpu.memory_space<vmem>>
            %gather3A_363 = tpu.memref_squeeze %gather3A_362 : memref<1x32x768xf32, #tpu.memory_space<vmem>> -> memref<32x768xf32, #tpu.memory_space<vmem>>
            %gather3A_364 = tpu.vector_load_idx %gather3A_363[%broadcast_in_dim3A_359, %select_n3A] masked %and3A_281 : memref<32x768xf32, #tpu.memory_space<vmem>>[vector<16xi32>, vector<16xi32>], vector<16xf32>, vector<16xi1>
            tpu.vector_store_idx %arg10[%add3A_287, %broadcast_in_dim3A_359], %gather3A_364 : memref<64x128xf32, #tpu.memory_space<vmem>>[vector<16xi32>, vector<16xi32>], vector<16xf32>,
            %broadcast_in_dim3A_365 = arith.constant 11 : i32
            %broadcast_in_dim3A_366 = vector.broadcast %broadcast_in_dim3A_365 : i32 to vector<16xi32>
            %gather3A_367 = arith.constant 0 : i32
            %gather3A_368 = arith.constant 0 : i32
            %gather3A_369 = tpu.memref_slice %arg9[%while3A_111, %gather3A_367, %gather3A_368] : memref<2x32x768xf32, #tpu.memory_space<vmem>> -> memref<1x32x768xf32, #tpu.memory_space<vmem>>
            %gather3A_370 = tpu.memref_squeeze %gather3A_369 : memref<1x32x768xf32, #tpu.memory_space<vmem>> -> memref<32x768xf32, #tpu.memory_space<vmem>>
            %gather3A_371 = tpu.vector_load_idx %gather3A_370[%broadcast_in_dim3A_366, %select_n3A] masked %and3A_281 : memref<32x768xf32, #tpu.memory_space<vmem>>[vector<16xi32>, vector<16xi32>], vector<16xf32>, vector<16xi1>
            tpu.vector_store_idx %arg10[%add3A_287, %broadcast_in_dim3A_366], %gather3A_371 : memref<64x128xf32, #tpu.memory_space<vmem>>[vector<16xi32>, vector<16xi32>], vector<16xf32>,
            %broadcast_in_dim3A_372 = arith.constant 12 : i32
            %broadcast_in_dim3A_373 = vector.broadcast %broadcast_in_dim3A_372 : i32 to vector<16xi32>
            %gather3A_374 = arith.constant 0 : i32
            %gather3A_375 = arith.constant 0 : i32
            %gather3A_376 = tpu.memref_slice %arg9[%while3A_111, %gather3A_374, %gather3A_375] : memref<2x32x768xf32, #tpu.memory_space<vmem>> -> memref<1x32x768xf32, #tpu.memory_space<vmem>>
            %gather3A_377 = tpu.memref_squeeze %gather3A_376 : memref<1x32x768xf32, #tpu.memory_space<vmem>> -> memref<32x768xf32, #tpu.memory_space<vmem>>
            %gather3A_378 = tpu.vector_load_idx %gather3A_377[%broadcast_in_dim3A_373, %select_n3A] masked %and3A_281 : memref<32x768xf32, #tpu.memory_space<vmem>>[vector<16xi32>, vector<16xi32>], vector<16xf32>, vector<16xi1>
            tpu.vector_store_idx %arg10[%add3A_287, %broadcast_in_dim3A_373], %gather3A_378 : memref<64x128xf32, #tpu.memory_space<vmem>>[vector<16xi32>, vector<16xi32>], vector<16xf32>,
            %broadcast_in_dim3A_379 = arith.constant 13 : i32
            %broadcast_in_dim3A_380 = vector.broadcast %broadcast_in_dim3A_379 : i32 to vector<16xi32>
            %gather3A_381 = arith.constant 0 : i32
            %gather3A_382 = arith.constant 0 : i32
            %gather3A_383 = tpu.memref_slice %arg9[%while3A_111, %gather3A_381, %gather3A_382] : memref<2x32x768xf32, #tpu.memory_space<vmem>> -> memref<1x32x768xf32, #tpu.memory_space<vmem>>
            %gather3A_384 = tpu.memref_squeeze %gather3A_383 : memref<1x32x768xf32, #tpu.memory_space<vmem>> -> memref<32x768xf32, #tpu.memory_space<vmem>>
            %gather3A_385 = tpu.vector_load_idx %gather3A_384[%broadcast_in_dim3A_380, %select_n3A] masked %and3A_281 : memref<32x768xf32, #tpu.memory_space<vmem>>[vector<16xi32>, vector<16xi32>], vector<16xf32>, vector<16xi1>
            tpu.vector_store_idx %arg10[%add3A_287, %broadcast_in_dim3A_380], %gather3A_385 : memref<64x128xf32, #tpu.memory_space<vmem>>[vector<16xi32>, vector<16xi32>], vector<16xf32>,
            %broadcast_in_dim3A_386 = arith.constant 14 : i32
            %broadcast_in_dim3A_387 = vector.broadcast %broadcast_in_dim3A_386 : i32 to vector<16xi32>
            %gather3A_388 = arith.constant 0 : i32
            %gather3A_389 = arith.constant 0 : i32
            %gather3A_390 = tpu.memref_slice %arg9[%while3A_111, %gather3A_388, %gather3A_389] : memref<2x32x768xf32, #tpu.memory_space<vmem>> -> memref<1x32x768xf32, #tpu.memory_space<vmem>>
            %gather3A_391 = tpu.memref_squeeze %gather3A_390 : memref<1x32x768xf32, #tpu.memory_space<vmem>> -> memref<32x768xf32, #tpu.memory_space<vmem>>
            %gather3A_392 = tpu.vector_load_idx %gather3A_391[%broadcast_in_dim3A_387, %select_n3A] masked %and3A_281 : memref<32x768xf32, #tpu.memory_space<vmem>>[vector<16xi32>, vector<16xi32>], vector<16xf32>, vector<16xi1>
            tpu.vector_store_idx %arg10[%add3A_287, %broadcast_in_dim3A_387], %gather3A_392 : memref<64x128xf32, #tpu.memory_space<vmem>>[vector<16xi32>, vector<16xi32>], vector<16xf32>,
            %broadcast_in_dim3A_393 = arith.constant 15 : i32
            %broadcast_in_dim3A_394 = vector.broadcast %broadcast_in_dim3A_393 : i32 to vector<16xi32>
            %gather3A_395 = arith.constant 0 : i32
            %gather3A_396 = arith.constant 0 : i32
            %gather3A_397 = tpu.memref_slice %arg9[%while3A_111, %gather3A_395, %gather3A_396] : memref<2x32x768xf32, #tpu.memory_space<vmem>> -> memref<1x32x768xf32, #tpu.memory_space<vmem>>
            %gather3A_398 = tpu.memref_squeeze %gather3A_397 : memref<1x32x768xf32, #tpu.memory_space<vmem>> -> memref<32x768xf32, #tpu.memory_space<vmem>>
            %gather3A_399 = tpu.vector_load_idx %gather3A_398[%broadcast_in_dim3A_394, %select_n3A] masked %and3A_281 : memref<32x768xf32, #tpu.memory_space<vmem>>[vector<16xi32>, vector<16xi32>], vector<16xf32>, vector<16xi1>
            tpu.vector_store_idx %arg10[%add3A_287, %broadcast_in_dim3A_394], %gather3A_399 : memref<64x128xf32, #tpu.memory_space<vmem>>[vector<16xi32>, vector<16xi32>], vector<16xf32>,
            %broadcast_in_dim3A_400 = arith.constant 16 : i32
            %broadcast_in_dim3A_401 = vector.broadcast %broadcast_in_dim3A_400 : i32 to vector<16xi32>
            %gather3A_402 = arith.constant 0 : i32
            %gather3A_403 = arith.constant 0 : i32
            %gather3A_404 = tpu.memref_slice %arg9[%while3A_111, %gather3A_402, %gather3A_403] : memref<2x32x768xf32, #tpu.memory_space<vmem>> -> memref<1x32x768xf32, #tpu.memory_space<vmem>>
            %gather3A_405 = tpu.memref_squeeze %gather3A_404 : memref<1x32x768xf32, #tpu.memory_space<vmem>> -> memref<32x768xf32, #tpu.memory_space<vmem>>
            %gather3A_406 = tpu.vector_load_idx %gather3A_405[%broadcast_in_dim3A_401, %select_n3A] masked %and3A_281 : memref<32x768xf32, #tpu.memory_space<vmem>>[vector<16xi32>, vector<16xi32>], vector<16xf32>, vector<16xi1>
            tpu.vector_store_idx %arg10[%add3A_287, %broadcast_in_dim3A_401], %gather3A_406 : memref<64x128xf32, #tpu.memory_space<vmem>>[vector<16xi32>, vector<16xi32>], vector<16xf32>,
            %broadcast_in_dim3A_407 = arith.constant 17 : i32
            %broadcast_in_dim3A_408 = vector.broadcast %broadcast_in_dim3A_407 : i32 to vector<16xi32>
            %gather3A_409 = arith.constant 0 : i32
            %gather3A_410 = arith.constant 0 : i32
            %gather3A_411 = tpu.memref_slice %arg9[%while3A_111, %gather3A_409, %gather3A_410] : memref<2x32x768xf32, #tpu.memory_space<vmem>> -> memref<1x32x768xf32, #tpu.memory_space<vmem>>
            %gather3A_412 = tpu.memref_squeeze %gather3A_411 : memref<1x32x768xf32, #tpu.memory_space<vmem>> -> memref<32x768xf32, #tpu.memory_space<vmem>>
            %gather3A_413 = tpu.vector_load_idx %gather3A_412[%broadcast_in_dim3A_408, %select_n3A] masked %and3A_281 : memref<32x768xf32, #tpu.memory_space<vmem>>[vector<16xi32>, vector<16xi32>], vector<16xf32>, vector<16xi1>
            tpu.vector_store_idx %arg10[%add3A_287, %broadcast_in_dim3A_408], %gather3A_413 : memref<64x128xf32, #tpu.memory_space<vmem>>[vector<16xi32>, vector<16xi32>], vector<16xf32>,
            %broadcast_in_dim3A_414 = arith.constant 18 : i32
            %broadcast_in_dim3A_415 = vector.broadcast %broadcast_in_dim3A_414 : i32 to vector<16xi32>
            %gather3A_416 = arith.constant 0 : i32
            %gather3A_417 = arith.constant 0 : i32
            %gather3A_418 = tpu.memref_slice %arg9[%while3A_111, %gather3A_416, %gather3A_417] : memref<2x32x768xf32, #tpu.memory_space<vmem>> -> memref<1x32x768xf32, #tpu.memory_space<vmem>>
            %gather3A_419 = tpu.memref_squeeze %gather3A_418 : memref<1x32x768xf32, #tpu.memory_space<vmem>> -> memref<32x768xf32, #tpu.memory_space<vmem>>
            %gather3A_420 = tpu.vector_load_idx %gather3A_419[%broadcast_in_dim3A_415, %select_n3A] masked %and3A_281 : memref<32x768xf32, #tpu.memory_space<vmem>>[vector<16xi32>, vector<16xi32>], vector<16xf32>, vector<16xi1>
            tpu.vector_store_idx %arg10[%add3A_287, %broadcast_in_dim3A_415], %gather3A_420 : memref<64x128xf32, #tpu.memory_space<vmem>>[vector<16xi32>, vector<16xi32>], vector<16xf32>,
            %broadcast_in_dim3A_421 = arith.constant 19 : i32
            %broadcast_in_dim3A_422 = vector.broadcast %broadcast_in_dim3A_421 : i32 to vector<16xi32>
            %gather3A_423 = arith.constant 0 : i32
            %gather3A_424 = arith.constant 0 : i32
            %gather3A_425 = tpu.memref_slice %arg9[%while3A_111, %gather3A_423, %gather3A_424] : memref<2x32x768xf32, #tpu.memory_space<vmem>> -> memref<1x32x768xf32, #tpu.memory_space<vmem>>
            %gather3A_426 = tpu.memref_squeeze %gather3A_425 : memref<1x32x768xf32, #tpu.memory_space<vmem>> -> memref<32x768xf32, #tpu.memory_space<vmem>>
            %gather3A_427 = tpu.vector_load_idx %gather3A_426[%broadcast_in_dim3A_422, %select_n3A] masked %and3A_281 : memref<32x768xf32, #tpu.memory_space<vmem>>[vector<16xi32>, vector<16xi32>], vector<16xf32>, vector<16xi1>
            tpu.vector_store_idx %arg10[%add3A_287, %broadcast_in_dim3A_422], %gather3A_427 : memref<64x128xf32, #tpu.memory_space<vmem>>[vector<16xi32>, vector<16xi32>], vector<16xf32>,
            %broadcast_in_dim3A_428 = arith.constant 20 : i32
            %broadcast_in_dim3A_429 = vector.broadcast %broadcast_in_dim3A_428 : i32 to vector<16xi32>
            %gather3A_430 = arith.constant 0 : i32
            %gather3A_431 = arith.constant 0 : i32
            %gather3A_432 = tpu.memref_slice %arg9[%while3A_111, %gather3A_430, %gather3A_431] : memref<2x32x768xf32, #tpu.memory_space<vmem>> -> memref<1x32x768xf32, #tpu.memory_space<vmem>>
            %gather3A_433 = tpu.memref_squeeze %gather3A_432 : memref<1x32x768xf32, #tpu.memory_space<vmem>> -> memref<32x768xf32, #tpu.memory_space<vmem>>
            %gather3A_434 = tpu.vector_load_idx %gather3A_433[%broadcast_in_dim3A_429, %select_n3A] masked %and3A_281 : memref<32x768xf32, #tpu.memory_space<vmem>>[vector<16xi32>, vector<16xi32>], vector<16xf32>, vector<16xi1>
            tpu.vector_store_idx %arg10[%add3A_287, %broadcast_in_dim3A_429], %gather3A_434 : memref<64x128xf32, #tpu.memory_space<vmem>>[vector<16xi32>, vector<16xi32>], vector<16xf32>,
            %broadcast_in_dim3A_435 = arith.constant 21 : i32
            %broadcast_in_dim3A_436 = vector.broadcast %broadcast_in_dim3A_435 : i32 to vector<16xi32>
            %gather3A_437 = arith.constant 0 : i32
            %gather3A_438 = arith.constant 0 : i32
            %gather3A_439 = tpu.memref_slice %arg9[%while3A_111, %gather3A_437, %gather3A_438] : memref<2x32x768xf32, #tpu.memory_space<vmem>> -> memref<1x32x768xf32, #tpu.memory_space<vmem>>
            %gather3A_440 = tpu.memref_squeeze %gather3A_439 : memref<1x32x768xf32, #tpu.memory_space<vmem>> -> memref<32x768xf32, #tpu.memory_space<vmem>>
            %gather3A_441 = tpu.vector_load_idx %gather3A_440[%broadcast_in_dim3A_436, %select_n3A] masked %and3A_281 : memref<32x768xf32, #tpu.memory_space<vmem>>[vector<16xi32>, vector<16xi32>], vector<16xf32>, vector<16xi1>
            tpu.vector_store_idx %arg10[%add3A_287, %broadcast_in_dim3A_436], %gather3A_441 : memref<64x128xf32, #tpu.memory_space<vmem>>[vector<16xi32>, vector<16xi32>], vector<16xf32>,
            %broadcast_in_dim3A_442 = arith.constant 22 : i32
            %broadcast_in_dim3A_443 = vector.broadcast %broadcast_in_dim3A_442 : i32 to vector<16xi32>
            %gather3A_444 = arith.constant 0 : i32
            %gather3A_445 = arith.constant 0 : i32
            %gather3A_446 = tpu.memref_slice %arg9[%while3A_111, %gather3A_444, %gather3A_445] : memref<2x32x768xf32, #tpu.memory_space<vmem>> -> memref<1x32x768xf32, #tpu.memory_space<vmem>>
            %gather3A_447 = tpu.memref_squeeze %gather3A_446 : memref<1x32x768xf32, #tpu.memory_space<vmem>> -> memref<32x768xf32, #tpu.memory_space<vmem>>
            %gather3A_448 = tpu.vector_load_idx %gather3A_447[%broadcast_in_dim3A_443, %select_n3A] masked %and3A_281 : memref<32x768xf32, #tpu.memory_space<vmem>>[vector<16xi32>, vector<16xi32>], vector<16xf32>, vector<16xi1>
            tpu.vector_store_idx %arg10[%add3A_287, %broadcast_in_dim3A_443], %gather3A_448 : memref<64x128xf32, #tpu.memory_space<vmem>>[vector<16xi32>, vector<16xi32>], vector<16xf32>,
            %broadcast_in_dim3A_449 = arith.constant 23 : i32
            %broadcast_in_dim3A_450 = vector.broadcast %broadcast_in_dim3A_449 : i32 to vector<16xi32>
            %gather3A_451 = arith.constant 0 : i32
            %gather3A_452 = arith.constant 0 : i32
            %gather3A_453 = tpu.memref_slice %arg9[%while3A_111, %gather3A_451, %gather3A_452] : memref<2x32x768xf32, #tpu.memory_space<vmem>> -> memref<1x32x768xf32, #tpu.memory_space<vmem>>
            %gather3A_454 = tpu.memref_squeeze %gather3A_453 : memref<1x32x768xf32, #tpu.memory_space<vmem>> -> memref<32x768xf32, #tpu.memory_space<vmem>>
            %gather3A_455 = tpu.vector_load_idx %gather3A_454[%broadcast_in_dim3A_450, %select_n3A] masked %and3A_281 : memref<32x768xf32, #tpu.memory_space<vmem>>[vector<16xi32>, vector<16xi32>], vector<16xf32>, vector<16xi1>
            tpu.vector_store_idx %arg10[%add3A_287, %broadcast_in_dim3A_450], %gather3A_455 : memref<64x128xf32, #tpu.memory_space<vmem>>[vector<16xi32>, vector<16xi32>], vector<16xf32>,
            %broadcast_in_dim3A_456 = arith.constant 24 : i32
            %broadcast_in_dim3A_457 = vector.broadcast %broadcast_in_dim3A_456 : i32 to vector<16xi32>
            %gather3A_458 = arith.constant 0 : i32
            %gather3A_459 = arith.constant 0 : i32
            %gather3A_460 = tpu.memref_slice %arg9[%while3A_111, %gather3A_458, %gather3A_459] : memref<2x32x768xf32, #tpu.memory_space<vmem>> -> memref<1x32x768xf32, #tpu.memory_space<vmem>>
            %gather3A_461 = tpu.memref_squeeze %gather3A_460 : memref<1x32x768xf32, #tpu.memory_space<vmem>> -> memref<32x768xf32, #tpu.memory_space<vmem>>
            %gather3A_462 = tpu.vector_load_idx %gather3A_461[%broadcast_in_dim3A_457, %select_n3A] masked %and3A_281 : memref<32x768xf32, #tpu.memory_space<vmem>>[vector<16xi32>, vector<16xi32>], vector<16xf32>, vector<16xi1>
            tpu.vector_store_idx %arg10[%add3A_287, %broadcast_in_dim3A_457], %gather3A_462 : memref<64x128xf32, #tpu.memory_space<vmem>>[vector<16xi32>, vector<16xi32>], vector<16xf32>,
            %broadcast_in_dim3A_463 = arith.constant 25 : i32
            %broadcast_in_dim3A_464 = vector.broadcast %broadcast_in_dim3A_463 : i32 to vector<16xi32>
            %gather3A_465 = arith.constant 0 : i32
            %gather3A_466 = arith.constant 0 : i32
            %gather3A_467 = tpu.memref_slice %arg9[%while3A_111, %gather3A_465, %gather3A_466] : memref<2x32x768xf32, #tpu.memory_space<vmem>> -> memref<1x32x768xf32, #tpu.memory_space<vmem>>
            %gather3A_468 = tpu.memref_squeeze %gather3A_467 : memref<1x32x768xf32, #tpu.memory_space<vmem>> -> memref<32x768xf32, #tpu.memory_space<vmem>>
            %gather3A_469 = tpu.vector_load_idx %gather3A_468[%broadcast_in_dim3A_464, %select_n3A] masked %and3A_281 : memref<32x768xf32, #tpu.memory_space<vmem>>[vector<16xi32>, vector<16xi32>], vector<16xf32>, vector<16xi1>
            tpu.vector_store_idx %arg10[%add3A_287, %broadcast_in_dim3A_464], %gather3A_469 : memref<64x128xf32, #tpu.memory_space<vmem>>[vector<16xi32>, vector<16xi32>], vector<16xf32>,
            %broadcast_in_dim3A_470 = arith.constant 26 : i32
            %broadcast_in_dim3A_471 = vector.broadcast %broadcast_in_dim3A_470 : i32 to vector<16xi32>
            %gather3A_472 = arith.constant 0 : i32
            %gather3A_473 = arith.constant 0 : i32
            %gather3A_474 = tpu.memref_slice %arg9[%while3A_111, %gather3A_472, %gather3A_473] : memref<2x32x768xf32, #tpu.memory_space<vmem>> -> memref<1x32x768xf32, #tpu.memory_space<vmem>>
            %gather3A_475 = tpu.memref_squeeze %gather3A_474 : memref<1x32x768xf32, #tpu.memory_space<vmem>> -> memref<32x768xf32, #tpu.memory_space<vmem>>
            %gather3A_476 = tpu.vector_load_idx %gather3A_475[%broadcast_in_dim3A_471, %select_n3A] masked %and3A_281 : memref<32x768xf32, #tpu.memory_space<vmem>>[vector<16xi32>, vector<16xi32>], vector<16xf32>, vector<16xi1>
            tpu.vector_store_idx %arg10[%add3A_287, %broadcast_in_dim3A_471], %gather3A_476 : memref<64x128xf32, #tpu.memory_space<vmem>>[vector<16xi32>, vector<16xi32>], vector<16xf32>,
            %broadcast_in_dim3A_477 = arith.constant 27 : i32
            %broadcast_in_dim3A_478 = vector.broadcast %broadcast_in_dim3A_477 : i32 to vector<16xi32>
            %gather3A_479 = arith.constant 0 : i32
            %gather3A_480 = arith.constant 0 : i32
            %gather3A_481 = tpu.memref_slice %arg9[%while3A_111, %gather3A_479, %gather3A_480] : memref<2x32x768xf32, #tpu.memory_space<vmem>> -> memref<1x32x768xf32, #tpu.memory_space<vmem>>
            %gather3A_482 = tpu.memref_squeeze %gather3A_481 : memref<1x32x768xf32, #tpu.memory_space<vmem>> -> memref<32x768xf32, #tpu.memory_space<vmem>>
            %gather3A_483 = tpu.vector_load_idx %gather3A_482[%broadcast_in_dim3A_478, %select_n3A] masked %and3A_281 : memref<32x768xf32, #tpu.memory_space<vmem>>[vector<16xi32>, vector<16xi32>], vector<16xf32>, vector<16xi1>
            tpu.vector_store_idx %arg10[%add3A_287, %broadcast_in_dim3A_478], %gather3A_483 : memref<64x128xf32, #tpu.memory_space<vmem>>[vector<16xi32>, vector<16xi32>], vector<16xf32>,
            %broadcast_in_dim3A_484 = arith.constant 28 : i32
            %broadcast_in_dim3A_485 = vector.broadcast %broadcast_in_dim3A_484 : i32 to vector<16xi32>
            %gather3A_486 = arith.constant 0 : i32
            %gather3A_487 = arith.constant 0 : i32
            %gather3A_488 = tpu.memref_slice %arg9[%while3A_111, %gather3A_486, %gather3A_487] : memref<2x32x768xf32, #tpu.memory_space<vmem>> -> memref<1x32x768xf32, #tpu.memory_space<vmem>>
            %gather3A_489 = tpu.memref_squeeze %gather3A_488 : memref<1x32x768xf32, #tpu.memory_space<vmem>> -> memref<32x768xf32, #tpu.memory_space<vmem>>
            %gather3A_490 = tpu.vector_load_idx %gather3A_489[%broadcast_in_dim3A_485, %select_n3A] masked %and3A_281 : memref<32x768xf32, #tpu.memory_space<vmem>>[vector<16xi32>, vector<16xi32>], vector<16xf32>, vector<16xi1>
            tpu.vector_store_idx %arg10[%add3A_287, %broadcast_in_dim3A_485], %gather3A_490 : memref<64x128xf32, #tpu.memory_space<vmem>>[vector<16xi32>, vector<16xi32>], vector<16xf32>,
            %broadcast_in_dim3A_491 = arith.constant 29 : i32
            %broadcast_in_dim3A_492 = vector.broadcast %broadcast_in_dim3A_491 : i32 to vector<16xi32>
            %gather3A_493 = arith.constant 0 : i32
            %gather3A_494 = arith.constant 0 : i32
            %gather3A_495 = tpu.memref_slice %arg9[%while3A_111, %gather3A_493, %gather3A_494] : memref<2x32x768xf32, #tpu.memory_space<vmem>> -> memref<1x32x768xf32, #tpu.memory_space<vmem>>
            %gather3A_496 = tpu.memref_squeeze %gather3A_495 : memref<1x32x768xf32, #tpu.memory_space<vmem>> -> memref<32x768xf32, #tpu.memory_space<vmem>>
            %gather3A_497 = tpu.vector_load_idx %gather3A_496[%broadcast_in_dim3A_492, %select_n3A] masked %and3A_281 : memref<32x768xf32, #tpu.memory_space<vmem>>[vector<16xi32>, vector<16xi32>], vector<16xf32>, vector<16xi1>
            tpu.vector_store_idx %arg10[%add3A_287, %broadcast_in_dim3A_492], %gather3A_497 : memref<64x128xf32, #tpu.memory_space<vmem>>[vector<16xi32>, vector<16xi32>], vector<16xf32>,
            %broadcast_in_dim3A_498 = arith.constant 30 : i32
            %broadcast_in_dim3A_499 = vector.broadcast %broadcast_in_dim3A_498 : i32 to vector<16xi32>
            %gather3A_500 = arith.constant 0 : i32
            %gather3A_501 = arith.constant 0 : i32
            %gather3A_502 = tpu.memref_slice %arg9[%while3A_111, %gather3A_500, %gather3A_501] : memref<2x32x768xf32, #tpu.memory_space<vmem>> -> memref<1x32x768xf32, #tpu.memory_space<vmem>>
            %gather3A_503 = tpu.memref_squeeze %gather3A_502 : memref<1x32x768xf32, #tpu.memory_space<vmem>> -> memref<32x768xf32, #tpu.memory_space<vmem>>
            %gather3A_504 = tpu.vector_load_idx %gather3A_503[%broadcast_in_dim3A_499, %select_n3A] masked %and3A_281 : memref<32x768xf32, #tpu.memory_space<vmem>>[vector<16xi32>, vector<16xi32>], vector<16xf32>, vector<16xi1>
            tpu.vector_store_idx %arg10[%add3A_287, %broadcast_in_dim3A_499], %gather3A_504 : memref<64x128xf32, #tpu.memory_space<vmem>>[vector<16xi32>, vector<16xi32>], vector<16xf32>,
            %broadcast_in_dim3A_505 = arith.constant 31 : i32
            %broadcast_in_dim3A_506 = vector.broadcast %broadcast_in_dim3A_505 : i32 to vector<16xi32>
            %gather3A_507 = arith.constant 0 : i32
            %gather3A_508 = arith.constant 0 : i32
            %gather3A_509 = tpu.memref_slice %arg9[%while3A_111, %gather3A_507, %gather3A_508] : memref<2x32x768xf32, #tpu.memory_space<vmem>> -> memref<1x32x768xf32, #tpu.memory_space<vmem>>
            %gather3A_510 = tpu.memref_squeeze %gather3A_509 : memref<1x32x768xf32, #tpu.memory_space<vmem>> -> memref<32x768xf32, #tpu.memory_space<vmem>>
            %gather3A_511 = tpu.vector_load_idx %gather3A_510[%broadcast_in_dim3A_506, %select_n3A] masked %and3A_281 : memref<32x768xf32, #tpu.memory_space<vmem>>[vector<16xi32>, vector<16xi32>], vector<16xf32>, vector<16xi1>
            tpu.vector_store_idx %arg10[%add3A_287, %broadcast_in_dim3A_506], %gather3A_511 : memref<64x128xf32, #tpu.memory_space<vmem>>[vector<16xi32>, vector<16xi32>], vector<16xf32>,
            %broadcast_in_dim3A_512 = arith.constant -1 : i32
            %broadcast_in_dim3A_513 = vector.broadcast %broadcast_in_dim3A_512 : i32 to vector<16xi32>
            %select_n3A_514 = arith.select %and3A_281, %and3A_272, %broadcast_in_dim3A_513 : vector<16xi1>, vector<16xi32>
            %mul3A_515 = arith.constant 16 : i32
            %mul3A_516 = arith.muli %while3A_259, %mul3A_515 : i32
            %swap3A_517 = arith.constant 0 : i32
            %swap3A_518 = arith.index_cast %swap3A_517 : i32 to index
            %swap3A_519 = arith.index_cast %mul3A_516 : i32 to index
            %swap3A_520 = tpu.vector_load %arg11[%swap3A_518, %swap3A_519] {strides = array<i32>} : memref<1x64xi32, #tpu.memory_space<vmem>>, vector<16xi32>,
            tpu.vector_store %arg11[%swap3A_518, %swap3A_519], %select_n3A_514 {strides = array<i32>} : memref<1x64xi32, #tpu.memory_space<vmem>>, vector<16xi32>,
            %while3A_521 = arith.constant 0 : i32
            scf.yield %while3A_521 : i32
          }
          %while3A_241 = arith.constant 1 : i32
          %while3A_242 = scf.for %while3A_259 = %while3A_238 to %while3A_234 step %while3A_241 iter_args(%while3A_260 = %while3A_240) -> (i32)  : i32 {
            %mul3A_261 = arith.constant 4 : i32
            %mul3A_262 = arith.muli %while3A_209, %mul3A_261 : i32
            %add3A_263 = arith.addi %mul3A_262, %while3A_259 : i32
            %mul3A_264 = arith.constant 16 : i32
            %mul3A_265 = arith.muli %add3A_263, %mul3A_264 : i32
            %get3A = arith.index_cast %mul3A_265 : i32 to index
            %get3A_266 = tpu.vector_load %arg8[%get3A] {strides = array<i32>} : memref<16400xi32, #tpu.memory_space<vmem>>, vector<16xi32>,
            %add3A_267 = vector.broadcast %mul3A_265 : i32 to vector<16xi32>
            %add3A_268 = arith.addi %add3A_267, %iota3A : vector<16xi32>
            %lt3A_269 = vector.broadcast %while3A_87 : i32 to vector<16xi32>
            %lt3A_270 = arith.cmpi slt, %add3A_268, %lt3A_269 : vector<16xi32>
            %and3A = arith.constant 16383 : i32
            %and3A_271 = vector.broadcast %and3A : i32 to vector<16xi32>
            %and3A_272 = arith.andi %get3A_266, %and3A_271 : vector<16xi32>
            %gather3A = tpu.vector_load_idx %arg6[%and3A_272] : memref<16384xi32, #tpu.memory_space<vmem>>[vector<16xi32>], vector<16xi32>,
            %sub3A_273 = vector.broadcast %mul3A_76 : i32 to vector<16xi32>
            %sub3A_274 = arith.subi %gather3A, %sub3A_273 : vector<16xi32>
            %ge3A = arith.constant 0 : i32
            %ge3A_275 = vector.broadcast %ge3A : i32 to vector<16xi32>
            %ge3A_276 = arith.cmpi sge, %sub3A_274, %ge3A_275 : vector<16xi32>
            %and3A_277 = arith.andi %lt3A_270, %ge3A_276 : vector<16xi1>
            %lt3A_278 = arith.constant 768 : i32
            %lt3A_279 = vector.broadcast %lt3A_278 : i32 to vector<16xi32>
            %lt3A_280 = arith.cmpi slt, %sub3A_274, %lt3A_279 : vector<16xi32>
            %and3A_281 = arith.andi %and3A_277, %lt3A_280 : vector<16xi1>
            %broadcast_in_dim3A_282 = arith.constant 0 : i32
            %broadcast_in_dim3A_283 = vector.broadcast %broadcast_in_dim3A_282 : i32 to vector<16xi32>
            %select_n3A = arith.select %and3A_281, %sub3A_274, %broadcast_in_dim3A_283 : vector<16xi1>, vector<16xi32>
            %mul3A_284 = arith.constant 16 : i32
            %mul3A_285 = arith.muli %while3A_259, %mul3A_284 : i32
            %add3A_286 = vector.broadcast %mul3A_285 : i32 to vector<16xi32>
            %add3A_287 = arith.addi %add3A_286, %iota3A : vector<16xi32>
            %broadcast_in_dim3A_288 = arith.constant 0 : i32
            %broadcast_in_dim3A_289 = vector.broadcast %broadcast_in_dim3A_288 : i32 to vector<16xi32>
            %gather3A_290 = arith.constant 0 : i32
            %gather3A_291 = arith.constant 0 : i32
            %gather3A_292 = tpu.memref_slice %arg9[%while3A_111, %gather3A_290, %gather3A_291] : memref<2x32x768xf32, #tpu.memory_space<vmem>> -> memref<1x32x768xf32, #tpu.memory_space<vmem>>
            %gather3A_293 = tpu.memref_squeeze %gather3A_292 : memref<1x32x768xf32, #tpu.memory_space<vmem>> -> memref<32x768xf32, #tpu.memory_space<vmem>>
            %gather3A_294 = tpu.vector_load_idx %gather3A_293[%broadcast_in_dim3A_289, %select_n3A] masked %and3A_281 : memref<32x768xf32, #tpu.memory_space<vmem>>[vector<16xi32>, vector<16xi32>], vector<16xf32>, vector<16xi1>
            tpu.vector_store_idx %arg10[%add3A_287, %broadcast_in_dim3A_289], %gather3A_294 : memref<64x128xf32, #tpu.memory_space<vmem>>[vector<16xi32>, vector<16xi32>], vector<16xf32>,
            %broadcast_in_dim3A_295 = arith.constant 1 : i32
            %broadcast_in_dim3A_296 = vector.broadcast %broadcast_in_dim3A_295 : i32 to vector<16xi32>
            %gather3A_297 = arith.constant 0 : i32
            %gather3A_298 = arith.constant 0 : i32
            %gather3A_299 = tpu.memref_slice %arg9[%while3A_111, %gather3A_297, %gather3A_298] : memref<2x32x768xf32, #tpu.memory_space<vmem>> -> memref<1x32x768xf32, #tpu.memory_space<vmem>>
            %gather3A_300 = tpu.memref_squeeze %gather3A_299 : memref<1x32x768xf32, #tpu.memory_space<vmem>> -> memref<32x768xf32, #tpu.memory_space<vmem>>
            %gather3A_301 = tpu.vector_load_idx %gather3A_300[%broadcast_in_dim3A_296, %select_n3A] masked %and3A_281 : memref<32x768xf32, #tpu.memory_space<vmem>>[vector<16xi32>, vector<16xi32>], vector<16xf32>, vector<16xi1>
            tpu.vector_store_idx %arg10[%add3A_287, %broadcast_in_dim3A_296], %gather3A_301 : memref<64x128xf32, #tpu.memory_space<vmem>>[vector<16xi32>, vector<16xi32>], vector<16xf32>,
            %broadcast_in_dim3A_302 = arith.constant 2 : i32
            %broadcast_in_dim3A_303 = vector.broadcast %broadcast_in_dim3A_302 : i32 to vector<16xi32>
            %gather3A_304 = arith.constant 0 : i32
            %gather3A_305 = arith.constant 0 : i32
            %gather3A_306 = tpu.memref_slice %arg9[%while3A_111, %gather3A_304, %gather3A_305] : memref<2x32x768xf32, #tpu.memory_space<vmem>> -> memref<1x32x768xf32, #tpu.memory_space<vmem>>
            %gather3A_307 = tpu.memref_squeeze %gather3A_306 : memref<1x32x768xf32, #tpu.memory_space<vmem>> -> memref<32x768xf32, #tpu.memory_space<vmem>>
            %gather3A_308 = tpu.vector_load_idx %gather3A_307[%broadcast_in_dim3A_303, %select_n3A] masked %and3A_281 : memref<32x768xf32, #tpu.memory_space<vmem>>[vector<16xi32>, vector<16xi32>], vector<16xf32>, vector<16xi1>
            tpu.vector_store_idx %arg10[%add3A_287, %broadcast_in_dim3A_303], %gather3A_308 : memref<64x128xf32, #tpu.memory_space<vmem>>[vector<16xi32>, vector<16xi32>], vector<16xf32>,
            %broadcast_in_dim3A_309 = arith.constant 3 : i32
            %broadcast_in_dim3A_310 = vector.broadcast %broadcast_in_dim3A_309 : i32 to vector<16xi32>
            %gather3A_311 = arith.constant 0 : i32
            %gather3A_312 = arith.constant 0 : i32
            %gather3A_313 = tpu.memref_slice %arg9[%while3A_111, %gather3A_311, %gather3A_312] : memref<2x32x768xf32, #tpu.memory_space<vmem>> -> memref<1x32x768xf32, #tpu.memory_space<vmem>>
            %gather3A_314 = tpu.memref_squeeze %gather3A_313 : memref<1x32x768xf32, #tpu.memory_space<vmem>> -> memref<32x768xf32, #tpu.memory_space<vmem>>
            %gather3A_315 = tpu.vector_load_idx %gather3A_314[%broadcast_in_dim3A_310, %select_n3A] masked %and3A_281 : memref<32x768xf32, #tpu.memory_space<vmem>>[vector<16xi32>, vector<16xi32>], vector<16xf32>, vector<16xi1>
            tpu.vector_store_idx %arg10[%add3A_287, %broadcast_in_dim3A_310], %gather3A_315 : memref<64x128xf32, #tpu.memory_space<vmem>>[vector<16xi32>, vector<16xi32>], vector<16xf32>,
            %broadcast_in_dim3A_316 = arith.constant 4 : i32
            %broadcast_in_dim3A_317 = vector.broadcast %broadcast_in_dim3A_316 : i32 to vector<16xi32>
            %gather3A_318 = arith.constant 0 : i32
            %gather3A_319 = arith.constant 0 : i32
            %gather3A_320 = tpu.memref_slice %arg9[%while3A_111, %gather3A_318, %gather3A_319] : memref<2x32x768xf32, #tpu.memory_space<vmem>> -> memref<1x32x768xf32, #tpu.memory_space<vmem>>
            %gather3A_321 = tpu.memref_squeeze %gather3A_320 : memref<1x32x768xf32, #tpu.memory_space<vmem>> -> memref<32x768xf32, #tpu.memory_space<vmem>>
            %gather3A_322 = tpu.vector_load_idx %gather3A_321[%broadcast_in_dim3A_317, %select_n3A] masked %and3A_281 : memref<32x768xf32, #tpu.memory_space<vmem>>[vector<16xi32>, vector<16xi32>], vector<16xf32>, vector<16xi1>
            tpu.vector_store_idx %arg10[%add3A_287, %broadcast_in_dim3A_317], %gather3A_322 : memref<64x128xf32, #tpu.memory_space<vmem>>[vector<16xi32>, vector<16xi32>], vector<16xf32>,
            %broadcast_in_dim3A_323 = arith.constant 5 : i32
            %broadcast_in_dim3A_324 = vector.broadcast %broadcast_in_dim3A_323 : i32 to vector<16xi32>
            %gather3A_325 = arith.constant 0 : i32
            %gather3A_326 = arith.constant 0 : i32
            %gather3A_327 = tpu.memref_slice %arg9[%while3A_111, %gather3A_325, %gather3A_326] : memref<2x32x768xf32, #tpu.memory_space<vmem>> -> memref<1x32x768xf32, #tpu.memory_space<vmem>>
            %gather3A_328 = tpu.memref_squeeze %gather3A_327 : memref<1x32x768xf32, #tpu.memory_space<vmem>> -> memref<32x768xf32, #tpu.memory_space<vmem>>
            %gather3A_329 = tpu.vector_load_idx %gather3A_328[%broadcast_in_dim3A_324, %select_n3A] masked %and3A_281 : memref<32x768xf32, #tpu.memory_space<vmem>>[vector<16xi32>, vector<16xi32>], vector<16xf32>, vector<16xi1>
            tpu.vector_store_idx %arg10[%add3A_287, %broadcast_in_dim3A_324], %gather3A_329 : memref<64x128xf32, #tpu.memory_space<vmem>>[vector<16xi32>, vector<16xi32>], vector<16xf32>,
            %broadcast_in_dim3A_330 = arith.constant 6 : i32
            %broadcast_in_dim3A_331 = vector.broadcast %broadcast_in_dim3A_330 : i32 to vector<16xi32>
            %gather3A_332 = arith.constant 0 : i32
            %gather3A_333 = arith.constant 0 : i32
            %gather3A_334 = tpu.memref_slice %arg9[%while3A_111, %gather3A_332, %gather3A_333] : memref<2x32x768xf32, #tpu.memory_space<vmem>> -> memref<1x32x768xf32, #tpu.memory_space<vmem>>
            %gather3A_335 = tpu.memref_squeeze %gather3A_334 : memref<1x32x768xf32, #tpu.memory_space<vmem>> -> memref<32x768xf32, #tpu.memory_space<vmem>>
            %gather3A_336 = tpu.vector_load_idx %gather3A_335[%broadcast_in_dim3A_331, %select_n3A] masked %and3A_281 : memref<32x768xf32, #tpu.memory_space<vmem>>[vector<16xi32>, vector<16xi32>], vector<16xf32>, vector<16xi1>
            tpu.vector_store_idx %arg10[%add3A_287, %broadcast_in_dim3A_331], %gather3A_336 : memref<64x128xf32, #tpu.memory_space<vmem>>[vector<16xi32>, vector<16xi32>], vector<16xf32>,
            %broadcast_in_dim3A_337 = arith.constant 7 : i32
            %broadcast_in_dim3A_338 = vector.broadcast %broadcast_in_dim3A_337 : i32 to vector<16xi32>
            %gather3A_339 = arith.constant 0 : i32
            %gather3A_340 = arith.constant 0 : i32
            %gather3A_341 = tpu.memref_slice %arg9[%while3A_111, %gather3A_339, %gather3A_340] : memref<2x32x768xf32, #tpu.memory_space<vmem>> -> memref<1x32x768xf32, #tpu.memory_space<vmem>>
            %gather3A_342 = tpu.memref_squeeze %gather3A_341 : memref<1x32x768xf32, #tpu.memory_space<vmem>> -> memref<32x768xf32, #tpu.memory_space<vmem>>
            %gather3A_343 = tpu.vector_load_idx %gather3A_342[%broadcast_in_dim3A_338, %select_n3A] masked %and3A_281 : memref<32x768xf32, #tpu.memory_space<vmem>>[vector<16xi32>, vector<16xi32>], vector<16xf32>, vector<16xi1>
            tpu.vector_store_idx %arg10[%add3A_287, %broadcast_in_dim3A_338], %gather3A_343 : memref<64x128xf32, #tpu.memory_space<vmem>>[vector<16xi32>, vector<16xi32>], vector<16xf32>,
            %broadcast_in_dim3A_344 = arith.constant 8 : i32
            %broadcast_in_dim3A_345 = vector.broadcast %broadcast_in_dim3A_344 : i32 to vector<16xi32>
            %gather3A_346 = arith.constant 0 : i32
            %gather3A_347 = arith.constant 0 : i32
            %gather3A_348 = tpu.memref_slice %arg9[%while3A_111, %gather3A_346, %gather3A_347] : memref<2x32x768xf32, #tpu.memory_space<vmem>> -> memref<1x32x768xf32, #tpu.memory_space<vmem>>
            %gather3A_349 = tpu.memref_squeeze %gather3A_348 : memref<1x32x768xf32, #tpu.memory_space<vmem>> -> memref<32x768xf32, #tpu.memory_space<vmem>>
            %gather3A_350 = tpu.vector_load_idx %gather3A_349[%broadcast_in_dim3A_345, %select_n3A] masked %and3A_281 : memref<32x768xf32, #tpu.memory_space<vmem>>[vector<16xi32>, vector<16xi32>], vector<16xf32>, vector<16xi1>
            tpu.vector_store_idx %arg10[%add3A_287, %broadcast_in_dim3A_345], %gather3A_350 : memref<64x128xf32, #tpu.memory_space<vmem>>[vector<16xi32>, vector<16xi32>], vector<16xf32>,
            %broadcast_in_dim3A_351 = arith.constant 9 : i32
            %broadcast_in_dim3A_352 = vector.broadcast %broadcast_in_dim3A_351 : i32 to vector<16xi32>
            %gather3A_353 = arith.constant 0 : i32
            %gather3A_354 = arith.constant 0 : i32
            %gather3A_355 = tpu.memref_slice %arg9[%while3A_111, %gather3A_353, %gather3A_354] : memref<2x32x768xf32, #tpu.memory_space<vmem>> -> memref<1x32x768xf32, #tpu.memory_space<vmem>>
            %gather3A_356 = tpu.memref_squeeze %gather3A_355 : memref<1x32x768xf32, #tpu.memory_space<vmem>> -> memref<32x768xf32, #tpu.memory_space<vmem>>
            %gather3A_357 = tpu.vector_load_idx %gather3A_356[%broadcast_in_dim3A_352, %select_n3A] masked %and3A_281 : memref<32x768xf32, #tpu.memory_space<vmem>>[vector<16xi32>, vector<16xi32>], vector<16xf32>, vector<16xi1>
            tpu.vector_store_idx %arg10[%add3A_287, %broadcast_in_dim3A_352], %gather3A_357 : memref<64x128xf32, #tpu.memory_space<vmem>>[vector<16xi32>, vector<16xi32>], vector<16xf32>,
            %broadcast_in_dim3A_358 = arith.constant 10 : i32
            %broadcast_in_dim3A_359 = vector.broadcast %broadcast_in_dim3A_358 : i32 to vector<16xi32>
            %gather3A_360 = arith.constant 0 : i32
            %gather3A_361 = arith.constant 0 : i32
            %gather3A_362 = tpu.memref_slice %arg9[%while3A_111, %gather3A_360, %gather3A_361] : memref<2x32x768xf32, #tpu.memory_space<vmem>> -> memref<1x32x768xf32, #tpu.memory_space<vmem>>
            %gather3A_363 = tpu.memref_squeeze %gather3A_362 : memref<1x32x768xf32, #tpu.memory_space<vmem>> -> memref<32x768xf32, #tpu.memory_space<vmem>>
            %gather3A_364 = tpu.vector_load_idx %gather3A_363[%broadcast_in_dim3A_359, %select_n3A] masked %and3A_281 : memref<32x768xf32, #tpu.memory_space<vmem>>[vector<16xi32>, vector<16xi32>], vector<16xf32>, vector<16xi1>
            tpu.vector_store_idx %arg10[%add3A_287, %broadcast_in_dim3A_359], %gather3A_364 : memref<64x128xf32, #tpu.memory_space<vmem>>[vector<16xi32>, vector<16xi32>], vector<16xf32>,
            %broadcast_in_dim3A_365 = arith.constant 11 : i32
            %broadcast_in_dim3A_366 = vector.broadcast %broadcast_in_dim3A_365 : i32 to vector<16xi32>
            %gather3A_367 = arith.constant 0 : i32
            %gather3A_368 = arith.constant 0 : i32
            %gather3A_369 = tpu.memref_slice %arg9[%while3A_111, %gather3A_367, %gather3A_368] : memref<2x32x768xf32, #tpu.memory_space<vmem>> -> memref<1x32x768xf32, #tpu.memory_space<vmem>>
            %gather3A_370 = tpu.memref_squeeze %gather3A_369 : memref<1x32x768xf32, #tpu.memory_space<vmem>> -> memref<32x768xf32, #tpu.memory_space<vmem>>
            %gather3A_371 = tpu.vector_load_idx %gather3A_370[%broadcast_in_dim3A_366, %select_n3A] masked %and3A_281 : memref<32x768xf32, #tpu.memory_space<vmem>>[vector<16xi32>, vector<16xi32>], vector<16xf32>, vector<16xi1>
            tpu.vector_store_idx %arg10[%add3A_287, %broadcast_in_dim3A_366], %gather3A_371 : memref<64x128xf32, #tpu.memory_space<vmem>>[vector<16xi32>, vector<16xi32>], vector<16xf32>,
            %broadcast_in_dim3A_372 = arith.constant 12 : i32
            %broadcast_in_dim3A_373 = vector.broadcast %broadcast_in_dim3A_372 : i32 to vector<16xi32>
            %gather3A_374 = arith.constant 0 : i32
            %gather3A_375 = arith.constant 0 : i32
            %gather3A_376 = tpu.memref_slice %arg9[%while3A_111, %gather3A_374, %gather3A_375] : memref<2x32x768xf32, #tpu.memory_space<vmem>> -> memref<1x32x768xf32, #tpu.memory_space<vmem>>
            %gather3A_377 = tpu.memref_squeeze %gather3A_376 : memref<1x32x768xf32, #tpu.memory_space<vmem>> -> memref<32x768xf32, #tpu.memory_space<vmem>>
            %gather3A_378 = tpu.vector_load_idx %gather3A_377[%broadcast_in_dim3A_373, %select_n3A] masked %and3A_281 : memref<32x768xf32, #tpu.memory_space<vmem>>[vector<16xi32>, vector<16xi32>], vector<16xf32>, vector<16xi1>
            tpu.vector_store_idx %arg10[%add3A_287, %broadcast_in_dim3A_373], %gather3A_378 : memref<64x128xf32, #tpu.memory_space<vmem>>[vector<16xi32>, vector<16xi32>], vector<16xf32>,
            %broadcast_in_dim3A_379 = arith.constant 13 : i32
            %broadcast_in_dim3A_380 = vector.broadcast %broadcast_in_dim3A_379 : i32 to vector<16xi32>
            %gather3A_381 = arith.constant 0 : i32
            %gather3A_382 = arith.constant 0 : i32
            %gather3A_383 = tpu.memref_slice %arg9[%while3A_111, %gather3A_381, %gather3A_382] : memref<2x32x768xf32, #tpu.memory_space<vmem>> -> memref<1x32x768xf32, #tpu.memory_space<vmem>>
            %gather3A_384 = tpu.memref_squeeze %gather3A_383 : memref<1x32x768xf32, #tpu.memory_space<vmem>> -> memref<32x768xf32, #tpu.memory_space<vmem>>
            %gather3A_385 = tpu.vector_load_idx %gather3A_384[%broadcast_in_dim3A_380, %select_n3A] masked %and3A_281 : memref<32x768xf32, #tpu.memory_space<vmem>>[vector<16xi32>, vector<16xi32>], vector<16xf32>, vector<16xi1>
            tpu.vector_store_idx %arg10[%add3A_287, %broadcast_in_dim3A_380], %gather3A_385 : memref<64x128xf32, #tpu.memory_space<vmem>>[vector<16xi32>, vector<16xi32>], vector<16xf32>,
            %broadcast_in_dim3A_386 = arith.constant 14 : i32
            %broadcast_in_dim3A_387 = vector.broadcast %broadcast_in_dim3A_386 : i32 to vector<16xi32>
            %gather3A_388 = arith.constant 0 : i32
            %gather3A_389 = arith.constant 0 : i32
            %gather3A_390 = tpu.memref_slice %arg9[%while3A_111, %gather3A_388, %gather3A_389] : memref<2x32x768xf32, #tpu.memory_space<vmem>> -> memref<1x32x768xf32, #tpu.memory_space<vmem>>
            %gather3A_391 = tpu.memref_squeeze %gather3A_390 : memref<1x32x768xf32, #tpu.memory_space<vmem>> -> memref<32x768xf32, #tpu.memory_space<vmem>>
            %gather3A_392 = tpu.vector_load_idx %gather3A_391[%broadcast_in_dim3A_387, %select_n3A] masked %and3A_281 : memref<32x768xf32, #tpu.memory_space<vmem>>[vector<16xi32>, vector<16xi32>], vector<16xf32>, vector<16xi1>
            tpu.vector_store_idx %arg10[%add3A_287, %broadcast_in_dim3A_387], %gather3A_392 : memref<64x128xf32, #tpu.memory_space<vmem>>[vector<16xi32>, vector<16xi32>], vector<16xf32>,
            %broadcast_in_dim3A_393 = arith.constant 15 : i32
            %broadcast_in_dim3A_394 = vector.broadcast %broadcast_in_dim3A_393 : i32 to vector<16xi32>
            %gather3A_395 = arith.constant 0 : i32
            %gather3A_396 = arith.constant 0 : i32
            %gather3A_397 = tpu.memref_slice %arg9[%while3A_111, %gather3A_395, %gather3A_396] : memref<2x32x768xf32, #tpu.memory_space<vmem>> -> memref<1x32x768xf32, #tpu.memory_space<vmem>>
            %gather3A_398 = tpu.memref_squeeze %gather3A_397 : memref<1x32x768xf32, #tpu.memory_space<vmem>> -> memref<32x768xf32, #tpu.memory_space<vmem>>
            %gather3A_399 = tpu.vector_load_idx %gather3A_398[%broadcast_in_dim3A_394, %select_n3A] masked %and3A_281 : memref<32x768xf32, #tpu.memory_space<vmem>>[vector<16xi32>, vector<16xi32>], vector<16xf32>, vector<16xi1>
            tpu.vector_store_idx %arg10[%add3A_287, %broadcast_in_dim3A_394], %gather3A_399 : memref<64x128xf32, #tpu.memory_space<vmem>>[vector<16xi32>, vector<16xi32>], vector<16xf32>,
            %broadcast_in_dim3A_400 = arith.constant 16 : i32
            %broadcast_in_dim3A_401 = vector.broadcast %broadcast_in_dim3A_400 : i32 to vector<16xi32>
            %gather3A_402 = arith.constant 0 : i32
            %gather3A_403 = arith.constant 0 : i32
            %gather3A_404 = tpu.memref_slice %arg9[%while3A_111, %gather3A_402, %gather3A_403] : memref<2x32x768xf32, #tpu.memory_space<vmem>> -> memref<1x32x768xf32, #tpu.memory_space<vmem>>
            %gather3A_405 = tpu.memref_squeeze %gather3A_404 : memref<1x32x768xf32, #tpu.memory_space<vmem>> -> memref<32x768xf32, #tpu.memory_space<vmem>>
            %gather3A_406 = tpu.vector_load_idx %gather3A_405[%broadcast_in_dim3A_401, %select_n3A] masked %and3A_281 : memref<32x768xf32, #tpu.memory_space<vmem>>[vector<16xi32>, vector<16xi32>], vector<16xf32>, vector<16xi1>
            tpu.vector_store_idx %arg10[%add3A_287, %broadcast_in_dim3A_401], %gather3A_406 : memref<64x128xf32, #tpu.memory_space<vmem>>[vector<16xi32>, vector<16xi32>], vector<16xf32>,
            %broadcast_in_dim3A_407 = arith.constant 17 : i32
            %broadcast_in_dim3A_408 = vector.broadcast %broadcast_in_dim3A_407 : i32 to vector<16xi32>
            %gather3A_409 = arith.constant 0 : i32
            %gather3A_410 = arith.constant 0 : i32
            %gather3A_411 = tpu.memref_slice %arg9[%while3A_111, %gather3A_409, %gather3A_410] : memref<2x32x768xf32, #tpu.memory_space<vmem>> -> memref<1x32x768xf32, #tpu.memory_space<vmem>>
            %gather3A_412 = tpu.memref_squeeze %gather3A_411 : memref<1x32x768xf32, #tpu.memory_space<vmem>> -> memref<32x768xf32, #tpu.memory_space<vmem>>
            %gather3A_413 = tpu.vector_load_idx %gather3A_412[%broadcast_in_dim3A_408, %select_n3A] masked %and3A_281 : memref<32x768xf32, #tpu.memory_space<vmem>>[vector<16xi32>, vector<16xi32>], vector<16xf32>, vector<16xi1>
            tpu.vector_store_idx %arg10[%add3A_287, %broadcast_in_dim3A_408], %gather3A_413 : memref<64x128xf32, #tpu.memory_space<vmem>>[vector<16xi32>, vector<16xi32>], vector<16xf32>,
            %broadcast_in_dim3A_414 = arith.constant 18 : i32
            %broadcast_in_dim3A_415 = vector.broadcast %broadcast_in_dim3A_414 : i32 to vector<16xi32>
            %gather3A_416 = arith.constant 0 : i32
            %gather3A_417 = arith.constant 0 : i32
            %gather3A_418 = tpu.memref_slice %arg9[%while3A_111, %gather3A_416, %gather3A_417] : memref<2x32x768xf32, #tpu.memory_space<vmem>> -> memref<1x32x768xf32, #tpu.memory_space<vmem>>
            %gather3A_419 = tpu.memref_squeeze %gather3A_418 : memref<1x32x768xf32, #tpu.memory_space<vmem>> -> memref<32x768xf32, #tpu.memory_space<vmem>>
            %gather3A_420 = tpu.vector_load_idx %gather3A_419[%broadcast_in_dim3A_415, %select_n3A] masked %and3A_281 : memref<32x768xf32, #tpu.memory_space<vmem>>[vector<16xi32>, vector<16xi32>], vector<16xf32>, vector<16xi1>
            tpu.vector_store_idx %arg10[%add3A_287, %broadcast_in_dim3A_415], %gather3A_420 : memref<64x128xf32, #tpu.memory_space<vmem>>[vector<16xi32>, vector<16xi32>], vector<16xf32>,
            %broadcast_in_dim3A_421 = arith.constant 19 : i32
            %broadcast_in_dim3A_422 = vector.broadcast %broadcast_in_dim3A_421 : i32 to vector<16xi32>
            %gather3A_423 = arith.constant 0 : i32
            %gather3A_424 = arith.constant 0 : i32
            %gather3A_425 = tpu.memref_slice %arg9[%while3A_111, %gather3A_423, %gather3A_424] : memref<2x32x768xf32, #tpu.memory_space<vmem>> -> memref<1x32x768xf32, #tpu.memory_space<vmem>>
            %gather3A_426 = tpu.memref_squeeze %gather3A_425 : memref<1x32x768xf32, #tpu.memory_space<vmem>> -> memref<32x768xf32, #tpu.memory_space<vmem>>
            %gather3A_427 = tpu.vector_load_idx %gather3A_426[%broadcast_in_dim3A_422, %select_n3A] masked %and3A_281 : memref<32x768xf32, #tpu.memory_space<vmem>>[vector<16xi32>, vector<16xi32>], vector<16xf32>, vector<16xi1>
            tpu.vector_store_idx %arg10[%add3A_287, %broadcast_in_dim3A_422], %gather3A_427 : memref<64x128xf32, #tpu.memory_space<vmem>>[vector<16xi32>, vector<16xi32>], vector<16xf32>,
            %broadcast_in_dim3A_428 = arith.constant 20 : i32
            %broadcast_in_dim3A_429 = vector.broadcast %broadcast_in_dim3A_428 : i32 to vector<16xi32>
            %gather3A_430 = arith.constant 0 : i32
            %gather3A_431 = arith.constant 0 : i32
            %gather3A_432 = tpu.memref_slice %arg9[%while3A_111, %gather3A_430, %gather3A_431] : memref<2x32x768xf32, #tpu.memory_space<vmem>> -> memref<1x32x768xf32, #tpu.memory_space<vmem>>
            %gather3A_433 = tpu.memref_squeeze %gather3A_432 : memref<1x32x768xf32, #tpu.memory_space<vmem>> -> memref<32x768xf32, #tpu.memory_space<vmem>>
            %gather3A_434 = tpu.vector_load_idx %gather3A_433[%broadcast_in_dim3A_429, %select_n3A] masked %and3A_281 : memref<32x768xf32, #tpu.memory_space<vmem>>[vector<16xi32>, vector<16xi32>], vector<16xf32>, vector<16xi1>
            tpu.vector_store_idx %arg10[%add3A_287, %broadcast_in_dim3A_429], %gather3A_434 : memref<64x128xf32, #tpu.memory_space<vmem>>[vector<16xi32>, vector<16xi32>], vector<16xf32>,
            %broadcast_in_dim3A_435 = arith.constant 21 : i32
            %broadcast_in_dim3A_436 = vector.broadcast %broadcast_in_dim3A_435 : i32 to vector<16xi32>
            %gather3A_437 = arith.constant 0 : i32
            %gather3A_438 = arith.constant 0 : i32
            %gather3A_439 = tpu.memref_slice %arg9[%while3A_111, %gather3A_437, %gather3A_438] : memref<2x32x768xf32, #tpu.memory_space<vmem>> -> memref<1x32x768xf32, #tpu.memory_space<vmem>>
            %gather3A_440 = tpu.memref_squeeze %gather3A_439 : memref<1x32x768xf32, #tpu.memory_space<vmem>> -> memref<32x768xf32, #tpu.memory_space<vmem>>
            %gather3A_441 = tpu.vector_load_idx %gather3A_440[%broadcast_in_dim3A_436, %select_n3A] masked %and3A_281 : memref<32x768xf32, #tpu.memory_space<vmem>>[vector<16xi32>, vector<16xi32>], vector<16xf32>, vector<16xi1>
            tpu.vector_store_idx %arg10[%add3A_287, %broadcast_in_dim3A_436], %gather3A_441 : memref<64x128xf32, #tpu.memory_space<vmem>>[vector<16xi32>, vector<16xi32>], vector<16xf32>,
            %broadcast_in_dim3A_442 = arith.constant 22 : i32
            %broadcast_in_dim3A_443 = vector.broadcast %broadcast_in_dim3A_442 : i32 to vector<16xi32>
            %gather3A_444 = arith.constant 0 : i32
            %gather3A_445 = arith.constant 0 : i32
            %gather3A_446 = tpu.memref_slice %arg9[%while3A_111, %gather3A_444, %gather3A_445] : memref<2x32x768xf32, #tpu.memory_space<vmem>> -> memref<1x32x768xf32, #tpu.memory_space<vmem>>
            %gather3A_447 = tpu.memref_squeeze %gather3A_446 : memref<1x32x768xf32, #tpu.memory_space<vmem>> -> memref<32x768xf32, #tpu.memory_space<vmem>>
            %gather3A_448 = tpu.vector_load_idx %gather3A_447[%broadcast_in_dim3A_443, %select_n3A] masked %and3A_281 : memref<32x768xf32, #tpu.memory_space<vmem>>[vector<16xi32>, vector<16xi32>], vector<16xf32>, vector<16xi1>
            tpu.vector_store_idx %arg10[%add3A_287, %broadcast_in_dim3A_443], %gather3A_448 : memref<64x128xf32, #tpu.memory_space<vmem>>[vector<16xi32>, vector<16xi32>], vector<16xf32>,
            %broadcast_in_dim3A_449 = arith.constant 23 : i32
            %broadcast_in_dim3A_450 = vector.broadcast %broadcast_in_dim3A_449 : i32 to vector<16xi32>
            %gather3A_451 = arith.constant 0 : i32
            %gather3A_452 = arith.constant 0 : i32
            %gather3A_453 = tpu.memref_slice %arg9[%while3A_111, %gather3A_451, %gather3A_452] : memref<2x32x768xf32, #tpu.memory_space<vmem>> -> memref<1x32x768xf32, #tpu.memory_space<vmem>>
            %gather3A_454 = tpu.memref_squeeze %gather3A_453 : memref<1x32x768xf32, #tpu.memory_space<vmem>> -> memref<32x768xf32, #tpu.memory_space<vmem>>
            %gather3A_455 = tpu.vector_load_idx %gather3A_454[%broadcast_in_dim3A_450, %select_n3A] masked %and3A_281 : memref<32x768xf32, #tpu.memory_space<vmem>>[vector<16xi32>, vector<16xi32>], vector<16xf32>, vector<16xi1>
            tpu.vector_store_idx %arg10[%add3A_287, %broadcast_in_dim3A_450], %gather3A_455 : memref<64x128xf32, #tpu.memory_space<vmem>>[vector<16xi32>, vector<16xi32>], vector<16xf32>,
            %broadcast_in_dim3A_456 = arith.constant 24 : i32
            %broadcast_in_dim3A_457 = vector.broadcast %broadcast_in_dim3A_456 : i32 to vector<16xi32>
            %gather3A_458 = arith.constant 0 : i32
            %gather3A_459 = arith.constant 0 : i32
            %gather3A_460 = tpu.memref_slice %arg9[%while3A_111, %gather3A_458, %gather3A_459] : memref<2x32x768xf32, #tpu.memory_space<vmem>> -> memref<1x32x768xf32, #tpu.memory_space<vmem>>
            %gather3A_461 = tpu.memref_squeeze %gather3A_460 : memref<1x32x768xf32, #tpu.memory_space<vmem>> -> memref<32x768xf32, #tpu.memory_space<vmem>>
            %gather3A_462 = tpu.vector_load_idx %gather3A_461[%broadcast_in_dim3A_457, %select_n3A] masked %and3A_281 : memref<32x768xf32, #tpu.memory_space<vmem>>[vector<16xi32>, vector<16xi32>], vector<16xf32>, vector<16xi1>
            tpu.vector_store_idx %arg10[%add3A_287, %broadcast_in_dim3A_457], %gather3A_462 : memref<64x128xf32, #tpu.memory_space<vmem>>[vector<16xi32>, vector<16xi32>], vector<16xf32>,
            %broadcast_in_dim3A_463 = arith.constant 25 : i32
            %broadcast_in_dim3A_464 = vector.broadcast %broadcast_in_dim3A_463 : i32 to vector<16xi32>
            %gather3A_465 = arith.constant 0 : i32
            %gather3A_466 = arith.constant 0 : i32
            %gather3A_467 = tpu.memref_slice %arg9[%while3A_111, %gather3A_465, %gather3A_466] : memref<2x32x768xf32, #tpu.memory_space<vmem>> -> memref<1x32x768xf32, #tpu.memory_space<vmem>>
            %gather3A_468 = tpu.memref_squeeze %gather3A_467 : memref<1x32x768xf32, #tpu.memory_space<vmem>> -> memref<32x768xf32, #tpu.memory_space<vmem>>
            %gather3A_469 = tpu.vector_load_idx %gather3A_468[%broadcast_in_dim3A_464, %select_n3A] masked %and3A_281 : memref<32x768xf32, #tpu.memory_space<vmem>>[vector<16xi32>, vector<16xi32>], vector<16xf32>, vector<16xi1>
            tpu.vector_store_idx %arg10[%add3A_287, %broadcast_in_dim3A_464], %gather3A_469 : memref<64x128xf32, #tpu.memory_space<vmem>>[vector<16xi32>, vector<16xi32>], vector<16xf32>,
            %broadcast_in_dim3A_470 = arith.constant 26 : i32
            %broadcast_in_dim3A_471 = vector.broadcast %broadcast_in_dim3A_470 : i32 to vector<16xi32>
            %gather3A_472 = arith.constant 0 : i32
            %gather3A_473 = arith.constant 0 : i32
            %gather3A_474 = tpu.memref_slice %arg9[%while3A_111, %gather3A_472, %gather3A_473] : memref<2x32x768xf32, #tpu.memory_space<vmem>> -> memref<1x32x768xf32, #tpu.memory_space<vmem>>
            %gather3A_475 = tpu.memref_squeeze %gather3A_474 : memref<1x32x768xf32, #tpu.memory_space<vmem>> -> memref<32x768xf32, #tpu.memory_space<vmem>>
            %gather3A_476 = tpu.vector_load_idx %gather3A_475[%broadcast_in_dim3A_471, %select_n3A] masked %and3A_281 : memref<32x768xf32, #tpu.memory_space<vmem>>[vector<16xi32>, vector<16xi32>], vector<16xf32>, vector<16xi1>
            tpu.vector_store_idx %arg10[%add3A_287, %broadcast_in_dim3A_471], %gather3A_476 : memref<64x128xf32, #tpu.memory_space<vmem>>[vector<16xi32>, vector<16xi32>], vector<16xf32>,
            %broadcast_in_dim3A_477 = arith.constant 27 : i32
            %broadcast_in_dim3A_478 = vector.broadcast %broadcast_in_dim3A_477 : i32 to vector<16xi32>
            %gather3A_479 = arith.constant 0 : i32
            %gather3A_480 = arith.constant 0 : i32
            %gather3A_481 = tpu.memref_slice %arg9[%while3A_111, %gather3A_479, %gather3A_480] : memref<2x32x768xf32, #tpu.memory_space<vmem>> -> memref<1x32x768xf32, #tpu.memory_space<vmem>>
            %gather3A_482 = tpu.memref_squeeze %gather3A_481 : memref<1x32x768xf32, #tpu.memory_space<vmem>> -> memref<32x768xf32, #tpu.memory_space<vmem>>
            %gather3A_483 = tpu.vector_load_idx %gather3A_482[%broadcast_in_dim3A_478, %select_n3A] masked %and3A_281 : memref<32x768xf32, #tpu.memory_space<vmem>>[vector<16xi32>, vector<16xi32>], vector<16xf32>, vector<16xi1>
            tpu.vector_store_idx %arg10[%add3A_287, %broadcast_in_dim3A_478], %gather3A_483 : memref<64x128xf32, #tpu.memory_space<vmem>>[vector<16xi32>, vector<16xi32>], vector<16xf32>,
            %broadcast_in_dim3A_484 = arith.constant 28 : i32
            %broadcast_in_dim3A_485 = vector.broadcast %broadcast_in_dim3A_484 : i32 to vector<16xi32>
            %gather3A_486 = arith.constant 0 : i32
            %gather3A_487 = arith.constant 0 : i32
            %gather3A_488 = tpu.memref_slice %arg9[%while3A_111, %gather3A_486, %gather3A_487] : memref<2x32x768xf32, #tpu.memory_space<vmem>> -> memref<1x32x768xf32, #tpu.memory_space<vmem>>
            %gather3A_489 = tpu.memref_squeeze %gather3A_488 : memref<1x32x768xf32, #tpu.memory_space<vmem>> -> memref<32x768xf32, #tpu.memory_space<vmem>>
            %gather3A_490 = tpu.vector_load_idx %gather3A_489[%broadcast_in_dim3A_485, %select_n3A] masked %and3A_281 : memref<32x768xf32, #tpu.memory_space<vmem>>[vector<16xi32>, vector<16xi32>], vector<16xf32>, vector<16xi1>
            tpu.vector_store_idx %arg10[%add3A_287, %broadcast_in_dim3A_485], %gather3A_490 : memref<64x128xf32, #tpu.memory_space<vmem>>[vector<16xi32>, vector<16xi32>], vector<16xf32>,
            %broadcast_in_dim3A_491 = arith.constant 29 : i32
            %broadcast_in_dim3A_492 = vector.broadcast %broadcast_in_dim3A_491 : i32 to vector<16xi32>
            %gather3A_493 = arith.constant 0 : i32
            %gather3A_494 = arith.constant 0 : i32
            %gather3A_495 = tpu.memref_slice %arg9[%while3A_111, %gather3A_493, %gather3A_494] : memref<2x32x768xf32, #tpu.memory_space<vmem>> -> memref<1x32x768xf32, #tpu.memory_space<vmem>>
            %gather3A_496 = tpu.memref_squeeze %gather3A_495 : memref<1x32x768xf32, #tpu.memory_space<vmem>> -> memref<32x768xf32, #tpu.memory_space<vmem>>
            %gather3A_497 = tpu.vector_load_idx %gather3A_496[%broadcast_in_dim3A_492, %select_n3A] masked %and3A_281 : memref<32x768xf32, #tpu.memory_space<vmem>>[vector<16xi32>, vector<16xi32>], vector<16xf32>, vector<16xi1>
            tpu.vector_store_idx %arg10[%add3A_287, %broadcast_in_dim3A_492], %gather3A_497 : memref<64x128xf32, #tpu.memory_space<vmem>>[vector<16xi32>, vector<16xi32>], vector<16xf32>,
            %broadcast_in_dim3A_498 = arith.constant 30 : i32
            %broadcast_in_dim3A_499 = vector.broadcast %broadcast_in_dim3A_498 : i32 to vector<16xi32>
            %gather3A_500 = arith.constant 0 : i32
            %gather3A_501 = arith.constant 0 : i32
            %gather3A_502 = tpu.memref_slice %arg9[%while3A_111, %gather3A_500, %gather3A_501] : memref<2x32x768xf32, #tpu.memory_space<vmem>> -> memref<1x32x768xf32, #tpu.memory_space<vmem>>
            %gather3A_503 = tpu.memref_squeeze %gather3A_502 : memref<1x32x768xf32, #tpu.memory_space<vmem>> -> memref<32x768xf32, #tpu.memory_space<vmem>>
            %gather3A_504 = tpu.vector_load_idx %gather3A_503[%broadcast_in_dim3A_499, %select_n3A] masked %and3A_281 : memref<32x768xf32, #tpu.memory_space<vmem>>[vector<16xi32>, vector<16xi32>], vector<16xf32>, vector<16xi1>
            tpu.vector_store_idx %arg10[%add3A_287, %broadcast_in_dim3A_499], %gather3A_504 : memref<64x128xf32, #tpu.memory_space<vmem>>[vector<16xi32>, vector<16xi32>], vector<16xf32>,
            %broadcast_in_dim3A_505 = arith.constant 31 : i32
            %broadcast_in_dim3A_506 = vector.broadcast %broadcast_in_dim3A_505 : i32 to vector<16xi32>
            %gather3A_507 = arith.constant 0 : i32
            %gather3A_508 = arith.constant 0 : i32
            %gather3A_509 = tpu.memref_slice %arg9[%while3A_111, %gather3A_507, %gather3A_508] : memref<2x32x768xf32, #tpu.memory_space<vmem>> -> memref<1x32x768xf32, #tpu.memory_space<vmem>>
            %gather3A_510 = tpu.memref_squeeze %gather3A_509 : memref<1x32x768xf32, #tpu.memory_space<vmem>> -> memref<32x768xf32, #tpu.memory_space<vmem>>
            %gather3A_511 = tpu.vector_load_idx %gather3A_510[%broadcast_in_dim3A_506, %select_n3A] masked %and3A_281 : memref<32x768xf32, #tpu.memory_space<vmem>>[vector<16xi32>, vector<16xi32>], vector<16xf32>, vector<16xi1>
            tpu.vector_store_idx %arg10[%add3A_287, %broadcast_in_dim3A_506], %gather3A_511 : memref<64x128xf32, #tpu.memory_space<vmem>>[vector<16xi32>, vector<16xi32>], vector<16xf32>,
            %broadcast_in_dim3A_512 = arith.constant -1 : i32
            %broadcast_in_dim3A_513 = vector.broadcast %broadcast_in_dim3A_512 : i32 to vector<16xi32>
            %select_n3A_514 = arith.select %and3A_281, %and3A_272, %broadcast_in_dim3A_513 : vector<16xi1>, vector<16xi32>
            %mul3A_515 = arith.constant 16 : i32
            %mul3A_516 = arith.muli %while3A_259, %mul3A_515 : i32
            %swap3A_517 = arith.constant 0 : i32
            %swap3A_518 = arith.index_cast %swap3A_517 : i32 to index
            %swap3A_519 = arith.index_cast %mul3A_516 : i32 to index
            %swap3A_520 = tpu.vector_load %arg11[%swap3A_518, %swap3A_519] {strides = array<i32>} : memref<1x64xi32, #tpu.memory_space<vmem>>, vector<16xi32>,
            tpu.vector_store %arg11[%swap3A_518, %swap3A_519], %select_n3A_514 {strides = array<i32>} : memref<1x64xi32, #tpu.memory_space<vmem>>, vector<16xi32>,
            %while3A_521 = arith.constant 0 : i32
            scf.yield %while3A_521 : i32
          }
          %dma_start3A_243 = arith.constant 0 : i32
          %dma_start3A_244 = arith.constant 0 : i32
          %dma_start3A_245 = tpu.memref_slice %arg11[%dma_start3A_243, %dma_start3A_244] : memref<1x64xi32, #tpu.memory_space<vmem>> -> memref<1x64xi32, #tpu.memory_space<vmem>>
          %dma_start3A_246 = tpu.memref_squeeze %dma_start3A_245 : memref<1x64xi32, #tpu.memory_space<vmem>> -> memref<64xi32, #tpu.memory_space<vmem>>
          %dma_start3A_247 = arith.constant 0 : i32
          %dma_start3A_248 = arith.constant 0 : i32
          %dma_start3A_249 = tpu.memref_slice %arg5[%dma_start3A_247, %dma_start3A_248] : memref<16384x128xf32, #tpu.memory_space<hbm>> -> memref<16384x128xf32, #tpu.memory_space<hbm>>
          %dma_start3A_250 = arith.constant -1 : i32
          tpu.enqueue_indirect_dma source(%arg10 : memref<64x128xf32, #tpu.memory_space<vmem>>) target(%dma_start3A_249 : memref<16384x128xf32, #tpu.memory_space<hbm>>) offsets(%dma_start3A_246 : memref<64xi32, #tpu.memory_space<vmem>>) offset_filter(%dma_start3A_250) semaphore(%arg15 : memref<!tpu.dma_semaphore, #tpu.memory_space<semaphore_mem>>)
          %dma_wait3A_251 = arith.constant 0 : i32
          %dma_wait3A_252 = arith.constant 0 : i32
          %dma_wait3A_253 = tpu.memref_slice %arg11[%dma_wait3A_251, %dma_wait3A_252] : memref<1x64xi32, #tpu.memory_space<vmem>> -> memref<1x64xi32, #tpu.memory_space<vmem>>
          %dma_wait3A_254 = tpu.memref_squeeze %dma_wait3A_253 : memref<1x64xi32, #tpu.memory_space<vmem>> -> memref<64xi32, #tpu.memory_space<vmem>>
          %dma_wait3A_255 = arith.constant 0 : i32
          %dma_wait3A_256 = arith.constant 0 : i32
          %dma_wait3A_257 = tpu.memref_slice %arg5[%dma_wait3A_255, %dma_wait3A_256] : memref<16384x128xf32, #tpu.memory_space<hbm>> -> memref<16384x128xf32, #tpu.memory_space<hbm>>
          tpu.wait_indirect_dma semaphore(%arg15 : memref<!tpu.dma_semaphore, #tpu.memory_space<semaphore_mem>>) src(%arg10 : memref<64x128xf32, #tpu.memory_space<vmem>>) dst(%dma_wait3A_257 : memref<16384x128xf32, #tpu.memory_space<hbm>>)
          %while3A_258 = arith.constant 0 : i32
          scf.yield %while3A_258 : i32
        }
        %add3A_124 = arith.constant 2 : i32
        %add3A_125 = arith.addi %mul3A_45, %add3A_124 : i32
        %mul3A_126 = arith.constant 256 : i32
        %mul3A_127 = arith.muli %add3A, %mul3A_126 : i32
        %mul3A_128 = arith.constant 6 : i32
        %mul3A_129 = arith.muli %add3A_125, %mul3A_128 : i32
        %add3A_130 = arith.addi %mul3A_127, %mul3A_129 : i32
        %min3A_131 = arith.constant 7806 : i32
        %min3A_132 = arith.minsi %add3A_130, %min3A_131 : i32
        %mul3A_133 = arith.constant 128 : i32
        %mul3A_134 = arith.muli %min3A_132, %mul3A_133 : i32
        %multiple_of3A_135 = tpu.assume_multiple %mul3A_134, 128 : i32
        %dma_start3A_136 = arith.constant 0 : i32
        %dma_start3A_137 = arith.constant 0 : i32
        %dma_start3A_138 = arith.constant 0 : i32
        %dma_start3A_139 = tpu.memref_slice %arg9[%dma_start3A_136, %dma_start3A_137, %dma_start3A_138] : memref<2x32x768xf32, #tpu.memory_space<vmem>> -> memref<1x32x768xf32, #tpu.memory_space<vmem>>
        %dma_start3A_140 = tpu.memref_squeeze %dma_start3A_139 : memref<1x32x768xf32, #tpu.memory_space<vmem>> -> memref<32x768xf32, #tpu.memory_space<vmem>>
        %dma_start3A_141 = arith.constant 0 : i32
        %dma_start3A_142 = tpu.memref_slice %arg2[%dma_start3A_141, %multiple_of3A_135] : memref<32x1000000xf32, #tpu.memory_space<hbm>> -> memref<32x768xf32, #tpu.memory_space<hbm>>
        %dma_start3A_143 = arith.constant 0 : i32
        %dma_start3A_144 = arith.constant 0 : i32
        %dma_start3A_145 = tpu.memref_slice %arg9[%dma_start3A_136, %dma_start3A_143, %dma_start3A_144] : memref<2x32x768xf32, #tpu.memory_space<vmem>> -> memref<1x32x768xf32, #tpu.memory_space<vmem>>
        %dma_start3A_146 = tpu.memref_squeeze %dma_start3A_145 : memref<1x32x768xf32, #tpu.memory_space<vmem>> -> memref<32x768xf32, #tpu.memory_space<vmem>>
        %dma_start3A_147 = arith.constant 0 : i32
        %dma_start3A_148 = tpu.memref_slice %arg2[%dma_start3A_147, %multiple_of3A_135] : memref<32x1000000xf32, #tpu.memory_space<hbm>> -> memref<32x768xf32, #tpu.memory_space<hbm>>
        tpu.enqueue_dma source(%dma_start3A_148 : memref<32x768xf32, #tpu.memory_space<hbm>>) target(%dma_start3A_146 : memref<32x768xf32, #tpu.memory_space<vmem>>) target_semaphore(%arg13 : memref<!tpu.dma_semaphore, #tpu.memory_space<semaphore_mem>>)
        %add3A_149 = arith.constant 1 : i32
        %add3A_150 = arith.addi %mul3A_45, %add3A_149 : i32
        %mul3A_151 = arith.constant 256 : i32
        %mul3A_152 = arith.muli %add3A, %mul3A_151 : i32
        %mul3A_153 = arith.constant 6 : i32
        %mul3A_154 = arith.muli %add3A_150, %mul3A_153 : i32
        %add3A_155 = arith.addi %mul3A_152, %mul3A_154 : i32
        %min3A_156 = arith.constant 7806 : i32
        %min3A_157 = arith.minsi %add3A_155, %min3A_156 : i32
        %mul3A_158 = arith.constant 128 : i32
        %mul3A_159 = arith.muli %min3A_157, %mul3A_158 : i32
        %while3A_160 = arith.constant 0 : i32
        %while3A_161 = arith.constant 0 : i32
        %while3A_162 = arith.subi %div3A_11, %while3A_160 : i32
        %while3A_163 = arith.addi %while3A_160, %while3A_162 : i32
        %while3A_164 = arith.constant 1 : i32
        %while3A_165 = arith.divsi %while3A_162, %while3A_164 : i32
        %while3A_166 = arith.muli %while3A_165, %while3A_164 : i32
        %while3A_167 = arith.addi %while3A_160, %while3A_166 : i32
        %while3A_168 = arith.constant 1 : i32
        %while3A_169 = scf.for %while3A_209 = %while3A_160 to %while3A_167 step %while3A_168 iter_args(%while3A_210 = %while3A_161) -> (i32)  : i32 {
          %mul3A_211 = arith.constant 16 : i32
          %mul3A_212 = arith.muli %while3A_209, %mul3A_211 : i32
          %get3A = arith.index_cast %mul3A_212 : i32 to index
          %get3A_213 = tpu.vector_load %arg7[%get3A] {strides = array<i32>} : memref<16400xi32, #tpu.memory_space<vmem>>, vector<16xi32>,
          %add3A_214 = vector.broadcast %mul3A_212 : i32 to vector<16xi32>
          %add3A_215 = arith.addi %add3A_214, %iota3A : vector<16xi32>
          %lt3A_216 = vector.broadcast %scan3A_7 : i32 to vector<16xi32>
          %lt3A_217 = arith.cmpi slt, %add3A_215, %lt3A_216 : vector<16xi32>
          %and3A = arith.constant 16383 : i32
          %and3A_218 = vector.broadcast %and3A : i32 to vector<16xi32>
          %and3A_219 = arith.andi %get3A_213, %and3A_218 : vector<16xi32>
          %gather3A = tpu.vector_load_idx %arg6[%and3A_219] : memref<16384xi32, #tpu.memory_space<vmem>>[vector<16xi32>], vector<16xi32>,
          %sub3A = vector.broadcast %mul3A_159 : i32 to vector<16xi32>
          %sub3A_220 = arith.subi %gather3A, %sub3A : vector<16xi32>
          %ge3A = arith.constant 0 : i32
          %ge3A_221 = vector.broadcast %ge3A : i32 to vector<16xi32>
          %ge3A_222 = arith.cmpi sge, %sub3A_220, %ge3A_221 : vector<16xi32>
          %and3A_223 = arith.andi %lt3A_217, %ge3A_222 : vector<16xi1>
          %lt3A_224 = arith.constant 768 : i32
          %lt3A_225 = vector.broadcast %lt3A_224 : i32 to vector<16xi32>
          %lt3A_226 = arith.cmpi slt, %sub3A_220, %lt3A_225 : vector<16xi32>
          %and3A_227 = arith.andi %and3A_223, %lt3A_226 : vector<16xi1>
          %swap3A = arith.index_cast %while3A_210 : i32 to index
          %swap3A_228 = tpu.vector_load %arg8[%swap3A] masked %and3A_227 {strides = array<i32>} : memref<16400xi32, #tpu.memory_space<vmem>>, vector<16xi32>, vector<16xi1>
          tpu.vector_store %arg8[%swap3A], %and3A_219 masked %and3A_227 {strides = array<i32>} : memref<16400xi32, #tpu.memory_space<vmem>>, vector<16xi32>, vector<16xi1>
          %all_reduce_population_count3A = tpu.all_reduce %and3A_227 {dim = 0 : i64, kind = #tpu.reduction_kind<sum>} : vector<16xi1> -> vector<16xi32>
          %reduce_max3A = arith.constant true
          %reduce_max3A_229 = vector.broadcast %reduce_max3A : i1 to vector<16xi1>
          %reduce_max3A_230 = arith.constant -2147483648 : i32
          %reduce_max3A_231 = vector.broadcast %reduce_max3A_230 : i32 to vector<16xi32>
          %reduce_max3A_232 = arith.xori %all_reduce_population_count3A, %reduce_max3A_231 : vector<16xi32>
          %reduce_max3A_233 = tpu.scan <max>, %reduce_max3A_232 masked %reduce_max3A_229 : vector<16xi32>, vector<16xi1> -> vector<16xi32>
          %reduce_max3A_234 = arith.xori %reduce_max3A_233, %reduce_max3A_231 : vector<16xi32>
          %reduce_max3A_235 = vector.extract %reduce_max3A_234[15] : i32 from vector<16xi32>
          %add3A_236 = arith.addi %while3A_210, %reduce_max3A_235 : i32
          scf.yield %add3A_236 : i32
        }
        %while3A_170 = arith.constant 1 : i32
        %while3A_171 = scf.for %while3A_209 = %while3A_167 to %while3A_163 step %while3A_170 iter_args(%while3A_210 = %while3A_169) -> (i32)  : i32 {
          %mul3A_211 = arith.constant 16 : i32
          %mul3A_212 = arith.muli %while3A_209, %mul3A_211 : i32
          %get3A = arith.index_cast %mul3A_212 : i32 to index
          %get3A_213 = tpu.vector_load %arg7[%get3A] {strides = array<i32>} : memref<16400xi32, #tpu.memory_space<vmem>>, vector<16xi32>,
          %add3A_214 = vector.broadcast %mul3A_212 : i32 to vector<16xi32>
          %add3A_215 = arith.addi %add3A_214, %iota3A : vector<16xi32>
          %lt3A_216 = vector.broadcast %scan3A_7 : i32 to vector<16xi32>
          %lt3A_217 = arith.cmpi slt, %add3A_215, %lt3A_216 : vector<16xi32>
          %and3A = arith.constant 16383 : i32
          %and3A_218 = vector.broadcast %and3A : i32 to vector<16xi32>
          %and3A_219 = arith.andi %get3A_213, %and3A_218 : vector<16xi32>
          %gather3A = tpu.vector_load_idx %arg6[%and3A_219] : memref<16384xi32, #tpu.memory_space<vmem>>[vector<16xi32>], vector<16xi32>,
          %sub3A = vector.broadcast %mul3A_159 : i32 to vector<16xi32>
          %sub3A_220 = arith.subi %gather3A, %sub3A : vector<16xi32>
          %ge3A = arith.constant 0 : i32
          %ge3A_221 = vector.broadcast %ge3A : i32 to vector<16xi32>
          %ge3A_222 = arith.cmpi sge, %sub3A_220, %ge3A_221 : vector<16xi32>
          %and3A_223 = arith.andi %lt3A_217, %ge3A_222 : vector<16xi1>
          %lt3A_224 = arith.constant 768 : i32
          %lt3A_225 = vector.broadcast %lt3A_224 : i32 to vector<16xi32>
          %lt3A_226 = arith.cmpi slt, %sub3A_220, %lt3A_225 : vector<16xi32>
          %and3A_227 = arith.andi %and3A_223, %lt3A_226 : vector<16xi1>
          %swap3A = arith.index_cast %while3A_210 : i32 to index
          %swap3A_228 = tpu.vector_load %arg8[%swap3A] masked %and3A_227 {strides = array<i32>} : memref<16400xi32, #tpu.memory_space<vmem>>, vector<16xi32>, vector<16xi1>
          tpu.vector_store %arg8[%swap3A], %and3A_219 masked %and3A_227 {strides = array<i32>} : memref<16400xi32, #tpu.memory_space<vmem>>, vector<16xi32>, vector<16xi1>
          %all_reduce_population_count3A = tpu.all_reduce %and3A_227 {dim = 0 : i64, kind = #tpu.reduction_kind<sum>} : vector<16xi1> -> vector<16xi32>
          %reduce_max3A = arith.constant true
          %reduce_max3A_229 = vector.broadcast %reduce_max3A : i1 to vector<16xi1>
          %reduce_max3A_230 = arith.constant -2147483648 : i32
          %reduce_max3A_231 = vector.broadcast %reduce_max3A_230 : i32 to vector<16xi32>
          %reduce_max3A_232 = arith.xori %all_reduce_population_count3A, %reduce_max3A_231 : vector<16xi32>
          %reduce_max3A_233 = tpu.scan <max>, %reduce_max3A_232 masked %reduce_max3A_229 : vector<16xi32>, vector<16xi1> -> vector<16xi32>
          %reduce_max3A_234 = arith.xori %reduce_max3A_233, %reduce_max3A_231 : vector<16xi32>
          %reduce_max3A_235 = vector.extract %reduce_max3A_234[15] : i32 from vector<16xi32>
          %add3A_236 = arith.addi %while3A_210, %reduce_max3A_235 : i32
          scf.yield %add3A_236 : i32
        }
        %dma_wait3A_172 = arith.constant 0 : i32
        %dma_wait3A_173 = arith.constant 0 : i32
        %dma_wait3A_174 = arith.constant 0 : i32
        %dma_wait3A_175 = tpu.memref_slice %arg9[%dma_wait3A_172, %dma_wait3A_173, %dma_wait3A_174] : memref<2x32x768xf32, #tpu.memory_space<vmem>> -> memref<1x32x768xf32, #tpu.memory_space<vmem>>
        %dma_wait3A_176 = tpu.memref_squeeze %dma_wait3A_175 : memref<1x32x768xf32, #tpu.memory_space<vmem>> -> memref<32x768xf32, #tpu.memory_space<vmem>>
        %dma_wait3A_177 = arith.constant 0 : i32
        %dma_wait3A_178 = arith.constant 0 : i32
        %dma_wait3A_179 = tpu.memref_slice %arg2[%dma_wait3A_177, %dma_wait3A_178] : memref<32x1000000xf32, #tpu.memory_space<hbm>> -> memref<32x768xf32, #tpu.memory_space<hbm>>
        %dma_wait3A_180 = arith.constant 0 : i32
        %dma_wait3A_181 = arith.constant 0 : i32
        %dma_wait3A_182 = tpu.memref_slice %arg9[%dma_wait3A_172, %dma_wait3A_180, %dma_wait3A_181] : memref<2x32x768xf32, #tpu.memory_space<vmem>> -> memref<1x32x768xf32, #tpu.memory_space<vmem>>
        %dma_wait3A_183 = tpu.memref_squeeze %dma_wait3A_182 : memref<1x32x768xf32, #tpu.memory_space<vmem>> -> memref<32x768xf32, #tpu.memory_space<vmem>>
        %dma_wait3A_184 = arith.constant 0 : i32
        %dma_wait3A_185 = arith.constant 0 : i32
        %dma_wait3A_186 = tpu.memref_slice %arg2[%dma_wait3A_184, %dma_wait3A_185] : memref<32x1000000xf32, #tpu.memory_space<hbm>> -> memref<32x768xf32, #tpu.memory_space<hbm>>
        tpu.wait_dma2 semaphore(%arg14 : memref<!tpu.dma_semaphore, #tpu.memory_space<semaphore_mem>>) src(%dma_wait3A_186 : memref<32x768xf32, #tpu.memory_space<hbm>>) dst(%dma_wait3A_183 : memref<32x768xf32, #tpu.memory_space<vmem>>)
        %add3A_187 = arith.constant 15 : i32
        %add3A_188 = arith.addi %while3A_171, %add3A_187 : i32
        %div3A_189 = arith.constant 16 : i32
        %div3A_190 = arith.divsi %add3A_188, %div3A_189 : i32
        %add3A_191 = arith.constant 3 : i32
        %add3A_192 = arith.addi %div3A_190, %add3A_191 : i32
        %div3A_193 = arith.constant 4 : i32
        %div3A_194 = arith.divsi %add3A_192, %div3A_193 : i32
        %while3A_195 = arith.constant 1 : i32
        %while3A_196 = arith.constant 0 : i32
        %while3A_197 = arith.constant 0 : i32
        %while3A_198 = arith.subi %div3A_194, %while3A_196 : i32
        %while3A_199 = arith.addi %while3A_196, %while3A_198 : i32
        %while3A_200 = arith.constant 1 : i32
        %while3A_201 = arith.divsi %while3A_198, %while3A_200 : i32
        %while3A_202 = arith.muli %while3A_201, %while3A_200 : i32
        %while3A_203 = arith.addi %while3A_196, %while3A_202 : i32
        %while3A_204 = arith.constant 1 : i32
        %while3A_205 = scf.for %while3A_209 = %while3A_196 to %while3A_203 step %while3A_204 iter_args(%while3A_210 = %while3A_197) -> (i32)  : i32 {
          %broadcast_in_dim3A = arith.constant -1 : i32
          %broadcast_in_dim3A_211 = vector.broadcast %broadcast_in_dim3A : i32 to vector<16xi32>
          %swap3A = arith.constant 0 : i32
          %swap3A_212 = arith.index_cast %swap3A : i32 to index
          %swap3A_213 = arith.constant 0 : index
          %swap3A_214 = tpu.vector_load %arg11[%swap3A_212, %swap3A_213] {strides = array<i32>} : memref<1x64xi32, #tpu.memory_space<vmem>>, vector<16xi32>,
          tpu.vector_store %arg11[%swap3A_212, %swap3A_213], %broadcast_in_dim3A_211 {strides = array<i32>} : memref<1x64xi32, #tpu.memory_space<vmem>>, vector<16xi32>,
          %swap3A_215 = arith.constant 0 : i32
          %swap3A_216 = arith.index_cast %swap3A_215 : i32 to index
          %swap3A_217 = arith.constant 16 : index
          %swap3A_218 = tpu.vector_load %arg11[%swap3A_216, %swap3A_217] {strides = array<i32>} : memref<1x64xi32, #tpu.memory_space<vmem>>, vector<16xi32>,
          tpu.vector_store %arg11[%swap3A_216, %swap3A_217], %broadcast_in_dim3A_211 {strides = array<i32>} : memref<1x64xi32, #tpu.memory_space<vmem>>, vector<16xi32>,
          %swap3A_219 = arith.constant 0 : i32
          %swap3A_220 = arith.index_cast %swap3A_219 : i32 to index
          %swap3A_221 = arith.constant 32 : index
          %swap3A_222 = tpu.vector_load %arg11[%swap3A_220, %swap3A_221] {strides = array<i32>} : memref<1x64xi32, #tpu.memory_space<vmem>>, vector<16xi32>,
          tpu.vector_store %arg11[%swap3A_220, %swap3A_221], %broadcast_in_dim3A_211 {strides = array<i32>} : memref<1x64xi32, #tpu.memory_space<vmem>>, vector<16xi32>,
          %swap3A_223 = arith.constant 0 : i32
          %swap3A_224 = arith.index_cast %swap3A_223 : i32 to index
          %swap3A_225 = arith.constant 48 : index
          %swap3A_226 = tpu.vector_load %arg11[%swap3A_224, %swap3A_225] {strides = array<i32>} : memref<1x64xi32, #tpu.memory_space<vmem>>, vector<16xi32>,
          tpu.vector_store %arg11[%swap3A_224, %swap3A_225], %broadcast_in_dim3A_211 {strides = array<i32>} : memref<1x64xi32, #tpu.memory_space<vmem>>, vector<16xi32>,
          %mul3A_227 = arith.constant 4 : i32
          %mul3A_228 = arith.muli %while3A_209, %mul3A_227 : i32
          %sub3A = arith.subi %div3A_190, %mul3A_228 : i32
          %min3A_229 = arith.constant 4 : i32
          %min3A_230 = arith.minsi %min3A_229, %sub3A : i32
          %while3A_231 = arith.constant 0 : i32
          %while3A_232 = arith.constant 0 : i32
          %while3A_233 = arith.subi %min3A_230, %while3A_231 : i32
          %while3A_234 = arith.addi %while3A_231, %while3A_233 : i32
          %while3A_235 = arith.constant 1 : i32
          %while3A_236 = arith.divsi %while3A_233, %while3A_235 : i32
          %while3A_237 = arith.muli %while3A_236, %while3A_235 : i32
          %while3A_238 = arith.addi %while3A_231, %while3A_237 : i32
          %while3A_239 = arith.constant 1 : i32
          %while3A_240 = scf.for %while3A_259 = %while3A_231 to %while3A_238 step %while3A_239 iter_args(%while3A_260 = %while3A_232) -> (i32)  : i32 {
            %mul3A_261 = arith.constant 4 : i32
            %mul3A_262 = arith.muli %while3A_209, %mul3A_261 : i32
            %add3A_263 = arith.addi %mul3A_262, %while3A_259 : i32
            %mul3A_264 = arith.constant 16 : i32
            %mul3A_265 = arith.muli %add3A_263, %mul3A_264 : i32
            %get3A = arith.index_cast %mul3A_265 : i32 to index
            %get3A_266 = tpu.vector_load %arg8[%get3A] {strides = array<i32>} : memref<16400xi32, #tpu.memory_space<vmem>>, vector<16xi32>,
            %add3A_267 = vector.broadcast %mul3A_265 : i32 to vector<16xi32>
            %add3A_268 = arith.addi %add3A_267, %iota3A : vector<16xi32>
            %lt3A_269 = vector.broadcast %while3A_171 : i32 to vector<16xi32>
            %lt3A_270 = arith.cmpi slt, %add3A_268, %lt3A_269 : vector<16xi32>
            %and3A = arith.constant 16383 : i32
            %and3A_271 = vector.broadcast %and3A : i32 to vector<16xi32>
            %and3A_272 = arith.andi %get3A_266, %and3A_271 : vector<16xi32>
            %gather3A = tpu.vector_load_idx %arg6[%and3A_272] : memref<16384xi32, #tpu.memory_space<vmem>>[vector<16xi32>], vector<16xi32>,
            %sub3A_273 = vector.broadcast %mul3A_159 : i32 to vector<16xi32>
            %sub3A_274 = arith.subi %gather3A, %sub3A_273 : vector<16xi32>
            %ge3A = arith.constant 0 : i32
            %ge3A_275 = vector.broadcast %ge3A : i32 to vector<16xi32>
            %ge3A_276 = arith.cmpi sge, %sub3A_274, %ge3A_275 : vector<16xi32>
            %and3A_277 = arith.andi %lt3A_270, %ge3A_276 : vector<16xi1>
            %lt3A_278 = arith.constant 768 : i32
            %lt3A_279 = vector.broadcast %lt3A_278 : i32 to vector<16xi32>
            %lt3A_280 = arith.cmpi slt, %sub3A_274, %lt3A_279 : vector<16xi32>
            %and3A_281 = arith.andi %and3A_277, %lt3A_280 : vector<16xi1>
            %broadcast_in_dim3A_282 = arith.constant 0 : i32
            %broadcast_in_dim3A_283 = vector.broadcast %broadcast_in_dim3A_282 : i32 to vector<16xi32>
            %select_n3A = arith.select %and3A_281, %sub3A_274, %broadcast_in_dim3A_283 : vector<16xi1>, vector<16xi32>
            %mul3A_284 = arith.constant 16 : i32
            %mul3A_285 = arith.muli %while3A_259, %mul3A_284 : i32
            %add3A_286 = vector.broadcast %mul3A_285 : i32 to vector<16xi32>
            %add3A_287 = arith.addi %add3A_286, %iota3A : vector<16xi32>
            %broadcast_in_dim3A_288 = arith.constant 0 : i32
            %broadcast_in_dim3A_289 = vector.broadcast %broadcast_in_dim3A_288 : i32 to vector<16xi32>
            %gather3A_290 = arith.constant 0 : i32
            %gather3A_291 = arith.constant 0 : i32
            %gather3A_292 = tpu.memref_slice %arg9[%while3A_195, %gather3A_290, %gather3A_291] : memref<2x32x768xf32, #tpu.memory_space<vmem>> -> memref<1x32x768xf32, #tpu.memory_space<vmem>>
            %gather3A_293 = tpu.memref_squeeze %gather3A_292 : memref<1x32x768xf32, #tpu.memory_space<vmem>> -> memref<32x768xf32, #tpu.memory_space<vmem>>
            %gather3A_294 = tpu.vector_load_idx %gather3A_293[%broadcast_in_dim3A_289, %select_n3A] masked %and3A_281 : memref<32x768xf32, #tpu.memory_space<vmem>>[vector<16xi32>, vector<16xi32>], vector<16xf32>, vector<16xi1>
            tpu.vector_store_idx %arg10[%add3A_287, %broadcast_in_dim3A_289], %gather3A_294 : memref<64x128xf32, #tpu.memory_space<vmem>>[vector<16xi32>, vector<16xi32>], vector<16xf32>,
            %broadcast_in_dim3A_295 = arith.constant 1 : i32
            %broadcast_in_dim3A_296 = vector.broadcast %broadcast_in_dim3A_295 : i32 to vector<16xi32>
            %gather3A_297 = arith.constant 0 : i32
            %gather3A_298 = arith.constant 0 : i32
            %gather3A_299 = tpu.memref_slice %arg9[%while3A_195, %gather3A_297, %gather3A_298] : memref<2x32x768xf32, #tpu.memory_space<vmem>> -> memref<1x32x768xf32, #tpu.memory_space<vmem>>
            %gather3A_300 = tpu.memref_squeeze %gather3A_299 : memref<1x32x768xf32, #tpu.memory_space<vmem>> -> memref<32x768xf32, #tpu.memory_space<vmem>>
            %gather3A_301 = tpu.vector_load_idx %gather3A_300[%broadcast_in_dim3A_296, %select_n3A] masked %and3A_281 : memref<32x768xf32, #tpu.memory_space<vmem>>[vector<16xi32>, vector<16xi32>], vector<16xf32>, vector<16xi1>
            tpu.vector_store_idx %arg10[%add3A_287, %broadcast_in_dim3A_296], %gather3A_301 : memref<64x128xf32, #tpu.memory_space<vmem>>[vector<16xi32>, vector<16xi32>], vector<16xf32>,
            %broadcast_in_dim3A_302 = arith.constant 2 : i32
            %broadcast_in_dim3A_303 = vector.broadcast %broadcast_in_dim3A_302 : i32 to vector<16xi32>
            %gather3A_304 = arith.constant 0 : i32
            %gather3A_305 = arith.constant 0 : i32
            %gather3A_306 = tpu.memref_slice %arg9[%while3A_195, %gather3A_304, %gather3A_305] : memref<2x32x768xf32, #tpu.memory_space<vmem>> -> memref<1x32x768xf32, #tpu.memory_space<vmem>>
            %gather3A_307 = tpu.memref_squeeze %gather3A_306 : memref<1x32x768xf32, #tpu.memory_space<vmem>> -> memref<32x768xf32, #tpu.memory_space<vmem>>
            %gather3A_308 = tpu.vector_load_idx %gather3A_307[%broadcast_in_dim3A_303, %select_n3A] masked %and3A_281 : memref<32x768xf32, #tpu.memory_space<vmem>>[vector<16xi32>, vector<16xi32>], vector<16xf32>, vector<16xi1>
            tpu.vector_store_idx %arg10[%add3A_287, %broadcast_in_dim3A_303], %gather3A_308 : memref<64x128xf32, #tpu.memory_space<vmem>>[vector<16xi32>, vector<16xi32>], vector<16xf32>,
            %broadcast_in_dim3A_309 = arith.constant 3 : i32
            %broadcast_in_dim3A_310 = vector.broadcast %broadcast_in_dim3A_309 : i32 to vector<16xi32>
            %gather3A_311 = arith.constant 0 : i32
            %gather3A_312 = arith.constant 0 : i32
            %gather3A_313 = tpu.memref_slice %arg9[%while3A_195, %gather3A_311, %gather3A_312] : memref<2x32x768xf32, #tpu.memory_space<vmem>> -> memref<1x32x768xf32, #tpu.memory_space<vmem>>
            %gather3A_314 = tpu.memref_squeeze %gather3A_313 : memref<1x32x768xf32, #tpu.memory_space<vmem>> -> memref<32x768xf32, #tpu.memory_space<vmem>>
            %gather3A_315 = tpu.vector_load_idx %gather3A_314[%broadcast_in_dim3A_310, %select_n3A] masked %and3A_281 : memref<32x768xf32, #tpu.memory_space<vmem>>[vector<16xi32>, vector<16xi32>], vector<16xf32>, vector<16xi1>
            tpu.vector_store_idx %arg10[%add3A_287, %broadcast_in_dim3A_310], %gather3A_315 : memref<64x128xf32, #tpu.memory_space<vmem>>[vector<16xi32>, vector<16xi32>], vector<16xf32>,
            %broadcast_in_dim3A_316 = arith.constant 4 : i32
            %broadcast_in_dim3A_317 = vector.broadcast %broadcast_in_dim3A_316 : i32 to vector<16xi32>
            %gather3A_318 = arith.constant 0 : i32
            %gather3A_319 = arith.constant 0 : i32
            %gather3A_320 = tpu.memref_slice %arg9[%while3A_195, %gather3A_318, %gather3A_319] : memref<2x32x768xf32, #tpu.memory_space<vmem>> -> memref<1x32x768xf32, #tpu.memory_space<vmem>>
            %gather3A_321 = tpu.memref_squeeze %gather3A_320 : memref<1x32x768xf32, #tpu.memory_space<vmem>> -> memref<32x768xf32, #tpu.memory_space<vmem>>
            %gather3A_322 = tpu.vector_load_idx %gather3A_321[%broadcast_in_dim3A_317, %select_n3A] masked %and3A_281 : memref<32x768xf32, #tpu.memory_space<vmem>>[vector<16xi32>, vector<16xi32>], vector<16xf32>, vector<16xi1>
            tpu.vector_store_idx %arg10[%add3A_287, %broadcast_in_dim3A_317], %gather3A_322 : memref<64x128xf32, #tpu.memory_space<vmem>>[vector<16xi32>, vector<16xi32>], vector<16xf32>,
            %broadcast_in_dim3A_323 = arith.constant 5 : i32
            %broadcast_in_dim3A_324 = vector.broadcast %broadcast_in_dim3A_323 : i32 to vector<16xi32>
            %gather3A_325 = arith.constant 0 : i32
            %gather3A_326 = arith.constant 0 : i32
            %gather3A_327 = tpu.memref_slice %arg9[%while3A_195, %gather3A_325, %gather3A_326] : memref<2x32x768xf32, #tpu.memory_space<vmem>> -> memref<1x32x768xf32, #tpu.memory_space<vmem>>
            %gather3A_328 = tpu.memref_squeeze %gather3A_327 : memref<1x32x768xf32, #tpu.memory_space<vmem>> -> memref<32x768xf32, #tpu.memory_space<vmem>>
            %gather3A_329 = tpu.vector_load_idx %gather3A_328[%broadcast_in_dim3A_324, %select_n3A] masked %and3A_281 : memref<32x768xf32, #tpu.memory_space<vmem>>[vector<16xi32>, vector<16xi32>], vector<16xf32>, vector<16xi1>
            tpu.vector_store_idx %arg10[%add3A_287, %broadcast_in_dim3A_324], %gather3A_329 : memref<64x128xf32, #tpu.memory_space<vmem>>[vector<16xi32>, vector<16xi32>], vector<16xf32>,
            %broadcast_in_dim3A_330 = arith.constant 6 : i32
            %broadcast_in_dim3A_331 = vector.broadcast %broadcast_in_dim3A_330 : i32 to vector<16xi32>
            %gather3A_332 = arith.constant 0 : i32
            %gather3A_333 = arith.constant 0 : i32
            %gather3A_334 = tpu.memref_slice %arg9[%while3A_195, %gather3A_332, %gather3A_333] : memref<2x32x768xf32, #tpu.memory_space<vmem>> -> memref<1x32x768xf32, #tpu.memory_space<vmem>>
            %gather3A_335 = tpu.memref_squeeze %gather3A_334 : memref<1x32x768xf32, #tpu.memory_space<vmem>> -> memref<32x768xf32, #tpu.memory_space<vmem>>
            %gather3A_336 = tpu.vector_load_idx %gather3A_335[%broadcast_in_dim3A_331, %select_n3A] masked %and3A_281 : memref<32x768xf32, #tpu.memory_space<vmem>>[vector<16xi32>, vector<16xi32>], vector<16xf32>, vector<16xi1>
            tpu.vector_store_idx %arg10[%add3A_287, %broadcast_in_dim3A_331], %gather3A_336 : memref<64x128xf32, #tpu.memory_space<vmem>>[vector<16xi32>, vector<16xi32>], vector<16xf32>,
            %broadcast_in_dim3A_337 = arith.constant 7 : i32
            %broadcast_in_dim3A_338 = vector.broadcast %broadcast_in_dim3A_337 : i32 to vector<16xi32>
            %gather3A_339 = arith.constant 0 : i32
            %gather3A_340 = arith.constant 0 : i32
            %gather3A_341 = tpu.memref_slice %arg9[%while3A_195, %gather3A_339, %gather3A_340] : memref<2x32x768xf32, #tpu.memory_space<vmem>> -> memref<1x32x768xf32, #tpu.memory_space<vmem>>
            %gather3A_342 = tpu.memref_squeeze %gather3A_341 : memref<1x32x768xf32, #tpu.memory_space<vmem>> -> memref<32x768xf32, #tpu.memory_space<vmem>>
            %gather3A_343 = tpu.vector_load_idx %gather3A_342[%broadcast_in_dim3A_338, %select_n3A] masked %and3A_281 : memref<32x768xf32, #tpu.memory_space<vmem>>[vector<16xi32>, vector<16xi32>], vector<16xf32>, vector<16xi1>
            tpu.vector_store_idx %arg10[%add3A_287, %broadcast_in_dim3A_338], %gather3A_343 : memref<64x128xf32, #tpu.memory_space<vmem>>[vector<16xi32>, vector<16xi32>], vector<16xf32>,
            %broadcast_in_dim3A_344 = arith.constant 8 : i32
            %broadcast_in_dim3A_345 = vector.broadcast %broadcast_in_dim3A_344 : i32 to vector<16xi32>
            %gather3A_346 = arith.constant 0 : i32
            %gather3A_347 = arith.constant 0 : i32
            %gather3A_348 = tpu.memref_slice %arg9[%while3A_195, %gather3A_346, %gather3A_347] : memref<2x32x768xf32, #tpu.memory_space<vmem>> -> memref<1x32x768xf32, #tpu.memory_space<vmem>>
            %gather3A_349 = tpu.memref_squeeze %gather3A_348 : memref<1x32x768xf32, #tpu.memory_space<vmem>> -> memref<32x768xf32, #tpu.memory_space<vmem>>
            %gather3A_350 = tpu.vector_load_idx %gather3A_349[%broadcast_in_dim3A_345, %select_n3A] masked %and3A_281 : memref<32x768xf32, #tpu.memory_space<vmem>>[vector<16xi32>, vector<16xi32>], vector<16xf32>, vector<16xi1>
            tpu.vector_store_idx %arg10[%add3A_287, %broadcast_in_dim3A_345], %gather3A_350 : memref<64x128xf32, #tpu.memory_space<vmem>>[vector<16xi32>, vector<16xi32>], vector<16xf32>,
            %broadcast_in_dim3A_351 = arith.constant 9 : i32
            %broadcast_in_dim3A_352 = vector.broadcast %broadcast_in_dim3A_351 : i32 to vector<16xi32>
            %gather3A_353 = arith.constant 0 : i32
            %gather3A_354 = arith.constant 0 : i32
            %gather3A_355 = tpu.memref_slice %arg9[%while3A_195, %gather3A_353, %gather3A_354] : memref<2x32x768xf32, #tpu.memory_space<vmem>> -> memref<1x32x768xf32, #tpu.memory_space<vmem>>
            %gather3A_356 = tpu.memref_squeeze %gather3A_355 : memref<1x32x768xf32, #tpu.memory_space<vmem>> -> memref<32x768xf32, #tpu.memory_space<vmem>>
            %gather3A_357 = tpu.vector_load_idx %gather3A_356[%broadcast_in_dim3A_352, %select_n3A] masked %and3A_281 : memref<32x768xf32, #tpu.memory_space<vmem>>[vector<16xi32>, vector<16xi32>], vector<16xf32>, vector<16xi1>
            tpu.vector_store_idx %arg10[%add3A_287, %broadcast_in_dim3A_352], %gather3A_357 : memref<64x128xf32, #tpu.memory_space<vmem>>[vector<16xi32>, vector<16xi32>], vector<16xf32>,
            %broadcast_in_dim3A_358 = arith.constant 10 : i32
            %broadcast_in_dim3A_359 = vector.broadcast %broadcast_in_dim3A_358 : i32 to vector<16xi32>
            %gather3A_360 = arith.constant 0 : i32
            %gather3A_361 = arith.constant 0 : i32
            %gather3A_362 = tpu.memref_slice %arg9[%while3A_195, %gather3A_360, %gather3A_361] : memref<2x32x768xf32, #tpu.memory_space<vmem>> -> memref<1x32x768xf32, #tpu.memory_space<vmem>>
            %gather3A_363 = tpu.memref_squeeze %gather3A_362 : memref<1x32x768xf32, #tpu.memory_space<vmem>> -> memref<32x768xf32, #tpu.memory_space<vmem>>
            %gather3A_364 = tpu.vector_load_idx %gather3A_363[%broadcast_in_dim3A_359, %select_n3A] masked %and3A_281 : memref<32x768xf32, #tpu.memory_space<vmem>>[vector<16xi32>, vector<16xi32>], vector<16xf32>, vector<16xi1>
            tpu.vector_store_idx %arg10[%add3A_287, %broadcast_in_dim3A_359], %gather3A_364 : memref<64x128xf32, #tpu.memory_space<vmem>>[vector<16xi32>, vector<16xi32>], vector<16xf32>,
            %broadcast_in_dim3A_365 = arith.constant 11 : i32
            %broadcast_in_dim3A_366 = vector.broadcast %broadcast_in_dim3A_365 : i32 to vector<16xi32>
            %gather3A_367 = arith.constant 0 : i32
            %gather3A_368 = arith.constant 0 : i32
            %gather3A_369 = tpu.memref_slice %arg9[%while3A_195, %gather3A_367, %gather3A_368] : memref<2x32x768xf32, #tpu.memory_space<vmem>> -> memref<1x32x768xf32, #tpu.memory_space<vmem>>
            %gather3A_370 = tpu.memref_squeeze %gather3A_369 : memref<1x32x768xf32, #tpu.memory_space<vmem>> -> memref<32x768xf32, #tpu.memory_space<vmem>>
            %gather3A_371 = tpu.vector_load_idx %gather3A_370[%broadcast_in_dim3A_366, %select_n3A] masked %and3A_281 : memref<32x768xf32, #tpu.memory_space<vmem>>[vector<16xi32>, vector<16xi32>], vector<16xf32>, vector<16xi1>
            tpu.vector_store_idx %arg10[%add3A_287, %broadcast_in_dim3A_366], %gather3A_371 : memref<64x128xf32, #tpu.memory_space<vmem>>[vector<16xi32>, vector<16xi32>], vector<16xf32>,
            %broadcast_in_dim3A_372 = arith.constant 12 : i32
            %broadcast_in_dim3A_373 = vector.broadcast %broadcast_in_dim3A_372 : i32 to vector<16xi32>
            %gather3A_374 = arith.constant 0 : i32
            %gather3A_375 = arith.constant 0 : i32
            %gather3A_376 = tpu.memref_slice %arg9[%while3A_195, %gather3A_374, %gather3A_375] : memref<2x32x768xf32, #tpu.memory_space<vmem>> -> memref<1x32x768xf32, #tpu.memory_space<vmem>>
            %gather3A_377 = tpu.memref_squeeze %gather3A_376 : memref<1x32x768xf32, #tpu.memory_space<vmem>> -> memref<32x768xf32, #tpu.memory_space<vmem>>
            %gather3A_378 = tpu.vector_load_idx %gather3A_377[%broadcast_in_dim3A_373, %select_n3A] masked %and3A_281 : memref<32x768xf32, #tpu.memory_space<vmem>>[vector<16xi32>, vector<16xi32>], vector<16xf32>, vector<16xi1>
            tpu.vector_store_idx %arg10[%add3A_287, %broadcast_in_dim3A_373], %gather3A_378 : memref<64x128xf32, #tpu.memory_space<vmem>>[vector<16xi32>, vector<16xi32>], vector<16xf32>,
            %broadcast_in_dim3A_379 = arith.constant 13 : i32
            %broadcast_in_dim3A_380 = vector.broadcast %broadcast_in_dim3A_379 : i32 to vector<16xi32>
            %gather3A_381 = arith.constant 0 : i32
            %gather3A_382 = arith.constant 0 : i32
            %gather3A_383 = tpu.memref_slice %arg9[%while3A_195, %gather3A_381, %gather3A_382] : memref<2x32x768xf32, #tpu.memory_space<vmem>> -> memref<1x32x768xf32, #tpu.memory_space<vmem>>
            %gather3A_384 = tpu.memref_squeeze %gather3A_383 : memref<1x32x768xf32, #tpu.memory_space<vmem>> -> memref<32x768xf32, #tpu.memory_space<vmem>>
            %gather3A_385 = tpu.vector_load_idx %gather3A_384[%broadcast_in_dim3A_380, %select_n3A] masked %and3A_281 : memref<32x768xf32, #tpu.memory_space<vmem>>[vector<16xi32>, vector<16xi32>], vector<16xf32>, vector<16xi1>
            tpu.vector_store_idx %arg10[%add3A_287, %broadcast_in_dim3A_380], %gather3A_385 : memref<64x128xf32, #tpu.memory_space<vmem>>[vector<16xi32>, vector<16xi32>], vector<16xf32>,
            %broadcast_in_dim3A_386 = arith.constant 14 : i32
            %broadcast_in_dim3A_387 = vector.broadcast %broadcast_in_dim3A_386 : i32 to vector<16xi32>
            %gather3A_388 = arith.constant 0 : i32
            %gather3A_389 = arith.constant 0 : i32
            %gather3A_390 = tpu.memref_slice %arg9[%while3A_195, %gather3A_388, %gather3A_389] : memref<2x32x768xf32, #tpu.memory_space<vmem>> -> memref<1x32x768xf32, #tpu.memory_space<vmem>>
            %gather3A_391 = tpu.memref_squeeze %gather3A_390 : memref<1x32x768xf32, #tpu.memory_space<vmem>> -> memref<32x768xf32, #tpu.memory_space<vmem>>
            %gather3A_392 = tpu.vector_load_idx %gather3A_391[%broadcast_in_dim3A_387, %select_n3A] masked %and3A_281 : memref<32x768xf32, #tpu.memory_space<vmem>>[vector<16xi32>, vector<16xi32>], vector<16xf32>, vector<16xi1>
            tpu.vector_store_idx %arg10[%add3A_287, %broadcast_in_dim3A_387], %gather3A_392 : memref<64x128xf32, #tpu.memory_space<vmem>>[vector<16xi32>, vector<16xi32>], vector<16xf32>,
            %broadcast_in_dim3A_393 = arith.constant 15 : i32
            %broadcast_in_dim3A_394 = vector.broadcast %broadcast_in_dim3A_393 : i32 to vector<16xi32>
            %gather3A_395 = arith.constant 0 : i32
            %gather3A_396 = arith.constant 0 : i32
            %gather3A_397 = tpu.memref_slice %arg9[%while3A_195, %gather3A_395, %gather3A_396] : memref<2x32x768xf32, #tpu.memory_space<vmem>> -> memref<1x32x768xf32, #tpu.memory_space<vmem>>
            %gather3A_398 = tpu.memref_squeeze %gather3A_397 : memref<1x32x768xf32, #tpu.memory_space<vmem>> -> memref<32x768xf32, #tpu.memory_space<vmem>>
            %gather3A_399 = tpu.vector_load_idx %gather3A_398[%broadcast_in_dim3A_394, %select_n3A] masked %and3A_281 : memref<32x768xf32, #tpu.memory_space<vmem>>[vector<16xi32>, vector<16xi32>], vector<16xf32>, vector<16xi1>
            tpu.vector_store_idx %arg10[%add3A_287, %broadcast_in_dim3A_394], %gather3A_399 : memref<64x128xf32, #tpu.memory_space<vmem>>[vector<16xi32>, vector<16xi32>], vector<16xf32>,
            %broadcast_in_dim3A_400 = arith.constant 16 : i32
            %broadcast_in_dim3A_401 = vector.broadcast %broadcast_in_dim3A_400 : i32 to vector<16xi32>
            %gather3A_402 = arith.constant 0 : i32
            %gather3A_403 = arith.constant 0 : i32
            %gather3A_404 = tpu.memref_slice %arg9[%while3A_195, %gather3A_402, %gather3A_403] : memref<2x32x768xf32, #tpu.memory_space<vmem>> -> memref<1x32x768xf32, #tpu.memory_space<vmem>>
            %gather3A_405 = tpu.memref_squeeze %gather3A_404 : memref<1x32x768xf32, #tpu.memory_space<vmem>> -> memref<32x768xf32, #tpu.memory_space<vmem>>
            %gather3A_406 = tpu.vector_load_idx %gather3A_405[%broadcast_in_dim3A_401, %select_n3A] masked %and3A_281 : memref<32x768xf32, #tpu.memory_space<vmem>>[vector<16xi32>, vector<16xi32>], vector<16xf32>, vector<16xi1>
            tpu.vector_store_idx %arg10[%add3A_287, %broadcast_in_dim3A_401], %gather3A_406 : memref<64x128xf32, #tpu.memory_space<vmem>>[vector<16xi32>, vector<16xi32>], vector<16xf32>,
            %broadcast_in_dim3A_407 = arith.constant 17 : i32
            %broadcast_in_dim3A_408 = vector.broadcast %broadcast_in_dim3A_407 : i32 to vector<16xi32>
            %gather3A_409 = arith.constant 0 : i32
            %gather3A_410 = arith.constant 0 : i32
            %gather3A_411 = tpu.memref_slice %arg9[%while3A_195, %gather3A_409, %gather3A_410] : memref<2x32x768xf32, #tpu.memory_space<vmem>> -> memref<1x32x768xf32, #tpu.memory_space<vmem>>
            %gather3A_412 = tpu.memref_squeeze %gather3A_411 : memref<1x32x768xf32, #tpu.memory_space<vmem>> -> memref<32x768xf32, #tpu.memory_space<vmem>>
            %gather3A_413 = tpu.vector_load_idx %gather3A_412[%broadcast_in_dim3A_408, %select_n3A] masked %and3A_281 : memref<32x768xf32, #tpu.memory_space<vmem>>[vector<16xi32>, vector<16xi32>], vector<16xf32>, vector<16xi1>
            tpu.vector_store_idx %arg10[%add3A_287, %broadcast_in_dim3A_408], %gather3A_413 : memref<64x128xf32, #tpu.memory_space<vmem>>[vector<16xi32>, vector<16xi32>], vector<16xf32>,
            %broadcast_in_dim3A_414 = arith.constant 18 : i32
            %broadcast_in_dim3A_415 = vector.broadcast %broadcast_in_dim3A_414 : i32 to vector<16xi32>
            %gather3A_416 = arith.constant 0 : i32
            %gather3A_417 = arith.constant 0 : i32
            %gather3A_418 = tpu.memref_slice %arg9[%while3A_195, %gather3A_416, %gather3A_417] : memref<2x32x768xf32, #tpu.memory_space<vmem>> -> memref<1x32x768xf32, #tpu.memory_space<vmem>>
            %gather3A_419 = tpu.memref_squeeze %gather3A_418 : memref<1x32x768xf32, #tpu.memory_space<vmem>> -> memref<32x768xf32, #tpu.memory_space<vmem>>
            %gather3A_420 = tpu.vector_load_idx %gather3A_419[%broadcast_in_dim3A_415, %select_n3A] masked %and3A_281 : memref<32x768xf32, #tpu.memory_space<vmem>>[vector<16xi32>, vector<16xi32>], vector<16xf32>, vector<16xi1>
            tpu.vector_store_idx %arg10[%add3A_287, %broadcast_in_dim3A_415], %gather3A_420 : memref<64x128xf32, #tpu.memory_space<vmem>>[vector<16xi32>, vector<16xi32>], vector<16xf32>,
            %broadcast_in_dim3A_421 = arith.constant 19 : i32
            %broadcast_in_dim3A_422 = vector.broadcast %broadcast_in_dim3A_421 : i32 to vector<16xi32>
            %gather3A_423 = arith.constant 0 : i32
            %gather3A_424 = arith.constant 0 : i32
            %gather3A_425 = tpu.memref_slice %arg9[%while3A_195, %gather3A_423, %gather3A_424] : memref<2x32x768xf32, #tpu.memory_space<vmem>> -> memref<1x32x768xf32, #tpu.memory_space<vmem>>
            %gather3A_426 = tpu.memref_squeeze %gather3A_425 : memref<1x32x768xf32, #tpu.memory_space<vmem>> -> memref<32x768xf32, #tpu.memory_space<vmem>>
            %gather3A_427 = tpu.vector_load_idx %gather3A_426[%broadcast_in_dim3A_422, %select_n3A] masked %and3A_281 : memref<32x768xf32, #tpu.memory_space<vmem>>[vector<16xi32>, vector<16xi32>], vector<16xf32>, vector<16xi1>
            tpu.vector_store_idx %arg10[%add3A_287, %broadcast_in_dim3A_422], %gather3A_427 : memref<64x128xf32, #tpu.memory_space<vmem>>[vector<16xi32>, vector<16xi32>], vector<16xf32>,
            %broadcast_in_dim3A_428 = arith.constant 20 : i32
            %broadcast_in_dim3A_429 = vector.broadcast %broadcast_in_dim3A_428 : i32 to vector<16xi32>
            %gather3A_430 = arith.constant 0 : i32
            %gather3A_431 = arith.constant 0 : i32
            %gather3A_432 = tpu.memref_slice %arg9[%while3A_195, %gather3A_430, %gather3A_431] : memref<2x32x768xf32, #tpu.memory_space<vmem>> -> memref<1x32x768xf32, #tpu.memory_space<vmem>>
            %gather3A_433 = tpu.memref_squeeze %gather3A_432 : memref<1x32x768xf32, #tpu.memory_space<vmem>> -> memref<32x768xf32, #tpu.memory_space<vmem>>
            %gather3A_434 = tpu.vector_load_idx %gather3A_433[%broadcast_in_dim3A_429, %select_n3A] masked %and3A_281 : memref<32x768xf32, #tpu.memory_space<vmem>>[vector<16xi32>, vector<16xi32>], vector<16xf32>, vector<16xi1>
            tpu.vector_store_idx %arg10[%add3A_287, %broadcast_in_dim3A_429], %gather3A_434 : memref<64x128xf32, #tpu.memory_space<vmem>>[vector<16xi32>, vector<16xi32>], vector<16xf32>,
            %broadcast_in_dim3A_435 = arith.constant 21 : i32
            %broadcast_in_dim3A_436 = vector.broadcast %broadcast_in_dim3A_435 : i32 to vector<16xi32>
            %gather3A_437 = arith.constant 0 : i32
            %gather3A_438 = arith.constant 0 : i32
            %gather3A_439 = tpu.memref_slice %arg9[%while3A_195, %gather3A_437, %gather3A_438] : memref<2x32x768xf32, #tpu.memory_space<vmem>> -> memref<1x32x768xf32, #tpu.memory_space<vmem>>
            %gather3A_440 = tpu.memref_squeeze %gather3A_439 : memref<1x32x768xf32, #tpu.memory_space<vmem>> -> memref<32x768xf32, #tpu.memory_space<vmem>>
            %gather3A_441 = tpu.vector_load_idx %gather3A_440[%broadcast_in_dim3A_436, %select_n3A] masked %and3A_281 : memref<32x768xf32, #tpu.memory_space<vmem>>[vector<16xi32>, vector<16xi32>], vector<16xf32>, vector<16xi1>
            tpu.vector_store_idx %arg10[%add3A_287, %broadcast_in_dim3A_436], %gather3A_441 : memref<64x128xf32, #tpu.memory_space<vmem>>[vector<16xi32>, vector<16xi32>], vector<16xf32>,
            %broadcast_in_dim3A_442 = arith.constant 22 : i32
            %broadcast_in_dim3A_443 = vector.broadcast %broadcast_in_dim3A_442 : i32 to vector<16xi32>
            %gather3A_444 = arith.constant 0 : i32
            %gather3A_445 = arith.constant 0 : i32
            %gather3A_446 = tpu.memref_slice %arg9[%while3A_195, %gather3A_444, %gather3A_445] : memref<2x32x768xf32, #tpu.memory_space<vmem>> -> memref<1x32x768xf32, #tpu.memory_space<vmem>>
            %gather3A_447 = tpu.memref_squeeze %gather3A_446 : memref<1x32x768xf32, #tpu.memory_space<vmem>> -> memref<32x768xf32, #tpu.memory_space<vmem>>
            %gather3A_448 = tpu.vector_load_idx %gather3A_447[%broadcast_in_dim3A_443, %select_n3A] masked %and3A_281 : memref<32x768xf32, #tpu.memory_space<vmem>>[vector<16xi32>, vector<16xi32>], vector<16xf32>, vector<16xi1>
            tpu.vector_store_idx %arg10[%add3A_287, %broadcast_in_dim3A_443], %gather3A_448 : memref<64x128xf32, #tpu.memory_space<vmem>>[vector<16xi32>, vector<16xi32>], vector<16xf32>,
            %broadcast_in_dim3A_449 = arith.constant 23 : i32
            %broadcast_in_dim3A_450 = vector.broadcast %broadcast_in_dim3A_449 : i32 to vector<16xi32>
            %gather3A_451 = arith.constant 0 : i32
            %gather3A_452 = arith.constant 0 : i32
            %gather3A_453 = tpu.memref_slice %arg9[%while3A_195, %gather3A_451, %gather3A_452] : memref<2x32x768xf32, #tpu.memory_space<vmem>> -> memref<1x32x768xf32, #tpu.memory_space<vmem>>
            %gather3A_454 = tpu.memref_squeeze %gather3A_453 : memref<1x32x768xf32, #tpu.memory_space<vmem>> -> memref<32x768xf32, #tpu.memory_space<vmem>>
            %gather3A_455 = tpu.vector_load_idx %gather3A_454[%broadcast_in_dim3A_450, %select_n3A] masked %and3A_281 : memref<32x768xf32, #tpu.memory_space<vmem>>[vector<16xi32>, vector<16xi32>], vector<16xf32>, vector<16xi1>
            tpu.vector_store_idx %arg10[%add3A_287, %broadcast_in_dim3A_450], %gather3A_455 : memref<64x128xf32, #tpu.memory_space<vmem>>[vector<16xi32>, vector<16xi32>], vector<16xf32>,
            %broadcast_in_dim3A_456 = arith.constant 24 : i32
            %broadcast_in_dim3A_457 = vector.broadcast %broadcast_in_dim3A_456 : i32 to vector<16xi32>
            %gather3A_458 = arith.constant 0 : i32
            %gather3A_459 = arith.constant 0 : i32
            %gather3A_460 = tpu.memref_slice %arg9[%while3A_195, %gather3A_458, %gather3A_459] : memref<2x32x768xf32, #tpu.memory_space<vmem>> -> memref<1x32x768xf32, #tpu.memory_space<vmem>>
            %gather3A_461 = tpu.memref_squeeze %gather3A_460 : memref<1x32x768xf32, #tpu.memory_space<vmem>> -> memref<32x768xf32, #tpu.memory_space<vmem>>
            %gather3A_462 = tpu.vector_load_idx %gather3A_461[%broadcast_in_dim3A_457, %select_n3A] masked %and3A_281 : memref<32x768xf32, #tpu.memory_space<vmem>>[vector<16xi32>, vector<16xi32>], vector<16xf32>, vector<16xi1>
            tpu.vector_store_idx %arg10[%add3A_287, %broadcast_in_dim3A_457], %gather3A_462 : memref<64x128xf32, #tpu.memory_space<vmem>>[vector<16xi32>, vector<16xi32>], vector<16xf32>,
            %broadcast_in_dim3A_463 = arith.constant 25 : i32
            %broadcast_in_dim3A_464 = vector.broadcast %broadcast_in_dim3A_463 : i32 to vector<16xi32>
            %gather3A_465 = arith.constant 0 : i32
            %gather3A_466 = arith.constant 0 : i32
            %gather3A_467 = tpu.memref_slice %arg9[%while3A_195, %gather3A_465, %gather3A_466] : memref<2x32x768xf32, #tpu.memory_space<vmem>> -> memref<1x32x768xf32, #tpu.memory_space<vmem>>
            %gather3A_468 = tpu.memref_squeeze %gather3A_467 : memref<1x32x768xf32, #tpu.memory_space<vmem>> -> memref<32x768xf32, #tpu.memory_space<vmem>>
            %gather3A_469 = tpu.vector_load_idx %gather3A_468[%broadcast_in_dim3A_464, %select_n3A] masked %and3A_281 : memref<32x768xf32, #tpu.memory_space<vmem>>[vector<16xi32>, vector<16xi32>], vector<16xf32>, vector<16xi1>
            tpu.vector_store_idx %arg10[%add3A_287, %broadcast_in_dim3A_464], %gather3A_469 : memref<64x128xf32, #tpu.memory_space<vmem>>[vector<16xi32>, vector<16xi32>], vector<16xf32>,
            %broadcast_in_dim3A_470 = arith.constant 26 : i32
            %broadcast_in_dim3A_471 = vector.broadcast %broadcast_in_dim3A_470 : i32 to vector<16xi32>
            %gather3A_472 = arith.constant 0 : i32
            %gather3A_473 = arith.constant 0 : i32
            %gather3A_474 = tpu.memref_slice %arg9[%while3A_195, %gather3A_472, %gather3A_473] : memref<2x32x768xf32, #tpu.memory_space<vmem>> -> memref<1x32x768xf32, #tpu.memory_space<vmem>>
            %gather3A_475 = tpu.memref_squeeze %gather3A_474 : memref<1x32x768xf32, #tpu.memory_space<vmem>> -> memref<32x768xf32, #tpu.memory_space<vmem>>
            %gather3A_476 = tpu.vector_load_idx %gather3A_475[%broadcast_in_dim3A_471, %select_n3A] masked %and3A_281 : memref<32x768xf32, #tpu.memory_space<vmem>>[vector<16xi32>, vector<16xi32>], vector<16xf32>, vector<16xi1>
            tpu.vector_store_idx %arg10[%add3A_287, %broadcast_in_dim3A_471], %gather3A_476 : memref<64x128xf32, #tpu.memory_space<vmem>>[vector<16xi32>, vector<16xi32>], vector<16xf32>,
            %broadcast_in_dim3A_477 = arith.constant 27 : i32
            %broadcast_in_dim3A_478 = vector.broadcast %broadcast_in_dim3A_477 : i32 to vector<16xi32>
            %gather3A_479 = arith.constant 0 : i32
            %gather3A_480 = arith.constant 0 : i32
            %gather3A_481 = tpu.memref_slice %arg9[%while3A_195, %gather3A_479, %gather3A_480] : memref<2x32x768xf32, #tpu.memory_space<vmem>> -> memref<1x32x768xf32, #tpu.memory_space<vmem>>
            %gather3A_482 = tpu.memref_squeeze %gather3A_481 : memref<1x32x768xf32, #tpu.memory_space<vmem>> -> memref<32x768xf32, #tpu.memory_space<vmem>>
            %gather3A_483 = tpu.vector_load_idx %gather3A_482[%broadcast_in_dim3A_478, %select_n3A] masked %and3A_281 : memref<32x768xf32, #tpu.memory_space<vmem>>[vector<16xi32>, vector<16xi32>], vector<16xf32>, vector<16xi1>
            tpu.vector_store_idx %arg10[%add3A_287, %broadcast_in_dim3A_478], %gather3A_483 : memref<64x128xf32, #tpu.memory_space<vmem>>[vector<16xi32>, vector<16xi32>], vector<16xf32>,
            %broadcast_in_dim3A_484 = arith.constant 28 : i32
            %broadcast_in_dim3A_485 = vector.broadcast %broadcast_in_dim3A_484 : i32 to vector<16xi32>
            %gather3A_486 = arith.constant 0 : i32
            %gather3A_487 = arith.constant 0 : i32
            %gather3A_488 = tpu.memref_slice %arg9[%while3A_195, %gather3A_486, %gather3A_487] : memref<2x32x768xf32, #tpu.memory_space<vmem>> -> memref<1x32x768xf32, #tpu.memory_space<vmem>>
            %gather3A_489 = tpu.memref_squeeze %gather3A_488 : memref<1x32x768xf32, #tpu.memory_space<vmem>> -> memref<32x768xf32, #tpu.memory_space<vmem>>
            %gather3A_490 = tpu.vector_load_idx %gather3A_489[%broadcast_in_dim3A_485, %select_n3A] masked %and3A_281 : memref<32x768xf32, #tpu.memory_space<vmem>>[vector<16xi32>, vector<16xi32>], vector<16xf32>, vector<16xi1>
            tpu.vector_store_idx %arg10[%add3A_287, %broadcast_in_dim3A_485], %gather3A_490 : memref<64x128xf32, #tpu.memory_space<vmem>>[vector<16xi32>, vector<16xi32>], vector<16xf32>,
            %broadcast_in_dim3A_491 = arith.constant 29 : i32
            %broadcast_in_dim3A_492 = vector.broadcast %broadcast_in_dim3A_491 : i32 to vector<16xi32>
            %gather3A_493 = arith.constant 0 : i32
            %gather3A_494 = arith.constant 0 : i32
            %gather3A_495 = tpu.memref_slice %arg9[%while3A_195, %gather3A_493, %gather3A_494] : memref<2x32x768xf32, #tpu.memory_space<vmem>> -> memref<1x32x768xf32, #tpu.memory_space<vmem>>
            %gather3A_496 = tpu.memref_squeeze %gather3A_495 : memref<1x32x768xf32, #tpu.memory_space<vmem>> -> memref<32x768xf32, #tpu.memory_space<vmem>>
            %gather3A_497 = tpu.vector_load_idx %gather3A_496[%broadcast_in_dim3A_492, %select_n3A] masked %and3A_281 : memref<32x768xf32, #tpu.memory_space<vmem>>[vector<16xi32>, vector<16xi32>], vector<16xf32>, vector<16xi1>
            tpu.vector_store_idx %arg10[%add3A_287, %broadcast_in_dim3A_492], %gather3A_497 : memref<64x128xf32, #tpu.memory_space<vmem>>[vector<16xi32>, vector<16xi32>], vector<16xf32>,
            %broadcast_in_dim3A_498 = arith.constant 30 : i32
            %broadcast_in_dim3A_499 = vector.broadcast %broadcast_in_dim3A_498 : i32 to vector<16xi32>
            %gather3A_500 = arith.constant 0 : i32
            %gather3A_501 = arith.constant 0 : i32
            %gather3A_502 = tpu.memref_slice %arg9[%while3A_195, %gather3A_500, %gather3A_501] : memref<2x32x768xf32, #tpu.memory_space<vmem>> -> memref<1x32x768xf32, #tpu.memory_space<vmem>>
            %gather3A_503 = tpu.memref_squeeze %gather3A_502 : memref<1x32x768xf32, #tpu.memory_space<vmem>> -> memref<32x768xf32, #tpu.memory_space<vmem>>
            %gather3A_504 = tpu.vector_load_idx %gather3A_503[%broadcast_in_dim3A_499, %select_n3A] masked %and3A_281 : memref<32x768xf32, #tpu.memory_space<vmem>>[vector<16xi32>, vector<16xi32>], vector<16xf32>, vector<16xi1>
            tpu.vector_store_idx %arg10[%add3A_287, %broadcast_in_dim3A_499], %gather3A_504 : memref<64x128xf32, #tpu.memory_space<vmem>>[vector<16xi32>, vector<16xi32>], vector<16xf32>,
            %broadcast_in_dim3A_505 = arith.constant 31 : i32
            %broadcast_in_dim3A_506 = vector.broadcast %broadcast_in_dim3A_505 : i32 to vector<16xi32>
            %gather3A_507 = arith.constant 0 : i32
            %gather3A_508 = arith.constant 0 : i32
            %gather3A_509 = tpu.memref_slice %arg9[%while3A_195, %gather3A_507, %gather3A_508] : memref<2x32x768xf32, #tpu.memory_space<vmem>> -> memref<1x32x768xf32, #tpu.memory_space<vmem>>
            %gather3A_510 = tpu.memref_squeeze %gather3A_509 : memref<1x32x768xf32, #tpu.memory_space<vmem>> -> memref<32x768xf32, #tpu.memory_space<vmem>>
            %gather3A_511 = tpu.vector_load_idx %gather3A_510[%broadcast_in_dim3A_506, %select_n3A] masked %and3A_281 : memref<32x768xf32, #tpu.memory_space<vmem>>[vector<16xi32>, vector<16xi32>], vector<16xf32>, vector<16xi1>
            tpu.vector_store_idx %arg10[%add3A_287, %broadcast_in_dim3A_506], %gather3A_511 : memref<64x128xf32, #tpu.memory_space<vmem>>[vector<16xi32>, vector<16xi32>], vector<16xf32>,
            %broadcast_in_dim3A_512 = arith.constant -1 : i32
            %broadcast_in_dim3A_513 = vector.broadcast %broadcast_in_dim3A_512 : i32 to vector<16xi32>
            %select_n3A_514 = arith.select %and3A_281, %and3A_272, %broadcast_in_dim3A_513 : vector<16xi1>, vector<16xi32>
            %mul3A_515 = arith.constant 16 : i32
            %mul3A_516 = arith.muli %while3A_259, %mul3A_515 : i32
            %swap3A_517 = arith.constant 0 : i32
            %swap3A_518 = arith.index_cast %swap3A_517 : i32 to index
            %swap3A_519 = arith.index_cast %mul3A_516 : i32 to index
            %swap3A_520 = tpu.vector_load %arg11[%swap3A_518, %swap3A_519] {strides = array<i32>} : memref<1x64xi32, #tpu.memory_space<vmem>>, vector<16xi32>,
            tpu.vector_store %arg11[%swap3A_518, %swap3A_519], %select_n3A_514 {strides = array<i32>} : memref<1x64xi32, #tpu.memory_space<vmem>>, vector<16xi32>,
            %while3A_521 = arith.constant 0 : i32
            scf.yield %while3A_521 : i32
          }
          %while3A_241 = arith.constant 1 : i32
          %while3A_242 = scf.for %while3A_259 = %while3A_238 to %while3A_234 step %while3A_241 iter_args(%while3A_260 = %while3A_240) -> (i32)  : i32 {
            %mul3A_261 = arith.constant 4 : i32
            %mul3A_262 = arith.muli %while3A_209, %mul3A_261 : i32
            %add3A_263 = arith.addi %mul3A_262, %while3A_259 : i32
            %mul3A_264 = arith.constant 16 : i32
            %mul3A_265 = arith.muli %add3A_263, %mul3A_264 : i32
            %get3A = arith.index_cast %mul3A_265 : i32 to index
            %get3A_266 = tpu.vector_load %arg8[%get3A] {strides = array<i32>} : memref<16400xi32, #tpu.memory_space<vmem>>, vector<16xi32>,
            %add3A_267 = vector.broadcast %mul3A_265 : i32 to vector<16xi32>
            %add3A_268 = arith.addi %add3A_267, %iota3A : vector<16xi32>
            %lt3A_269 = vector.broadcast %while3A_171 : i32 to vector<16xi32>
            %lt3A_270 = arith.cmpi slt, %add3A_268, %lt3A_269 : vector<16xi32>
            %and3A = arith.constant 16383 : i32
            %and3A_271 = vector.broadcast %and3A : i32 to vector<16xi32>
            %and3A_272 = arith.andi %get3A_266, %and3A_271 : vector<16xi32>
            %gather3A = tpu.vector_load_idx %arg6[%and3A_272] : memref<16384xi32, #tpu.memory_space<vmem>>[vector<16xi32>], vector<16xi32>,
            %sub3A_273 = vector.broadcast %mul3A_159 : i32 to vector<16xi32>
            %sub3A_274 = arith.subi %gather3A, %sub3A_273 : vector<16xi32>
            %ge3A = arith.constant 0 : i32
            %ge3A_275 = vector.broadcast %ge3A : i32 to vector<16xi32>
            %ge3A_276 = arith.cmpi sge, %sub3A_274, %ge3A_275 : vector<16xi32>
            %and3A_277 = arith.andi %lt3A_270, %ge3A_276 : vector<16xi1>
            %lt3A_278 = arith.constant 768 : i32
            %lt3A_279 = vector.broadcast %lt3A_278 : i32 to vector<16xi32>
            %lt3A_280 = arith.cmpi slt, %sub3A_274, %lt3A_279 : vector<16xi32>
            %and3A_281 = arith.andi %and3A_277, %lt3A_280 : vector<16xi1>
            %broadcast_in_dim3A_282 = arith.constant 0 : i32
            %broadcast_in_dim3A_283 = vector.broadcast %broadcast_in_dim3A_282 : i32 to vector<16xi32>
            %select_n3A = arith.select %and3A_281, %sub3A_274, %broadcast_in_dim3A_283 : vector<16xi1>, vector<16xi32>
            %mul3A_284 = arith.constant 16 : i32
            %mul3A_285 = arith.muli %while3A_259, %mul3A_284 : i32
            %add3A_286 = vector.broadcast %mul3A_285 : i32 to vector<16xi32>
            %add3A_287 = arith.addi %add3A_286, %iota3A : vector<16xi32>
            %broadcast_in_dim3A_288 = arith.constant 0 : i32
            %broadcast_in_dim3A_289 = vector.broadcast %broadcast_in_dim3A_288 : i32 to vector<16xi32>
            %gather3A_290 = arith.constant 0 : i32
            %gather3A_291 = arith.constant 0 : i32
            %gather3A_292 = tpu.memref_slice %arg9[%while3A_195, %gather3A_290, %gather3A_291] : memref<2x32x768xf32, #tpu.memory_space<vmem>> -> memref<1x32x768xf32, #tpu.memory_space<vmem>>
            %gather3A_293 = tpu.memref_squeeze %gather3A_292 : memref<1x32x768xf32, #tpu.memory_space<vmem>> -> memref<32x768xf32, #tpu.memory_space<vmem>>
            %gather3A_294 = tpu.vector_load_idx %gather3A_293[%broadcast_in_dim3A_289, %select_n3A] masked %and3A_281 : memref<32x768xf32, #tpu.memory_space<vmem>>[vector<16xi32>, vector<16xi32>], vector<16xf32>, vector<16xi1>
            tpu.vector_store_idx %arg10[%add3A_287, %broadcast_in_dim3A_289], %gather3A_294 : memref<64x128xf32, #tpu.memory_space<vmem>>[vector<16xi32>, vector<16xi32>], vector<16xf32>,
            %broadcast_in_dim3A_295 = arith.constant 1 : i32
            %broadcast_in_dim3A_296 = vector.broadcast %broadcast_in_dim3A_295 : i32 to vector<16xi32>
            %gather3A_297 = arith.constant 0 : i32
            %gather3A_298 = arith.constant 0 : i32
            %gather3A_299 = tpu.memref_slice %arg9[%while3A_195, %gather3A_297, %gather3A_298] : memref<2x32x768xf32, #tpu.memory_space<vmem>> -> memref<1x32x768xf32, #tpu.memory_space<vmem>>
            %gather3A_300 = tpu.memref_squeeze %gather3A_299 : memref<1x32x768xf32, #tpu.memory_space<vmem>> -> memref<32x768xf32, #tpu.memory_space<vmem>>
            %gather3A_301 = tpu.vector_load_idx %gather3A_300[%broadcast_in_dim3A_296, %select_n3A] masked %and3A_281 : memref<32x768xf32, #tpu.memory_space<vmem>>[vector<16xi32>, vector<16xi32>], vector<16xf32>, vector<16xi1>
            tpu.vector_store_idx %arg10[%add3A_287, %broadcast_in_dim3A_296], %gather3A_301 : memref<64x128xf32, #tpu.memory_space<vmem>>[vector<16xi32>, vector<16xi32>], vector<16xf32>,
            %broadcast_in_dim3A_302 = arith.constant 2 : i32
            %broadcast_in_dim3A_303 = vector.broadcast %broadcast_in_dim3A_302 : i32 to vector<16xi32>
            %gather3A_304 = arith.constant 0 : i32
            %gather3A_305 = arith.constant 0 : i32
            %gather3A_306 = tpu.memref_slice %arg9[%while3A_195, %gather3A_304, %gather3A_305] : memref<2x32x768xf32, #tpu.memory_space<vmem>> -> memref<1x32x768xf32, #tpu.memory_space<vmem>>
            %gather3A_307 = tpu.memref_squeeze %gather3A_306 : memref<1x32x768xf32, #tpu.memory_space<vmem>> -> memref<32x768xf32, #tpu.memory_space<vmem>>
            %gather3A_308 = tpu.vector_load_idx %gather3A_307[%broadcast_in_dim3A_303, %select_n3A] masked %and3A_281 : memref<32x768xf32, #tpu.memory_space<vmem>>[vector<16xi32>, vector<16xi32>], vector<16xf32>, vector<16xi1>
            tpu.vector_store_idx %arg10[%add3A_287, %broadcast_in_dim3A_303], %gather3A_308 : memref<64x128xf32, #tpu.memory_space<vmem>>[vector<16xi32>, vector<16xi32>], vector<16xf32>,
            %broadcast_in_dim3A_309 = arith.constant 3 : i32
            %broadcast_in_dim3A_310 = vector.broadcast %broadcast_in_dim3A_309 : i32 to vector<16xi32>
            %gather3A_311 = arith.constant 0 : i32
            %gather3A_312 = arith.constant 0 : i32
            %gather3A_313 = tpu.memref_slice %arg9[%while3A_195, %gather3A_311, %gather3A_312] : memref<2x32x768xf32, #tpu.memory_space<vmem>> -> memref<1x32x768xf32, #tpu.memory_space<vmem>>
            %gather3A_314 = tpu.memref_squeeze %gather3A_313 : memref<1x32x768xf32, #tpu.memory_space<vmem>> -> memref<32x768xf32, #tpu.memory_space<vmem>>
            %gather3A_315 = tpu.vector_load_idx %gather3A_314[%broadcast_in_dim3A_310, %select_n3A] masked %and3A_281 : memref<32x768xf32, #tpu.memory_space<vmem>>[vector<16xi32>, vector<16xi32>], vector<16xf32>, vector<16xi1>
            tpu.vector_store_idx %arg10[%add3A_287, %broadcast_in_dim3A_310], %gather3A_315 : memref<64x128xf32, #tpu.memory_space<vmem>>[vector<16xi32>, vector<16xi32>], vector<16xf32>,
            %broadcast_in_dim3A_316 = arith.constant 4 : i32
            %broadcast_in_dim3A_317 = vector.broadcast %broadcast_in_dim3A_316 : i32 to vector<16xi32>
            %gather3A_318 = arith.constant 0 : i32
            %gather3A_319 = arith.constant 0 : i32
            %gather3A_320 = tpu.memref_slice %arg9[%while3A_195, %gather3A_318, %gather3A_319] : memref<2x32x768xf32, #tpu.memory_space<vmem>> -> memref<1x32x768xf32, #tpu.memory_space<vmem>>
            %gather3A_321 = tpu.memref_squeeze %gather3A_320 : memref<1x32x768xf32, #tpu.memory_space<vmem>> -> memref<32x768xf32, #tpu.memory_space<vmem>>
            %gather3A_322 = tpu.vector_load_idx %gather3A_321[%broadcast_in_dim3A_317, %select_n3A] masked %and3A_281 : memref<32x768xf32, #tpu.memory_space<vmem>>[vector<16xi32>, vector<16xi32>], vector<16xf32>, vector<16xi1>
            tpu.vector_store_idx %arg10[%add3A_287, %broadcast_in_dim3A_317], %gather3A_322 : memref<64x128xf32, #tpu.memory_space<vmem>>[vector<16xi32>, vector<16xi32>], vector<16xf32>,
            %broadcast_in_dim3A_323 = arith.constant 5 : i32
            %broadcast_in_dim3A_324 = vector.broadcast %broadcast_in_dim3A_323 : i32 to vector<16xi32>
            %gather3A_325 = arith.constant 0 : i32
            %gather3A_326 = arith.constant 0 : i32
            %gather3A_327 = tpu.memref_slice %arg9[%while3A_195, %gather3A_325, %gather3A_326] : memref<2x32x768xf32, #tpu.memory_space<vmem>> -> memref<1x32x768xf32, #tpu.memory_space<vmem>>
            %gather3A_328 = tpu.memref_squeeze %gather3A_327 : memref<1x32x768xf32, #tpu.memory_space<vmem>> -> memref<32x768xf32, #tpu.memory_space<vmem>>
            %gather3A_329 = tpu.vector_load_idx %gather3A_328[%broadcast_in_dim3A_324, %select_n3A] masked %and3A_281 : memref<32x768xf32, #tpu.memory_space<vmem>>[vector<16xi32>, vector<16xi32>], vector<16xf32>, vector<16xi1>
            tpu.vector_store_idx %arg10[%add3A_287, %broadcast_in_dim3A_324], %gather3A_329 : memref<64x128xf32, #tpu.memory_space<vmem>>[vector<16xi32>, vector<16xi32>], vector<16xf32>,
            %broadcast_in_dim3A_330 = arith.constant 6 : i32
            %broadcast_in_dim3A_331 = vector.broadcast %broadcast_in_dim3A_330 : i32 to vector<16xi32>
            %gather3A_332 = arith.constant 0 : i32
            %gather3A_333 = arith.constant 0 : i32
            %gather3A_334 = tpu.memref_slice %arg9[%while3A_195, %gather3A_332, %gather3A_333] : memref<2x32x768xf32, #tpu.memory_space<vmem>> -> memref<1x32x768xf32, #tpu.memory_space<vmem>>
            %gather3A_335 = tpu.memref_squeeze %gather3A_334 : memref<1x32x768xf32, #tpu.memory_space<vmem>> -> memref<32x768xf32, #tpu.memory_space<vmem>>
            %gather3A_336 = tpu.vector_load_idx %gather3A_335[%broadcast_in_dim3A_331, %select_n3A] masked %and3A_281 : memref<32x768xf32, #tpu.memory_space<vmem>>[vector<16xi32>, vector<16xi32>], vector<16xf32>, vector<16xi1>
            tpu.vector_store_idx %arg10[%add3A_287, %broadcast_in_dim3A_331], %gather3A_336 : memref<64x128xf32, #tpu.memory_space<vmem>>[vector<16xi32>, vector<16xi32>], vector<16xf32>,
            %broadcast_in_dim3A_337 = arith.constant 7 : i32
            %broadcast_in_dim3A_338 = vector.broadcast %broadcast_in_dim3A_337 : i32 to vector<16xi32>
            %gather3A_339 = arith.constant 0 : i32
            %gather3A_340 = arith.constant 0 : i32
            %gather3A_341 = tpu.memref_slice %arg9[%while3A_195, %gather3A_339, %gather3A_340] : memref<2x32x768xf32, #tpu.memory_space<vmem>> -> memref<1x32x768xf32, #tpu.memory_space<vmem>>
            %gather3A_342 = tpu.memref_squeeze %gather3A_341 : memref<1x32x768xf32, #tpu.memory_space<vmem>> -> memref<32x768xf32, #tpu.memory_space<vmem>>
            %gather3A_343 = tpu.vector_load_idx %gather3A_342[%broadcast_in_dim3A_338, %select_n3A] masked %and3A_281 : memref<32x768xf32, #tpu.memory_space<vmem>>[vector<16xi32>, vector<16xi32>], vector<16xf32>, vector<16xi1>
            tpu.vector_store_idx %arg10[%add3A_287, %broadcast_in_dim3A_338], %gather3A_343 : memref<64x128xf32, #tpu.memory_space<vmem>>[vector<16xi32>, vector<16xi32>], vector<16xf32>,
            %broadcast_in_dim3A_344 = arith.constant 8 : i32
            %broadcast_in_dim3A_345 = vector.broadcast %broadcast_in_dim3A_344 : i32 to vector<16xi32>
            %gather3A_346 = arith.constant 0 : i32
            %gather3A_347 = arith.constant 0 : i32
            %gather3A_348 = tpu.memref_slice %arg9[%while3A_195, %gather3A_346, %gather3A_347] : memref<2x32x768xf32, #tpu.memory_space<vmem>> -> memref<1x32x768xf32, #tpu.memory_space<vmem>>
            %gather3A_349 = tpu.memref_squeeze %gather3A_348 : memref<1x32x768xf32, #tpu.memory_space<vmem>> -> memref<32x768xf32, #tpu.memory_space<vmem>>
            %gather3A_350 = tpu.vector_load_idx %gather3A_349[%broadcast_in_dim3A_345, %select_n3A] masked %and3A_281 : memref<32x768xf32, #tpu.memory_space<vmem>>[vector<16xi32>, vector<16xi32>], vector<16xf32>, vector<16xi1>
            tpu.vector_store_idx %arg10[%add3A_287, %broadcast_in_dim3A_345], %gather3A_350 : memref<64x128xf32, #tpu.memory_space<vmem>>[vector<16xi32>, vector<16xi32>], vector<16xf32>,
            %broadcast_in_dim3A_351 = arith.constant 9 : i32
            %broadcast_in_dim3A_352 = vector.broadcast %broadcast_in_dim3A_351 : i32 to vector<16xi32>
            %gather3A_353 = arith.constant 0 : i32
            %gather3A_354 = arith.constant 0 : i32
            %gather3A_355 = tpu.memref_slice %arg9[%while3A_195, %gather3A_353, %gather3A_354] : memref<2x32x768xf32, #tpu.memory_space<vmem>> -> memref<1x32x768xf32, #tpu.memory_space<vmem>>
            %gather3A_356 = tpu.memref_squeeze %gather3A_355 : memref<1x32x768xf32, #tpu.memory_space<vmem>> -> memref<32x768xf32, #tpu.memory_space<vmem>>
            %gather3A_357 = tpu.vector_load_idx %gather3A_356[%broadcast_in_dim3A_352, %select_n3A] masked %and3A_281 : memref<32x768xf32, #tpu.memory_space<vmem>>[vector<16xi32>, vector<16xi32>], vector<16xf32>, vector<16xi1>
            tpu.vector_store_idx %arg10[%add3A_287, %broadcast_in_dim3A_352], %gather3A_357 : memref<64x128xf32, #tpu.memory_space<vmem>>[vector<16xi32>, vector<16xi32>], vector<16xf32>,
            %broadcast_in_dim3A_358 = arith.constant 10 : i32
            %broadcast_in_dim3A_359 = vector.broadcast %broadcast_in_dim3A_358 : i32 to vector<16xi32>
            %gather3A_360 = arith.constant 0 : i32
            %gather3A_361 = arith.constant 0 : i32
            %gather3A_362 = tpu.memref_slice %arg9[%while3A_195, %gather3A_360, %gather3A_361] : memref<2x32x768xf32, #tpu.memory_space<vmem>> -> memref<1x32x768xf32, #tpu.memory_space<vmem>>
            %gather3A_363 = tpu.memref_squeeze %gather3A_362 : memref<1x32x768xf32, #tpu.memory_space<vmem>> -> memref<32x768xf32, #tpu.memory_space<vmem>>
            %gather3A_364 = tpu.vector_load_idx %gather3A_363[%broadcast_in_dim3A_359, %select_n3A] masked %and3A_281 : memref<32x768xf32, #tpu.memory_space<vmem>>[vector<16xi32>, vector<16xi32>], vector<16xf32>, vector<16xi1>
            tpu.vector_store_idx %arg10[%add3A_287, %broadcast_in_dim3A_359], %gather3A_364 : memref<64x128xf32, #tpu.memory_space<vmem>>[vector<16xi32>, vector<16xi32>], vector<16xf32>,
            %broadcast_in_dim3A_365 = arith.constant 11 : i32
            %broadcast_in_dim3A_366 = vector.broadcast %broadcast_in_dim3A_365 : i32 to vector<16xi32>
            %gather3A_367 = arith.constant 0 : i32
            %gather3A_368 = arith.constant 0 : i32
            %gather3A_369 = tpu.memref_slice %arg9[%while3A_195, %gather3A_367, %gather3A_368] : memref<2x32x768xf32, #tpu.memory_space<vmem>> -> memref<1x32x768xf32, #tpu.memory_space<vmem>>
            %gather3A_370 = tpu.memref_squeeze %gather3A_369 : memref<1x32x768xf32, #tpu.memory_space<vmem>> -> memref<32x768xf32, #tpu.memory_space<vmem>>
            %gather3A_371 = tpu.vector_load_idx %gather3A_370[%broadcast_in_dim3A_366, %select_n3A] masked %and3A_281 : memref<32x768xf32, #tpu.memory_space<vmem>>[vector<16xi32>, vector<16xi32>], vector<16xf32>, vector<16xi1>
            tpu.vector_store_idx %arg10[%add3A_287, %broadcast_in_dim3A_366], %gather3A_371 : memref<64x128xf32, #tpu.memory_space<vmem>>[vector<16xi32>, vector<16xi32>], vector<16xf32>,
            %broadcast_in_dim3A_372 = arith.constant 12 : i32
            %broadcast_in_dim3A_373 = vector.broadcast %broadcast_in_dim3A_372 : i32 to vector<16xi32>
            %gather3A_374 = arith.constant 0 : i32
            %gather3A_375 = arith.constant 0 : i32
            %gather3A_376 = tpu.memref_slice %arg9[%while3A_195, %gather3A_374, %gather3A_375] : memref<2x32x768xf32, #tpu.memory_space<vmem>> -> memref<1x32x768xf32, #tpu.memory_space<vmem>>
            %gather3A_377 = tpu.memref_squeeze %gather3A_376 : memref<1x32x768xf32, #tpu.memory_space<vmem>> -> memref<32x768xf32, #tpu.memory_space<vmem>>
            %gather3A_378 = tpu.vector_load_idx %gather3A_377[%broadcast_in_dim3A_373, %select_n3A] masked %and3A_281 : memref<32x768xf32, #tpu.memory_space<vmem>>[vector<16xi32>, vector<16xi32>], vector<16xf32>, vector<16xi1>
            tpu.vector_store_idx %arg10[%add3A_287, %broadcast_in_dim3A_373], %gather3A_378 : memref<64x128xf32, #tpu.memory_space<vmem>>[vector<16xi32>, vector<16xi32>], vector<16xf32>,
            %broadcast_in_dim3A_379 = arith.constant 13 : i32
            %broadcast_in_dim3A_380 = vector.broadcast %broadcast_in_dim3A_379 : i32 to vector<16xi32>
            %gather3A_381 = arith.constant 0 : i32
            %gather3A_382 = arith.constant 0 : i32
            %gather3A_383 = tpu.memref_slice %arg9[%while3A_195, %gather3A_381, %gather3A_382] : memref<2x32x768xf32, #tpu.memory_space<vmem>> -> memref<1x32x768xf32, #tpu.memory_space<vmem>>
            %gather3A_384 = tpu.memref_squeeze %gather3A_383 : memref<1x32x768xf32, #tpu.memory_space<vmem>> -> memref<32x768xf32, #tpu.memory_space<vmem>>
            %gather3A_385 = tpu.vector_load_idx %gather3A_384[%broadcast_in_dim3A_380, %select_n3A] masked %and3A_281 : memref<32x768xf32, #tpu.memory_space<vmem>>[vector<16xi32>, vector<16xi32>], vector<16xf32>, vector<16xi1>
            tpu.vector_store_idx %arg10[%add3A_287, %broadcast_in_dim3A_380], %gather3A_385 : memref<64x128xf32, #tpu.memory_space<vmem>>[vector<16xi32>, vector<16xi32>], vector<16xf32>,
            %broadcast_in_dim3A_386 = arith.constant 14 : i32
            %broadcast_in_dim3A_387 = vector.broadcast %broadcast_in_dim3A_386 : i32 to vector<16xi32>
            %gather3A_388 = arith.constant 0 : i32
            %gather3A_389 = arith.constant 0 : i32
            %gather3A_390 = tpu.memref_slice %arg9[%while3A_195, %gather3A_388, %gather3A_389] : memref<2x32x768xf32, #tpu.memory_space<vmem>> -> memref<1x32x768xf32, #tpu.memory_space<vmem>>
            %gather3A_391 = tpu.memref_squeeze %gather3A_390 : memref<1x32x768xf32, #tpu.memory_space<vmem>> -> memref<32x768xf32, #tpu.memory_space<vmem>>
            %gather3A_392 = tpu.vector_load_idx %gather3A_391[%broadcast_in_dim3A_387, %select_n3A] masked %and3A_281 : memref<32x768xf32, #tpu.memory_space<vmem>>[vector<16xi32>, vector<16xi32>], vector<16xf32>, vector<16xi1>
            tpu.vector_store_idx %arg10[%add3A_287, %broadcast_in_dim3A_387], %gather3A_392 : memref<64x128xf32, #tpu.memory_space<vmem>>[vector<16xi32>, vector<16xi32>], vector<16xf32>,
            %broadcast_in_dim3A_393 = arith.constant 15 : i32
            %broadcast_in_dim3A_394 = vector.broadcast %broadcast_in_dim3A_393 : i32 to vector<16xi32>
            %gather3A_395 = arith.constant 0 : i32
            %gather3A_396 = arith.constant 0 : i32
            %gather3A_397 = tpu.memref_slice %arg9[%while3A_195, %gather3A_395, %gather3A_396] : memref<2x32x768xf32, #tpu.memory_space<vmem>> -> memref<1x32x768xf32, #tpu.memory_space<vmem>>
            %gather3A_398 = tpu.memref_squeeze %gather3A_397 : memref<1x32x768xf32, #tpu.memory_space<vmem>> -> memref<32x768xf32, #tpu.memory_space<vmem>>
            %gather3A_399 = tpu.vector_load_idx %gather3A_398[%broadcast_in_dim3A_394, %select_n3A] masked %and3A_281 : memref<32x768xf32, #tpu.memory_space<vmem>>[vector<16xi32>, vector<16xi32>], vector<16xf32>, vector<16xi1>
            tpu.vector_store_idx %arg10[%add3A_287, %broadcast_in_dim3A_394], %gather3A_399 : memref<64x128xf32, #tpu.memory_space<vmem>>[vector<16xi32>, vector<16xi32>], vector<16xf32>,
            %broadcast_in_dim3A_400 = arith.constant 16 : i32
            %broadcast_in_dim3A_401 = vector.broadcast %broadcast_in_dim3A_400 : i32 to vector<16xi32>
            %gather3A_402 = arith.constant 0 : i32
            %gather3A_403 = arith.constant 0 : i32
            %gather3A_404 = tpu.memref_slice %arg9[%while3A_195, %gather3A_402, %gather3A_403] : memref<2x32x768xf32, #tpu.memory_space<vmem>> -> memref<1x32x768xf32, #tpu.memory_space<vmem>>
            %gather3A_405 = tpu.memref_squeeze %gather3A_404 : memref<1x32x768xf32, #tpu.memory_space<vmem>> -> memref<32x768xf32, #tpu.memory_space<vmem>>
            %gather3A_406 = tpu.vector_load_idx %gather3A_405[%broadcast_in_dim3A_401, %select_n3A] masked %and3A_281 : memref<32x768xf32, #tpu.memory_space<vmem>>[vector<16xi32>, vector<16xi32>], vector<16xf32>, vector<16xi1>
            tpu.vector_store_idx %arg10[%add3A_287, %broadcast_in_dim3A_401], %gather3A_406 : memref<64x128xf32, #tpu.memory_space<vmem>>[vector<16xi32>, vector<16xi32>], vector<16xf32>,
            %broadcast_in_dim3A_407 = arith.constant 17 : i32
            %broadcast_in_dim3A_408 = vector.broadcast %broadcast_in_dim3A_407 : i32 to vector<16xi32>
            %gather3A_409 = arith.constant 0 : i32
            %gather3A_410 = arith.constant 0 : i32
            %gather3A_411 = tpu.memref_slice %arg9[%while3A_195, %gather3A_409, %gather3A_410] : memref<2x32x768xf32, #tpu.memory_space<vmem>> -> memref<1x32x768xf32, #tpu.memory_space<vmem>>
            %gather3A_412 = tpu.memref_squeeze %gather3A_411 : memref<1x32x768xf32, #tpu.memory_space<vmem>> -> memref<32x768xf32, #tpu.memory_space<vmem>>
            %gather3A_413 = tpu.vector_load_idx %gather3A_412[%broadcast_in_dim3A_408, %select_n3A] masked %and3A_281 : memref<32x768xf32, #tpu.memory_space<vmem>>[vector<16xi32>, vector<16xi32>], vector<16xf32>, vector<16xi1>
            tpu.vector_store_idx %arg10[%add3A_287, %broadcast_in_dim3A_408], %gather3A_413 : memref<64x128xf32, #tpu.memory_space<vmem>>[vector<16xi32>, vector<16xi32>], vector<16xf32>,
            %broadcast_in_dim3A_414 = arith.constant 18 : i32
            %broadcast_in_dim3A_415 = vector.broadcast %broadcast_in_dim3A_414 : i32 to vector<16xi32>
            %gather3A_416 = arith.constant 0 : i32
            %gather3A_417 = arith.constant 0 : i32
            %gather3A_418 = tpu.memref_slice %arg9[%while3A_195, %gather3A_416, %gather3A_417] : memref<2x32x768xf32, #tpu.memory_space<vmem>> -> memref<1x32x768xf32, #tpu.memory_space<vmem>>
            %gather3A_419 = tpu.memref_squeeze %gather3A_418 : memref<1x32x768xf32, #tpu.memory_space<vmem>> -> memref<32x768xf32, #tpu.memory_space<vmem>>
            %gather3A_420 = tpu.vector_load_idx %gather3A_419[%broadcast_in_dim3A_415, %select_n3A] masked %and3A_281 : memref<32x768xf32, #tpu.memory_space<vmem>>[vector<16xi32>, vector<16xi32>], vector<16xf32>, vector<16xi1>
            tpu.vector_store_idx %arg10[%add3A_287, %broadcast_in_dim3A_415], %gather3A_420 : memref<64x128xf32, #tpu.memory_space<vmem>>[vector<16xi32>, vector<16xi32>], vector<16xf32>,
            %broadcast_in_dim3A_421 = arith.constant 19 : i32
            %broadcast_in_dim3A_422 = vector.broadcast %broadcast_in_dim3A_421 : i32 to vector<16xi32>
            %gather3A_423 = arith.constant 0 : i32
            %gather3A_424 = arith.constant 0 : i32
            %gather3A_425 = tpu.memref_slice %arg9[%while3A_195, %gather3A_423, %gather3A_424] : memref<2x32x768xf32, #tpu.memory_space<vmem>> -> memref<1x32x768xf32, #tpu.memory_space<vmem>>
            %gather3A_426 = tpu.memref_squeeze %gather3A_425 : memref<1x32x768xf32, #tpu.memory_space<vmem>> -> memref<32x768xf32, #tpu.memory_space<vmem>>
            %gather3A_427 = tpu.vector_load_idx %gather3A_426[%broadcast_in_dim3A_422, %select_n3A] masked %and3A_281 : memref<32x768xf32, #tpu.memory_space<vmem>>[vector<16xi32>, vector<16xi32>], vector<16xf32>, vector<16xi1>
            tpu.vector_store_idx %arg10[%add3A_287, %broadcast_in_dim3A_422], %gather3A_427 : memref<64x128xf32, #tpu.memory_space<vmem>>[vector<16xi32>, vector<16xi32>], vector<16xf32>,
            %broadcast_in_dim3A_428 = arith.constant 20 : i32
            %broadcast_in_dim3A_429 = vector.broadcast %broadcast_in_dim3A_428 : i32 to vector<16xi32>
            %gather3A_430 = arith.constant 0 : i32
            %gather3A_431 = arith.constant 0 : i32
            %gather3A_432 = tpu.memref_slice %arg9[%while3A_195, %gather3A_430, %gather3A_431] : memref<2x32x768xf32, #tpu.memory_space<vmem>> -> memref<1x32x768xf32, #tpu.memory_space<vmem>>
            %gather3A_433 = tpu.memref_squeeze %gather3A_432 : memref<1x32x768xf32, #tpu.memory_space<vmem>> -> memref<32x768xf32, #tpu.memory_space<vmem>>
            %gather3A_434 = tpu.vector_load_idx %gather3A_433[%broadcast_in_dim3A_429, %select_n3A] masked %and3A_281 : memref<32x768xf32, #tpu.memory_space<vmem>>[vector<16xi32>, vector<16xi32>], vector<16xf32>, vector<16xi1>
            tpu.vector_store_idx %arg10[%add3A_287, %broadcast_in_dim3A_429], %gather3A_434 : memref<64x128xf32, #tpu.memory_space<vmem>>[vector<16xi32>, vector<16xi32>], vector<16xf32>,
            %broadcast_in_dim3A_435 = arith.constant 21 : i32
            %broadcast_in_dim3A_436 = vector.broadcast %broadcast_in_dim3A_435 : i32 to vector<16xi32>
            %gather3A_437 = arith.constant 0 : i32
            %gather3A_438 = arith.constant 0 : i32
            %gather3A_439 = tpu.memref_slice %arg9[%while3A_195, %gather3A_437, %gather3A_438] : memref<2x32x768xf32, #tpu.memory_space<vmem>> -> memref<1x32x768xf32, #tpu.memory_space<vmem>>
            %gather3A_440 = tpu.memref_squeeze %gather3A_439 : memref<1x32x768xf32, #tpu.memory_space<vmem>> -> memref<32x768xf32, #tpu.memory_space<vmem>>
            %gather3A_441 = tpu.vector_load_idx %gather3A_440[%broadcast_in_dim3A_436, %select_n3A] masked %and3A_281 : memref<32x768xf32, #tpu.memory_space<vmem>>[vector<16xi32>, vector<16xi32>], vector<16xf32>, vector<16xi1>
            tpu.vector_store_idx %arg10[%add3A_287, %broadcast_in_dim3A_436], %gather3A_441 : memref<64x128xf32, #tpu.memory_space<vmem>>[vector<16xi32>, vector<16xi32>], vector<16xf32>,
            %broadcast_in_dim3A_442 = arith.constant 22 : i32
            %broadcast_in_dim3A_443 = vector.broadcast %broadcast_in_dim3A_442 : i32 to vector<16xi32>
            %gather3A_444 = arith.constant 0 : i32
            %gather3A_445 = arith.constant 0 : i32
            %gather3A_446 = tpu.memref_slice %arg9[%while3A_195, %gather3A_444, %gather3A_445] : memref<2x32x768xf32, #tpu.memory_space<vmem>> -> memref<1x32x768xf32, #tpu.memory_space<vmem>>
            %gather3A_447 = tpu.memref_squeeze %gather3A_446 : memref<1x32x768xf32, #tpu.memory_space<vmem>> -> memref<32x768xf32, #tpu.memory_space<vmem>>
            %gather3A_448 = tpu.vector_load_idx %gather3A_447[%broadcast_in_dim3A_443, %select_n3A] masked %and3A_281 : memref<32x768xf32, #tpu.memory_space<vmem>>[vector<16xi32>, vector<16xi32>], vector<16xf32>, vector<16xi1>
            tpu.vector_store_idx %arg10[%add3A_287, %broadcast_in_dim3A_443], %gather3A_448 : memref<64x128xf32, #tpu.memory_space<vmem>>[vector<16xi32>, vector<16xi32>], vector<16xf32>,
            %broadcast_in_dim3A_449 = arith.constant 23 : i32
            %broadcast_in_dim3A_450 = vector.broadcast %broadcast_in_dim3A_449 : i32 to vector<16xi32>
            %gather3A_451 = arith.constant 0 : i32
            %gather3A_452 = arith.constant 0 : i32
            %gather3A_453 = tpu.memref_slice %arg9[%while3A_195, %gather3A_451, %gather3A_452] : memref<2x32x768xf32, #tpu.memory_space<vmem>> -> memref<1x32x768xf32, #tpu.memory_space<vmem>>
            %gather3A_454 = tpu.memref_squeeze %gather3A_453 : memref<1x32x768xf32, #tpu.memory_space<vmem>> -> memref<32x768xf32, #tpu.memory_space<vmem>>
            %gather3A_455 = tpu.vector_load_idx %gather3A_454[%broadcast_in_dim3A_450, %select_n3A] masked %and3A_281 : memref<32x768xf32, #tpu.memory_space<vmem>>[vector<16xi32>, vector<16xi32>], vector<16xf32>, vector<16xi1>
            tpu.vector_store_idx %arg10[%add3A_287, %broadcast_in_dim3A_450], %gather3A_455 : memref<64x128xf32, #tpu.memory_space<vmem>>[vector<16xi32>, vector<16xi32>], vector<16xf32>,
            %broadcast_in_dim3A_456 = arith.constant 24 : i32
            %broadcast_in_dim3A_457 = vector.broadcast %broadcast_in_dim3A_456 : i32 to vector<16xi32>
            %gather3A_458 = arith.constant 0 : i32
            %gather3A_459 = arith.constant 0 : i32
            %gather3A_460 = tpu.memref_slice %arg9[%while3A_195, %gather3A_458, %gather3A_459] : memref<2x32x768xf32, #tpu.memory_space<vmem>> -> memref<1x32x768xf32, #tpu.memory_space<vmem>>
            %gather3A_461 = tpu.memref_squeeze %gather3A_460 : memref<1x32x768xf32, #tpu.memory_space<vmem>> -> memref<32x768xf32, #tpu.memory_space<vmem>>
            %gather3A_462 = tpu.vector_load_idx %gather3A_461[%broadcast_in_dim3A_457, %select_n3A] masked %and3A_281 : memref<32x768xf32, #tpu.memory_space<vmem>>[vector<16xi32>, vector<16xi32>], vector<16xf32>, vector<16xi1>
            tpu.vector_store_idx %arg10[%add3A_287, %broadcast_in_dim3A_457], %gather3A_462 : memref<64x128xf32, #tpu.memory_space<vmem>>[vector<16xi32>, vector<16xi32>], vector<16xf32>,
            %broadcast_in_dim3A_463 = arith.constant 25 : i32
            %broadcast_in_dim3A_464 = vector.broadcast %broadcast_in_dim3A_463 : i32 to vector<16xi32>
            %gather3A_465 = arith.constant 0 : i32
            %gather3A_466 = arith.constant 0 : i32
            %gather3A_467 = tpu.memref_slice %arg9[%while3A_195, %gather3A_465, %gather3A_466] : memref<2x32x768xf32, #tpu.memory_space<vmem>> -> memref<1x32x768xf32, #tpu.memory_space<vmem>>
            %gather3A_468 = tpu.memref_squeeze %gather3A_467 : memref<1x32x768xf32, #tpu.memory_space<vmem>> -> memref<32x768xf32, #tpu.memory_space<vmem>>
            %gather3A_469 = tpu.vector_load_idx %gather3A_468[%broadcast_in_dim3A_464, %select_n3A] masked %and3A_281 : memref<32x768xf32, #tpu.memory_space<vmem>>[vector<16xi32>, vector<16xi32>], vector<16xf32>, vector<16xi1>
            tpu.vector_store_idx %arg10[%add3A_287, %broadcast_in_dim3A_464], %gather3A_469 : memref<64x128xf32, #tpu.memory_space<vmem>>[vector<16xi32>, vector<16xi32>], vector<16xf32>,
            %broadcast_in_dim3A_470 = arith.constant 26 : i32
            %broadcast_in_dim3A_471 = vector.broadcast %broadcast_in_dim3A_470 : i32 to vector<16xi32>
            %gather3A_472 = arith.constant 0 : i32
            %gather3A_473 = arith.constant 0 : i32
            %gather3A_474 = tpu.memref_slice %arg9[%while3A_195, %gather3A_472, %gather3A_473] : memref<2x32x768xf32, #tpu.memory_space<vmem>> -> memref<1x32x768xf32, #tpu.memory_space<vmem>>
            %gather3A_475 = tpu.memref_squeeze %gather3A_474 : memref<1x32x768xf32, #tpu.memory_space<vmem>> -> memref<32x768xf32, #tpu.memory_space<vmem>>
            %gather3A_476 = tpu.vector_load_idx %gather3A_475[%broadcast_in_dim3A_471, %select_n3A] masked %and3A_281 : memref<32x768xf32, #tpu.memory_space<vmem>>[vector<16xi32>, vector<16xi32>], vector<16xf32>, vector<16xi1>
            tpu.vector_store_idx %arg10[%add3A_287, %broadcast_in_dim3A_471], %gather3A_476 : memref<64x128xf32, #tpu.memory_space<vmem>>[vector<16xi32>, vector<16xi32>], vector<16xf32>,
            %broadcast_in_dim3A_477 = arith.constant 27 : i32
            %broadcast_in_dim3A_478 = vector.broadcast %broadcast_in_dim3A_477 : i32 to vector<16xi32>
            %gather3A_479 = arith.constant 0 : i32
            %gather3A_480 = arith.constant 0 : i32
            %gather3A_481 = tpu.memref_slice %arg9[%while3A_195, %gather3A_479, %gather3A_480] : memref<2x32x768xf32, #tpu.memory_space<vmem>> -> memref<1x32x768xf32, #tpu.memory_space<vmem>>
            %gather3A_482 = tpu.memref_squeeze %gather3A_481 : memref<1x32x768xf32, #tpu.memory_space<vmem>> -> memref<32x768xf32, #tpu.memory_space<vmem>>
            %gather3A_483 = tpu.vector_load_idx %gather3A_482[%broadcast_in_dim3A_478, %select_n3A] masked %and3A_281 : memref<32x768xf32, #tpu.memory_space<vmem>>[vector<16xi32>, vector<16xi32>], vector<16xf32>, vector<16xi1>
            tpu.vector_store_idx %arg10[%add3A_287, %broadcast_in_dim3A_478], %gather3A_483 : memref<64x128xf32, #tpu.memory_space<vmem>>[vector<16xi32>, vector<16xi32>], vector<16xf32>,
            %broadcast_in_dim3A_484 = arith.constant 28 : i32
            %broadcast_in_dim3A_485 = vector.broadcast %broadcast_in_dim3A_484 : i32 to vector<16xi32>
            %gather3A_486 = arith.constant 0 : i32
            %gather3A_487 = arith.constant 0 : i32
            %gather3A_488 = tpu.memref_slice %arg9[%while3A_195, %gather3A_486, %gather3A_487] : memref<2x32x768xf32, #tpu.memory_space<vmem>> -> memref<1x32x768xf32, #tpu.memory_space<vmem>>
            %gather3A_489 = tpu.memref_squeeze %gather3A_488 : memref<1x32x768xf32, #tpu.memory_space<vmem>> -> memref<32x768xf32, #tpu.memory_space<vmem>>
            %gather3A_490 = tpu.vector_load_idx %gather3A_489[%broadcast_in_dim3A_485, %select_n3A] masked %and3A_281 : memref<32x768xf32, #tpu.memory_space<vmem>>[vector<16xi32>, vector<16xi32>], vector<16xf32>, vector<16xi1>
            tpu.vector_store_idx %arg10[%add3A_287, %broadcast_in_dim3A_485], %gather3A_490 : memref<64x128xf32, #tpu.memory_space<vmem>>[vector<16xi32>, vector<16xi32>], vector<16xf32>,
            %broadcast_in_dim3A_491 = arith.constant 29 : i32
            %broadcast_in_dim3A_492 = vector.broadcast %broadcast_in_dim3A_491 : i32 to vector<16xi32>
            %gather3A_493 = arith.constant 0 : i32
            %gather3A_494 = arith.constant 0 : i32
            %gather3A_495 = tpu.memref_slice %arg9[%while3A_195, %gather3A_493, %gather3A_494] : memref<2x32x768xf32, #tpu.memory_space<vmem>> -> memref<1x32x768xf32, #tpu.memory_space<vmem>>
            %gather3A_496 = tpu.memref_squeeze %gather3A_495 : memref<1x32x768xf32, #tpu.memory_space<vmem>> -> memref<32x768xf32, #tpu.memory_space<vmem>>
            %gather3A_497 = tpu.vector_load_idx %gather3A_496[%broadcast_in_dim3A_492, %select_n3A] masked %and3A_281 : memref<32x768xf32, #tpu.memory_space<vmem>>[vector<16xi32>, vector<16xi32>], vector<16xf32>, vector<16xi1>
            tpu.vector_store_idx %arg10[%add3A_287, %broadcast_in_dim3A_492], %gather3A_497 : memref<64x128xf32, #tpu.memory_space<vmem>>[vector<16xi32>, vector<16xi32>], vector<16xf32>,
            %broadcast_in_dim3A_498 = arith.constant 30 : i32
            %broadcast_in_dim3A_499 = vector.broadcast %broadcast_in_dim3A_498 : i32 to vector<16xi32>
            %gather3A_500 = arith.constant 0 : i32
            %gather3A_501 = arith.constant 0 : i32
            %gather3A_502 = tpu.memref_slice %arg9[%while3A_195, %gather3A_500, %gather3A_501] : memref<2x32x768xf32, #tpu.memory_space<vmem>> -> memref<1x32x768xf32, #tpu.memory_space<vmem>>
            %gather3A_503 = tpu.memref_squeeze %gather3A_502 : memref<1x32x768xf32, #tpu.memory_space<vmem>> -> memref<32x768xf32, #tpu.memory_space<vmem>>
            %gather3A_504 = tpu.vector_load_idx %gather3A_503[%broadcast_in_dim3A_499, %select_n3A] masked %and3A_281 : memref<32x768xf32, #tpu.memory_space<vmem>>[vector<16xi32>, vector<16xi32>], vector<16xf32>, vector<16xi1>
            tpu.vector_store_idx %arg10[%add3A_287, %broadcast_in_dim3A_499], %gather3A_504 : memref<64x128xf32, #tpu.memory_space<vmem>>[vector<16xi32>, vector<16xi32>], vector<16xf32>,
            %broadcast_in_dim3A_505 = arith.constant 31 : i32
            %broadcast_in_dim3A_506 = vector.broadcast %broadcast_in_dim3A_505 : i32 to vector<16xi32>
            %gather3A_507 = arith.constant 0 : i32
            %gather3A_508 = arith.constant 0 : i32
            %gather3A_509 = tpu.memref_slice %arg9[%while3A_195, %gather3A_507, %gather3A_508] : memref<2x32x768xf32, #tpu.memory_space<vmem>> -> memref<1x32x768xf32, #tpu.memory_space<vmem>>
            %gather3A_510 = tpu.memref_squeeze %gather3A_509 : memref<1x32x768xf32, #tpu.memory_space<vmem>> -> memref<32x768xf32, #tpu.memory_space<vmem>>
            %gather3A_511 = tpu.vector_load_idx %gather3A_510[%broadcast_in_dim3A_506, %select_n3A] masked %and3A_281 : memref<32x768xf32, #tpu.memory_space<vmem>>[vector<16xi32>, vector<16xi32>], vector<16xf32>, vector<16xi1>
            tpu.vector_store_idx %arg10[%add3A_287, %broadcast_in_dim3A_506], %gather3A_511 : memref<64x128xf32, #tpu.memory_space<vmem>>[vector<16xi32>, vector<16xi32>], vector<16xf32>,
            %broadcast_in_dim3A_512 = arith.constant -1 : i32
            %broadcast_in_dim3A_513 = vector.broadcast %broadcast_in_dim3A_512 : i32 to vector<16xi32>
            %select_n3A_514 = arith.select %and3A_281, %and3A_272, %broadcast_in_dim3A_513 : vector<16xi1>, vector<16xi32>
            %mul3A_515 = arith.constant 16 : i32
            %mul3A_516 = arith.muli %while3A_259, %mul3A_515 : i32
            %swap3A_517 = arith.constant 0 : i32
            %swap3A_518 = arith.index_cast %swap3A_517 : i32 to index
            %swap3A_519 = arith.index_cast %mul3A_516 : i32 to index
            %swap3A_520 = tpu.vector_load %arg11[%swap3A_518, %swap3A_519] {strides = array<i32>} : memref<1x64xi32, #tpu.memory_space<vmem>>, vector<16xi32>,
            tpu.vector_store %arg11[%swap3A_518, %swap3A_519], %select_n3A_514 {strides = array<i32>} : memref<1x64xi32, #tpu.memory_space<vmem>>, vector<16xi32>,
            %while3A_521 = arith.constant 0 : i32
            scf.yield %while3A_521 : i32
          }
          %dma_start3A_243 = arith.constant 0 : i32
          %dma_start3A_244 = arith.constant 0 : i32
          %dma_start3A_245 = tpu.memref_slice %arg11[%dma_start3A_243, %dma_start3A_244] : memref<1x64xi32, #tpu.memory_space<vmem>> -> memref<1x64xi32, #tpu.memory_space<vmem>>
          %dma_start3A_246 = tpu.memref_squeeze %dma_start3A_245 : memref<1x64xi32, #tpu.memory_space<vmem>> -> memref<64xi32, #tpu.memory_space<vmem>>
          %dma_start3A_247 = arith.constant 0 : i32
          %dma_start3A_248 = arith.constant 0 : i32
          %dma_start3A_249 = tpu.memref_slice %arg5[%dma_start3A_247, %dma_start3A_248] : memref<16384x128xf32, #tpu.memory_space<hbm>> -> memref<16384x128xf32, #tpu.memory_space<hbm>>
          %dma_start3A_250 = arith.constant -1 : i32
          tpu.enqueue_indirect_dma source(%arg10 : memref<64x128xf32, #tpu.memory_space<vmem>>) target(%dma_start3A_249 : memref<16384x128xf32, #tpu.memory_space<hbm>>) offsets(%dma_start3A_246 : memref<64xi32, #tpu.memory_space<vmem>>) offset_filter(%dma_start3A_250) semaphore(%arg15 : memref<!tpu.dma_semaphore, #tpu.memory_space<semaphore_mem>>)
          %dma_wait3A_251 = arith.constant 0 : i32
          %dma_wait3A_252 = arith.constant 0 : i32
          %dma_wait3A_253 = tpu.memref_slice %arg11[%dma_wait3A_251, %dma_wait3A_252] : memref<1x64xi32, #tpu.memory_space<vmem>> -> memref<1x64xi32, #tpu.memory_space<vmem>>
          %dma_wait3A_254 = tpu.memref_squeeze %dma_wait3A_253 : memref<1x64xi32, #tpu.memory_space<vmem>> -> memref<64xi32, #tpu.memory_space<vmem>>
          %dma_wait3A_255 = arith.constant 0 : i32
          %dma_wait3A_256 = arith.constant 0 : i32
          %dma_wait3A_257 = tpu.memref_slice %arg5[%dma_wait3A_255, %dma_wait3A_256] : memref<16384x128xf32, #tpu.memory_space<hbm>> -> memref<16384x128xf32, #tpu.memory_space<hbm>>
          tpu.wait_indirect_dma semaphore(%arg15 : memref<!tpu.dma_semaphore, #tpu.memory_space<semaphore_mem>>) src(%arg10 : memref<64x128xf32, #tpu.memory_space<vmem>>) dst(%dma_wait3A_257 : memref<16384x128xf32, #tpu.memory_space<hbm>>)
          %while3A_258 = arith.constant 0 : i32
          scf.yield %while3A_258 : i32
        }
        %while3A_206 = arith.constant 1 : i32
        %while3A_207 = scf.for %while3A_209 = %while3A_203 to %while3A_199 step %while3A_206 iter_args(%while3A_210 = %while3A_205) -> (i32)  : i32 {
          %broadcast_in_dim3A = arith.constant -1 : i32
          %broadcast_in_dim3A_211 = vector.broadcast %broadcast_in_dim3A : i32 to vector<16xi32>
          %swap3A = arith.constant 0 : i32
          %swap3A_212 = arith.index_cast %swap3A : i32 to index
          %swap3A_213 = arith.constant 0 : index
          %swap3A_214 = tpu.vector_load %arg11[%swap3A_212, %swap3A_213] {strides = array<i32>} : memref<1x64xi32, #tpu.memory_space<vmem>>, vector<16xi32>,
          tpu.vector_store %arg11[%swap3A_212, %swap3A_213], %broadcast_in_dim3A_211 {strides = array<i32>} : memref<1x64xi32, #tpu.memory_space<vmem>>, vector<16xi32>,
          %swap3A_215 = arith.constant 0 : i32
          %swap3A_216 = arith.index_cast %swap3A_215 : i32 to index
          %swap3A_217 = arith.constant 16 : index
          %swap3A_218 = tpu.vector_load %arg11[%swap3A_216, %swap3A_217] {strides = array<i32>} : memref<1x64xi32, #tpu.memory_space<vmem>>, vector<16xi32>,
          tpu.vector_store %arg11[%swap3A_216, %swap3A_217], %broadcast_in_dim3A_211 {strides = array<i32>} : memref<1x64xi32, #tpu.memory_space<vmem>>, vector<16xi32>,
          %swap3A_219 = arith.constant 0 : i32
          %swap3A_220 = arith.index_cast %swap3A_219 : i32 to index
          %swap3A_221 = arith.constant 32 : index
          %swap3A_222 = tpu.vector_load %arg11[%swap3A_220, %swap3A_221] {strides = array<i32>} : memref<1x64xi32, #tpu.memory_space<vmem>>, vector<16xi32>,
          tpu.vector_store %arg11[%swap3A_220, %swap3A_221], %broadcast_in_dim3A_211 {strides = array<i32>} : memref<1x64xi32, #tpu.memory_space<vmem>>, vector<16xi32>,
          %swap3A_223 = arith.constant 0 : i32
          %swap3A_224 = arith.index_cast %swap3A_223 : i32 to index
          %swap3A_225 = arith.constant 48 : index
          %swap3A_226 = tpu.vector_load %arg11[%swap3A_224, %swap3A_225] {strides = array<i32>} : memref<1x64xi32, #tpu.memory_space<vmem>>, vector<16xi32>,
          tpu.vector_store %arg11[%swap3A_224, %swap3A_225], %broadcast_in_dim3A_211 {strides = array<i32>} : memref<1x64xi32, #tpu.memory_space<vmem>>, vector<16xi32>,
          %mul3A_227 = arith.constant 4 : i32
          %mul3A_228 = arith.muli %while3A_209, %mul3A_227 : i32
          %sub3A = arith.subi %div3A_190, %mul3A_228 : i32
          %min3A_229 = arith.constant 4 : i32
          %min3A_230 = arith.minsi %min3A_229, %sub3A : i32
          %while3A_231 = arith.constant 0 : i32
          %while3A_232 = arith.constant 0 : i32
          %while3A_233 = arith.subi %min3A_230, %while3A_231 : i32
          %while3A_234 = arith.addi %while3A_231, %while3A_233 : i32
          %while3A_235 = arith.constant 1 : i32
          %while3A_236 = arith.divsi %while3A_233, %while3A_235 : i32
          %while3A_237 = arith.muli %while3A_236, %while3A_235 : i32
          %while3A_238 = arith.addi %while3A_231, %while3A_237 : i32
          %while3A_239 = arith.constant 1 : i32
          %while3A_240 = scf.for %while3A_259 = %while3A_231 to %while3A_238 step %while3A_239 iter_args(%while3A_260 = %while3A_232) -> (i32)  : i32 {
            %mul3A_261 = arith.constant 4 : i32
            %mul3A_262 = arith.muli %while3A_209, %mul3A_261 : i32
            %add3A_263 = arith.addi %mul3A_262, %while3A_259 : i32
            %mul3A_264 = arith.constant 16 : i32
            %mul3A_265 = arith.muli %add3A_263, %mul3A_264 : i32
            %get3A = arith.index_cast %mul3A_265 : i32 to index
            %get3A_266 = tpu.vector_load %arg8[%get3A] {strides = array<i32>} : memref<16400xi32, #tpu.memory_space<vmem>>, vector<16xi32>,
            %add3A_267 = vector.broadcast %mul3A_265 : i32 to vector<16xi32>
            %add3A_268 = arith.addi %add3A_267, %iota3A : vector<16xi32>
            %lt3A_269 = vector.broadcast %while3A_171 : i32 to vector<16xi32>
            %lt3A_270 = arith.cmpi slt, %add3A_268, %lt3A_269 : vector<16xi32>
            %and3A = arith.constant 16383 : i32
            %and3A_271 = vector.broadcast %and3A : i32 to vector<16xi32>
            %and3A_272 = arith.andi %get3A_266, %and3A_271 : vector<16xi32>
            %gather3A = tpu.vector_load_idx %arg6[%and3A_272] : memref<16384xi32, #tpu.memory_space<vmem>>[vector<16xi32>], vector<16xi32>,
            %sub3A_273 = vector.broadcast %mul3A_159 : i32 to vector<16xi32>
            %sub3A_274 = arith.subi %gather3A, %sub3A_273 : vector<16xi32>
            %ge3A = arith.constant 0 : i32
            %ge3A_275 = vector.broadcast %ge3A : i32 to vector<16xi32>
            %ge3A_276 = arith.cmpi sge, %sub3A_274, %ge3A_275 : vector<16xi32>
            %and3A_277 = arith.andi %lt3A_270, %ge3A_276 : vector<16xi1>
            %lt3A_278 = arith.constant 768 : i32
            %lt3A_279 = vector.broadcast %lt3A_278 : i32 to vector<16xi32>
            %lt3A_280 = arith.cmpi slt, %sub3A_274, %lt3A_279 : vector<16xi32>
            %and3A_281 = arith.andi %and3A_277, %lt3A_280 : vector<16xi1>
            %broadcast_in_dim3A_282 = arith.constant 0 : i32
            %broadcast_in_dim3A_283 = vector.broadcast %broadcast_in_dim3A_282 : i32 to vector<16xi32>
            %select_n3A = arith.select %and3A_281, %sub3A_274, %broadcast_in_dim3A_283 : vector<16xi1>, vector<16xi32>
            %mul3A_284 = arith.constant 16 : i32
            %mul3A_285 = arith.muli %while3A_259, %mul3A_284 : i32
            %add3A_286 = vector.broadcast %mul3A_285 : i32 to vector<16xi32>
            %add3A_287 = arith.addi %add3A_286, %iota3A : vector<16xi32>
            %broadcast_in_dim3A_288 = arith.constant 0 : i32
            %broadcast_in_dim3A_289 = vector.broadcast %broadcast_in_dim3A_288 : i32 to vector<16xi32>
            %gather3A_290 = arith.constant 0 : i32
            %gather3A_291 = arith.constant 0 : i32
            %gather3A_292 = tpu.memref_slice %arg9[%while3A_195, %gather3A_290, %gather3A_291] : memref<2x32x768xf32, #tpu.memory_space<vmem>> -> memref<1x32x768xf32, #tpu.memory_space<vmem>>
            %gather3A_293 = tpu.memref_squeeze %gather3A_292 : memref<1x32x768xf32, #tpu.memory_space<vmem>> -> memref<32x768xf32, #tpu.memory_space<vmem>>
            %gather3A_294 = tpu.vector_load_idx %gather3A_293[%broadcast_in_dim3A_289, %select_n3A] masked %and3A_281 : memref<32x768xf32, #tpu.memory_space<vmem>>[vector<16xi32>, vector<16xi32>], vector<16xf32>, vector<16xi1>
            tpu.vector_store_idx %arg10[%add3A_287, %broadcast_in_dim3A_289], %gather3A_294 : memref<64x128xf32, #tpu.memory_space<vmem>>[vector<16xi32>, vector<16xi32>], vector<16xf32>,
            %broadcast_in_dim3A_295 = arith.constant 1 : i32
            %broadcast_in_dim3A_296 = vector.broadcast %broadcast_in_dim3A_295 : i32 to vector<16xi32>
            %gather3A_297 = arith.constant 0 : i32
            %gather3A_298 = arith.constant 0 : i32
            %gather3A_299 = tpu.memref_slice %arg9[%while3A_195, %gather3A_297, %gather3A_298] : memref<2x32x768xf32, #tpu.memory_space<vmem>> -> memref<1x32x768xf32, #tpu.memory_space<vmem>>
            %gather3A_300 = tpu.memref_squeeze %gather3A_299 : memref<1x32x768xf32, #tpu.memory_space<vmem>> -> memref<32x768xf32, #tpu.memory_space<vmem>>
            %gather3A_301 = tpu.vector_load_idx %gather3A_300[%broadcast_in_dim3A_296, %select_n3A] masked %and3A_281 : memref<32x768xf32, #tpu.memory_space<vmem>>[vector<16xi32>, vector<16xi32>], vector<16xf32>, vector<16xi1>
            tpu.vector_store_idx %arg10[%add3A_287, %broadcast_in_dim3A_296], %gather3A_301 : memref<64x128xf32, #tpu.memory_space<vmem>>[vector<16xi32>, vector<16xi32>], vector<16xf32>,
            %broadcast_in_dim3A_302 = arith.constant 2 : i32
            %broadcast_in_dim3A_303 = vector.broadcast %broadcast_in_dim3A_302 : i32 to vector<16xi32>
            %gather3A_304 = arith.constant 0 : i32
            %gather3A_305 = arith.constant 0 : i32
            %gather3A_306 = tpu.memref_slice %arg9[%while3A_195, %gather3A_304, %gather3A_305] : memref<2x32x768xf32, #tpu.memory_space<vmem>> -> memref<1x32x768xf32, #tpu.memory_space<vmem>>
            %gather3A_307 = tpu.memref_squeeze %gather3A_306 : memref<1x32x768xf32, #tpu.memory_space<vmem>> -> memref<32x768xf32, #tpu.memory_space<vmem>>
            %gather3A_308 = tpu.vector_load_idx %gather3A_307[%broadcast_in_dim3A_303, %select_n3A] masked %and3A_281 : memref<32x768xf32, #tpu.memory_space<vmem>>[vector<16xi32>, vector<16xi32>], vector<16xf32>, vector<16xi1>
            tpu.vector_store_idx %arg10[%add3A_287, %broadcast_in_dim3A_303], %gather3A_308 : memref<64x128xf32, #tpu.memory_space<vmem>>[vector<16xi32>, vector<16xi32>], vector<16xf32>,
            %broadcast_in_dim3A_309 = arith.constant 3 : i32
            %broadcast_in_dim3A_310 = vector.broadcast %broadcast_in_dim3A_309 : i32 to vector<16xi32>
            %gather3A_311 = arith.constant 0 : i32
            %gather3A_312 = arith.constant 0 : i32
            %gather3A_313 = tpu.memref_slice %arg9[%while3A_195, %gather3A_311, %gather3A_312] : memref<2x32x768xf32, #tpu.memory_space<vmem>> -> memref<1x32x768xf32, #tpu.memory_space<vmem>>
            %gather3A_314 = tpu.memref_squeeze %gather3A_313 : memref<1x32x768xf32, #tpu.memory_space<vmem>> -> memref<32x768xf32, #tpu.memory_space<vmem>>
            %gather3A_315 = tpu.vector_load_idx %gather3A_314[%broadcast_in_dim3A_310, %select_n3A] masked %and3A_281 : memref<32x768xf32, #tpu.memory_space<vmem>>[vector<16xi32>, vector<16xi32>], vector<16xf32>, vector<16xi1>
            tpu.vector_store_idx %arg10[%add3A_287, %broadcast_in_dim3A_310], %gather3A_315 : memref<64x128xf32, #tpu.memory_space<vmem>>[vector<16xi32>, vector<16xi32>], vector<16xf32>,
            %broadcast_in_dim3A_316 = arith.constant 4 : i32
            %broadcast_in_dim3A_317 = vector.broadcast %broadcast_in_dim3A_316 : i32 to vector<16xi32>
            %gather3A_318 = arith.constant 0 : i32
            %gather3A_319 = arith.constant 0 : i32
            %gather3A_320 = tpu.memref_slice %arg9[%while3A_195, %gather3A_318, %gather3A_319] : memref<2x32x768xf32, #tpu.memory_space<vmem>> -> memref<1x32x768xf32, #tpu.memory_space<vmem>>
            %gather3A_321 = tpu.memref_squeeze %gather3A_320 : memref<1x32x768xf32, #tpu.memory_space<vmem>> -> memref<32x768xf32, #tpu.memory_space<vmem>>
            %gather3A_322 = tpu.vector_load_idx %gather3A_321[%broadcast_in_dim3A_317, %select_n3A] masked %and3A_281 : memref<32x768xf32, #tpu.memory_space<vmem>>[vector<16xi32>, vector<16xi32>], vector<16xf32>, vector<16xi1>
            tpu.vector_store_idx %arg10[%add3A_287, %broadcast_in_dim3A_317], %gather3A_322 : memref<64x128xf32, #tpu.memory_space<vmem>>[vector<16xi32>, vector<16xi32>], vector<16xf32>,
            %broadcast_in_dim3A_323 = arith.constant 5 : i32
            %broadcast_in_dim3A_324 = vector.broadcast %broadcast_in_dim3A_323 : i32 to vector<16xi32>
            %gather3A_325 = arith.constant 0 : i32
            %gather3A_326 = arith.constant 0 : i32
            %gather3A_327 = tpu.memref_slice %arg9[%while3A_195, %gather3A_325, %gather3A_326] : memref<2x32x768xf32, #tpu.memory_space<vmem>> -> memref<1x32x768xf32, #tpu.memory_space<vmem>>
            %gather3A_328 = tpu.memref_squeeze %gather3A_327 : memref<1x32x768xf32, #tpu.memory_space<vmem>> -> memref<32x768xf32, #tpu.memory_space<vmem>>
            %gather3A_329 = tpu.vector_load_idx %gather3A_328[%broadcast_in_dim3A_324, %select_n3A] masked %and3A_281 : memref<32x768xf32, #tpu.memory_space<vmem>>[vector<16xi32>, vector<16xi32>], vector<16xf32>, vector<16xi1>
            tpu.vector_store_idx %arg10[%add3A_287, %broadcast_in_dim3A_324], %gather3A_329 : memref<64x128xf32, #tpu.memory_space<vmem>>[vector<16xi32>, vector<16xi32>], vector<16xf32>,
            %broadcast_in_dim3A_330 = arith.constant 6 : i32
            %broadcast_in_dim3A_331 = vector.broadcast %broadcast_in_dim3A_330 : i32 to vector<16xi32>
            %gather3A_332 = arith.constant 0 : i32
            %gather3A_333 = arith.constant 0 : i32
            %gather3A_334 = tpu.memref_slice %arg9[%while3A_195, %gather3A_332, %gather3A_333] : memref<2x32x768xf32, #tpu.memory_space<vmem>> -> memref<1x32x768xf32, #tpu.memory_space<vmem>>
            %gather3A_335 = tpu.memref_squeeze %gather3A_334 : memref<1x32x768xf32, #tpu.memory_space<vmem>> -> memref<32x768xf32, #tpu.memory_space<vmem>>
            %gather3A_336 = tpu.vector_load_idx %gather3A_335[%broadcast_in_dim3A_331, %select_n3A] masked %and3A_281 : memref<32x768xf32, #tpu.memory_space<vmem>>[vector<16xi32>, vector<16xi32>], vector<16xf32>, vector<16xi1>
            tpu.vector_store_idx %arg10[%add3A_287, %broadcast_in_dim3A_331], %gather3A_336 : memref<64x128xf32, #tpu.memory_space<vmem>>[vector<16xi32>, vector<16xi32>], vector<16xf32>,
            %broadcast_in_dim3A_337 = arith.constant 7 : i32
            %broadcast_in_dim3A_338 = vector.broadcast %broadcast_in_dim3A_337 : i32 to vector<16xi32>
            %gather3A_339 = arith.constant 0 : i32
            %gather3A_340 = arith.constant 0 : i32
            %gather3A_341 = tpu.memref_slice %arg9[%while3A_195, %gather3A_339, %gather3A_340] : memref<2x32x768xf32, #tpu.memory_space<vmem>> -> memref<1x32x768xf32, #tpu.memory_space<vmem>>
            %gather3A_342 = tpu.memref_squeeze %gather3A_341 : memref<1x32x768xf32, #tpu.memory_space<vmem>> -> memref<32x768xf32, #tpu.memory_space<vmem>>
            %gather3A_343 = tpu.vector_load_idx %gather3A_342[%broadcast_in_dim3A_338, %select_n3A] masked %and3A_281 : memref<32x768xf32, #tpu.memory_space<vmem>>[vector<16xi32>, vector<16xi32>], vector<16xf32>, vector<16xi1>
            tpu.vector_store_idx %arg10[%add3A_287, %broadcast_in_dim3A_338], %gather3A_343 : memref<64x128xf32, #tpu.memory_space<vmem>>[vector<16xi32>, vector<16xi32>], vector<16xf32>,
            %broadcast_in_dim3A_344 = arith.constant 8 : i32
            %broadcast_in_dim3A_345 = vector.broadcast %broadcast_in_dim3A_344 : i32 to vector<16xi32>
            %gather3A_346 = arith.constant 0 : i32
            %gather3A_347 = arith.constant 0 : i32
            %gather3A_348 = tpu.memref_slice %arg9[%while3A_195, %gather3A_346, %gather3A_347] : memref<2x32x768xf32, #tpu.memory_space<vmem>> -> memref<1x32x768xf32, #tpu.memory_space<vmem>>
            %gather3A_349 = tpu.memref_squeeze %gather3A_348 : memref<1x32x768xf32, #tpu.memory_space<vmem>> -> memref<32x768xf32, #tpu.memory_space<vmem>>
            %gather3A_350 = tpu.vector_load_idx %gather3A_349[%broadcast_in_dim3A_345, %select_n3A] masked %and3A_281 : memref<32x768xf32, #tpu.memory_space<vmem>>[vector<16xi32>, vector<16xi32>], vector<16xf32>, vector<16xi1>
            tpu.vector_store_idx %arg10[%add3A_287, %broadcast_in_dim3A_345], %gather3A_350 : memref<64x128xf32, #tpu.memory_space<vmem>>[vector<16xi32>, vector<16xi32>], vector<16xf32>,
            %broadcast_in_dim3A_351 = arith.constant 9 : i32
            %broadcast_in_dim3A_352 = vector.broadcast %broadcast_in_dim3A_351 : i32 to vector<16xi32>
            %gather3A_353 = arith.constant 0 : i32
            %gather3A_354 = arith.constant 0 : i32
            %gather3A_355 = tpu.memref_slice %arg9[%while3A_195, %gather3A_353, %gather3A_354] : memref<2x32x768xf32, #tpu.memory_space<vmem>> -> memref<1x32x768xf32, #tpu.memory_space<vmem>>
            %gather3A_356 = tpu.memref_squeeze %gather3A_355 : memref<1x32x768xf32, #tpu.memory_space<vmem>> -> memref<32x768xf32, #tpu.memory_space<vmem>>
            %gather3A_357 = tpu.vector_load_idx %gather3A_356[%broadcast_in_dim3A_352, %select_n3A] masked %and3A_281 : memref<32x768xf32, #tpu.memory_space<vmem>>[vector<16xi32>, vector<16xi32>], vector<16xf32>, vector<16xi1>
            tpu.vector_store_idx %arg10[%add3A_287, %broadcast_in_dim3A_352], %gather3A_357 : memref<64x128xf32, #tpu.memory_space<vmem>>[vector<16xi32>, vector<16xi32>], vector<16xf32>,
            %broadcast_in_dim3A_358 = arith.constant 10 : i32
            %broadcast_in_dim3A_359 = vector.broadcast %broadcast_in_dim3A_358 : i32 to vector<16xi32>
            %gather3A_360 = arith.constant 0 : i32
            %gather3A_361 = arith.constant 0 : i32
            %gather3A_362 = tpu.memref_slice %arg9[%while3A_195, %gather3A_360, %gather3A_361] : memref<2x32x768xf32, #tpu.memory_space<vmem>> -> memref<1x32x768xf32, #tpu.memory_space<vmem>>
            %gather3A_363 = tpu.memref_squeeze %gather3A_362 : memref<1x32x768xf32, #tpu.memory_space<vmem>> -> memref<32x768xf32, #tpu.memory_space<vmem>>
            %gather3A_364 = tpu.vector_load_idx %gather3A_363[%broadcast_in_dim3A_359, %select_n3A] masked %and3A_281 : memref<32x768xf32, #tpu.memory_space<vmem>>[vector<16xi32>, vector<16xi32>], vector<16xf32>, vector<16xi1>
            tpu.vector_store_idx %arg10[%add3A_287, %broadcast_in_dim3A_359], %gather3A_364 : memref<64x128xf32, #tpu.memory_space<vmem>>[vector<16xi32>, vector<16xi32>], vector<16xf32>,
            %broadcast_in_dim3A_365 = arith.constant 11 : i32
            %broadcast_in_dim3A_366 = vector.broadcast %broadcast_in_dim3A_365 : i32 to vector<16xi32>
            %gather3A_367 = arith.constant 0 : i32
            %gather3A_368 = arith.constant 0 : i32
            %gather3A_369 = tpu.memref_slice %arg9[%while3A_195, %gather3A_367, %gather3A_368] : memref<2x32x768xf32, #tpu.memory_space<vmem>> -> memref<1x32x768xf32, #tpu.memory_space<vmem>>
            %gather3A_370 = tpu.memref_squeeze %gather3A_369 : memref<1x32x768xf32, #tpu.memory_space<vmem>> -> memref<32x768xf32, #tpu.memory_space<vmem>>
            %gather3A_371 = tpu.vector_load_idx %gather3A_370[%broadcast_in_dim3A_366, %select_n3A] masked %and3A_281 : memref<32x768xf32, #tpu.memory_space<vmem>>[vector<16xi32>, vector<16xi32>], vector<16xf32>, vector<16xi1>
            tpu.vector_store_idx %arg10[%add3A_287, %broadcast_in_dim3A_366], %gather3A_371 : memref<64x128xf32, #tpu.memory_space<vmem>>[vector<16xi32>, vector<16xi32>], vector<16xf32>,
            %broadcast_in_dim3A_372 = arith.constant 12 : i32
            %broadcast_in_dim3A_373 = vector.broadcast %broadcast_in_dim3A_372 : i32 to vector<16xi32>
            %gather3A_374 = arith.constant 0 : i32
            %gather3A_375 = arith.constant 0 : i32
            %gather3A_376 = tpu.memref_slice %arg9[%while3A_195, %gather3A_374, %gather3A_375] : memref<2x32x768xf32, #tpu.memory_space<vmem>> -> memref<1x32x768xf32, #tpu.memory_space<vmem>>
            %gather3A_377 = tpu.memref_squeeze %gather3A_376 : memref<1x32x768xf32, #tpu.memory_space<vmem>> -> memref<32x768xf32, #tpu.memory_space<vmem>>
            %gather3A_378 = tpu.vector_load_idx %gather3A_377[%broadcast_in_dim3A_373, %select_n3A] masked %and3A_281 : memref<32x768xf32, #tpu.memory_space<vmem>>[vector<16xi32>, vector<16xi32>], vector<16xf32>, vector<16xi1>
            tpu.vector_store_idx %arg10[%add3A_287, %broadcast_in_dim3A_373], %gather3A_378 : memref<64x128xf32, #tpu.memory_space<vmem>>[vector<16xi32>, vector<16xi32>], vector<16xf32>,
            %broadcast_in_dim3A_379 = arith.constant 13 : i32
            %broadcast_in_dim3A_380 = vector.broadcast %broadcast_in_dim3A_379 : i32 to vector<16xi32>
            %gather3A_381 = arith.constant 0 : i32
            %gather3A_382 = arith.constant 0 : i32
            %gather3A_383 = tpu.memref_slice %arg9[%while3A_195, %gather3A_381, %gather3A_382] : memref<2x32x768xf32, #tpu.memory_space<vmem>> -> memref<1x32x768xf32, #tpu.memory_space<vmem>>
            %gather3A_384 = tpu.memref_squeeze %gather3A_383 : memref<1x32x768xf32, #tpu.memory_space<vmem>> -> memref<32x768xf32, #tpu.memory_space<vmem>>
            %gather3A_385 = tpu.vector_load_idx %gather3A_384[%broadcast_in_dim3A_380, %select_n3A] masked %and3A_281 : memref<32x768xf32, #tpu.memory_space<vmem>>[vector<16xi32>, vector<16xi32>], vector<16xf32>, vector<16xi1>
            tpu.vector_store_idx %arg10[%add3A_287, %broadcast_in_dim3A_380], %gather3A_385 : memref<64x128xf32, #tpu.memory_space<vmem>>[vector<16xi32>, vector<16xi32>], vector<16xf32>,
            %broadcast_in_dim3A_386 = arith.constant 14 : i32
            %broadcast_in_dim3A_387 = vector.broadcast %broadcast_in_dim3A_386 : i32 to vector<16xi32>
            %gather3A_388 = arith.constant 0 : i32
            %gather3A_389 = arith.constant 0 : i32
            %gather3A_390 = tpu.memref_slice %arg9[%while3A_195, %gather3A_388, %gather3A_389] : memref<2x32x768xf32, #tpu.memory_space<vmem>> -> memref<1x32x768xf32, #tpu.memory_space<vmem>>
            %gather3A_391 = tpu.memref_squeeze %gather3A_390 : memref<1x32x768xf32, #tpu.memory_space<vmem>> -> memref<32x768xf32, #tpu.memory_space<vmem>>
            %gather3A_392 = tpu.vector_load_idx %gather3A_391[%broadcast_in_dim3A_387, %select_n3A] masked %and3A_281 : memref<32x768xf32, #tpu.memory_space<vmem>>[vector<16xi32>, vector<16xi32>], vector<16xf32>, vector<16xi1>
            tpu.vector_store_idx %arg10[%add3A_287, %broadcast_in_dim3A_387], %gather3A_392 : memref<64x128xf32, #tpu.memory_space<vmem>>[vector<16xi32>, vector<16xi32>], vector<16xf32>,
            %broadcast_in_dim3A_393 = arith.constant 15 : i32
            %broadcast_in_dim3A_394 = vector.broadcast %broadcast_in_dim3A_393 : i32 to vector<16xi32>
            %gather3A_395 = arith.constant 0 : i32
            %gather3A_396 = arith.constant 0 : i32
            %gather3A_397 = tpu.memref_slice %arg9[%while3A_195, %gather3A_395, %gather3A_396] : memref<2x32x768xf32, #tpu.memory_space<vmem>> -> memref<1x32x768xf32, #tpu.memory_space<vmem>>
            %gather3A_398 = tpu.memref_squeeze %gather3A_397 : memref<1x32x768xf32, #tpu.memory_space<vmem>> -> memref<32x768xf32, #tpu.memory_space<vmem>>
            %gather3A_399 = tpu.vector_load_idx %gather3A_398[%broadcast_in_dim3A_394, %select_n3A] masked %and3A_281 : memref<32x768xf32, #tpu.memory_space<vmem>>[vector<16xi32>, vector<16xi32>], vector<16xf32>, vector<16xi1>
            tpu.vector_store_idx %arg10[%add3A_287, %broadcast_in_dim3A_394], %gather3A_399 : memref<64x128xf32, #tpu.memory_space<vmem>>[vector<16xi32>, vector<16xi32>], vector<16xf32>,
            %broadcast_in_dim3A_400 = arith.constant 16 : i32
            %broadcast_in_dim3A_401 = vector.broadcast %broadcast_in_dim3A_400 : i32 to vector<16xi32>
            %gather3A_402 = arith.constant 0 : i32
            %gather3A_403 = arith.constant 0 : i32
            %gather3A_404 = tpu.memref_slice %arg9[%while3A_195, %gather3A_402, %gather3A_403] : memref<2x32x768xf32, #tpu.memory_space<vmem>> -> memref<1x32x768xf32, #tpu.memory_space<vmem>>
            %gather3A_405 = tpu.memref_squeeze %gather3A_404 : memref<1x32x768xf32, #tpu.memory_space<vmem>> -> memref<32x768xf32, #tpu.memory_space<vmem>>
            %gather3A_406 = tpu.vector_load_idx %gather3A_405[%broadcast_in_dim3A_401, %select_n3A] masked %and3A_281 : memref<32x768xf32, #tpu.memory_space<vmem>>[vector<16xi32>, vector<16xi32>], vector<16xf32>, vector<16xi1>
            tpu.vector_store_idx %arg10[%add3A_287, %broadcast_in_dim3A_401], %gather3A_406 : memref<64x128xf32, #tpu.memory_space<vmem>>[vector<16xi32>, vector<16xi32>], vector<16xf32>,
            %broadcast_in_dim3A_407 = arith.constant 17 : i32
            %broadcast_in_dim3A_408 = vector.broadcast %broadcast_in_dim3A_407 : i32 to vector<16xi32>
            %gather3A_409 = arith.constant 0 : i32
            %gather3A_410 = arith.constant 0 : i32
            %gather3A_411 = tpu.memref_slice %arg9[%while3A_195, %gather3A_409, %gather3A_410] : memref<2x32x768xf32, #tpu.memory_space<vmem>> -> memref<1x32x768xf32, #tpu.memory_space<vmem>>
            %gather3A_412 = tpu.memref_squeeze %gather3A_411 : memref<1x32x768xf32, #tpu.memory_space<vmem>> -> memref<32x768xf32, #tpu.memory_space<vmem>>
            %gather3A_413 = tpu.vector_load_idx %gather3A_412[%broadcast_in_dim3A_408, %select_n3A] masked %and3A_281 : memref<32x768xf32, #tpu.memory_space<vmem>>[vector<16xi32>, vector<16xi32>], vector<16xf32>, vector<16xi1>
            tpu.vector_store_idx %arg10[%add3A_287, %broadcast_in_dim3A_408], %gather3A_413 : memref<64x128xf32, #tpu.memory_space<vmem>>[vector<16xi32>, vector<16xi32>], vector<16xf32>,
            %broadcast_in_dim3A_414 = arith.constant 18 : i32
            %broadcast_in_dim3A_415 = vector.broadcast %broadcast_in_dim3A_414 : i32 to vector<16xi32>
            %gather3A_416 = arith.constant 0 : i32
            %gather3A_417 = arith.constant 0 : i32
            %gather3A_418 = tpu.memref_slice %arg9[%while3A_195, %gather3A_416, %gather3A_417] : memref<2x32x768xf32, #tpu.memory_space<vmem>> -> memref<1x32x768xf32, #tpu.memory_space<vmem>>
            %gather3A_419 = tpu.memref_squeeze %gather3A_418 : memref<1x32x768xf32, #tpu.memory_space<vmem>> -> memref<32x768xf32, #tpu.memory_space<vmem>>
            %gather3A_420 = tpu.vector_load_idx %gather3A_419[%broadcast_in_dim3A_415, %select_n3A] masked %and3A_281 : memref<32x768xf32, #tpu.memory_space<vmem>>[vector<16xi32>, vector<16xi32>], vector<16xf32>, vector<16xi1>
            tpu.vector_store_idx %arg10[%add3A_287, %broadcast_in_dim3A_415], %gather3A_420 : memref<64x128xf32, #tpu.memory_space<vmem>>[vector<16xi32>, vector<16xi32>], vector<16xf32>,
            %broadcast_in_dim3A_421 = arith.constant 19 : i32
            %broadcast_in_dim3A_422 = vector.broadcast %broadcast_in_dim3A_421 : i32 to vector<16xi32>
            %gather3A_423 = arith.constant 0 : i32
            %gather3A_424 = arith.constant 0 : i32
            %gather3A_425 = tpu.memref_slice %arg9[%while3A_195, %gather3A_423, %gather3A_424] : memref<2x32x768xf32, #tpu.memory_space<vmem>> -> memref<1x32x768xf32, #tpu.memory_space<vmem>>
            %gather3A_426 = tpu.memref_squeeze %gather3A_425 : memref<1x32x768xf32, #tpu.memory_space<vmem>> -> memref<32x768xf32, #tpu.memory_space<vmem>>
            %gather3A_427 = tpu.vector_load_idx %gather3A_426[%broadcast_in_dim3A_422, %select_n3A] masked %and3A_281 : memref<32x768xf32, #tpu.memory_space<vmem>>[vector<16xi32>, vector<16xi32>], vector<16xf32>, vector<16xi1>
            tpu.vector_store_idx %arg10[%add3A_287, %broadcast_in_dim3A_422], %gather3A_427 : memref<64x128xf32, #tpu.memory_space<vmem>>[vector<16xi32>, vector<16xi32>], vector<16xf32>,
            %broadcast_in_dim3A_428 = arith.constant 20 : i32
            %broadcast_in_dim3A_429 = vector.broadcast %broadcast_in_dim3A_428 : i32 to vector<16xi32>
            %gather3A_430 = arith.constant 0 : i32
            %gather3A_431 = arith.constant 0 : i32
            %gather3A_432 = tpu.memref_slice %arg9[%while3A_195, %gather3A_430, %gather3A_431] : memref<2x32x768xf32, #tpu.memory_space<vmem>> -> memref<1x32x768xf32, #tpu.memory_space<vmem>>
            %gather3A_433 = tpu.memref_squeeze %gather3A_432 : memref<1x32x768xf32, #tpu.memory_space<vmem>> -> memref<32x768xf32, #tpu.memory_space<vmem>>
            %gather3A_434 = tpu.vector_load_idx %gather3A_433[%broadcast_in_dim3A_429, %select_n3A] masked %and3A_281 : memref<32x768xf32, #tpu.memory_space<vmem>>[vector<16xi32>, vector<16xi32>], vector<16xf32>, vector<16xi1>
            tpu.vector_store_idx %arg10[%add3A_287, %broadcast_in_dim3A_429], %gather3A_434 : memref<64x128xf32, #tpu.memory_space<vmem>>[vector<16xi32>, vector<16xi32>], vector<16xf32>,
            %broadcast_in_dim3A_435 = arith.constant 21 : i32
            %broadcast_in_dim3A_436 = vector.broadcast %broadcast_in_dim3A_435 : i32 to vector<16xi32>
            %gather3A_437 = arith.constant 0 : i32
            %gather3A_438 = arith.constant 0 : i32
            %gather3A_439 = tpu.memref_slice %arg9[%while3A_195, %gather3A_437, %gather3A_438] : memref<2x32x768xf32, #tpu.memory_space<vmem>> -> memref<1x32x768xf32, #tpu.memory_space<vmem>>
            %gather3A_440 = tpu.memref_squeeze %gather3A_439 : memref<1x32x768xf32, #tpu.memory_space<vmem>> -> memref<32x768xf32, #tpu.memory_space<vmem>>
            %gather3A_441 = tpu.vector_load_idx %gather3A_440[%broadcast_in_dim3A_436, %select_n3A] masked %and3A_281 : memref<32x768xf32, #tpu.memory_space<vmem>>[vector<16xi32>, vector<16xi32>], vector<16xf32>, vector<16xi1>
            tpu.vector_store_idx %arg10[%add3A_287, %broadcast_in_dim3A_436], %gather3A_441 : memref<64x128xf32, #tpu.memory_space<vmem>>[vector<16xi32>, vector<16xi32>], vector<16xf32>,
            %broadcast_in_dim3A_442 = arith.constant 22 : i32
            %broadcast_in_dim3A_443 = vector.broadcast %broadcast_in_dim3A_442 : i32 to vector<16xi32>
            %gather3A_444 = arith.constant 0 : i32
            %gather3A_445 = arith.constant 0 : i32
            %gather3A_446 = tpu.memref_slice %arg9[%while3A_195, %gather3A_444, %gather3A_445] : memref<2x32x768xf32, #tpu.memory_space<vmem>> -> memref<1x32x768xf32, #tpu.memory_space<vmem>>
            %gather3A_447 = tpu.memref_squeeze %gather3A_446 : memref<1x32x768xf32, #tpu.memory_space<vmem>> -> memref<32x768xf32, #tpu.memory_space<vmem>>
            %gather3A_448 = tpu.vector_load_idx %gather3A_447[%broadcast_in_dim3A_443, %select_n3A] masked %and3A_281 : memref<32x768xf32, #tpu.memory_space<vmem>>[vector<16xi32>, vector<16xi32>], vector<16xf32>, vector<16xi1>
            tpu.vector_store_idx %arg10[%add3A_287, %broadcast_in_dim3A_443], %gather3A_448 : memref<64x128xf32, #tpu.memory_space<vmem>>[vector<16xi32>, vector<16xi32>], vector<16xf32>,
            %broadcast_in_dim3A_449 = arith.constant 23 : i32
            %broadcast_in_dim3A_450 = vector.broadcast %broadcast_in_dim3A_449 : i32 to vector<16xi32>
            %gather3A_451 = arith.constant 0 : i32
            %gather3A_452 = arith.constant 0 : i32
            %gather3A_453 = tpu.memref_slice %arg9[%while3A_195, %gather3A_451, %gather3A_452] : memref<2x32x768xf32, #tpu.memory_space<vmem>> -> memref<1x32x768xf32, #tpu.memory_space<vmem>>
            %gather3A_454 = tpu.memref_squeeze %gather3A_453 : memref<1x32x768xf32, #tpu.memory_space<vmem>> -> memref<32x768xf32, #tpu.memory_space<vmem>>
            %gather3A_455 = tpu.vector_load_idx %gather3A_454[%broadcast_in_dim3A_450, %select_n3A] masked %and3A_281 : memref<32x768xf32, #tpu.memory_space<vmem>>[vector<16xi32>, vector<16xi32>], vector<16xf32>, vector<16xi1>
            tpu.vector_store_idx %arg10[%add3A_287, %broadcast_in_dim3A_450], %gather3A_455 : memref<64x128xf32, #tpu.memory_space<vmem>>[vector<16xi32>, vector<16xi32>], vector<16xf32>,
            %broadcast_in_dim3A_456 = arith.constant 24 : i32
            %broadcast_in_dim3A_457 = vector.broadcast %broadcast_in_dim3A_456 : i32 to vector<16xi32>
            %gather3A_458 = arith.constant 0 : i32
            %gather3A_459 = arith.constant 0 : i32
            %gather3A_460 = tpu.memref_slice %arg9[%while3A_195, %gather3A_458, %gather3A_459] : memref<2x32x768xf32, #tpu.memory_space<vmem>> -> memref<1x32x768xf32, #tpu.memory_space<vmem>>
            %gather3A_461 = tpu.memref_squeeze %gather3A_460 : memref<1x32x768xf32, #tpu.memory_space<vmem>> -> memref<32x768xf32, #tpu.memory_space<vmem>>
            %gather3A_462 = tpu.vector_load_idx %gather3A_461[%broadcast_in_dim3A_457, %select_n3A] masked %and3A_281 : memref<32x768xf32, #tpu.memory_space<vmem>>[vector<16xi32>, vector<16xi32>], vector<16xf32>, vector<16xi1>
            tpu.vector_store_idx %arg10[%add3A_287, %broadcast_in_dim3A_457], %gather3A_462 : memref<64x128xf32, #tpu.memory_space<vmem>>[vector<16xi32>, vector<16xi32>], vector<16xf32>,
            %broadcast_in_dim3A_463 = arith.constant 25 : i32
            %broadcast_in_dim3A_464 = vector.broadcast %broadcast_in_dim3A_463 : i32 to vector<16xi32>
            %gather3A_465 = arith.constant 0 : i32
            %gather3A_466 = arith.constant 0 : i32
            %gather3A_467 = tpu.memref_slice %arg9[%while3A_195, %gather3A_465, %gather3A_466] : memref<2x32x768xf32, #tpu.memory_space<vmem>> -> memref<1x32x768xf32, #tpu.memory_space<vmem>>
            %gather3A_468 = tpu.memref_squeeze %gather3A_467 : memref<1x32x768xf32, #tpu.memory_space<vmem>> -> memref<32x768xf32, #tpu.memory_space<vmem>>
            %gather3A_469 = tpu.vector_load_idx %gather3A_468[%broadcast_in_dim3A_464, %select_n3A] masked %and3A_281 : memref<32x768xf32, #tpu.memory_space<vmem>>[vector<16xi32>, vector<16xi32>], vector<16xf32>, vector<16xi1>
            tpu.vector_store_idx %arg10[%add3A_287, %broadcast_in_dim3A_464], %gather3A_469 : memref<64x128xf32, #tpu.memory_space<vmem>>[vector<16xi32>, vector<16xi32>], vector<16xf32>,
            %broadcast_in_dim3A_470 = arith.constant 26 : i32
            %broadcast_in_dim3A_471 = vector.broadcast %broadcast_in_dim3A_470 : i32 to vector<16xi32>
            %gather3A_472 = arith.constant 0 : i32
            %gather3A_473 = arith.constant 0 : i32
            %gather3A_474 = tpu.memref_slice %arg9[%while3A_195, %gather3A_472, %gather3A_473] : memref<2x32x768xf32, #tpu.memory_space<vmem>> -> memref<1x32x768xf32, #tpu.memory_space<vmem>>
            %gather3A_475 = tpu.memref_squeeze %gather3A_474 : memref<1x32x768xf32, #tpu.memory_space<vmem>> -> memref<32x768xf32, #tpu.memory_space<vmem>>
            %gather3A_476 = tpu.vector_load_idx %gather3A_475[%broadcast_in_dim3A_471, %select_n3A] masked %and3A_281 : memref<32x768xf32, #tpu.memory_space<vmem>>[vector<16xi32>, vector<16xi32>], vector<16xf32>, vector<16xi1>
            tpu.vector_store_idx %arg10[%add3A_287, %broadcast_in_dim3A_471], %gather3A_476 : memref<64x128xf32, #tpu.memory_space<vmem>>[vector<16xi32>, vector<16xi32>], vector<16xf32>,
            %broadcast_in_dim3A_477 = arith.constant 27 : i32
            %broadcast_in_dim3A_478 = vector.broadcast %broadcast_in_dim3A_477 : i32 to vector<16xi32>
            %gather3A_479 = arith.constant 0 : i32
            %gather3A_480 = arith.constant 0 : i32
            %gather3A_481 = tpu.memref_slice %arg9[%while3A_195, %gather3A_479, %gather3A_480] : memref<2x32x768xf32, #tpu.memory_space<vmem>> -> memref<1x32x768xf32, #tpu.memory_space<vmem>>
            %gather3A_482 = tpu.memref_squeeze %gather3A_481 : memref<1x32x768xf32, #tpu.memory_space<vmem>> -> memref<32x768xf32, #tpu.memory_space<vmem>>
            %gather3A_483 = tpu.vector_load_idx %gather3A_482[%broadcast_in_dim3A_478, %select_n3A] masked %and3A_281 : memref<32x768xf32, #tpu.memory_space<vmem>>[vector<16xi32>, vector<16xi32>], vector<16xf32>, vector<16xi1>
            tpu.vector_store_idx %arg10[%add3A_287, %broadcast_in_dim3A_478], %gather3A_483 : memref<64x128xf32, #tpu.memory_space<vmem>>[vector<16xi32>, vector<16xi32>], vector<16xf32>,
            %broadcast_in_dim3A_484 = arith.constant 28 : i32
            %broadcast_in_dim3A_485 = vector.broadcast %broadcast_in_dim3A_484 : i32 to vector<16xi32>
            %gather3A_486 = arith.constant 0 : i32
            %gather3A_487 = arith.constant 0 : i32
            %gather3A_488 = tpu.memref_slice %arg9[%while3A_195, %gather3A_486, %gather3A_487] : memref<2x32x768xf32, #tpu.memory_space<vmem>> -> memref<1x32x768xf32, #tpu.memory_space<vmem>>
            %gather3A_489 = tpu.memref_squeeze %gather3A_488 : memref<1x32x768xf32, #tpu.memory_space<vmem>> -> memref<32x768xf32, #tpu.memory_space<vmem>>
            %gather3A_490 = tpu.vector_load_idx %gather3A_489[%broadcast_in_dim3A_485, %select_n3A] masked %and3A_281 : memref<32x768xf32, #tpu.memory_space<vmem>>[vector<16xi32>, vector<16xi32>], vector<16xf32>, vector<16xi1>
            tpu.vector_store_idx %arg10[%add3A_287, %broadcast_in_dim3A_485], %gather3A_490 : memref<64x128xf32, #tpu.memory_space<vmem>>[vector<16xi32>, vector<16xi32>], vector<16xf32>,
            %broadcast_in_dim3A_491 = arith.constant 29 : i32
            %broadcast_in_dim3A_492 = vector.broadcast %broadcast_in_dim3A_491 : i32 to vector<16xi32>
            %gather3A_493 = arith.constant 0 : i32
            %gather3A_494 = arith.constant 0 : i32
            %gather3A_495 = tpu.memref_slice %arg9[%while3A_195, %gather3A_493, %gather3A_494] : memref<2x32x768xf32, #tpu.memory_space<vmem>> -> memref<1x32x768xf32, #tpu.memory_space<vmem>>
            %gather3A_496 = tpu.memref_squeeze %gather3A_495 : memref<1x32x768xf32, #tpu.memory_space<vmem>> -> memref<32x768xf32, #tpu.memory_space<vmem>>
            %gather3A_497 = tpu.vector_load_idx %gather3A_496[%broadcast_in_dim3A_492, %select_n3A] masked %and3A_281 : memref<32x768xf32, #tpu.memory_space<vmem>>[vector<16xi32>, vector<16xi32>], vector<16xf32>, vector<16xi1>
            tpu.vector_store_idx %arg10[%add3A_287, %broadcast_in_dim3A_492], %gather3A_497 : memref<64x128xf32, #tpu.memory_space<vmem>>[vector<16xi32>, vector<16xi32>], vector<16xf32>,
            %broadcast_in_dim3A_498 = arith.constant 30 : i32
            %broadcast_in_dim3A_499 = vector.broadcast %broadcast_in_dim3A_498 : i32 to vector<16xi32>
            %gather3A_500 = arith.constant 0 : i32
            %gather3A_501 = arith.constant 0 : i32
            %gather3A_502 = tpu.memref_slice %arg9[%while3A_195, %gather3A_500, %gather3A_501] : memref<2x32x768xf32, #tpu.memory_space<vmem>> -> memref<1x32x768xf32, #tpu.memory_space<vmem>>
            %gather3A_503 = tpu.memref_squeeze %gather3A_502 : memref<1x32x768xf32, #tpu.memory_space<vmem>> -> memref<32x768xf32, #tpu.memory_space<vmem>>
            %gather3A_504 = tpu.vector_load_idx %gather3A_503[%broadcast_in_dim3A_499, %select_n3A] masked %and3A_281 : memref<32x768xf32, #tpu.memory_space<vmem>>[vector<16xi32>, vector<16xi32>], vector<16xf32>, vector<16xi1>
            tpu.vector_store_idx %arg10[%add3A_287, %broadcast_in_dim3A_499], %gather3A_504 : memref<64x128xf32, #tpu.memory_space<vmem>>[vector<16xi32>, vector<16xi32>], vector<16xf32>,
            %broadcast_in_dim3A_505 = arith.constant 31 : i32
            %broadcast_in_dim3A_506 = vector.broadcast %broadcast_in_dim3A_505 : i32 to vector<16xi32>
            %gather3A_507 = arith.constant 0 : i32
            %gather3A_508 = arith.constant 0 : i32
            %gather3A_509 = tpu.memref_slice %arg9[%while3A_195, %gather3A_507, %gather3A_508] : memref<2x32x768xf32, #tpu.memory_space<vmem>> -> memref<1x32x768xf32, #tpu.memory_space<vmem>>
            %gather3A_510 = tpu.memref_squeeze %gather3A_509 : memref<1x32x768xf32, #tpu.memory_space<vmem>> -> memref<32x768xf32, #tpu.memory_space<vmem>>
            %gather3A_511 = tpu.vector_load_idx %gather3A_510[%broadcast_in_dim3A_506, %select_n3A] masked %and3A_281 : memref<32x768xf32, #tpu.memory_space<vmem>>[vector<16xi32>, vector<16xi32>], vector<16xf32>, vector<16xi1>
            tpu.vector_store_idx %arg10[%add3A_287, %broadcast_in_dim3A_506], %gather3A_511 : memref<64x128xf32, #tpu.memory_space<vmem>>[vector<16xi32>, vector<16xi32>], vector<16xf32>,
            %broadcast_in_dim3A_512 = arith.constant -1 : i32
            %broadcast_in_dim3A_513 = vector.broadcast %broadcast_in_dim3A_512 : i32 to vector<16xi32>
            %select_n3A_514 = arith.select %and3A_281, %and3A_272, %broadcast_in_dim3A_513 : vector<16xi1>, vector<16xi32>
            %mul3A_515 = arith.constant 16 : i32
            %mul3A_516 = arith.muli %while3A_259, %mul3A_515 : i32
            %swap3A_517 = arith.constant 0 : i32
            %swap3A_518 = arith.index_cast %swap3A_517 : i32 to index
            %swap3A_519 = arith.index_cast %mul3A_516 : i32 to index
            %swap3A_520 = tpu.vector_load %arg11[%swap3A_518, %swap3A_519] {strides = array<i32>} : memref<1x64xi32, #tpu.memory_space<vmem>>, vector<16xi32>,
            tpu.vector_store %arg11[%swap3A_518, %swap3A_519], %select_n3A_514 {strides = array<i32>} : memref<1x64xi32, #tpu.memory_space<vmem>>, vector<16xi32>,
            %while3A_521 = arith.constant 0 : i32
            scf.yield %while3A_521 : i32
          }
          %while3A_241 = arith.constant 1 : i32
          %while3A_242 = scf.for %while3A_259 = %while3A_238 to %while3A_234 step %while3A_241 iter_args(%while3A_260 = %while3A_240) -> (i32)  : i32 {
            %mul3A_261 = arith.constant 4 : i32
            %mul3A_262 = arith.muli %while3A_209, %mul3A_261 : i32
            %add3A_263 = arith.addi %mul3A_262, %while3A_259 : i32
            %mul3A_264 = arith.constant 16 : i32
            %mul3A_265 = arith.muli %add3A_263, %mul3A_264 : i32
            %get3A = arith.index_cast %mul3A_265 : i32 to index
            %get3A_266 = tpu.vector_load %arg8[%get3A] {strides = array<i32>} : memref<16400xi32, #tpu.memory_space<vmem>>, vector<16xi32>,
            %add3A_267 = vector.broadcast %mul3A_265 : i32 to vector<16xi32>
            %add3A_268 = arith.addi %add3A_267, %iota3A : vector<16xi32>
            %lt3A_269 = vector.broadcast %while3A_171 : i32 to vector<16xi32>
            %lt3A_270 = arith.cmpi slt, %add3A_268, %lt3A_269 : vector<16xi32>
            %and3A = arith.constant 16383 : i32
            %and3A_271 = vector.broadcast %and3A : i32 to vector<16xi32>
            %and3A_272 = arith.andi %get3A_266, %and3A_271 : vector<16xi32>
            %gather3A = tpu.vector_load_idx %arg6[%and3A_272] : memref<16384xi32, #tpu.memory_space<vmem>>[vector<16xi32>], vector<16xi32>,
            %sub3A_273 = vector.broadcast %mul3A_159 : i32 to vector<16xi32>
            %sub3A_274 = arith.subi %gather3A, %sub3A_273 : vector<16xi32>
            %ge3A = arith.constant 0 : i32
            %ge3A_275 = vector.broadcast %ge3A : i32 to vector<16xi32>
            %ge3A_276 = arith.cmpi sge, %sub3A_274, %ge3A_275 : vector<16xi32>
            %and3A_277 = arith.andi %lt3A_270, %ge3A_276 : vector<16xi1>
            %lt3A_278 = arith.constant 768 : i32
            %lt3A_279 = vector.broadcast %lt3A_278 : i32 to vector<16xi32>
            %lt3A_280 = arith.cmpi slt, %sub3A_274, %lt3A_279 : vector<16xi32>
            %and3A_281 = arith.andi %and3A_277, %lt3A_280 : vector<16xi1>
            %broadcast_in_dim3A_282 = arith.constant 0 : i32
            %broadcast_in_dim3A_283 = vector.broadcast %broadcast_in_dim3A_282 : i32 to vector<16xi32>
            %select_n3A = arith.select %and3A_281, %sub3A_274, %broadcast_in_dim3A_283 : vector<16xi1>, vector<16xi32>
            %mul3A_284 = arith.constant 16 : i32
            %mul3A_285 = arith.muli %while3A_259, %mul3A_284 : i32
            %add3A_286 = vector.broadcast %mul3A_285 : i32 to vector<16xi32>
            %add3A_287 = arith.addi %add3A_286, %iota3A : vector<16xi32>
            %broadcast_in_dim3A_288 = arith.constant 0 : i32
            %broadcast_in_dim3A_289 = vector.broadcast %broadcast_in_dim3A_288 : i32 to vector<16xi32>
            %gather3A_290 = arith.constant 0 : i32
            %gather3A_291 = arith.constant 0 : i32
            %gather3A_292 = tpu.memref_slice %arg9[%while3A_195, %gather3A_290, %gather3A_291] : memref<2x32x768xf32, #tpu.memory_space<vmem>> -> memref<1x32x768xf32, #tpu.memory_space<vmem>>
            %gather3A_293 = tpu.memref_squeeze %gather3A_292 : memref<1x32x768xf32, #tpu.memory_space<vmem>> -> memref<32x768xf32, #tpu.memory_space<vmem>>
            %gather3A_294 = tpu.vector_load_idx %gather3A_293[%broadcast_in_dim3A_289, %select_n3A] masked %and3A_281 : memref<32x768xf32, #tpu.memory_space<vmem>>[vector<16xi32>, vector<16xi32>], vector<16xf32>, vector<16xi1>
            tpu.vector_store_idx %arg10[%add3A_287, %broadcast_in_dim3A_289], %gather3A_294 : memref<64x128xf32, #tpu.memory_space<vmem>>[vector<16xi32>, vector<16xi32>], vector<16xf32>,
            %broadcast_in_dim3A_295 = arith.constant 1 : i32
            %broadcast_in_dim3A_296 = vector.broadcast %broadcast_in_dim3A_295 : i32 to vector<16xi32>
            %gather3A_297 = arith.constant 0 : i32
            %gather3A_298 = arith.constant 0 : i32
            %gather3A_299 = tpu.memref_slice %arg9[%while3A_195, %gather3A_297, %gather3A_298] : memref<2x32x768xf32, #tpu.memory_space<vmem>> -> memref<1x32x768xf32, #tpu.memory_space<vmem>>
            %gather3A_300 = tpu.memref_squeeze %gather3A_299 : memref<1x32x768xf32, #tpu.memory_space<vmem>> -> memref<32x768xf32, #tpu.memory_space<vmem>>
            %gather3A_301 = tpu.vector_load_idx %gather3A_300[%broadcast_in_dim3A_296, %select_n3A] masked %and3A_281 : memref<32x768xf32, #tpu.memory_space<vmem>>[vector<16xi32>, vector<16xi32>], vector<16xf32>, vector<16xi1>
            tpu.vector_store_idx %arg10[%add3A_287, %broadcast_in_dim3A_296], %gather3A_301 : memref<64x128xf32, #tpu.memory_space<vmem>>[vector<16xi32>, vector<16xi32>], vector<16xf32>,
            %broadcast_in_dim3A_302 = arith.constant 2 : i32
            %broadcast_in_dim3A_303 = vector.broadcast %broadcast_in_dim3A_302 : i32 to vector<16xi32>
            %gather3A_304 = arith.constant 0 : i32
            %gather3A_305 = arith.constant 0 : i32
            %gather3A_306 = tpu.memref_slice %arg9[%while3A_195, %gather3A_304, %gather3A_305] : memref<2x32x768xf32, #tpu.memory_space<vmem>> -> memref<1x32x768xf32, #tpu.memory_space<vmem>>
            %gather3A_307 = tpu.memref_squeeze %gather3A_306 : memref<1x32x768xf32, #tpu.memory_space<vmem>> -> memref<32x768xf32, #tpu.memory_space<vmem>>
            %gather3A_308 = tpu.vector_load_idx %gather3A_307[%broadcast_in_dim3A_303, %select_n3A] masked %and3A_281 : memref<32x768xf32, #tpu.memory_space<vmem>>[vector<16xi32>, vector<16xi32>], vector<16xf32>, vector<16xi1>
            tpu.vector_store_idx %arg10[%add3A_287, %broadcast_in_dim3A_303], %gather3A_308 : memref<64x128xf32, #tpu.memory_space<vmem>>[vector<16xi32>, vector<16xi32>], vector<16xf32>,
            %broadcast_in_dim3A_309 = arith.constant 3 : i32
            %broadcast_in_dim3A_310 = vector.broadcast %broadcast_in_dim3A_309 : i32 to vector<16xi32>
            %gather3A_311 = arith.constant 0 : i32
            %gather3A_312 = arith.constant 0 : i32
            %gather3A_313 = tpu.memref_slice %arg9[%while3A_195, %gather3A_311, %gather3A_312] : memref<2x32x768xf32, #tpu.memory_space<vmem>> -> memref<1x32x768xf32, #tpu.memory_space<vmem>>
            %gather3A_314 = tpu.memref_squeeze %gather3A_313 : memref<1x32x768xf32, #tpu.memory_space<vmem>> -> memref<32x768xf32, #tpu.memory_space<vmem>>
            %gather3A_315 = tpu.vector_load_idx %gather3A_314[%broadcast_in_dim3A_310, %select_n3A] masked %and3A_281 : memref<32x768xf32, #tpu.memory_space<vmem>>[vector<16xi32>, vector<16xi32>], vector<16xf32>, vector<16xi1>
            tpu.vector_store_idx %arg10[%add3A_287, %broadcast_in_dim3A_310], %gather3A_315 : memref<64x128xf32, #tpu.memory_space<vmem>>[vector<16xi32>, vector<16xi32>], vector<16xf32>,
            %broadcast_in_dim3A_316 = arith.constant 4 : i32
            %broadcast_in_dim3A_317 = vector.broadcast %broadcast_in_dim3A_316 : i32 to vector<16xi32>
            %gather3A_318 = arith.constant 0 : i32
            %gather3A_319 = arith.constant 0 : i32
            %gather3A_320 = tpu.memref_slice %arg9[%while3A_195, %gather3A_318, %gather3A_319] : memref<2x32x768xf32, #tpu.memory_space<vmem>> -> memref<1x32x768xf32, #tpu.memory_space<vmem>>
            %gather3A_321 = tpu.memref_squeeze %gather3A_320 : memref<1x32x768xf32, #tpu.memory_space<vmem>> -> memref<32x768xf32, #tpu.memory_space<vmem>>
            %gather3A_322 = tpu.vector_load_idx %gather3A_321[%broadcast_in_dim3A_317, %select_n3A] masked %and3A_281 : memref<32x768xf32, #tpu.memory_space<vmem>>[vector<16xi32>, vector<16xi32>], vector<16xf32>, vector<16xi1>
            tpu.vector_store_idx %arg10[%add3A_287, %broadcast_in_dim3A_317], %gather3A_322 : memref<64x128xf32, #tpu.memory_space<vmem>>[vector<16xi32>, vector<16xi32>], vector<16xf32>,
            %broadcast_in_dim3A_323 = arith.constant 5 : i32
            %broadcast_in_dim3A_324 = vector.broadcast %broadcast_in_dim3A_323 : i32 to vector<16xi32>
            %gather3A_325 = arith.constant 0 : i32
            %gather3A_326 = arith.constant 0 : i32
            %gather3A_327 = tpu.memref_slice %arg9[%while3A_195, %gather3A_325, %gather3A_326] : memref<2x32x768xf32, #tpu.memory_space<vmem>> -> memref<1x32x768xf32, #tpu.memory_space<vmem>>
            %gather3A_328 = tpu.memref_squeeze %gather3A_327 : memref<1x32x768xf32, #tpu.memory_space<vmem>> -> memref<32x768xf32, #tpu.memory_space<vmem>>
            %gather3A_329 = tpu.vector_load_idx %gather3A_328[%broadcast_in_dim3A_324, %select_n3A] masked %and3A_281 : memref<32x768xf32, #tpu.memory_space<vmem>>[vector<16xi32>, vector<16xi32>], vector<16xf32>, vector<16xi1>
            tpu.vector_store_idx %arg10[%add3A_287, %broadcast_in_dim3A_324], %gather3A_329 : memref<64x128xf32, #tpu.memory_space<vmem>>[vector<16xi32>, vector<16xi32>], vector<16xf32>,
            %broadcast_in_dim3A_330 = arith.constant 6 : i32
            %broadcast_in_dim3A_331 = vector.broadcast %broadcast_in_dim3A_330 : i32 to vector<16xi32>
            %gather3A_332 = arith.constant 0 : i32
            %gather3A_333 = arith.constant 0 : i32
            %gather3A_334 = tpu.memref_slice %arg9[%while3A_195, %gather3A_332, %gather3A_333] : memref<2x32x768xf32, #tpu.memory_space<vmem>> -> memref<1x32x768xf32, #tpu.memory_space<vmem>>
            %gather3A_335 = tpu.memref_squeeze %gather3A_334 : memref<1x32x768xf32, #tpu.memory_space<vmem>> -> memref<32x768xf32, #tpu.memory_space<vmem>>
            %gather3A_336 = tpu.vector_load_idx %gather3A_335[%broadcast_in_dim3A_331, %select_n3A] masked %and3A_281 : memref<32x768xf32, #tpu.memory_space<vmem>>[vector<16xi32>, vector<16xi32>], vector<16xf32>, vector<16xi1>
            tpu.vector_store_idx %arg10[%add3A_287, %broadcast_in_dim3A_331], %gather3A_336 : memref<64x128xf32, #tpu.memory_space<vmem>>[vector<16xi32>, vector<16xi32>], vector<16xf32>,
            %broadcast_in_dim3A_337 = arith.constant 7 : i32
            %broadcast_in_dim3A_338 = vector.broadcast %broadcast_in_dim3A_337 : i32 to vector<16xi32>
            %gather3A_339 = arith.constant 0 : i32
            %gather3A_340 = arith.constant 0 : i32
            %gather3A_341 = tpu.memref_slice %arg9[%while3A_195, %gather3A_339, %gather3A_340] : memref<2x32x768xf32, #tpu.memory_space<vmem>> -> memref<1x32x768xf32, #tpu.memory_space<vmem>>
            %gather3A_342 = tpu.memref_squeeze %gather3A_341 : memref<1x32x768xf32, #tpu.memory_space<vmem>> -> memref<32x768xf32, #tpu.memory_space<vmem>>
            %gather3A_343 = tpu.vector_load_idx %gather3A_342[%broadcast_in_dim3A_338, %select_n3A] masked %and3A_281 : memref<32x768xf32, #tpu.memory_space<vmem>>[vector<16xi32>, vector<16xi32>], vector<16xf32>, vector<16xi1>
            tpu.vector_store_idx %arg10[%add3A_287, %broadcast_in_dim3A_338], %gather3A_343 : memref<64x128xf32, #tpu.memory_space<vmem>>[vector<16xi32>, vector<16xi32>], vector<16xf32>,
            %broadcast_in_dim3A_344 = arith.constant 8 : i32
            %broadcast_in_dim3A_345 = vector.broadcast %broadcast_in_dim3A_344 : i32 to vector<16xi32>
            %gather3A_346 = arith.constant 0 : i32
            %gather3A_347 = arith.constant 0 : i32
            %gather3A_348 = tpu.memref_slice %arg9[%while3A_195, %gather3A_346, %gather3A_347] : memref<2x32x768xf32, #tpu.memory_space<vmem>> -> memref<1x32x768xf32, #tpu.memory_space<vmem>>
            %gather3A_349 = tpu.memref_squeeze %gather3A_348 : memref<1x32x768xf32, #tpu.memory_space<vmem>> -> memref<32x768xf32, #tpu.memory_space<vmem>>
            %gather3A_350 = tpu.vector_load_idx %gather3A_349[%broadcast_in_dim3A_345, %select_n3A] masked %and3A_281 : memref<32x768xf32, #tpu.memory_space<vmem>>[vector<16xi32>, vector<16xi32>], vector<16xf32>, vector<16xi1>
            tpu.vector_store_idx %arg10[%add3A_287, %broadcast_in_dim3A_345], %gather3A_350 : memref<64x128xf32, #tpu.memory_space<vmem>>[vector<16xi32>, vector<16xi32>], vector<16xf32>,
            %broadcast_in_dim3A_351 = arith.constant 9 : i32
            %broadcast_in_dim3A_352 = vector.broadcast %broadcast_in_dim3A_351 : i32 to vector<16xi32>
            %gather3A_353 = arith.constant 0 : i32
            %gather3A_354 = arith.constant 0 : i32
            %gather3A_355 = tpu.memref_slice %arg9[%while3A_195, %gather3A_353, %gather3A_354] : memref<2x32x768xf32, #tpu.memory_space<vmem>> -> memref<1x32x768xf32, #tpu.memory_space<vmem>>
            %gather3A_356 = tpu.memref_squeeze %gather3A_355 : memref<1x32x768xf32, #tpu.memory_space<vmem>> -> memref<32x768xf32, #tpu.memory_space<vmem>>
            %gather3A_357 = tpu.vector_load_idx %gather3A_356[%broadcast_in_dim3A_352, %select_n3A] masked %and3A_281 : memref<32x768xf32, #tpu.memory_space<vmem>>[vector<16xi32>, vector<16xi32>], vector<16xf32>, vector<16xi1>
            tpu.vector_store_idx %arg10[%add3A_287, %broadcast_in_dim3A_352], %gather3A_357 : memref<64x128xf32, #tpu.memory_space<vmem>>[vector<16xi32>, vector<16xi32>], vector<16xf32>,
            %broadcast_in_dim3A_358 = arith.constant 10 : i32
            %broadcast_in_dim3A_359 = vector.broadcast %broadcast_in_dim3A_358 : i32 to vector<16xi32>
            %gather3A_360 = arith.constant 0 : i32
            %gather3A_361 = arith.constant 0 : i32
            %gather3A_362 = tpu.memref_slice %arg9[%while3A_195, %gather3A_360, %gather3A_361] : memref<2x32x768xf32, #tpu.memory_space<vmem>> -> memref<1x32x768xf32, #tpu.memory_space<vmem>>
            %gather3A_363 = tpu.memref_squeeze %gather3A_362 : memref<1x32x768xf32, #tpu.memory_space<vmem>> -> memref<32x768xf32, #tpu.memory_space<vmem>>
            %gather3A_364 = tpu.vector_load_idx %gather3A_363[%broadcast_in_dim3A_359, %select_n3A] masked %and3A_281 : memref<32x768xf32, #tpu.memory_space<vmem>>[vector<16xi32>, vector<16xi32>], vector<16xf32>, vector<16xi1>
            tpu.vector_store_idx %arg10[%add3A_287, %broadcast_in_dim3A_359], %gather3A_364 : memref<64x128xf32, #tpu.memory_space<vmem>>[vector<16xi32>, vector<16xi32>], vector<16xf32>,
            %broadcast_in_dim3A_365 = arith.constant 11 : i32
            %broadcast_in_dim3A_366 = vector.broadcast %broadcast_in_dim3A_365 : i32 to vector<16xi32>
            %gather3A_367 = arith.constant 0 : i32
            %gather3A_368 = arith.constant 0 : i32
            %gather3A_369 = tpu.memref_slice %arg9[%while3A_195, %gather3A_367, %gather3A_368] : memref<2x32x768xf32, #tpu.memory_space<vmem>> -> memref<1x32x768xf32, #tpu.memory_space<vmem>>
            %gather3A_370 = tpu.memref_squeeze %gather3A_369 : memref<1x32x768xf32, #tpu.memory_space<vmem>> -> memref<32x768xf32, #tpu.memory_space<vmem>>
            %gather3A_371 = tpu.vector_load_idx %gather3A_370[%broadcast_in_dim3A_366, %select_n3A] masked %and3A_281 : memref<32x768xf32, #tpu.memory_space<vmem>>[vector<16xi32>, vector<16xi32>], vector<16xf32>, vector<16xi1>
            tpu.vector_store_idx %arg10[%add3A_287, %broadcast_in_dim3A_366], %gather3A_371 : memref<64x128xf32, #tpu.memory_space<vmem>>[vector<16xi32>, vector<16xi32>], vector<16xf32>,
            %broadcast_in_dim3A_372 = arith.constant 12 : i32
            %broadcast_in_dim3A_373 = vector.broadcast %broadcast_in_dim3A_372 : i32 to vector<16xi32>
            %gather3A_374 = arith.constant 0 : i32
            %gather3A_375 = arith.constant 0 : i32
            %gather3A_376 = tpu.memref_slice %arg9[%while3A_195, %gather3A_374, %gather3A_375] : memref<2x32x768xf32, #tpu.memory_space<vmem>> -> memref<1x32x768xf32, #tpu.memory_space<vmem>>
            %gather3A_377 = tpu.memref_squeeze %gather3A_376 : memref<1x32x768xf32, #tpu.memory_space<vmem>> -> memref<32x768xf32, #tpu.memory_space<vmem>>
            %gather3A_378 = tpu.vector_load_idx %gather3A_377[%broadcast_in_dim3A_373, %select_n3A] masked %and3A_281 : memref<32x768xf32, #tpu.memory_space<vmem>>[vector<16xi32>, vector<16xi32>], vector<16xf32>, vector<16xi1>
            tpu.vector_store_idx %arg10[%add3A_287, %broadcast_in_dim3A_373], %gather3A_378 : memref<64x128xf32, #tpu.memory_space<vmem>>[vector<16xi32>, vector<16xi32>], vector<16xf32>,
            %broadcast_in_dim3A_379 = arith.constant 13 : i32
            %broadcast_in_dim3A_380 = vector.broadcast %broadcast_in_dim3A_379 : i32 to vector<16xi32>
            %gather3A_381 = arith.constant 0 : i32
            %gather3A_382 = arith.constant 0 : i32
            %gather3A_383 = tpu.memref_slice %arg9[%while3A_195, %gather3A_381, %gather3A_382] : memref<2x32x768xf32, #tpu.memory_space<vmem>> -> memref<1x32x768xf32, #tpu.memory_space<vmem>>
            %gather3A_384 = tpu.memref_squeeze %gather3A_383 : memref<1x32x768xf32, #tpu.memory_space<vmem>> -> memref<32x768xf32, #tpu.memory_space<vmem>>
            %gather3A_385 = tpu.vector_load_idx %gather3A_384[%broadcast_in_dim3A_380, %select_n3A] masked %and3A_281 : memref<32x768xf32, #tpu.memory_space<vmem>>[vector<16xi32>, vector<16xi32>], vector<16xf32>, vector<16xi1>
            tpu.vector_store_idx %arg10[%add3A_287, %broadcast_in_dim3A_380], %gather3A_385 : memref<64x128xf32, #tpu.memory_space<vmem>>[vector<16xi32>, vector<16xi32>], vector<16xf32>,
            %broadcast_in_dim3A_386 = arith.constant 14 : i32
            %broadcast_in_dim3A_387 = vector.broadcast %broadcast_in_dim3A_386 : i32 to vector<16xi32>
            %gather3A_388 = arith.constant 0 : i32
            %gather3A_389 = arith.constant 0 : i32
            %gather3A_390 = tpu.memref_slice %arg9[%while3A_195, %gather3A_388, %gather3A_389] : memref<2x32x768xf32, #tpu.memory_space<vmem>> -> memref<1x32x768xf32, #tpu.memory_space<vmem>>
            %gather3A_391 = tpu.memref_squeeze %gather3A_390 : memref<1x32x768xf32, #tpu.memory_space<vmem>> -> memref<32x768xf32, #tpu.memory_space<vmem>>
            %gather3A_392 = tpu.vector_load_idx %gather3A_391[%broadcast_in_dim3A_387, %select_n3A] masked %and3A_281 : memref<32x768xf32, #tpu.memory_space<vmem>>[vector<16xi32>, vector<16xi32>], vector<16xf32>, vector<16xi1>
            tpu.vector_store_idx %arg10[%add3A_287, %broadcast_in_dim3A_387], %gather3A_392 : memref<64x128xf32, #tpu.memory_space<vmem>>[vector<16xi32>, vector<16xi32>], vector<16xf32>,
            %broadcast_in_dim3A_393 = arith.constant 15 : i32
            %broadcast_in_dim3A_394 = vector.broadcast %broadcast_in_dim3A_393 : i32 to vector<16xi32>
            %gather3A_395 = arith.constant 0 : i32
            %gather3A_396 = arith.constant 0 : i32
            %gather3A_397 = tpu.memref_slice %arg9[%while3A_195, %gather3A_395, %gather3A_396] : memref<2x32x768xf32, #tpu.memory_space<vmem>> -> memref<1x32x768xf32, #tpu.memory_space<vmem>>
            %gather3A_398 = tpu.memref_squeeze %gather3A_397 : memref<1x32x768xf32, #tpu.memory_space<vmem>> -> memref<32x768xf32, #tpu.memory_space<vmem>>
            %gather3A_399 = tpu.vector_load_idx %gather3A_398[%broadcast_in_dim3A_394, %select_n3A] masked %and3A_281 : memref<32x768xf32, #tpu.memory_space<vmem>>[vector<16xi32>, vector<16xi32>], vector<16xf32>, vector<16xi1>
            tpu.vector_store_idx %arg10[%add3A_287, %broadcast_in_dim3A_394], %gather3A_399 : memref<64x128xf32, #tpu.memory_space<vmem>>[vector<16xi32>, vector<16xi32>], vector<16xf32>,
            %broadcast_in_dim3A_400 = arith.constant 16 : i32
            %broadcast_in_dim3A_401 = vector.broadcast %broadcast_in_dim3A_400 : i32 to vector<16xi32>
            %gather3A_402 = arith.constant 0 : i32
            %gather3A_403 = arith.constant 0 : i32
            %gather3A_404 = tpu.memref_slice %arg9[%while3A_195, %gather3A_402, %gather3A_403] : memref<2x32x768xf32, #tpu.memory_space<vmem>> -> memref<1x32x768xf32, #tpu.memory_space<vmem>>
            %gather3A_405 = tpu.memref_squeeze %gather3A_404 : memref<1x32x768xf32, #tpu.memory_space<vmem>> -> memref<32x768xf32, #tpu.memory_space<vmem>>
            %gather3A_406 = tpu.vector_load_idx %gather3A_405[%broadcast_in_dim3A_401, %select_n3A] masked %and3A_281 : memref<32x768xf32, #tpu.memory_space<vmem>>[vector<16xi32>, vector<16xi32>], vector<16xf32>, vector<16xi1>
            tpu.vector_store_idx %arg10[%add3A_287, %broadcast_in_dim3A_401], %gather3A_406 : memref<64x128xf32, #tpu.memory_space<vmem>>[vector<16xi32>, vector<16xi32>], vector<16xf32>,
            %broadcast_in_dim3A_407 = arith.constant 17 : i32
            %broadcast_in_dim3A_408 = vector.broadcast %broadcast_in_dim3A_407 : i32 to vector<16xi32>
            %gather3A_409 = arith.constant 0 : i32
            %gather3A_410 = arith.constant 0 : i32
            %gather3A_411 = tpu.memref_slice %arg9[%while3A_195, %gather3A_409, %gather3A_410] : memref<2x32x768xf32, #tpu.memory_space<vmem>> -> memref<1x32x768xf32, #tpu.memory_space<vmem>>
            %gather3A_412 = tpu.memref_squeeze %gather3A_411 : memref<1x32x768xf32, #tpu.memory_space<vmem>> -> memref<32x768xf32, #tpu.memory_space<vmem>>
            %gather3A_413 = tpu.vector_load_idx %gather3A_412[%broadcast_in_dim3A_408, %select_n3A] masked %and3A_281 : memref<32x768xf32, #tpu.memory_space<vmem>>[vector<16xi32>, vector<16xi32>], vector<16xf32>, vector<16xi1>
            tpu.vector_store_idx %arg10[%add3A_287, %broadcast_in_dim3A_408], %gather3A_413 : memref<64x128xf32, #tpu.memory_space<vmem>>[vector<16xi32>, vector<16xi32>], vector<16xf32>,
            %broadcast_in_dim3A_414 = arith.constant 18 : i32
            %broadcast_in_dim3A_415 = vector.broadcast %broadcast_in_dim3A_414 : i32 to vector<16xi32>
            %gather3A_416 = arith.constant 0 : i32
            %gather3A_417 = arith.constant 0 : i32
            %gather3A_418 = tpu.memref_slice %arg9[%while3A_195, %gather3A_416, %gather3A_417] : memref<2x32x768xf32, #tpu.memory_space<vmem>> -> memref<1x32x768xf32, #tpu.memory_space<vmem>>
            %gather3A_419 = tpu.memref_squeeze %gather3A_418 : memref<1x32x768xf32, #tpu.memory_space<vmem>> -> memref<32x768xf32, #tpu.memory_space<vmem>>
            %gather3A_420 = tpu.vector_load_idx %gather3A_419[%broadcast_in_dim3A_415, %select_n3A] masked %and3A_281 : memref<32x768xf32, #tpu.memory_space<vmem>>[vector<16xi32>, vector<16xi32>], vector<16xf32>, vector<16xi1>
            tpu.vector_store_idx %arg10[%add3A_287, %broadcast_in_dim3A_415], %gather3A_420 : memref<64x128xf32, #tpu.memory_space<vmem>>[vector<16xi32>, vector<16xi32>], vector<16xf32>,
            %broadcast_in_dim3A_421 = arith.constant 19 : i32
            %broadcast_in_dim3A_422 = vector.broadcast %broadcast_in_dim3A_421 : i32 to vector<16xi32>
            %gather3A_423 = arith.constant 0 : i32
            %gather3A_424 = arith.constant 0 : i32
            %gather3A_425 = tpu.memref_slice %arg9[%while3A_195, %gather3A_423, %gather3A_424] : memref<2x32x768xf32, #tpu.memory_space<vmem>> -> memref<1x32x768xf32, #tpu.memory_space<vmem>>
            %gather3A_426 = tpu.memref_squeeze %gather3A_425 : memref<1x32x768xf32, #tpu.memory_space<vmem>> -> memref<32x768xf32, #tpu.memory_space<vmem>>
            %gather3A_427 = tpu.vector_load_idx %gather3A_426[%broadcast_in_dim3A_422, %select_n3A] masked %and3A_281 : memref<32x768xf32, #tpu.memory_space<vmem>>[vector<16xi32>, vector<16xi32>], vector<16xf32>, vector<16xi1>
            tpu.vector_store_idx %arg10[%add3A_287, %broadcast_in_dim3A_422], %gather3A_427 : memref<64x128xf32, #tpu.memory_space<vmem>>[vector<16xi32>, vector<16xi32>], vector<16xf32>,
            %broadcast_in_dim3A_428 = arith.constant 20 : i32
            %broadcast_in_dim3A_429 = vector.broadcast %broadcast_in_dim3A_428 : i32 to vector<16xi32>
            %gather3A_430 = arith.constant 0 : i32
            %gather3A_431 = arith.constant 0 : i32
            %gather3A_432 = tpu.memref_slice %arg9[%while3A_195, %gather3A_430, %gather3A_431] : memref<2x32x768xf32, #tpu.memory_space<vmem>> -> memref<1x32x768xf32, #tpu.memory_space<vmem>>
            %gather3A_433 = tpu.memref_squeeze %gather3A_432 : memref<1x32x768xf32, #tpu.memory_space<vmem>> -> memref<32x768xf32, #tpu.memory_space<vmem>>
            %gather3A_434 = tpu.vector_load_idx %gather3A_433[%broadcast_in_dim3A_429, %select_n3A] masked %and3A_281 : memref<32x768xf32, #tpu.memory_space<vmem>>[vector<16xi32>, vector<16xi32>], vector<16xf32>, vector<16xi1>
            tpu.vector_store_idx %arg10[%add3A_287, %broadcast_in_dim3A_429], %gather3A_434 : memref<64x128xf32, #tpu.memory_space<vmem>>[vector<16xi32>, vector<16xi32>], vector<16xf32>,
            %broadcast_in_dim3A_435 = arith.constant 21 : i32
            %broadcast_in_dim3A_436 = vector.broadcast %broadcast_in_dim3A_435 : i32 to vector<16xi32>
            %gather3A_437 = arith.constant 0 : i32
            %gather3A_438 = arith.constant 0 : i32
            %gather3A_439 = tpu.memref_slice %arg9[%while3A_195, %gather3A_437, %gather3A_438] : memref<2x32x768xf32, #tpu.memory_space<vmem>> -> memref<1x32x768xf32, #tpu.memory_space<vmem>>
            %gather3A_440 = tpu.memref_squeeze %gather3A_439 : memref<1x32x768xf32, #tpu.memory_space<vmem>> -> memref<32x768xf32, #tpu.memory_space<vmem>>
            %gather3A_441 = tpu.vector_load_idx %gather3A_440[%broadcast_in_dim3A_436, %select_n3A] masked %and3A_281 : memref<32x768xf32, #tpu.memory_space<vmem>>[vector<16xi32>, vector<16xi32>], vector<16xf32>, vector<16xi1>
            tpu.vector_store_idx %arg10[%add3A_287, %broadcast_in_dim3A_436], %gather3A_441 : memref<64x128xf32, #tpu.memory_space<vmem>>[vector<16xi32>, vector<16xi32>], vector<16xf32>,
            %broadcast_in_dim3A_442 = arith.constant 22 : i32
            %broadcast_in_dim3A_443 = vector.broadcast %broadcast_in_dim3A_442 : i32 to vector<16xi32>
            %gather3A_444 = arith.constant 0 : i32
            %gather3A_445 = arith.constant 0 : i32
            %gather3A_446 = tpu.memref_slice %arg9[%while3A_195, %gather3A_444, %gather3A_445] : memref<2x32x768xf32, #tpu.memory_space<vmem>> -> memref<1x32x768xf32, #tpu.memory_space<vmem>>
            %gather3A_447 = tpu.memref_squeeze %gather3A_446 : memref<1x32x768xf32, #tpu.memory_space<vmem>> -> memref<32x768xf32, #tpu.memory_space<vmem>>
            %gather3A_448 = tpu.vector_load_idx %gather3A_447[%broadcast_in_dim3A_443, %select_n3A] masked %and3A_281 : memref<32x768xf32, #tpu.memory_space<vmem>>[vector<16xi32>, vector<16xi32>], vector<16xf32>, vector<16xi1>
            tpu.vector_store_idx %arg10[%add3A_287, %broadcast_in_dim3A_443], %gather3A_448 : memref<64x128xf32, #tpu.memory_space<vmem>>[vector<16xi32>, vector<16xi32>], vector<16xf32>,
            %broadcast_in_dim3A_449 = arith.constant 23 : i32
            %broadcast_in_dim3A_450 = vector.broadcast %broadcast_in_dim3A_449 : i32 to vector<16xi32>
            %gather3A_451 = arith.constant 0 : i32
            %gather3A_452 = arith.constant 0 : i32
            %gather3A_453 = tpu.memref_slice %arg9[%while3A_195, %gather3A_451, %gather3A_452] : memref<2x32x768xf32, #tpu.memory_space<vmem>> -> memref<1x32x768xf32, #tpu.memory_space<vmem>>
            %gather3A_454 = tpu.memref_squeeze %gather3A_453 : memref<1x32x768xf32, #tpu.memory_space<vmem>> -> memref<32x768xf32, #tpu.memory_space<vmem>>
            %gather3A_455 = tpu.vector_load_idx %gather3A_454[%broadcast_in_dim3A_450, %select_n3A] masked %and3A_281 : memref<32x768xf32, #tpu.memory_space<vmem>>[vector<16xi32>, vector<16xi32>], vector<16xf32>, vector<16xi1>
            tpu.vector_store_idx %arg10[%add3A_287, %broadcast_in_dim3A_450], %gather3A_455 : memref<64x128xf32, #tpu.memory_space<vmem>>[vector<16xi32>, vector<16xi32>], vector<16xf32>,
            %broadcast_in_dim3A_456 = arith.constant 24 : i32
            %broadcast_in_dim3A_457 = vector.broadcast %broadcast_in_dim3A_456 : i32 to vector<16xi32>
            %gather3A_458 = arith.constant 0 : i32
            %gather3A_459 = arith.constant 0 : i32
            %gather3A_460 = tpu.memref_slice %arg9[%while3A_195, %gather3A_458, %gather3A_459] : memref<2x32x768xf32, #tpu.memory_space<vmem>> -> memref<1x32x768xf32, #tpu.memory_space<vmem>>
            %gather3A_461 = tpu.memref_squeeze %gather3A_460 : memref<1x32x768xf32, #tpu.memory_space<vmem>> -> memref<32x768xf32, #tpu.memory_space<vmem>>
            %gather3A_462 = tpu.vector_load_idx %gather3A_461[%broadcast_in_dim3A_457, %select_n3A] masked %and3A_281 : memref<32x768xf32, #tpu.memory_space<vmem>>[vector<16xi32>, vector<16xi32>], vector<16xf32>, vector<16xi1>
            tpu.vector_store_idx %arg10[%add3A_287, %broadcast_in_dim3A_457], %gather3A_462 : memref<64x128xf32, #tpu.memory_space<vmem>>[vector<16xi32>, vector<16xi32>], vector<16xf32>,
            %broadcast_in_dim3A_463 = arith.constant 25 : i32
            %broadcast_in_dim3A_464 = vector.broadcast %broadcast_in_dim3A_463 : i32 to vector<16xi32>
            %gather3A_465 = arith.constant 0 : i32
            %gather3A_466 = arith.constant 0 : i32
            %gather3A_467 = tpu.memref_slice %arg9[%while3A_195, %gather3A_465, %gather3A_466] : memref<2x32x768xf32, #tpu.memory_space<vmem>> -> memref<1x32x768xf32, #tpu.memory_space<vmem>>
            %gather3A_468 = tpu.memref_squeeze %gather3A_467 : memref<1x32x768xf32, #tpu.memory_space<vmem>> -> memref<32x768xf32, #tpu.memory_space<vmem>>
            %gather3A_469 = tpu.vector_load_idx %gather3A_468[%broadcast_in_dim3A_464, %select_n3A] masked %and3A_281 : memref<32x768xf32, #tpu.memory_space<vmem>>[vector<16xi32>, vector<16xi32>], vector<16xf32>, vector<16xi1>
            tpu.vector_store_idx %arg10[%add3A_287, %broadcast_in_dim3A_464], %gather3A_469 : memref<64x128xf32, #tpu.memory_space<vmem>>[vector<16xi32>, vector<16xi32>], vector<16xf32>,
            %broadcast_in_dim3A_470 = arith.constant 26 : i32
            %broadcast_in_dim3A_471 = vector.broadcast %broadcast_in_dim3A_470 : i32 to vector<16xi32>
            %gather3A_472 = arith.constant 0 : i32
            %gather3A_473 = arith.constant 0 : i32
            %gather3A_474 = tpu.memref_slice %arg9[%while3A_195, %gather3A_472, %gather3A_473] : memref<2x32x768xf32, #tpu.memory_space<vmem>> -> memref<1x32x768xf32, #tpu.memory_space<vmem>>
            %gather3A_475 = tpu.memref_squeeze %gather3A_474 : memref<1x32x768xf32, #tpu.memory_space<vmem>> -> memref<32x768xf32, #tpu.memory_space<vmem>>
            %gather3A_476 = tpu.vector_load_idx %gather3A_475[%broadcast_in_dim3A_471, %select_n3A] masked %and3A_281 : memref<32x768xf32, #tpu.memory_space<vmem>>[vector<16xi32>, vector<16xi32>], vector<16xf32>, vector<16xi1>
            tpu.vector_store_idx %arg10[%add3A_287, %broadcast_in_dim3A_471], %gather3A_476 : memref<64x128xf32, #tpu.memory_space<vmem>>[vector<16xi32>, vector<16xi32>], vector<16xf32>,
            %broadcast_in_dim3A_477 = arith.constant 27 : i32
            %broadcast_in_dim3A_478 = vector.broadcast %broadcast_in_dim3A_477 : i32 to vector<16xi32>
            %gather3A_479 = arith.constant 0 : i32
            %gather3A_480 = arith.constant 0 : i32
            %gather3A_481 = tpu.memref_slice %arg9[%while3A_195, %gather3A_479, %gather3A_480] : memref<2x32x768xf32, #tpu.memory_space<vmem>> -> memref<1x32x768xf32, #tpu.memory_space<vmem>>
            %gather3A_482 = tpu.memref_squeeze %gather3A_481 : memref<1x32x768xf32, #tpu.memory_space<vmem>> -> memref<32x768xf32, #tpu.memory_space<vmem>>
            %gather3A_483 = tpu.vector_load_idx %gather3A_482[%broadcast_in_dim3A_478, %select_n3A] masked %and3A_281 : memref<32x768xf32, #tpu.memory_space<vmem>>[vector<16xi32>, vector<16xi32>], vector<16xf32>, vector<16xi1>
            tpu.vector_store_idx %arg10[%add3A_287, %broadcast_in_dim3A_478], %gather3A_483 : memref<64x128xf32, #tpu.memory_space<vmem>>[vector<16xi32>, vector<16xi32>], vector<16xf32>,
            %broadcast_in_dim3A_484 = arith.constant 28 : i32
            %broadcast_in_dim3A_485 = vector.broadcast %broadcast_in_dim3A_484 : i32 to vector<16xi32>
            %gather3A_486 = arith.constant 0 : i32
            %gather3A_487 = arith.constant 0 : i32
            %gather3A_488 = tpu.memref_slice %arg9[%while3A_195, %gather3A_486, %gather3A_487] : memref<2x32x768xf32, #tpu.memory_space<vmem>> -> memref<1x32x768xf32, #tpu.memory_space<vmem>>
            %gather3A_489 = tpu.memref_squeeze %gather3A_488 : memref<1x32x768xf32, #tpu.memory_space<vmem>> -> memref<32x768xf32, #tpu.memory_space<vmem>>
            %gather3A_490 = tpu.vector_load_idx %gather3A_489[%broadcast_in_dim3A_485, %select_n3A] masked %and3A_281 : memref<32x768xf32, #tpu.memory_space<vmem>>[vector<16xi32>, vector<16xi32>], vector<16xf32>, vector<16xi1>
            tpu.vector_store_idx %arg10[%add3A_287, %broadcast_in_dim3A_485], %gather3A_490 : memref<64x128xf32, #tpu.memory_space<vmem>>[vector<16xi32>, vector<16xi32>], vector<16xf32>,
            %broadcast_in_dim3A_491 = arith.constant 29 : i32
            %broadcast_in_dim3A_492 = vector.broadcast %broadcast_in_dim3A_491 : i32 to vector<16xi32>
            %gather3A_493 = arith.constant 0 : i32
            %gather3A_494 = arith.constant 0 : i32
            %gather3A_495 = tpu.memref_slice %arg9[%while3A_195, %gather3A_493, %gather3A_494] : memref<2x32x768xf32, #tpu.memory_space<vmem>> -> memref<1x32x768xf32, #tpu.memory_space<vmem>>
            %gather3A_496 = tpu.memref_squeeze %gather3A_495 : memref<1x32x768xf32, #tpu.memory_space<vmem>> -> memref<32x768xf32, #tpu.memory_space<vmem>>
            %gather3A_497 = tpu.vector_load_idx %gather3A_496[%broadcast_in_dim3A_492, %select_n3A] masked %and3A_281 : memref<32x768xf32, #tpu.memory_space<vmem>>[vector<16xi32>, vector<16xi32>], vector<16xf32>, vector<16xi1>
            tpu.vector_store_idx %arg10[%add3A_287, %broadcast_in_dim3A_492], %gather3A_497 : memref<64x128xf32, #tpu.memory_space<vmem>>[vector<16xi32>, vector<16xi32>], vector<16xf32>,
            %broadcast_in_dim3A_498 = arith.constant 30 : i32
            %broadcast_in_dim3A_499 = vector.broadcast %broadcast_in_dim3A_498 : i32 to vector<16xi32>
            %gather3A_500 = arith.constant 0 : i32
            %gather3A_501 = arith.constant 0 : i32
            %gather3A_502 = tpu.memref_slice %arg9[%while3A_195, %gather3A_500, %gather3A_501] : memref<2x32x768xf32, #tpu.memory_space<vmem>> -> memref<1x32x768xf32, #tpu.memory_space<vmem>>
            %gather3A_503 = tpu.memref_squeeze %gather3A_502 : memref<1x32x768xf32, #tpu.memory_space<vmem>> -> memref<32x768xf32, #tpu.memory_space<vmem>>
            %gather3A_504 = tpu.vector_load_idx %gather3A_503[%broadcast_in_dim3A_499, %select_n3A] masked %and3A_281 : memref<32x768xf32, #tpu.memory_space<vmem>>[vector<16xi32>, vector<16xi32>], vector<16xf32>, vector<16xi1>
            tpu.vector_store_idx %arg10[%add3A_287, %broadcast_in_dim3A_499], %gather3A_504 : memref<64x128xf32, #tpu.memory_space<vmem>>[vector<16xi32>, vector<16xi32>], vector<16xf32>,
            %broadcast_in_dim3A_505 = arith.constant 31 : i32
            %broadcast_in_dim3A_506 = vector.broadcast %broadcast_in_dim3A_505 : i32 to vector<16xi32>
            %gather3A_507 = arith.constant 0 : i32
            %gather3A_508 = arith.constant 0 : i32
            %gather3A_509 = tpu.memref_slice %arg9[%while3A_195, %gather3A_507, %gather3A_508] : memref<2x32x768xf32, #tpu.memory_space<vmem>> -> memref<1x32x768xf32, #tpu.memory_space<vmem>>
            %gather3A_510 = tpu.memref_squeeze %gather3A_509 : memref<1x32x768xf32, #tpu.memory_space<vmem>> -> memref<32x768xf32, #tpu.memory_space<vmem>>
            %gather3A_511 = tpu.vector_load_idx %gather3A_510[%broadcast_in_dim3A_506, %select_n3A] masked %and3A_281 : memref<32x768xf32, #tpu.memory_space<vmem>>[vector<16xi32>, vector<16xi32>], vector<16xf32>, vector<16xi1>
            tpu.vector_store_idx %arg10[%add3A_287, %broadcast_in_dim3A_506], %gather3A_511 : memref<64x128xf32, #tpu.memory_space<vmem>>[vector<16xi32>, vector<16xi32>], vector<16xf32>,
            %broadcast_in_dim3A_512 = arith.constant -1 : i32
            %broadcast_in_dim3A_513 = vector.broadcast %broadcast_in_dim3A_512 : i32 to vector<16xi32>
            %select_n3A_514 = arith.select %and3A_281, %and3A_272, %broadcast_in_dim3A_513 : vector<16xi1>, vector<16xi32>
            %mul3A_515 = arith.constant 16 : i32
            %mul3A_516 = arith.muli %while3A_259, %mul3A_515 : i32
            %swap3A_517 = arith.constant 0 : i32
            %swap3A_518 = arith.index_cast %swap3A_517 : i32 to index
            %swap3A_519 = arith.index_cast %mul3A_516 : i32 to index
            %swap3A_520 = tpu.vector_load %arg11[%swap3A_518, %swap3A_519] {strides = array<i32>} : memref<1x64xi32, #tpu.memory_space<vmem>>, vector<16xi32>,
            tpu.vector_store %arg11[%swap3A_518, %swap3A_519], %select_n3A_514 {strides = array<i32>} : memref<1x64xi32, #tpu.memory_space<vmem>>, vector<16xi32>,
            %while3A_521 = arith.constant 0 : i32
            scf.yield %while3A_521 : i32
          }
          %dma_start3A_243 = arith.constant 0 : i32
          %dma_start3A_244 = arith.constant 0 : i32
          %dma_start3A_245 = tpu.memref_slice %arg11[%dma_start3A_243, %dma_start3A_244] : memref<1x64xi32, #tpu.memory_space<vmem>> -> memref<1x64xi32, #tpu.memory_space<vmem>>
          %dma_start3A_246 = tpu.memref_squeeze %dma_start3A_245 : memref<1x64xi32, #tpu.memory_space<vmem>> -> memref<64xi32, #tpu.memory_space<vmem>>
          %dma_start3A_247 = arith.constant 0 : i32
          %dma_start3A_248 = arith.constant 0 : i32
          %dma_start3A_249 = tpu.memref_slice %arg5[%dma_start3A_247, %dma_start3A_248] : memref<16384x128xf32, #tpu.memory_space<hbm>> -> memref<16384x128xf32, #tpu.memory_space<hbm>>
          %dma_start3A_250 = arith.constant -1 : i32
          tpu.enqueue_indirect_dma source(%arg10 : memref<64x128xf32, #tpu.memory_space<vmem>>) target(%dma_start3A_249 : memref<16384x128xf32, #tpu.memory_space<hbm>>) offsets(%dma_start3A_246 : memref<64xi32, #tpu.memory_space<vmem>>) offset_filter(%dma_start3A_250) semaphore(%arg15 : memref<!tpu.dma_semaphore, #tpu.memory_space<semaphore_mem>>)
          %dma_wait3A_251 = arith.constant 0 : i32
          %dma_wait3A_252 = arith.constant 0 : i32
          %dma_wait3A_253 = tpu.memref_slice %arg11[%dma_wait3A_251, %dma_wait3A_252] : memref<1x64xi32, #tpu.memory_space<vmem>> -> memref<1x64xi32, #tpu.memory_space<vmem>>
          %dma_wait3A_254 = tpu.memref_squeeze %dma_wait3A_253 : memref<1x64xi32, #tpu.memory_space<vmem>> -> memref<64xi32, #tpu.memory_space<vmem>>
          %dma_wait3A_255 = arith.constant 0 : i32
          %dma_wait3A_256 = arith.constant 0 : i32
          %dma_wait3A_257 = tpu.memref_slice %arg5[%dma_wait3A_255, %dma_wait3A_256] : memref<16384x128xf32, #tpu.memory_space<hbm>> -> memref<16384x128xf32, #tpu.memory_space<hbm>>
          tpu.wait_indirect_dma semaphore(%arg15 : memref<!tpu.dma_semaphore, #tpu.memory_space<semaphore_mem>>) src(%arg10 : memref<64x128xf32, #tpu.memory_space<vmem>>) dst(%dma_wait3A_257 : memref<16384x128xf32, #tpu.memory_space<hbm>>)
          %while3A_258 = arith.constant 0 : i32
          scf.yield %while3A_258 : i32
        }
        %scan3A_208 = arith.constant 0 : i32
        scf.yield %scan3A_208 : i32
      }
      %scan3A_27 = arith.constant 22 : i32
      %dma_wait3A = arith.constant 0 : i32
      %dma_wait3A_28 = arith.constant 0 : i32
      %dma_wait3A_29 = arith.constant 0 : i32
      %dma_wait3A_30 = tpu.memref_slice %arg9[%dma_wait3A, %dma_wait3A_28, %dma_wait3A_29] : memref<2x32x768xf32, #tpu.memory_space<vmem>> -> memref<1x32x768xf32, #tpu.memory_space<vmem>>
      %dma_wait3A_31 = tpu.memref_squeeze %dma_wait3A_30 : memref<1x32x768xf32, #tpu.memory_space<vmem>> -> memref<32x768xf32, #tpu.memory_space<vmem>>
      %dma_wait3A_32 = arith.constant 0 : i32
      %dma_wait3A_33 = arith.constant 0 : i32
      %dma_wait3A_34 = tpu.memref_slice %arg2[%dma_wait3A_32, %dma_wait3A_33] : memref<32x1000000xf32, #tpu.memory_space<hbm>> -> memref<32x768xf32, #tpu.memory_space<hbm>>
      %dma_wait3A_35 = arith.constant 0 : i32
      %dma_wait3A_36 = arith.constant 0 : i32
      %dma_wait3A_37 = tpu.memref_slice %arg9[%dma_wait3A, %dma_wait3A_35, %dma_wait3A_36] : memref<2x32x768xf32, #tpu.memory_space<vmem>> -> memref<1x32x768xf32, #tpu.memory_space<vmem>>
      %dma_wait3A_38 = tpu.memref_squeeze %dma_wait3A_37 : memref<1x32x768xf32, #tpu.memory_space<vmem>> -> memref<32x768xf32, #tpu.memory_space<vmem>>
      %dma_wait3A_39 = arith.constant 0 : i32
      %dma_wait3A_40 = arith.constant 0 : i32
      %dma_wait3A_41 = tpu.memref_slice %arg2[%dma_wait3A_39, %dma_wait3A_40] : memref<32x1000000xf32, #tpu.memory_space<hbm>> -> memref<32x768xf32, #tpu.memory_space<hbm>>
      tpu.wait_dma2 semaphore(%arg13 : memref<!tpu.dma_semaphore, #tpu.memory_space<semaphore_mem>>) src(%dma_wait3A_41 : memref<32x768xf32, #tpu.memory_space<hbm>>) dst(%dma_wait3A_38 : memref<32x768xf32, #tpu.memory_space<vmem>>)
    } else {
    }
    %eq3A = arith.constant 30 : i32
    %eq3A_17 = arith.cmpi eq, %add3A, %eq3A : i32
    %convert_element_type3A_18 = arith.extui %eq3A_17 : i1 to i32
    %cond3A_19 = arith.constant 0 : i32
    %cond3A_20 = arith.cmpi ne, %convert_element_type3A_18, %cond3A_19 : i32
    scf.if %cond3A_20 {
      "tpu.region"() ({
        %run_scoped3A = tpu.sem_alloc : memref<!tpu.dma_semaphore, #tpu.memory_space<semaphore_mem>>
        tpu.enqueue_dma source(%arg3 : memref<64x32xf32, #tpu.memory_space<hbm>>) target(%arg12 : memref<64x32xf32, #tpu.memory_space<vmem>>) target_semaphore(%run_scoped3A : memref<!tpu.dma_semaphore, #tpu.memory_space<semaphore_mem>>)
        tpu.wait_dma2 semaphore(%run_scoped3A : memref<!tpu.dma_semaphore, #tpu.memory_space<semaphore_mem>>) src(%arg3 : memref<64x32xf32, #tpu.memory_space<hbm>>) dst(%arg12 : memref<64x32xf32, #tpu.memory_space<vmem>>)
        tpu.yield
      }) : () -> ()
      %while3A = arith.constant 999936 : i32
      %while3A_21 = arith.constant 0 : i32
      %while3A_22 = arith.constant 0 : i32
      %while3A_23 = arith.subi %div3A_11, %while3A_21 : i32
      %while3A_24 = arith.addi %while3A_21, %while3A_23 : i32
      %while3A_25 = arith.constant 1 : i32
      %while3A_26 = arith.divsi %while3A_23, %while3A_25 : i32
      %while3A_27 = arith.muli %while3A_26, %while3A_25 : i32
      %while3A_28 = arith.addi %while3A_21, %while3A_27 : i32
      %while3A_29 = arith.constant 1 : i32
      %while3A_30 = scf.for %while3A_54 = %while3A_21 to %while3A_28 step %while3A_29 iter_args(%while3A_55 = %while3A_22) -> (i32)  : i32 {
        %mul3A_56 = arith.constant 16 : i32
        %mul3A_57 = arith.muli %while3A_54, %mul3A_56 : i32
        %get3A = arith.index_cast %mul3A_57 : i32 to index
        %get3A_58 = tpu.vector_load %arg7[%get3A] {strides = array<i32>} : memref<16400xi32, #tpu.memory_space<vmem>>, vector<16xi32>,
        %add3A_59 = vector.broadcast %mul3A_57 : i32 to vector<16xi32>
        %add3A_60 = arith.addi %add3A_59, %iota3A : vector<16xi32>
        %lt3A_61 = vector.broadcast %scan3A_7 : i32 to vector<16xi32>
        %lt3A_62 = arith.cmpi slt, %add3A_60, %lt3A_61 : vector<16xi32>
        %and3A = arith.constant 16383 : i32
        %and3A_63 = vector.broadcast %and3A : i32 to vector<16xi32>
        %and3A_64 = arith.andi %get3A_58, %and3A_63 : vector<16xi32>
        %gather3A = tpu.vector_load_idx %arg6[%and3A_64] : memref<16384xi32, #tpu.memory_space<vmem>>[vector<16xi32>], vector<16xi32>,
        %sub3A = vector.broadcast %while3A : i32 to vector<16xi32>
        %sub3A_65 = arith.subi %gather3A, %sub3A : vector<16xi32>
        %ge3A = arith.constant 0 : i32
        %ge3A_66 = vector.broadcast %ge3A : i32 to vector<16xi32>
        %ge3A_67 = arith.cmpi sge, %sub3A_65, %ge3A_66 : vector<16xi32>
        %and3A_68 = arith.andi %lt3A_62, %ge3A_67 : vector<16xi1>
        %lt3A_69 = arith.constant 64 : i32
        %lt3A_70 = vector.broadcast %lt3A_69 : i32 to vector<16xi32>
        %lt3A_71 = arith.cmpi slt, %sub3A_65, %lt3A_70 : vector<16xi32>
        %and3A_72 = arith.andi %and3A_68, %lt3A_71 : vector<16xi1>
        %swap3A = arith.index_cast %while3A_55 : i32 to index
        %swap3A_73 = tpu.vector_load %arg8[%swap3A] masked %and3A_72 {strides = array<i32>} : memref<16400xi32, #tpu.memory_space<vmem>>, vector<16xi32>, vector<16xi1>
        tpu.vector_store %arg8[%swap3A], %and3A_64 masked %and3A_72 {strides = array<i32>} : memref<16400xi32, #tpu.memory_space<vmem>>, vector<16xi32>, vector<16xi1>
        %all_reduce_population_count3A = tpu.all_reduce %and3A_72 {dim = 0 : i64, kind = #tpu.reduction_kind<sum>} : vector<16xi1> -> vector<16xi32>
        %reduce_max3A = arith.constant true
        %reduce_max3A_74 = vector.broadcast %reduce_max3A : i1 to vector<16xi1>
        %reduce_max3A_75 = arith.constant -2147483648 : i32
        %reduce_max3A_76 = vector.broadcast %reduce_max3A_75 : i32 to vector<16xi32>
        %reduce_max3A_77 = arith.xori %all_reduce_population_count3A, %reduce_max3A_76 : vector<16xi32>
        %reduce_max3A_78 = tpu.scan <max>, %reduce_max3A_77 masked %reduce_max3A_74 : vector<16xi32>, vector<16xi1> -> vector<16xi32>
        %reduce_max3A_79 = arith.xori %reduce_max3A_78, %reduce_max3A_76 : vector<16xi32>
        %reduce_max3A_80 = vector.extract %reduce_max3A_79[15] : i32 from vector<16xi32>
        %add3A_81 = arith.addi %while3A_55, %reduce_max3A_80 : i32
        scf.yield %add3A_81 : i32
      }
      %while3A_31 = arith.constant 1 : i32
      %while3A_32 = scf.for %while3A_54 = %while3A_28 to %while3A_24 step %while3A_31 iter_args(%while3A_55 = %while3A_30) -> (i32)  : i32 {
        %mul3A_56 = arith.constant 16 : i32
        %mul3A_57 = arith.muli %while3A_54, %mul3A_56 : i32
        %get3A = arith.index_cast %mul3A_57 : i32 to index
        %get3A_58 = tpu.vector_load %arg7[%get3A] {strides = array<i32>} : memref<16400xi32, #tpu.memory_space<vmem>>, vector<16xi32>,
        %add3A_59 = vector.broadcast %mul3A_57 : i32 to vector<16xi32>
        %add3A_60 = arith.addi %add3A_59, %iota3A : vector<16xi32>
        %lt3A_61 = vector.broadcast %scan3A_7 : i32 to vector<16xi32>
        %lt3A_62 = arith.cmpi slt, %add3A_60, %lt3A_61 : vector<16xi32>
        %and3A = arith.constant 16383 : i32
        %and3A_63 = vector.broadcast %and3A : i32 to vector<16xi32>
        %and3A_64 = arith.andi %get3A_58, %and3A_63 : vector<16xi32>
        %gather3A = tpu.vector_load_idx %arg6[%and3A_64] : memref<16384xi32, #tpu.memory_space<vmem>>[vector<16xi32>], vector<16xi32>,
        %sub3A = vector.broadcast %while3A : i32 to vector<16xi32>
        %sub3A_65 = arith.subi %gather3A, %sub3A : vector<16xi32>
        %ge3A = arith.constant 0 : i32
        %ge3A_66 = vector.broadcast %ge3A : i32 to vector<16xi32>
        %ge3A_67 = arith.cmpi sge, %sub3A_65, %ge3A_66 : vector<16xi32>
        %and3A_68 = arith.andi %lt3A_62, %ge3A_67 : vector<16xi1>
        %lt3A_69 = arith.constant 64 : i32
        %lt3A_70 = vector.broadcast %lt3A_69 : i32 to vector<16xi32>
        %lt3A_71 = arith.cmpi slt, %sub3A_65, %lt3A_70 : vector<16xi32>
        %and3A_72 = arith.andi %and3A_68, %lt3A_71 : vector<16xi1>
        %swap3A = arith.index_cast %while3A_55 : i32 to index
        %swap3A_73 = tpu.vector_load %arg8[%swap3A] masked %and3A_72 {strides = array<i32>} : memref<16400xi32, #tpu.memory_space<vmem>>, vector<16xi32>, vector<16xi1>
        tpu.vector_store %arg8[%swap3A], %and3A_64 masked %and3A_72 {strides = array<i32>} : memref<16400xi32, #tpu.memory_space<vmem>>, vector<16xi32>, vector<16xi1>
        %all_reduce_population_count3A = tpu.all_reduce %and3A_72 {dim = 0 : i64, kind = #tpu.reduction_kind<sum>} : vector<16xi1> -> vector<16xi32>
        %reduce_max3A = arith.constant true
        %reduce_max3A_74 = vector.broadcast %reduce_max3A : i1 to vector<16xi1>
        %reduce_max3A_75 = arith.constant -2147483648 : i32
        %reduce_max3A_76 = vector.broadcast %reduce_max3A_75 : i32 to vector<16xi32>
        %reduce_max3A_77 = arith.xori %all_reduce_population_count3A, %reduce_max3A_76 : vector<16xi32>
        %reduce_max3A_78 = tpu.scan <max>, %reduce_max3A_77 masked %reduce_max3A_74 : vector<16xi32>, vector<16xi1> -> vector<16xi32>
        %reduce_max3A_79 = arith.xori %reduce_max3A_78, %reduce_max3A_76 : vector<16xi32>
        %reduce_max3A_80 = vector.extract %reduce_max3A_79[15] : i32 from vector<16xi32>
        %add3A_81 = arith.addi %while3A_55, %reduce_max3A_80 : i32
        scf.yield %add3A_81 : i32
      }
      %add3A_33 = arith.constant 15 : i32
      %add3A_34 = arith.addi %while3A_32, %add3A_33 : i32
      %div3A_35 = arith.constant 16 : i32
      %div3A_36 = arith.divsi %add3A_34, %div3A_35 : i32
      %add3A_37 = arith.constant 3 : i32
      %add3A_38 = arith.addi %div3A_36, %add3A_37 : i32
      %div3A_39 = arith.constant 4 : i32
      %div3A_40 = arith.divsi %add3A_38, %div3A_39 : i32
      %while3A_41 = arith.constant 999936 : i32
      %while3A_42 = arith.constant 0 : i32
      %while3A_43 = arith.constant 0 : i32
      %while3A_44 = arith.subi %div3A_40, %while3A_42 : i32
      %while3A_45 = arith.addi %while3A_42, %while3A_44 : i32
      %while3A_46 = arith.constant 1 : i32
      %while3A_47 = arith.divsi %while3A_44, %while3A_46 : i32
      %while3A_48 = arith.muli %while3A_47, %while3A_46 : i32
      %while3A_49 = arith.addi %while3A_42, %while3A_48 : i32
      %while3A_50 = arith.constant 1 : i32
      %while3A_51 = scf.for %while3A_54 = %while3A_42 to %while3A_49 step %while3A_50 iter_args(%while3A_55 = %while3A_43) -> (i32)  : i32 {
        %broadcast_in_dim3A = arith.constant -1 : i32
        %broadcast_in_dim3A_56 = vector.broadcast %broadcast_in_dim3A : i32 to vector<16xi32>
        %swap3A = arith.constant 0 : i32
        %swap3A_57 = arith.index_cast %swap3A : i32 to index
        %swap3A_58 = arith.constant 0 : index
        %swap3A_59 = tpu.vector_load %arg11[%swap3A_57, %swap3A_58] {strides = array<i32>} : memref<1x64xi32, #tpu.memory_space<vmem>>, vector<16xi32>,
        tpu.vector_store %arg11[%swap3A_57, %swap3A_58], %broadcast_in_dim3A_56 {strides = array<i32>} : memref<1x64xi32, #tpu.memory_space<vmem>>, vector<16xi32>,
        %swap3A_60 = arith.constant 0 : i32
        %swap3A_61 = arith.index_cast %swap3A_60 : i32 to index
        %swap3A_62 = arith.constant 16 : index
        %swap3A_63 = tpu.vector_load %arg11[%swap3A_61, %swap3A_62] {strides = array<i32>} : memref<1x64xi32, #tpu.memory_space<vmem>>, vector<16xi32>,
        tpu.vector_store %arg11[%swap3A_61, %swap3A_62], %broadcast_in_dim3A_56 {strides = array<i32>} : memref<1x64xi32, #tpu.memory_space<vmem>>, vector<16xi32>,
        %swap3A_64 = arith.constant 0 : i32
        %swap3A_65 = arith.index_cast %swap3A_64 : i32 to index
        %swap3A_66 = arith.constant 32 : index
        %swap3A_67 = tpu.vector_load %arg11[%swap3A_65, %swap3A_66] {strides = array<i32>} : memref<1x64xi32, #tpu.memory_space<vmem>>, vector<16xi32>,
        tpu.vector_store %arg11[%swap3A_65, %swap3A_66], %broadcast_in_dim3A_56 {strides = array<i32>} : memref<1x64xi32, #tpu.memory_space<vmem>>, vector<16xi32>,
        %swap3A_68 = arith.constant 0 : i32
        %swap3A_69 = arith.index_cast %swap3A_68 : i32 to index
        %swap3A_70 = arith.constant 48 : index
        %swap3A_71 = tpu.vector_load %arg11[%swap3A_69, %swap3A_70] {strides = array<i32>} : memref<1x64xi32, #tpu.memory_space<vmem>>, vector<16xi32>,
        tpu.vector_store %arg11[%swap3A_69, %swap3A_70], %broadcast_in_dim3A_56 {strides = array<i32>} : memref<1x64xi32, #tpu.memory_space<vmem>>, vector<16xi32>,
        %mul3A_72 = arith.constant 4 : i32
        %mul3A_73 = arith.muli %while3A_54, %mul3A_72 : i32
        %sub3A = arith.subi %div3A_36, %mul3A_73 : i32
        %min3A = arith.constant 4 : i32
        %min3A_74 = arith.minsi %min3A, %sub3A : i32
        %while3A_75 = arith.constant 0 : i32
        %while3A_76 = arith.constant 0 : i32
        %while3A_77 = arith.subi %min3A_74, %while3A_75 : i32
        %while3A_78 = arith.addi %while3A_75, %while3A_77 : i32
        %while3A_79 = arith.constant 1 : i32
        %while3A_80 = arith.divsi %while3A_77, %while3A_79 : i32
        %while3A_81 = arith.muli %while3A_80, %while3A_79 : i32
        %while3A_82 = arith.addi %while3A_75, %while3A_81 : i32
        %while3A_83 = arith.constant 1 : i32
        %while3A_84 = scf.for %while3A_101 = %while3A_75 to %while3A_82 step %while3A_83 iter_args(%while3A_102 = %while3A_76) -> (i32)  : i32 {
          %mul3A_103 = arith.constant 4 : i32
          %mul3A_104 = arith.muli %while3A_54, %mul3A_103 : i32
          %add3A_105 = arith.addi %mul3A_104, %while3A_101 : i32
          %mul3A_106 = arith.constant 16 : i32
          %mul3A_107 = arith.muli %add3A_105, %mul3A_106 : i32
          %get3A = arith.index_cast %mul3A_107 : i32 to index
          %get3A_108 = tpu.vector_load %arg8[%get3A] {strides = array<i32>} : memref<16400xi32, #tpu.memory_space<vmem>>, vector<16xi32>,
          %add3A_109 = vector.broadcast %mul3A_107 : i32 to vector<16xi32>
          %add3A_110 = arith.addi %add3A_109, %iota3A : vector<16xi32>
          %lt3A_111 = vector.broadcast %while3A_32 : i32 to vector<16xi32>
          %lt3A_112 = arith.cmpi slt, %add3A_110, %lt3A_111 : vector<16xi32>
          %and3A = arith.constant 16383 : i32
          %and3A_113 = vector.broadcast %and3A : i32 to vector<16xi32>
          %and3A_114 = arith.andi %get3A_108, %and3A_113 : vector<16xi32>
          %gather3A = tpu.vector_load_idx %arg6[%and3A_114] : memref<16384xi32, #tpu.memory_space<vmem>>[vector<16xi32>], vector<16xi32>,
          %sub3A_115 = vector.broadcast %while3A_41 : i32 to vector<16xi32>
          %sub3A_116 = arith.subi %gather3A, %sub3A_115 : vector<16xi32>
          %ge3A = arith.constant 0 : i32
          %ge3A_117 = vector.broadcast %ge3A : i32 to vector<16xi32>
          %ge3A_118 = arith.cmpi sge, %sub3A_116, %ge3A_117 : vector<16xi32>
          %and3A_119 = arith.andi %lt3A_112, %ge3A_118 : vector<16xi1>
          %lt3A_120 = arith.constant 64 : i32
          %lt3A_121 = vector.broadcast %lt3A_120 : i32 to vector<16xi32>
          %lt3A_122 = arith.cmpi slt, %sub3A_116, %lt3A_121 : vector<16xi32>
          %and3A_123 = arith.andi %and3A_119, %lt3A_122 : vector<16xi1>
          %broadcast_in_dim3A_124 = arith.constant 0 : i32
          %broadcast_in_dim3A_125 = vector.broadcast %broadcast_in_dim3A_124 : i32 to vector<16xi32>
          %select_n3A = arith.select %and3A_123, %sub3A_116, %broadcast_in_dim3A_125 : vector<16xi1>, vector<16xi32>
          %mul3A_126 = arith.constant 16 : i32
          %mul3A_127 = arith.muli %while3A_101, %mul3A_126 : i32
          %add3A_128 = vector.broadcast %mul3A_127 : i32 to vector<16xi32>
          %add3A_129 = arith.addi %add3A_128, %iota3A : vector<16xi32>
          %broadcast_in_dim3A_130 = arith.constant 0 : i32
          %broadcast_in_dim3A_131 = vector.broadcast %broadcast_in_dim3A_130 : i32 to vector<16xi32>
          %gather3A_132 = tpu.vector_load_idx %arg12[%select_n3A, %broadcast_in_dim3A_131] masked %and3A_123 : memref<64x32xf32, #tpu.memory_space<vmem>>[vector<16xi32>, vector<16xi32>], vector<16xf32>, vector<16xi1>
          tpu.vector_store_idx %arg10[%add3A_129, %broadcast_in_dim3A_131], %gather3A_132 : memref<64x128xf32, #tpu.memory_space<vmem>>[vector<16xi32>, vector<16xi32>], vector<16xf32>,
          %broadcast_in_dim3A_133 = arith.constant 1 : i32
          %broadcast_in_dim3A_134 = vector.broadcast %broadcast_in_dim3A_133 : i32 to vector<16xi32>
          %gather3A_135 = tpu.vector_load_idx %arg12[%select_n3A, %broadcast_in_dim3A_134] masked %and3A_123 : memref<64x32xf32, #tpu.memory_space<vmem>>[vector<16xi32>, vector<16xi32>], vector<16xf32>, vector<16xi1>
          tpu.vector_store_idx %arg10[%add3A_129, %broadcast_in_dim3A_134], %gather3A_135 : memref<64x128xf32, #tpu.memory_space<vmem>>[vector<16xi32>, vector<16xi32>], vector<16xf32>,
          %broadcast_in_dim3A_136 = arith.constant 2 : i32
          %broadcast_in_dim3A_137 = vector.broadcast %broadcast_in_dim3A_136 : i32 to vector<16xi32>
          %gather3A_138 = tpu.vector_load_idx %arg12[%select_n3A, %broadcast_in_dim3A_137] masked %and3A_123 : memref<64x32xf32, #tpu.memory_space<vmem>>[vector<16xi32>, vector<16xi32>], vector<16xf32>, vector<16xi1>
          tpu.vector_store_idx %arg10[%add3A_129, %broadcast_in_dim3A_137], %gather3A_138 : memref<64x128xf32, #tpu.memory_space<vmem>>[vector<16xi32>, vector<16xi32>], vector<16xf32>,
          %broadcast_in_dim3A_139 = arith.constant 3 : i32
          %broadcast_in_dim3A_140 = vector.broadcast %broadcast_in_dim3A_139 : i32 to vector<16xi32>
          %gather3A_141 = tpu.vector_load_idx %arg12[%select_n3A, %broadcast_in_dim3A_140] masked %and3A_123 : memref<64x32xf32, #tpu.memory_space<vmem>>[vector<16xi32>, vector<16xi32>], vector<16xf32>, vector<16xi1>
          tpu.vector_store_idx %arg10[%add3A_129, %broadcast_in_dim3A_140], %gather3A_141 : memref<64x128xf32, #tpu.memory_space<vmem>>[vector<16xi32>, vector<16xi32>], vector<16xf32>,
          %broadcast_in_dim3A_142 = arith.constant 4 : i32
          %broadcast_in_dim3A_143 = vector.broadcast %broadcast_in_dim3A_142 : i32 to vector<16xi32>
          %gather3A_144 = tpu.vector_load_idx %arg12[%select_n3A, %broadcast_in_dim3A_143] masked %and3A_123 : memref<64x32xf32, #tpu.memory_space<vmem>>[vector<16xi32>, vector<16xi32>], vector<16xf32>, vector<16xi1>
          tpu.vector_store_idx %arg10[%add3A_129, %broadcast_in_dim3A_143], %gather3A_144 : memref<64x128xf32, #tpu.memory_space<vmem>>[vector<16xi32>, vector<16xi32>], vector<16xf32>,
          %broadcast_in_dim3A_145 = arith.constant 5 : i32
          %broadcast_in_dim3A_146 = vector.broadcast %broadcast_in_dim3A_145 : i32 to vector<16xi32>
          %gather3A_147 = tpu.vector_load_idx %arg12[%select_n3A, %broadcast_in_dim3A_146] masked %and3A_123 : memref<64x32xf32, #tpu.memory_space<vmem>>[vector<16xi32>, vector<16xi32>], vector<16xf32>, vector<16xi1>
          tpu.vector_store_idx %arg10[%add3A_129, %broadcast_in_dim3A_146], %gather3A_147 : memref<64x128xf32, #tpu.memory_space<vmem>>[vector<16xi32>, vector<16xi32>], vector<16xf32>,
          %broadcast_in_dim3A_148 = arith.constant 6 : i32
          %broadcast_in_dim3A_149 = vector.broadcast %broadcast_in_dim3A_148 : i32 to vector<16xi32>
          %gather3A_150 = tpu.vector_load_idx %arg12[%select_n3A, %broadcast_in_dim3A_149] masked %and3A_123 : memref<64x32xf32, #tpu.memory_space<vmem>>[vector<16xi32>, vector<16xi32>], vector<16xf32>, vector<16xi1>
          tpu.vector_store_idx %arg10[%add3A_129, %broadcast_in_dim3A_149], %gather3A_150 : memref<64x128xf32, #tpu.memory_space<vmem>>[vector<16xi32>, vector<16xi32>], vector<16xf32>,
          %broadcast_in_dim3A_151 = arith.constant 7 : i32
          %broadcast_in_dim3A_152 = vector.broadcast %broadcast_in_dim3A_151 : i32 to vector<16xi32>
          %gather3A_153 = tpu.vector_load_idx %arg12[%select_n3A, %broadcast_in_dim3A_152] masked %and3A_123 : memref<64x32xf32, #tpu.memory_space<vmem>>[vector<16xi32>, vector<16xi32>], vector<16xf32>, vector<16xi1>
          tpu.vector_store_idx %arg10[%add3A_129, %broadcast_in_dim3A_152], %gather3A_153 : memref<64x128xf32, #tpu.memory_space<vmem>>[vector<16xi32>, vector<16xi32>], vector<16xf32>,
          %broadcast_in_dim3A_154 = arith.constant 8 : i32
          %broadcast_in_dim3A_155 = vector.broadcast %broadcast_in_dim3A_154 : i32 to vector<16xi32>
          %gather3A_156 = tpu.vector_load_idx %arg12[%select_n3A, %broadcast_in_dim3A_155] masked %and3A_123 : memref<64x32xf32, #tpu.memory_space<vmem>>[vector<16xi32>, vector<16xi32>], vector<16xf32>, vector<16xi1>
          tpu.vector_store_idx %arg10[%add3A_129, %broadcast_in_dim3A_155], %gather3A_156 : memref<64x128xf32, #tpu.memory_space<vmem>>[vector<16xi32>, vector<16xi32>], vector<16xf32>,
          %broadcast_in_dim3A_157 = arith.constant 9 : i32
          %broadcast_in_dim3A_158 = vector.broadcast %broadcast_in_dim3A_157 : i32 to vector<16xi32>
          %gather3A_159 = tpu.vector_load_idx %arg12[%select_n3A, %broadcast_in_dim3A_158] masked %and3A_123 : memref<64x32xf32, #tpu.memory_space<vmem>>[vector<16xi32>, vector<16xi32>], vector<16xf32>, vector<16xi1>
          tpu.vector_store_idx %arg10[%add3A_129, %broadcast_in_dim3A_158], %gather3A_159 : memref<64x128xf32, #tpu.memory_space<vmem>>[vector<16xi32>, vector<16xi32>], vector<16xf32>,
          %broadcast_in_dim3A_160 = arith.constant 10 : i32
          %broadcast_in_dim3A_161 = vector.broadcast %broadcast_in_dim3A_160 : i32 to vector<16xi32>
          %gather3A_162 = tpu.vector_load_idx %arg12[%select_n3A, %broadcast_in_dim3A_161] masked %and3A_123 : memref<64x32xf32, #tpu.memory_space<vmem>>[vector<16xi32>, vector<16xi32>], vector<16xf32>, vector<16xi1>
          tpu.vector_store_idx %arg10[%add3A_129, %broadcast_in_dim3A_161], %gather3A_162 : memref<64x128xf32, #tpu.memory_space<vmem>>[vector<16xi32>, vector<16xi32>], vector<16xf32>,
          %broadcast_in_dim3A_163 = arith.constant 11 : i32
          %broadcast_in_dim3A_164 = vector.broadcast %broadcast_in_dim3A_163 : i32 to vector<16xi32>
          %gather3A_165 = tpu.vector_load_idx %arg12[%select_n3A, %broadcast_in_dim3A_164] masked %and3A_123 : memref<64x32xf32, #tpu.memory_space<vmem>>[vector<16xi32>, vector<16xi32>], vector<16xf32>, vector<16xi1>
          tpu.vector_store_idx %arg10[%add3A_129, %broadcast_in_dim3A_164], %gather3A_165 : memref<64x128xf32, #tpu.memory_space<vmem>>[vector<16xi32>, vector<16xi32>], vector<16xf32>,
          %broadcast_in_dim3A_166 = arith.constant 12 : i32
          %broadcast_in_dim3A_167 = vector.broadcast %broadcast_in_dim3A_166 : i32 to vector<16xi32>
          %gather3A_168 = tpu.vector_load_idx %arg12[%select_n3A, %broadcast_in_dim3A_167] masked %and3A_123 : memref<64x32xf32, #tpu.memory_space<vmem>>[vector<16xi32>, vector<16xi32>], vector<16xf32>, vector<16xi1>
          tpu.vector_store_idx %arg10[%add3A_129, %broadcast_in_dim3A_167], %gather3A_168 : memref<64x128xf32, #tpu.memory_space<vmem>>[vector<16xi32>, vector<16xi32>], vector<16xf32>,
          %broadcast_in_dim3A_169 = arith.constant 13 : i32
          %broadcast_in_dim3A_170 = vector.broadcast %broadcast_in_dim3A_169 : i32 to vector<16xi32>
          %gather3A_171 = tpu.vector_load_idx %arg12[%select_n3A, %broadcast_in_dim3A_170] masked %and3A_123 : memref<64x32xf32, #tpu.memory_space<vmem>>[vector<16xi32>, vector<16xi32>], vector<16xf32>, vector<16xi1>
          tpu.vector_store_idx %arg10[%add3A_129, %broadcast_in_dim3A_170], %gather3A_171 : memref<64x128xf32, #tpu.memory_space<vmem>>[vector<16xi32>, vector<16xi32>], vector<16xf32>,
          %broadcast_in_dim3A_172 = arith.constant 14 : i32
          %broadcast_in_dim3A_173 = vector.broadcast %broadcast_in_dim3A_172 : i32 to vector<16xi32>
          %gather3A_174 = tpu.vector_load_idx %arg12[%select_n3A, %broadcast_in_dim3A_173] masked %and3A_123 : memref<64x32xf32, #tpu.memory_space<vmem>>[vector<16xi32>, vector<16xi32>], vector<16xf32>, vector<16xi1>
          tpu.vector_store_idx %arg10[%add3A_129, %broadcast_in_dim3A_173], %gather3A_174 : memref<64x128xf32, #tpu.memory_space<vmem>>[vector<16xi32>, vector<16xi32>], vector<16xf32>,
          %broadcast_in_dim3A_175 = arith.constant 15 : i32
          %broadcast_in_dim3A_176 = vector.broadcast %broadcast_in_dim3A_175 : i32 to vector<16xi32>
          %gather3A_177 = tpu.vector_load_idx %arg12[%select_n3A, %broadcast_in_dim3A_176] masked %and3A_123 : memref<64x32xf32, #tpu.memory_space<vmem>>[vector<16xi32>, vector<16xi32>], vector<16xf32>, vector<16xi1>
          tpu.vector_store_idx %arg10[%add3A_129, %broadcast_in_dim3A_176], %gather3A_177 : memref<64x128xf32, #tpu.memory_space<vmem>>[vector<16xi32>, vector<16xi32>], vector<16xf32>,
          %broadcast_in_dim3A_178 = arith.constant 16 : i32
          %broadcast_in_dim3A_179 = vector.broadcast %broadcast_in_dim3A_178 : i32 to vector<16xi32>
          %gather3A_180 = tpu.vector_load_idx %arg12[%select_n3A, %broadcast_in_dim3A_179] masked %and3A_123 : memref<64x32xf32, #tpu.memory_space<vmem>>[vector<16xi32>, vector<16xi32>], vector<16xf32>, vector<16xi1>
          tpu.vector_store_idx %arg10[%add3A_129, %broadcast_in_dim3A_179], %gather3A_180 : memref<64x128xf32, #tpu.memory_space<vmem>>[vector<16xi32>, vector<16xi32>], vector<16xf32>,
          %broadcast_in_dim3A_181 = arith.constant 17 : i32
          %broadcast_in_dim3A_182 = vector.broadcast %broadcast_in_dim3A_181 : i32 to vector<16xi32>
          %gather3A_183 = tpu.vector_load_idx %arg12[%select_n3A, %broadcast_in_dim3A_182] masked %and3A_123 : memref<64x32xf32, #tpu.memory_space<vmem>>[vector<16xi32>, vector<16xi32>], vector<16xf32>, vector<16xi1>
          tpu.vector_store_idx %arg10[%add3A_129, %broadcast_in_dim3A_182], %gather3A_183 : memref<64x128xf32, #tpu.memory_space<vmem>>[vector<16xi32>, vector<16xi32>], vector<16xf32>,
          %broadcast_in_dim3A_184 = arith.constant 18 : i32
          %broadcast_in_dim3A_185 = vector.broadcast %broadcast_in_dim3A_184 : i32 to vector<16xi32>
          %gather3A_186 = tpu.vector_load_idx %arg12[%select_n3A, %broadcast_in_dim3A_185] masked %and3A_123 : memref<64x32xf32, #tpu.memory_space<vmem>>[vector<16xi32>, vector<16xi32>], vector<16xf32>, vector<16xi1>
          tpu.vector_store_idx %arg10[%add3A_129, %broadcast_in_dim3A_185], %gather3A_186 : memref<64x128xf32, #tpu.memory_space<vmem>>[vector<16xi32>, vector<16xi32>], vector<16xf32>,
          %broadcast_in_dim3A_187 = arith.constant 19 : i32
          %broadcast_in_dim3A_188 = vector.broadcast %broadcast_in_dim3A_187 : i32 to vector<16xi32>
          %gather3A_189 = tpu.vector_load_idx %arg12[%select_n3A, %broadcast_in_dim3A_188] masked %and3A_123 : memref<64x32xf32, #tpu.memory_space<vmem>>[vector<16xi32>, vector<16xi32>], vector<16xf32>, vector<16xi1>
          tpu.vector_store_idx %arg10[%add3A_129, %broadcast_in_dim3A_188], %gather3A_189 : memref<64x128xf32, #tpu.memory_space<vmem>>[vector<16xi32>, vector<16xi32>], vector<16xf32>,
          %broadcast_in_dim3A_190 = arith.constant 20 : i32
          %broadcast_in_dim3A_191 = vector.broadcast %broadcast_in_dim3A_190 : i32 to vector<16xi32>
          %gather3A_192 = tpu.vector_load_idx %arg12[%select_n3A, %broadcast_in_dim3A_191] masked %and3A_123 : memref<64x32xf32, #tpu.memory_space<vmem>>[vector<16xi32>, vector<16xi32>], vector<16xf32>, vector<16xi1>
          tpu.vector_store_idx %arg10[%add3A_129, %broadcast_in_dim3A_191], %gather3A_192 : memref<64x128xf32, #tpu.memory_space<vmem>>[vector<16xi32>, vector<16xi32>], vector<16xf32>,
          %broadcast_in_dim3A_193 = arith.constant 21 : i32
          %broadcast_in_dim3A_194 = vector.broadcast %broadcast_in_dim3A_193 : i32 to vector<16xi32>
          %gather3A_195 = tpu.vector_load_idx %arg12[%select_n3A, %broadcast_in_dim3A_194] masked %and3A_123 : memref<64x32xf32, #tpu.memory_space<vmem>>[vector<16xi32>, vector<16xi32>], vector<16xf32>, vector<16xi1>
          tpu.vector_store_idx %arg10[%add3A_129, %broadcast_in_dim3A_194], %gather3A_195 : memref<64x128xf32, #tpu.memory_space<vmem>>[vector<16xi32>, vector<16xi32>], vector<16xf32>,
          %broadcast_in_dim3A_196 = arith.constant 22 : i32
          %broadcast_in_dim3A_197 = vector.broadcast %broadcast_in_dim3A_196 : i32 to vector<16xi32>
          %gather3A_198 = tpu.vector_load_idx %arg12[%select_n3A, %broadcast_in_dim3A_197] masked %and3A_123 : memref<64x32xf32, #tpu.memory_space<vmem>>[vector<16xi32>, vector<16xi32>], vector<16xf32>, vector<16xi1>
          tpu.vector_store_idx %arg10[%add3A_129, %broadcast_in_dim3A_197], %gather3A_198 : memref<64x128xf32, #tpu.memory_space<vmem>>[vector<16xi32>, vector<16xi32>], vector<16xf32>,
          %broadcast_in_dim3A_199 = arith.constant 23 : i32
          %broadcast_in_dim3A_200 = vector.broadcast %broadcast_in_dim3A_199 : i32 to vector<16xi32>
          %gather3A_201 = tpu.vector_load_idx %arg12[%select_n3A, %broadcast_in_dim3A_200] masked %and3A_123 : memref<64x32xf32, #tpu.memory_space<vmem>>[vector<16xi32>, vector<16xi32>], vector<16xf32>, vector<16xi1>
          tpu.vector_store_idx %arg10[%add3A_129, %broadcast_in_dim3A_200], %gather3A_201 : memref<64x128xf32, #tpu.memory_space<vmem>>[vector<16xi32>, vector<16xi32>], vector<16xf32>,
          %broadcast_in_dim3A_202 = arith.constant 24 : i32
          %broadcast_in_dim3A_203 = vector.broadcast %broadcast_in_dim3A_202 : i32 to vector<16xi32>
          %gather3A_204 = tpu.vector_load_idx %arg12[%select_n3A, %broadcast_in_dim3A_203] masked %and3A_123 : memref<64x32xf32, #tpu.memory_space<vmem>>[vector<16xi32>, vector<16xi32>], vector<16xf32>, vector<16xi1>
          tpu.vector_store_idx %arg10[%add3A_129, %broadcast_in_dim3A_203], %gather3A_204 : memref<64x128xf32, #tpu.memory_space<vmem>>[vector<16xi32>, vector<16xi32>], vector<16xf32>,
          %broadcast_in_dim3A_205 = arith.constant 25 : i32
          %broadcast_in_dim3A_206 = vector.broadcast %broadcast_in_dim3A_205 : i32 to vector<16xi32>
          %gather3A_207 = tpu.vector_load_idx %arg12[%select_n3A, %broadcast_in_dim3A_206] masked %and3A_123 : memref<64x32xf32, #tpu.memory_space<vmem>>[vector<16xi32>, vector<16xi32>], vector<16xf32>, vector<16xi1>
          tpu.vector_store_idx %arg10[%add3A_129, %broadcast_in_dim3A_206], %gather3A_207 : memref<64x128xf32, #tpu.memory_space<vmem>>[vector<16xi32>, vector<16xi32>], vector<16xf32>,
          %broadcast_in_dim3A_208 = arith.constant 26 : i32
          %broadcast_in_dim3A_209 = vector.broadcast %broadcast_in_dim3A_208 : i32 to vector<16xi32>
          %gather3A_210 = tpu.vector_load_idx %arg12[%select_n3A, %broadcast_in_dim3A_209] masked %and3A_123 : memref<64x32xf32, #tpu.memory_space<vmem>>[vector<16xi32>, vector<16xi32>], vector<16xf32>, vector<16xi1>
          tpu.vector_store_idx %arg10[%add3A_129, %broadcast_in_dim3A_209], %gather3A_210 : memref<64x128xf32, #tpu.memory_space<vmem>>[vector<16xi32>, vector<16xi32>], vector<16xf32>,
          %broadcast_in_dim3A_211 = arith.constant 27 : i32
          %broadcast_in_dim3A_212 = vector.broadcast %broadcast_in_dim3A_211 : i32 to vector<16xi32>
          %gather3A_213 = tpu.vector_load_idx %arg12[%select_n3A, %broadcast_in_dim3A_212] masked %and3A_123 : memref<64x32xf32, #tpu.memory_space<vmem>>[vector<16xi32>, vector<16xi32>], vector<16xf32>, vector<16xi1>
          tpu.vector_store_idx %arg10[%add3A_129, %broadcast_in_dim3A_212], %gather3A_213 : memref<64x128xf32, #tpu.memory_space<vmem>>[vector<16xi32>, vector<16xi32>], vector<16xf32>,
          %broadcast_in_dim3A_214 = arith.constant 28 : i32
          %broadcast_in_dim3A_215 = vector.broadcast %broadcast_in_dim3A_214 : i32 to vector<16xi32>
          %gather3A_216 = tpu.vector_load_idx %arg12[%select_n3A, %broadcast_in_dim3A_215] masked %and3A_123 : memref<64x32xf32, #tpu.memory_space<vmem>>[vector<16xi32>, vector<16xi32>], vector<16xf32>, vector<16xi1>
          tpu.vector_store_idx %arg10[%add3A_129, %broadcast_in_dim3A_215], %gather3A_216 : memref<64x128xf32, #tpu.memory_space<vmem>>[vector<16xi32>, vector<16xi32>], vector<16xf32>,
          %broadcast_in_dim3A_217 = arith.constant 29 : i32
          %broadcast_in_dim3A_218 = vector.broadcast %broadcast_in_dim3A_217 : i32 to vector<16xi32>
          %gather3A_219 = tpu.vector_load_idx %arg12[%select_n3A, %broadcast_in_dim3A_218] masked %and3A_123 : memref<64x32xf32, #tpu.memory_space<vmem>>[vector<16xi32>, vector<16xi32>], vector<16xf32>, vector<16xi1>
          tpu.vector_store_idx %arg10[%add3A_129, %broadcast_in_dim3A_218], %gather3A_219 : memref<64x128xf32, #tpu.memory_space<vmem>>[vector<16xi32>, vector<16xi32>], vector<16xf32>,
          %broadcast_in_dim3A_220 = arith.constant 30 : i32
          %broadcast_in_dim3A_221 = vector.broadcast %broadcast_in_dim3A_220 : i32 to vector<16xi32>
          %gather3A_222 = tpu.vector_load_idx %arg12[%select_n3A, %broadcast_in_dim3A_221] masked %and3A_123 : memref<64x32xf32, #tpu.memory_space<vmem>>[vector<16xi32>, vector<16xi32>], vector<16xf32>, vector<16xi1>
          tpu.vector_store_idx %arg10[%add3A_129, %broadcast_in_dim3A_221], %gather3A_222 : memref<64x128xf32, #tpu.memory_space<vmem>>[vector<16xi32>, vector<16xi32>], vector<16xf32>,
          %broadcast_in_dim3A_223 = arith.constant 31 : i32
          %broadcast_in_dim3A_224 = vector.broadcast %broadcast_in_dim3A_223 : i32 to vector<16xi32>
          %gather3A_225 = tpu.vector_load_idx %arg12[%select_n3A, %broadcast_in_dim3A_224] masked %and3A_123 : memref<64x32xf32, #tpu.memory_space<vmem>>[vector<16xi32>, vector<16xi32>], vector<16xf32>, vector<16xi1>
          tpu.vector_store_idx %arg10[%add3A_129, %broadcast_in_dim3A_224], %gather3A_225 : memref<64x128xf32, #tpu.memory_space<vmem>>[vector<16xi32>, vector<16xi32>], vector<16xf32>,
          %broadcast_in_dim3A_226 = arith.constant -1 : i32
          %broadcast_in_dim3A_227 = vector.broadcast %broadcast_in_dim3A_226 : i32 to vector<16xi32>
          %select_n3A_228 = arith.select %and3A_123, %and3A_114, %broadcast_in_dim3A_227 : vector<16xi1>, vector<16xi32>
          %mul3A_229 = arith.constant 16 : i32
          %mul3A_230 = arith.muli %while3A_101, %mul3A_229 : i32
          %swap3A_231 = arith.constant 0 : i32
          %swap3A_232 = arith.index_cast %swap3A_231 : i32 to index
          %swap3A_233 = arith.index_cast %mul3A_230 : i32 to index
          %swap3A_234 = tpu.vector_load %arg11[%swap3A_232, %swap3A_233] {strides = array<i32>} : memref<1x64xi32, #tpu.memory_space<vmem>>, vector<16xi32>,
          tpu.vector_store %arg11[%swap3A_232, %swap3A_233], %select_n3A_228 {strides = array<i32>} : memref<1x64xi32, #tpu.memory_space<vmem>>, vector<16xi32>,
          %while3A_235 = arith.constant 0 : i32
          scf.yield %while3A_235 : i32
        }
        %while3A_85 = arith.constant 1 : i32
        %while3A_86 = scf.for %while3A_101 = %while3A_82 to %while3A_78 step %while3A_85 iter_args(%while3A_102 = %while3A_84) -> (i32)  : i32 {
          %mul3A_103 = arith.constant 4 : i32
          %mul3A_104 = arith.muli %while3A_54, %mul3A_103 : i32
          %add3A_105 = arith.addi %mul3A_104, %while3A_101 : i32
          %mul3A_106 = arith.constant 16 : i32
          %mul3A_107 = arith.muli %add3A_105, %mul3A_106 : i32
          %get3A = arith.index_cast %mul3A_107 : i32 to index
          %get3A_108 = tpu.vector_load %arg8[%get3A] {strides = array<i32>} : memref<16400xi32, #tpu.memory_space<vmem>>, vector<16xi32>,
          %add3A_109 = vector.broadcast %mul3A_107 : i32 to vector<16xi32>
          %add3A_110 = arith.addi %add3A_109, %iota3A : vector<16xi32>
          %lt3A_111 = vector.broadcast %while3A_32 : i32 to vector<16xi32>
          %lt3A_112 = arith.cmpi slt, %add3A_110, %lt3A_111 : vector<16xi32>
          %and3A = arith.constant 16383 : i32
          %and3A_113 = vector.broadcast %and3A : i32 to vector<16xi32>
          %and3A_114 = arith.andi %get3A_108, %and3A_113 : vector<16xi32>
          %gather3A = tpu.vector_load_idx %arg6[%and3A_114] : memref<16384xi32, #tpu.memory_space<vmem>>[vector<16xi32>], vector<16xi32>,
          %sub3A_115 = vector.broadcast %while3A_41 : i32 to vector<16xi32>
          %sub3A_116 = arith.subi %gather3A, %sub3A_115 : vector<16xi32>
          %ge3A = arith.constant 0 : i32
          %ge3A_117 = vector.broadcast %ge3A : i32 to vector<16xi32>
          %ge3A_118 = arith.cmpi sge, %sub3A_116, %ge3A_117 : vector<16xi32>
          %and3A_119 = arith.andi %lt3A_112, %ge3A_118 : vector<16xi1>
          %lt3A_120 = arith.constant 64 : i32
          %lt3A_121 = vector.broadcast %lt3A_120 : i32 to vector<16xi32>
          %lt3A_122 = arith.cmpi slt, %sub3A_116, %lt3A_121 : vector<16xi32>
          %and3A_123 = arith.andi %and3A_119, %lt3A_122 : vector<16xi1>
          %broadcast_in_dim3A_124 = arith.constant 0 : i32
          %broadcast_in_dim3A_125 = vector.broadcast %broadcast_in_dim3A_124 : i32 to vector<16xi32>
          %select_n3A = arith.select %and3A_123, %sub3A_116, %broadcast_in_dim3A_125 : vector<16xi1>, vector<16xi32>
          %mul3A_126 = arith.constant 16 : i32
          %mul3A_127 = arith.muli %while3A_101, %mul3A_126 : i32
          %add3A_128 = vector.broadcast %mul3A_127 : i32 to vector<16xi32>
          %add3A_129 = arith.addi %add3A_128, %iota3A : vector<16xi32>
          %broadcast_in_dim3A_130 = arith.constant 0 : i32
          %broadcast_in_dim3A_131 = vector.broadcast %broadcast_in_dim3A_130 : i32 to vector<16xi32>
          %gather3A_132 = tpu.vector_load_idx %arg12[%select_n3A, %broadcast_in_dim3A_131] masked %and3A_123 : memref<64x32xf32, #tpu.memory_space<vmem>>[vector<16xi32>, vector<16xi32>], vector<16xf32>, vector<16xi1>
          tpu.vector_store_idx %arg10[%add3A_129, %broadcast_in_dim3A_131], %gather3A_132 : memref<64x128xf32, #tpu.memory_space<vmem>>[vector<16xi32>, vector<16xi32>], vector<16xf32>,
          %broadcast_in_dim3A_133 = arith.constant 1 : i32
          %broadcast_in_dim3A_134 = vector.broadcast %broadcast_in_dim3A_133 : i32 to vector<16xi32>
          %gather3A_135 = tpu.vector_load_idx %arg12[%select_n3A, %broadcast_in_dim3A_134] masked %and3A_123 : memref<64x32xf32, #tpu.memory_space<vmem>>[vector<16xi32>, vector<16xi32>], vector<16xf32>, vector<16xi1>
          tpu.vector_store_idx %arg10[%add3A_129, %broadcast_in_dim3A_134], %gather3A_135 : memref<64x128xf32, #tpu.memory_space<vmem>>[vector<16xi32>, vector<16xi32>], vector<16xf32>,
          %broadcast_in_dim3A_136 = arith.constant 2 : i32
          %broadcast_in_dim3A_137 = vector.broadcast %broadcast_in_dim3A_136 : i32 to vector<16xi32>
          %gather3A_138 = tpu.vector_load_idx %arg12[%select_n3A, %broadcast_in_dim3A_137] masked %and3A_123 : memref<64x32xf32, #tpu.memory_space<vmem>>[vector<16xi32>, vector<16xi32>], vector<16xf32>, vector<16xi1>
          tpu.vector_store_idx %arg10[%add3A_129, %broadcast_in_dim3A_137], %gather3A_138 : memref<64x128xf32, #tpu.memory_space<vmem>>[vector<16xi32>, vector<16xi32>], vector<16xf32>,
          %broadcast_in_dim3A_139 = arith.constant 3 : i32
          %broadcast_in_dim3A_140 = vector.broadcast %broadcast_in_dim3A_139 : i32 to vector<16xi32>
          %gather3A_141 = tpu.vector_load_idx %arg12[%select_n3A, %broadcast_in_dim3A_140] masked %and3A_123 : memref<64x32xf32, #tpu.memory_space<vmem>>[vector<16xi32>, vector<16xi32>], vector<16xf32>, vector<16xi1>
          tpu.vector_store_idx %arg10[%add3A_129, %broadcast_in_dim3A_140], %gather3A_141 : memref<64x128xf32, #tpu.memory_space<vmem>>[vector<16xi32>, vector<16xi32>], vector<16xf32>,
          %broadcast_in_dim3A_142 = arith.constant 4 : i32
          %broadcast_in_dim3A_143 = vector.broadcast %broadcast_in_dim3A_142 : i32 to vector<16xi32>
          %gather3A_144 = tpu.vector_load_idx %arg12[%select_n3A, %broadcast_in_dim3A_143] masked %and3A_123 : memref<64x32xf32, #tpu.memory_space<vmem>>[vector<16xi32>, vector<16xi32>], vector<16xf32>, vector<16xi1>
          tpu.vector_store_idx %arg10[%add3A_129, %broadcast_in_dim3A_143], %gather3A_144 : memref<64x128xf32, #tpu.memory_space<vmem>>[vector<16xi32>, vector<16xi32>], vector<16xf32>,
          %broadcast_in_dim3A_145 = arith.constant 5 : i32
          %broadcast_in_dim3A_146 = vector.broadcast %broadcast_in_dim3A_145 : i32 to vector<16xi32>
          %gather3A_147 = tpu.vector_load_idx %arg12[%select_n3A, %broadcast_in_dim3A_146] masked %and3A_123 : memref<64x32xf32, #tpu.memory_space<vmem>>[vector<16xi32>, vector<16xi32>], vector<16xf32>, vector<16xi1>
          tpu.vector_store_idx %arg10[%add3A_129, %broadcast_in_dim3A_146], %gather3A_147 : memref<64x128xf32, #tpu.memory_space<vmem>>[vector<16xi32>, vector<16xi32>], vector<16xf32>,
          %broadcast_in_dim3A_148 = arith.constant 6 : i32
          %broadcast_in_dim3A_149 = vector.broadcast %broadcast_in_dim3A_148 : i32 to vector<16xi32>
          %gather3A_150 = tpu.vector_load_idx %arg12[%select_n3A, %broadcast_in_dim3A_149] masked %and3A_123 : memref<64x32xf32, #tpu.memory_space<vmem>>[vector<16xi32>, vector<16xi32>], vector<16xf32>, vector<16xi1>
          tpu.vector_store_idx %arg10[%add3A_129, %broadcast_in_dim3A_149], %gather3A_150 : memref<64x128xf32, #tpu.memory_space<vmem>>[vector<16xi32>, vector<16xi32>], vector<16xf32>,
          %broadcast_in_dim3A_151 = arith.constant 7 : i32
          %broadcast_in_dim3A_152 = vector.broadcast %broadcast_in_dim3A_151 : i32 to vector<16xi32>
          %gather3A_153 = tpu.vector_load_idx %arg12[%select_n3A, %broadcast_in_dim3A_152] masked %and3A_123 : memref<64x32xf32, #tpu.memory_space<vmem>>[vector<16xi32>, vector<16xi32>], vector<16xf32>, vector<16xi1>
          tpu.vector_store_idx %arg10[%add3A_129, %broadcast_in_dim3A_152], %gather3A_153 : memref<64x128xf32, #tpu.memory_space<vmem>>[vector<16xi32>, vector<16xi32>], vector<16xf32>,
          %broadcast_in_dim3A_154 = arith.constant 8 : i32
          %broadcast_in_dim3A_155 = vector.broadcast %broadcast_in_dim3A_154 : i32 to vector<16xi32>
          %gather3A_156 = tpu.vector_load_idx %arg12[%select_n3A, %broadcast_in_dim3A_155] masked %and3A_123 : memref<64x32xf32, #tpu.memory_space<vmem>>[vector<16xi32>, vector<16xi32>], vector<16xf32>, vector<16xi1>
          tpu.vector_store_idx %arg10[%add3A_129, %broadcast_in_dim3A_155], %gather3A_156 : memref<64x128xf32, #tpu.memory_space<vmem>>[vector<16xi32>, vector<16xi32>], vector<16xf32>,
          %broadcast_in_dim3A_157 = arith.constant 9 : i32
          %broadcast_in_dim3A_158 = vector.broadcast %broadcast_in_dim3A_157 : i32 to vector<16xi32>
          %gather3A_159 = tpu.vector_load_idx %arg12[%select_n3A, %broadcast_in_dim3A_158] masked %and3A_123 : memref<64x32xf32, #tpu.memory_space<vmem>>[vector<16xi32>, vector<16xi32>], vector<16xf32>, vector<16xi1>
          tpu.vector_store_idx %arg10[%add3A_129, %broadcast_in_dim3A_158], %gather3A_159 : memref<64x128xf32, #tpu.memory_space<vmem>>[vector<16xi32>, vector<16xi32>], vector<16xf32>,
          %broadcast_in_dim3A_160 = arith.constant 10 : i32
          %broadcast_in_dim3A_161 = vector.broadcast %broadcast_in_dim3A_160 : i32 to vector<16xi32>
          %gather3A_162 = tpu.vector_load_idx %arg12[%select_n3A, %broadcast_in_dim3A_161] masked %and3A_123 : memref<64x32xf32, #tpu.memory_space<vmem>>[vector<16xi32>, vector<16xi32>], vector<16xf32>, vector<16xi1>
          tpu.vector_store_idx %arg10[%add3A_129, %broadcast_in_dim3A_161], %gather3A_162 : memref<64x128xf32, #tpu.memory_space<vmem>>[vector<16xi32>, vector<16xi32>], vector<16xf32>,
          %broadcast_in_dim3A_163 = arith.constant 11 : i32
          %broadcast_in_dim3A_164 = vector.broadcast %broadcast_in_dim3A_163 : i32 to vector<16xi32>
          %gather3A_165 = tpu.vector_load_idx %arg12[%select_n3A, %broadcast_in_dim3A_164] masked %and3A_123 : memref<64x32xf32, #tpu.memory_space<vmem>>[vector<16xi32>, vector<16xi32>], vector<16xf32>, vector<16xi1>
          tpu.vector_store_idx %arg10[%add3A_129, %broadcast_in_dim3A_164], %gather3A_165 : memref<64x128xf32, #tpu.memory_space<vmem>>[vector<16xi32>, vector<16xi32>], vector<16xf32>,
          %broadcast_in_dim3A_166 = arith.constant 12 : i32
          %broadcast_in_dim3A_167 = vector.broadcast %broadcast_in_dim3A_166 : i32 to vector<16xi32>
          %gather3A_168 = tpu.vector_load_idx %arg12[%select_n3A, %broadcast_in_dim3A_167] masked %and3A_123 : memref<64x32xf32, #tpu.memory_space<vmem>>[vector<16xi32>, vector<16xi32>], vector<16xf32>, vector<16xi1>
          tpu.vector_store_idx %arg10[%add3A_129, %broadcast_in_dim3A_167], %gather3A_168 : memref<64x128xf32, #tpu.memory_space<vmem>>[vector<16xi32>, vector<16xi32>], vector<16xf32>,
          %broadcast_in_dim3A_169 = arith.constant 13 : i32
          %broadcast_in_dim3A_170 = vector.broadcast %broadcast_in_dim3A_169 : i32 to vector<16xi32>
          %gather3A_171 = tpu.vector_load_idx %arg12[%select_n3A, %broadcast_in_dim3A_170] masked %and3A_123 : memref<64x32xf32, #tpu.memory_space<vmem>>[vector<16xi32>, vector<16xi32>], vector<16xf32>, vector<16xi1>
          tpu.vector_store_idx %arg10[%add3A_129, %broadcast_in_dim3A_170], %gather3A_171 : memref<64x128xf32, #tpu.memory_space<vmem>>[vector<16xi32>, vector<16xi32>], vector<16xf32>,
          %broadcast_in_dim3A_172 = arith.constant 14 : i32
          %broadcast_in_dim3A_173 = vector.broadcast %broadcast_in_dim3A_172 : i32 to vector<16xi32>
          %gather3A_174 = tpu.vector_load_idx %arg12[%select_n3A, %broadcast_in_dim3A_173] masked %and3A_123 : memref<64x32xf32, #tpu.memory_space<vmem>>[vector<16xi32>, vector<16xi32>], vector<16xf32>, vector<16xi1>
          tpu.vector_store_idx %arg10[%add3A_129, %broadcast_in_dim3A_173], %gather3A_174 : memref<64x128xf32, #tpu.memory_space<vmem>>[vector<16xi32>, vector<16xi32>], vector<16xf32>,
          %broadcast_in_dim3A_175 = arith.constant 15 : i32
          %broadcast_in_dim3A_176 = vector.broadcast %broadcast_in_dim3A_175 : i32 to vector<16xi32>
          %gather3A_177 = tpu.vector_load_idx %arg12[%select_n3A, %broadcast_in_dim3A_176] masked %and3A_123 : memref<64x32xf32, #tpu.memory_space<vmem>>[vector<16xi32>, vector<16xi32>], vector<16xf32>, vector<16xi1>
          tpu.vector_store_idx %arg10[%add3A_129, %broadcast_in_dim3A_176], %gather3A_177 : memref<64x128xf32, #tpu.memory_space<vmem>>[vector<16xi32>, vector<16xi32>], vector<16xf32>,
          %broadcast_in_dim3A_178 = arith.constant 16 : i32
          %broadcast_in_dim3A_179 = vector.broadcast %broadcast_in_dim3A_178 : i32 to vector<16xi32>
          %gather3A_180 = tpu.vector_load_idx %arg12[%select_n3A, %broadcast_in_dim3A_179] masked %and3A_123 : memref<64x32xf32, #tpu.memory_space<vmem>>[vector<16xi32>, vector<16xi32>], vector<16xf32>, vector<16xi1>
          tpu.vector_store_idx %arg10[%add3A_129, %broadcast_in_dim3A_179], %gather3A_180 : memref<64x128xf32, #tpu.memory_space<vmem>>[vector<16xi32>, vector<16xi32>], vector<16xf32>,
          %broadcast_in_dim3A_181 = arith.constant 17 : i32
          %broadcast_in_dim3A_182 = vector.broadcast %broadcast_in_dim3A_181 : i32 to vector<16xi32>
          %gather3A_183 = tpu.vector_load_idx %arg12[%select_n3A, %broadcast_in_dim3A_182] masked %and3A_123 : memref<64x32xf32, #tpu.memory_space<vmem>>[vector<16xi32>, vector<16xi32>], vector<16xf32>, vector<16xi1>
          tpu.vector_store_idx %arg10[%add3A_129, %broadcast_in_dim3A_182], %gather3A_183 : memref<64x128xf32, #tpu.memory_space<vmem>>[vector<16xi32>, vector<16xi32>], vector<16xf32>,
          %broadcast_in_dim3A_184 = arith.constant 18 : i32
          %broadcast_in_dim3A_185 = vector.broadcast %broadcast_in_dim3A_184 : i32 to vector<16xi32>
          %gather3A_186 = tpu.vector_load_idx %arg12[%select_n3A, %broadcast_in_dim3A_185] masked %and3A_123 : memref<64x32xf32, #tpu.memory_space<vmem>>[vector<16xi32>, vector<16xi32>], vector<16xf32>, vector<16xi1>
          tpu.vector_store_idx %arg10[%add3A_129, %broadcast_in_dim3A_185], %gather3A_186 : memref<64x128xf32, #tpu.memory_space<vmem>>[vector<16xi32>, vector<16xi32>], vector<16xf32>,
          %broadcast_in_dim3A_187 = arith.constant 19 : i32
          %broadcast_in_dim3A_188 = vector.broadcast %broadcast_in_dim3A_187 : i32 to vector<16xi32>
          %gather3A_189 = tpu.vector_load_idx %arg12[%select_n3A, %broadcast_in_dim3A_188] masked %and3A_123 : memref<64x32xf32, #tpu.memory_space<vmem>>[vector<16xi32>, vector<16xi32>], vector<16xf32>, vector<16xi1>
          tpu.vector_store_idx %arg10[%add3A_129, %broadcast_in_dim3A_188], %gather3A_189 : memref<64x128xf32, #tpu.memory_space<vmem>>[vector<16xi32>, vector<16xi32>], vector<16xf32>,
          %broadcast_in_dim3A_190 = arith.constant 20 : i32
          %broadcast_in_dim3A_191 = vector.broadcast %broadcast_in_dim3A_190 : i32 to vector<16xi32>
          %gather3A_192 = tpu.vector_load_idx %arg12[%select_n3A, %broadcast_in_dim3A_191] masked %and3A_123 : memref<64x32xf32, #tpu.memory_space<vmem>>[vector<16xi32>, vector<16xi32>], vector<16xf32>, vector<16xi1>
          tpu.vector_store_idx %arg10[%add3A_129, %broadcast_in_dim3A_191], %gather3A_192 : memref<64x128xf32, #tpu.memory_space<vmem>>[vector<16xi32>, vector<16xi32>], vector<16xf32>,
          %broadcast_in_dim3A_193 = arith.constant 21 : i32
          %broadcast_in_dim3A_194 = vector.broadcast %broadcast_in_dim3A_193 : i32 to vector<16xi32>
          %gather3A_195 = tpu.vector_load_idx %arg12[%select_n3A, %broadcast_in_dim3A_194] masked %and3A_123 : memref<64x32xf32, #tpu.memory_space<vmem>>[vector<16xi32>, vector<16xi32>], vector<16xf32>, vector<16xi1>
          tpu.vector_store_idx %arg10[%add3A_129, %broadcast_in_dim3A_194], %gather3A_195 : memref<64x128xf32, #tpu.memory_space<vmem>>[vector<16xi32>, vector<16xi32>], vector<16xf32>,
          %broadcast_in_dim3A_196 = arith.constant 22 : i32
          %broadcast_in_dim3A_197 = vector.broadcast %broadcast_in_dim3A_196 : i32 to vector<16xi32>
          %gather3A_198 = tpu.vector_load_idx %arg12[%select_n3A, %broadcast_in_dim3A_197] masked %and3A_123 : memref<64x32xf32, #tpu.memory_space<vmem>>[vector<16xi32>, vector<16xi32>], vector<16xf32>, vector<16xi1>
          tpu.vector_store_idx %arg10[%add3A_129, %broadcast_in_dim3A_197], %gather3A_198 : memref<64x128xf32, #tpu.memory_space<vmem>>[vector<16xi32>, vector<16xi32>], vector<16xf32>,
          %broadcast_in_dim3A_199 = arith.constant 23 : i32
          %broadcast_in_dim3A_200 = vector.broadcast %broadcast_in_dim3A_199 : i32 to vector<16xi32>
          %gather3A_201 = tpu.vector_load_idx %arg12[%select_n3A, %broadcast_in_dim3A_200] masked %and3A_123 : memref<64x32xf32, #tpu.memory_space<vmem>>[vector<16xi32>, vector<16xi32>], vector<16xf32>, vector<16xi1>
          tpu.vector_store_idx %arg10[%add3A_129, %broadcast_in_dim3A_200], %gather3A_201 : memref<64x128xf32, #tpu.memory_space<vmem>>[vector<16xi32>, vector<16xi32>], vector<16xf32>,
          %broadcast_in_dim3A_202 = arith.constant 24 : i32
          %broadcast_in_dim3A_203 = vector.broadcast %broadcast_in_dim3A_202 : i32 to vector<16xi32>
          %gather3A_204 = tpu.vector_load_idx %arg12[%select_n3A, %broadcast_in_dim3A_203] masked %and3A_123 : memref<64x32xf32, #tpu.memory_space<vmem>>[vector<16xi32>, vector<16xi32>], vector<16xf32>, vector<16xi1>
          tpu.vector_store_idx %arg10[%add3A_129, %broadcast_in_dim3A_203], %gather3A_204 : memref<64x128xf32, #tpu.memory_space<vmem>>[vector<16xi32>, vector<16xi32>], vector<16xf32>,
          %broadcast_in_dim3A_205 = arith.constant 25 : i32
          %broadcast_in_dim3A_206 = vector.broadcast %broadcast_in_dim3A_205 : i32 to vector<16xi32>
          %gather3A_207 = tpu.vector_load_idx %arg12[%select_n3A, %broadcast_in_dim3A_206] masked %and3A_123 : memref<64x32xf32, #tpu.memory_space<vmem>>[vector<16xi32>, vector<16xi32>], vector<16xf32>, vector<16xi1>
          tpu.vector_store_idx %arg10[%add3A_129, %broadcast_in_dim3A_206], %gather3A_207 : memref<64x128xf32, #tpu.memory_space<vmem>>[vector<16xi32>, vector<16xi32>], vector<16xf32>,
          %broadcast_in_dim3A_208 = arith.constant 26 : i32
          %broadcast_in_dim3A_209 = vector.broadcast %broadcast_in_dim3A_208 : i32 to vector<16xi32>
          %gather3A_210 = tpu.vector_load_idx %arg12[%select_n3A, %broadcast_in_dim3A_209] masked %and3A_123 : memref<64x32xf32, #tpu.memory_space<vmem>>[vector<16xi32>, vector<16xi32>], vector<16xf32>, vector<16xi1>
          tpu.vector_store_idx %arg10[%add3A_129, %broadcast_in_dim3A_209], %gather3A_210 : memref<64x128xf32, #tpu.memory_space<vmem>>[vector<16xi32>, vector<16xi32>], vector<16xf32>,
          %broadcast_in_dim3A_211 = arith.constant 27 : i32
          %broadcast_in_dim3A_212 = vector.broadcast %broadcast_in_dim3A_211 : i32 to vector<16xi32>
          %gather3A_213 = tpu.vector_load_idx %arg12[%select_n3A, %broadcast_in_dim3A_212] masked %and3A_123 : memref<64x32xf32, #tpu.memory_space<vmem>>[vector<16xi32>, vector<16xi32>], vector<16xf32>, vector<16xi1>
          tpu.vector_store_idx %arg10[%add3A_129, %broadcast_in_dim3A_212], %gather3A_213 : memref<64x128xf32, #tpu.memory_space<vmem>>[vector<16xi32>, vector<16xi32>], vector<16xf32>,
          %broadcast_in_dim3A_214 = arith.constant 28 : i32
          %broadcast_in_dim3A_215 = vector.broadcast %broadcast_in_dim3A_214 : i32 to vector<16xi32>
          %gather3A_216 = tpu.vector_load_idx %arg12[%select_n3A, %broadcast_in_dim3A_215] masked %and3A_123 : memref<64x32xf32, #tpu.memory_space<vmem>>[vector<16xi32>, vector<16xi32>], vector<16xf32>, vector<16xi1>
          tpu.vector_store_idx %arg10[%add3A_129, %broadcast_in_dim3A_215], %gather3A_216 : memref<64x128xf32, #tpu.memory_space<vmem>>[vector<16xi32>, vector<16xi32>], vector<16xf32>,
          %broadcast_in_dim3A_217 = arith.constant 29 : i32
          %broadcast_in_dim3A_218 = vector.broadcast %broadcast_in_dim3A_217 : i32 to vector<16xi32>
          %gather3A_219 = tpu.vector_load_idx %arg12[%select_n3A, %broadcast_in_dim3A_218] masked %and3A_123 : memref<64x32xf32, #tpu.memory_space<vmem>>[vector<16xi32>, vector<16xi32>], vector<16xf32>, vector<16xi1>
          tpu.vector_store_idx %arg10[%add3A_129, %broadcast_in_dim3A_218], %gather3A_219 : memref<64x128xf32, #tpu.memory_space<vmem>>[vector<16xi32>, vector<16xi32>], vector<16xf32>,
          %broadcast_in_dim3A_220 = arith.constant 30 : i32
          %broadcast_in_dim3A_221 = vector.broadcast %broadcast_in_dim3A_220 : i32 to vector<16xi32>
          %gather3A_222 = tpu.vector_load_idx %arg12[%select_n3A, %broadcast_in_dim3A_221] masked %and3A_123 : memref<64x32xf32, #tpu.memory_space<vmem>>[vector<16xi32>, vector<16xi32>], vector<16xf32>, vector<16xi1>
          tpu.vector_store_idx %arg10[%add3A_129, %broadcast_in_dim3A_221], %gather3A_222 : memref<64x128xf32, #tpu.memory_space<vmem>>[vector<16xi32>, vector<16xi32>], vector<16xf32>,
          %broadcast_in_dim3A_223 = arith.constant 31 : i32
          %broadcast_in_dim3A_224 = vector.broadcast %broadcast_in_dim3A_223 : i32 to vector<16xi32>
          %gather3A_225 = tpu.vector_load_idx %arg12[%select_n3A, %broadcast_in_dim3A_224] masked %and3A_123 : memref<64x32xf32, #tpu.memory_space<vmem>>[vector<16xi32>, vector<16xi32>], vector<16xf32>, vector<16xi1>
          tpu.vector_store_idx %arg10[%add3A_129, %broadcast_in_dim3A_224], %gather3A_225 : memref<64x128xf32, #tpu.memory_space<vmem>>[vector<16xi32>, vector<16xi32>], vector<16xf32>,
          %broadcast_in_dim3A_226 = arith.constant -1 : i32
          %broadcast_in_dim3A_227 = vector.broadcast %broadcast_in_dim3A_226 : i32 to vector<16xi32>
          %select_n3A_228 = arith.select %and3A_123, %and3A_114, %broadcast_in_dim3A_227 : vector<16xi1>, vector<16xi32>
          %mul3A_229 = arith.constant 16 : i32
          %mul3A_230 = arith.muli %while3A_101, %mul3A_229 : i32
          %swap3A_231 = arith.constant 0 : i32
          %swap3A_232 = arith.index_cast %swap3A_231 : i32 to index
          %swap3A_233 = arith.index_cast %mul3A_230 : i32 to index
          %swap3A_234 = tpu.vector_load %arg11[%swap3A_232, %swap3A_233] {strides = array<i32>} : memref<1x64xi32, #tpu.memory_space<vmem>>, vector<16xi32>,
          tpu.vector_store %arg11[%swap3A_232, %swap3A_233], %select_n3A_228 {strides = array<i32>} : memref<1x64xi32, #tpu.memory_space<vmem>>, vector<16xi32>,
          %while3A_235 = arith.constant 0 : i32
          scf.yield %while3A_235 : i32
        }
        %dma_start3A = arith.constant 0 : i32
        %dma_start3A_87 = arith.constant 0 : i32
        %dma_start3A_88 = tpu.memref_slice %arg11[%dma_start3A, %dma_start3A_87] : memref<1x64xi32, #tpu.memory_space<vmem>> -> memref<1x64xi32, #tpu.memory_space<vmem>>
        %dma_start3A_89 = tpu.memref_squeeze %dma_start3A_88 : memref<1x64xi32, #tpu.memory_space<vmem>> -> memref<64xi32, #tpu.memory_space<vmem>>
        %dma_start3A_90 = arith.constant 0 : i32
        %dma_start3A_91 = arith.constant 0 : i32
        %dma_start3A_92 = tpu.memref_slice %arg5[%dma_start3A_90, %dma_start3A_91] : memref<16384x128xf32, #tpu.memory_space<hbm>> -> memref<16384x128xf32, #tpu.memory_space<hbm>>
        %dma_start3A_93 = arith.constant -1 : i32
        tpu.enqueue_indirect_dma source(%arg10 : memref<64x128xf32, #tpu.memory_space<vmem>>) target(%dma_start3A_92 : memref<16384x128xf32, #tpu.memory_space<hbm>>) offsets(%dma_start3A_89 : memref<64xi32, #tpu.memory_space<vmem>>) offset_filter(%dma_start3A_93) semaphore(%arg15 : memref<!tpu.dma_semaphore, #tpu.memory_space<semaphore_mem>>)
        %dma_wait3A = arith.constant 0 : i32
        %dma_wait3A_94 = arith.constant 0 : i32
        %dma_wait3A_95 = tpu.memref_slice %arg11[%dma_wait3A, %dma_wait3A_94] : memref<1x64xi32, #tpu.memory_space<vmem>> -> memref<1x64xi32, #tpu.memory_space<vmem>>
        %dma_wait3A_96 = tpu.memref_squeeze %dma_wait3A_95 : memref<1x64xi32, #tpu.memory_space<vmem>> -> memref<64xi32, #tpu.memory_space<vmem>>
        %dma_wait3A_97 = arith.constant 0 : i32
        %dma_wait3A_98 = arith.constant 0 : i32
        %dma_wait3A_99 = tpu.memref_slice %arg5[%dma_wait3A_97, %dma_wait3A_98] : memref<16384x128xf32, #tpu.memory_space<hbm>> -> memref<16384x128xf32, #tpu.memory_space<hbm>>
        tpu.wait_indirect_dma semaphore(%arg15 : memref<!tpu.dma_semaphore, #tpu.memory_space<semaphore_mem>>) src(%arg10 : memref<64x128xf32, #tpu.memory_space<vmem>>) dst(%dma_wait3A_99 : memref<16384x128xf32, #tpu.memory_space<hbm>>)
        %while3A_100 = arith.constant 0 : i32
        scf.yield %while3A_100 : i32
      }
      %while3A_52 = arith.constant 1 : i32
      %while3A_53 = scf.for %while3A_54 = %while3A_49 to %while3A_45 step %while3A_52 iter_args(%while3A_55 = %while3A_51) -> (i32)  : i32 {
        %broadcast_in_dim3A = arith.constant -1 : i32
        %broadcast_in_dim3A_56 = vector.broadcast %broadcast_in_dim3A : i32 to vector<16xi32>
        %swap3A = arith.constant 0 : i32
        %swap3A_57 = arith.index_cast %swap3A : i32 to index
        %swap3A_58 = arith.constant 0 : index
        %swap3A_59 = tpu.vector_load %arg11[%swap3A_57, %swap3A_58] {strides = array<i32>} : memref<1x64xi32, #tpu.memory_space<vmem>>, vector<16xi32>,
        tpu.vector_store %arg11[%swap3A_57, %swap3A_58], %broadcast_in_dim3A_56 {strides = array<i32>} : memref<1x64xi32, #tpu.memory_space<vmem>>, vector<16xi32>,
        %swap3A_60 = arith.constant 0 : i32
        %swap3A_61 = arith.index_cast %swap3A_60 : i32 to index
        %swap3A_62 = arith.constant 16 : index
        %swap3A_63 = tpu.vector_load %arg11[%swap3A_61, %swap3A_62] {strides = array<i32>} : memref<1x64xi32, #tpu.memory_space<vmem>>, vector<16xi32>,
        tpu.vector_store %arg11[%swap3A_61, %swap3A_62], %broadcast_in_dim3A_56 {strides = array<i32>} : memref<1x64xi32, #tpu.memory_space<vmem>>, vector<16xi32>,
        %swap3A_64 = arith.constant 0 : i32
        %swap3A_65 = arith.index_cast %swap3A_64 : i32 to index
        %swap3A_66 = arith.constant 32 : index
        %swap3A_67 = tpu.vector_load %arg11[%swap3A_65, %swap3A_66] {strides = array<i32>} : memref<1x64xi32, #tpu.memory_space<vmem>>, vector<16xi32>,
        tpu.vector_store %arg11[%swap3A_65, %swap3A_66], %broadcast_in_dim3A_56 {strides = array<i32>} : memref<1x64xi32, #tpu.memory_space<vmem>>, vector<16xi32>,
        %swap3A_68 = arith.constant 0 : i32
        %swap3A_69 = arith.index_cast %swap3A_68 : i32 to index
        %swap3A_70 = arith.constant 48 : index
        %swap3A_71 = tpu.vector_load %arg11[%swap3A_69, %swap3A_70] {strides = array<i32>} : memref<1x64xi32, #tpu.memory_space<vmem>>, vector<16xi32>,
        tpu.vector_store %arg11[%swap3A_69, %swap3A_70], %broadcast_in_dim3A_56 {strides = array<i32>} : memref<1x64xi32, #tpu.memory_space<vmem>>, vector<16xi32>,
        %mul3A_72 = arith.constant 4 : i32
        %mul3A_73 = arith.muli %while3A_54, %mul3A_72 : i32
        %sub3A = arith.subi %div3A_36, %mul3A_73 : i32
        %min3A = arith.constant 4 : i32
        %min3A_74 = arith.minsi %min3A, %sub3A : i32
        %while3A_75 = arith.constant 0 : i32
        %while3A_76 = arith.constant 0 : i32
        %while3A_77 = arith.subi %min3A_74, %while3A_75 : i32
        %while3A_78 = arith.addi %while3A_75, %while3A_77 : i32
        %while3A_79 = arith.constant 1 : i32
        %while3A_80 = arith.divsi %while3A_77, %while3A_79 : i32
        %while3A_81 = arith.muli %while3A_80, %while3A_79 : i32
        %while3A_82 = arith.addi %while3A_75, %while3A_81 : i32
        %while3A_83 = arith.constant 1 : i32
        %while3A_84 = scf.for %while3A_101 = %while3A_75 to %while3A_82 step %while3A_83 iter_args(%while3A_102 = %while3A_76) -> (i32)  : i32 {
          %mul3A_103 = arith.constant 4 : i32
          %mul3A_104 = arith.muli %while3A_54, %mul3A_103 : i32
          %add3A_105 = arith.addi %mul3A_104, %while3A_101 : i32
          %mul3A_106 = arith.constant 16 : i32
          %mul3A_107 = arith.muli %add3A_105, %mul3A_106 : i32
          %get3A = arith.index_cast %mul3A_107 : i32 to index
          %get3A_108 = tpu.vector_load %arg8[%get3A] {strides = array<i32>} : memref<16400xi32, #tpu.memory_space<vmem>>, vector<16xi32>,
          %add3A_109 = vector.broadcast %mul3A_107 : i32 to vector<16xi32>
          %add3A_110 = arith.addi %add3A_109, %iota3A : vector<16xi32>
          %lt3A_111 = vector.broadcast %while3A_32 : i32 to vector<16xi32>
          %lt3A_112 = arith.cmpi slt, %add3A_110, %lt3A_111 : vector<16xi32>
          %and3A = arith.constant 16383 : i32
          %and3A_113 = vector.broadcast %and3A : i32 to vector<16xi32>
          %and3A_114 = arith.andi %get3A_108, %and3A_113 : vector<16xi32>
          %gather3A = tpu.vector_load_idx %arg6[%and3A_114] : memref<16384xi32, #tpu.memory_space<vmem>>[vector<16xi32>], vector<16xi32>,
          %sub3A_115 = vector.broadcast %while3A_41 : i32 to vector<16xi32>
          %sub3A_116 = arith.subi %gather3A, %sub3A_115 : vector<16xi32>
          %ge3A = arith.constant 0 : i32
          %ge3A_117 = vector.broadcast %ge3A : i32 to vector<16xi32>
          %ge3A_118 = arith.cmpi sge, %sub3A_116, %ge3A_117 : vector<16xi32>
          %and3A_119 = arith.andi %lt3A_112, %ge3A_118 : vector<16xi1>
          %lt3A_120 = arith.constant 64 : i32
          %lt3A_121 = vector.broadcast %lt3A_120 : i32 to vector<16xi32>
          %lt3A_122 = arith.cmpi slt, %sub3A_116, %lt3A_121 : vector<16xi32>
          %and3A_123 = arith.andi %and3A_119, %lt3A_122 : vector<16xi1>
          %broadcast_in_dim3A_124 = arith.constant 0 : i32
          %broadcast_in_dim3A_125 = vector.broadcast %broadcast_in_dim3A_124 : i32 to vector<16xi32>
          %select_n3A = arith.select %and3A_123, %sub3A_116, %broadcast_in_dim3A_125 : vector<16xi1>, vector<16xi32>
          %mul3A_126 = arith.constant 16 : i32
          %mul3A_127 = arith.muli %while3A_101, %mul3A_126 : i32
          %add3A_128 = vector.broadcast %mul3A_127 : i32 to vector<16xi32>
          %add3A_129 = arith.addi %add3A_128, %iota3A : vector<16xi32>
          %broadcast_in_dim3A_130 = arith.constant 0 : i32
          %broadcast_in_dim3A_131 = vector.broadcast %broadcast_in_dim3A_130 : i32 to vector<16xi32>
          %gather3A_132 = tpu.vector_load_idx %arg12[%select_n3A, %broadcast_in_dim3A_131] masked %and3A_123 : memref<64x32xf32, #tpu.memory_space<vmem>>[vector<16xi32>, vector<16xi32>], vector<16xf32>, vector<16xi1>
          tpu.vector_store_idx %arg10[%add3A_129, %broadcast_in_dim3A_131], %gather3A_132 : memref<64x128xf32, #tpu.memory_space<vmem>>[vector<16xi32>, vector<16xi32>], vector<16xf32>,
          %broadcast_in_dim3A_133 = arith.constant 1 : i32
          %broadcast_in_dim3A_134 = vector.broadcast %broadcast_in_dim3A_133 : i32 to vector<16xi32>
          %gather3A_135 = tpu.vector_load_idx %arg12[%select_n3A, %broadcast_in_dim3A_134] masked %and3A_123 : memref<64x32xf32, #tpu.memory_space<vmem>>[vector<16xi32>, vector<16xi32>], vector<16xf32>, vector<16xi1>
          tpu.vector_store_idx %arg10[%add3A_129, %broadcast_in_dim3A_134], %gather3A_135 : memref<64x128xf32, #tpu.memory_space<vmem>>[vector<16xi32>, vector<16xi32>], vector<16xf32>,
          %broadcast_in_dim3A_136 = arith.constant 2 : i32
          %broadcast_in_dim3A_137 = vector.broadcast %broadcast_in_dim3A_136 : i32 to vector<16xi32>
          %gather3A_138 = tpu.vector_load_idx %arg12[%select_n3A, %broadcast_in_dim3A_137] masked %and3A_123 : memref<64x32xf32, #tpu.memory_space<vmem>>[vector<16xi32>, vector<16xi32>], vector<16xf32>, vector<16xi1>
          tpu.vector_store_idx %arg10[%add3A_129, %broadcast_in_dim3A_137], %gather3A_138 : memref<64x128xf32, #tpu.memory_space<vmem>>[vector<16xi32>, vector<16xi32>], vector<16xf32>,
          %broadcast_in_dim3A_139 = arith.constant 3 : i32
          %broadcast_in_dim3A_140 = vector.broadcast %broadcast_in_dim3A_139 : i32 to vector<16xi32>
          %gather3A_141 = tpu.vector_load_idx %arg12[%select_n3A, %broadcast_in_dim3A_140] masked %and3A_123 : memref<64x32xf32, #tpu.memory_space<vmem>>[vector<16xi32>, vector<16xi32>], vector<16xf32>, vector<16xi1>
          tpu.vector_store_idx %arg10[%add3A_129, %broadcast_in_dim3A_140], %gather3A_141 : memref<64x128xf32, #tpu.memory_space<vmem>>[vector<16xi32>, vector<16xi32>], vector<16xf32>,
          %broadcast_in_dim3A_142 = arith.constant 4 : i32
          %broadcast_in_dim3A_143 = vector.broadcast %broadcast_in_dim3A_142 : i32 to vector<16xi32>
          %gather3A_144 = tpu.vector_load_idx %arg12[%select_n3A, %broadcast_in_dim3A_143] masked %and3A_123 : memref<64x32xf32, #tpu.memory_space<vmem>>[vector<16xi32>, vector<16xi32>], vector<16xf32>, vector<16xi1>
          tpu.vector_store_idx %arg10[%add3A_129, %broadcast_in_dim3A_143], %gather3A_144 : memref<64x128xf32, #tpu.memory_space<vmem>>[vector<16xi32>, vector<16xi32>], vector<16xf32>,
          %broadcast_in_dim3A_145 = arith.constant 5 : i32
          %broadcast_in_dim3A_146 = vector.broadcast %broadcast_in_dim3A_145 : i32 to vector<16xi32>
          %gather3A_147 = tpu.vector_load_idx %arg12[%select_n3A, %broadcast_in_dim3A_146] masked %and3A_123 : memref<64x32xf32, #tpu.memory_space<vmem>>[vector<16xi32>, vector<16xi32>], vector<16xf32>, vector<16xi1>
          tpu.vector_store_idx %arg10[%add3A_129, %broadcast_in_dim3A_146], %gather3A_147 : memref<64x128xf32, #tpu.memory_space<vmem>>[vector<16xi32>, vector<16xi32>], vector<16xf32>,
          %broadcast_in_dim3A_148 = arith.constant 6 : i32
          %broadcast_in_dim3A_149 = vector.broadcast %broadcast_in_dim3A_148 : i32 to vector<16xi32>
          %gather3A_150 = tpu.vector_load_idx %arg12[%select_n3A, %broadcast_in_dim3A_149] masked %and3A_123 : memref<64x32xf32, #tpu.memory_space<vmem>>[vector<16xi32>, vector<16xi32>], vector<16xf32>, vector<16xi1>
          tpu.vector_store_idx %arg10[%add3A_129, %broadcast_in_dim3A_149], %gather3A_150 : memref<64x128xf32, #tpu.memory_space<vmem>>[vector<16xi32>, vector<16xi32>], vector<16xf32>,
          %broadcast_in_dim3A_151 = arith.constant 7 : i32
          %broadcast_in_dim3A_152 = vector.broadcast %broadcast_in_dim3A_151 : i32 to vector<16xi32>
          %gather3A_153 = tpu.vector_load_idx %arg12[%select_n3A, %broadcast_in_dim3A_152] masked %and3A_123 : memref<64x32xf32, #tpu.memory_space<vmem>>[vector<16xi32>, vector<16xi32>], vector<16xf32>, vector<16xi1>
          tpu.vector_store_idx %arg10[%add3A_129, %broadcast_in_dim3A_152], %gather3A_153 : memref<64x128xf32, #tpu.memory_space<vmem>>[vector<16xi32>, vector<16xi32>], vector<16xf32>,
          %broadcast_in_dim3A_154 = arith.constant 8 : i32
          %broadcast_in_dim3A_155 = vector.broadcast %broadcast_in_dim3A_154 : i32 to vector<16xi32>
          %gather3A_156 = tpu.vector_load_idx %arg12[%select_n3A, %broadcast_in_dim3A_155] masked %and3A_123 : memref<64x32xf32, #tpu.memory_space<vmem>>[vector<16xi32>, vector<16xi32>], vector<16xf32>, vector<16xi1>
          tpu.vector_store_idx %arg10[%add3A_129, %broadcast_in_dim3A_155], %gather3A_156 : memref<64x128xf32, #tpu.memory_space<vmem>>[vector<16xi32>, vector<16xi32>], vector<16xf32>,
          %broadcast_in_dim3A_157 = arith.constant 9 : i32
          %broadcast_in_dim3A_158 = vector.broadcast %broadcast_in_dim3A_157 : i32 to vector<16xi32>
          %gather3A_159 = tpu.vector_load_idx %arg12[%select_n3A, %broadcast_in_dim3A_158] masked %and3A_123 : memref<64x32xf32, #tpu.memory_space<vmem>>[vector<16xi32>, vector<16xi32>], vector<16xf32>, vector<16xi1>
          tpu.vector_store_idx %arg10[%add3A_129, %broadcast_in_dim3A_158], %gather3A_159 : memref<64x128xf32, #tpu.memory_space<vmem>>[vector<16xi32>, vector<16xi32>], vector<16xf32>,
          %broadcast_in_dim3A_160 = arith.constant 10 : i32
          %broadcast_in_dim3A_161 = vector.broadcast %broadcast_in_dim3A_160 : i32 to vector<16xi32>
          %gather3A_162 = tpu.vector_load_idx %arg12[%select_n3A, %broadcast_in_dim3A_161] masked %and3A_123 : memref<64x32xf32, #tpu.memory_space<vmem>>[vector<16xi32>, vector<16xi32>], vector<16xf32>, vector<16xi1>
          tpu.vector_store_idx %arg10[%add3A_129, %broadcast_in_dim3A_161], %gather3A_162 : memref<64x128xf32, #tpu.memory_space<vmem>>[vector<16xi32>, vector<16xi32>], vector<16xf32>,
          %broadcast_in_dim3A_163 = arith.constant 11 : i32
          %broadcast_in_dim3A_164 = vector.broadcast %broadcast_in_dim3A_163 : i32 to vector<16xi32>
          %gather3A_165 = tpu.vector_load_idx %arg12[%select_n3A, %broadcast_in_dim3A_164] masked %and3A_123 : memref<64x32xf32, #tpu.memory_space<vmem>>[vector<16xi32>, vector<16xi32>], vector<16xf32>, vector<16xi1>
          tpu.vector_store_idx %arg10[%add3A_129, %broadcast_in_dim3A_164], %gather3A_165 : memref<64x128xf32, #tpu.memory_space<vmem>>[vector<16xi32>, vector<16xi32>], vector<16xf32>,
          %broadcast_in_dim3A_166 = arith.constant 12 : i32
          %broadcast_in_dim3A_167 = vector.broadcast %broadcast_in_dim3A_166 : i32 to vector<16xi32>
          %gather3A_168 = tpu.vector_load_idx %arg12[%select_n3A, %broadcast_in_dim3A_167] masked %and3A_123 : memref<64x32xf32, #tpu.memory_space<vmem>>[vector<16xi32>, vector<16xi32>], vector<16xf32>, vector<16xi1>
          tpu.vector_store_idx %arg10[%add3A_129, %broadcast_in_dim3A_167], %gather3A_168 : memref<64x128xf32, #tpu.memory_space<vmem>>[vector<16xi32>, vector<16xi32>], vector<16xf32>,
          %broadcast_in_dim3A_169 = arith.constant 13 : i32
          %broadcast_in_dim3A_170 = vector.broadcast %broadcast_in_dim3A_169 : i32 to vector<16xi32>
          %gather3A_171 = tpu.vector_load_idx %arg12[%select_n3A, %broadcast_in_dim3A_170] masked %and3A_123 : memref<64x32xf32, #tpu.memory_space<vmem>>[vector<16xi32>, vector<16xi32>], vector<16xf32>, vector<16xi1>
          tpu.vector_store_idx %arg10[%add3A_129, %broadcast_in_dim3A_170], %gather3A_171 : memref<64x128xf32, #tpu.memory_space<vmem>>[vector<16xi32>, vector<16xi32>], vector<16xf32>,
          %broadcast_in_dim3A_172 = arith.constant 14 : i32
          %broadcast_in_dim3A_173 = vector.broadcast %broadcast_in_dim3A_172 : i32 to vector<16xi32>
          %gather3A_174 = tpu.vector_load_idx %arg12[%select_n3A, %broadcast_in_dim3A_173] masked %and3A_123 : memref<64x32xf32, #tpu.memory_space<vmem>>[vector<16xi32>, vector<16xi32>], vector<16xf32>, vector<16xi1>
          tpu.vector_store_idx %arg10[%add3A_129, %broadcast_in_dim3A_173], %gather3A_174 : memref<64x128xf32, #tpu.memory_space<vmem>>[vector<16xi32>, vector<16xi32>], vector<16xf32>,
          %broadcast_in_dim3A_175 = arith.constant 15 : i32
          %broadcast_in_dim3A_176 = vector.broadcast %broadcast_in_dim3A_175 : i32 to vector<16xi32>
          %gather3A_177 = tpu.vector_load_idx %arg12[%select_n3A, %broadcast_in_dim3A_176] masked %and3A_123 : memref<64x32xf32, #tpu.memory_space<vmem>>[vector<16xi32>, vector<16xi32>], vector<16xf32>, vector<16xi1>
          tpu.vector_store_idx %arg10[%add3A_129, %broadcast_in_dim3A_176], %gather3A_177 : memref<64x128xf32, #tpu.memory_space<vmem>>[vector<16xi32>, vector<16xi32>], vector<16xf32>,
          %broadcast_in_dim3A_178 = arith.constant 16 : i32
          %broadcast_in_dim3A_179 = vector.broadcast %broadcast_in_dim3A_178 : i32 to vector<16xi32>
          %gather3A_180 = tpu.vector_load_idx %arg12[%select_n3A, %broadcast_in_dim3A_179] masked %and3A_123 : memref<64x32xf32, #tpu.memory_space<vmem>>[vector<16xi32>, vector<16xi32>], vector<16xf32>, vector<16xi1>
          tpu.vector_store_idx %arg10[%add3A_129, %broadcast_in_dim3A_179], %gather3A_180 : memref<64x128xf32, #tpu.memory_space<vmem>>[vector<16xi32>, vector<16xi32>], vector<16xf32>,
          %broadcast_in_dim3A_181 = arith.constant 17 : i32
          %broadcast_in_dim3A_182 = vector.broadcast %broadcast_in_dim3A_181 : i32 to vector<16xi32>
          %gather3A_183 = tpu.vector_load_idx %arg12[%select_n3A, %broadcast_in_dim3A_182] masked %and3A_123 : memref<64x32xf32, #tpu.memory_space<vmem>>[vector<16xi32>, vector<16xi32>], vector<16xf32>, vector<16xi1>
          tpu.vector_store_idx %arg10[%add3A_129, %broadcast_in_dim3A_182], %gather3A_183 : memref<64x128xf32, #tpu.memory_space<vmem>>[vector<16xi32>, vector<16xi32>], vector<16xf32>,
          %broadcast_in_dim3A_184 = arith.constant 18 : i32
          %broadcast_in_dim3A_185 = vector.broadcast %broadcast_in_dim3A_184 : i32 to vector<16xi32>
          %gather3A_186 = tpu.vector_load_idx %arg12[%select_n3A, %broadcast_in_dim3A_185] masked %and3A_123 : memref<64x32xf32, #tpu.memory_space<vmem>>[vector<16xi32>, vector<16xi32>], vector<16xf32>, vector<16xi1>
          tpu.vector_store_idx %arg10[%add3A_129, %broadcast_in_dim3A_185], %gather3A_186 : memref<64x128xf32, #tpu.memory_space<vmem>>[vector<16xi32>, vector<16xi32>], vector<16xf32>,
          %broadcast_in_dim3A_187 = arith.constant 19 : i32
          %broadcast_in_dim3A_188 = vector.broadcast %broadcast_in_dim3A_187 : i32 to vector<16xi32>
          %gather3A_189 = tpu.vector_load_idx %arg12[%select_n3A, %broadcast_in_dim3A_188] masked %and3A_123 : memref<64x32xf32, #tpu.memory_space<vmem>>[vector<16xi32>, vector<16xi32>], vector<16xf32>, vector<16xi1>
          tpu.vector_store_idx %arg10[%add3A_129, %broadcast_in_dim3A_188], %gather3A_189 : memref<64x128xf32, #tpu.memory_space<vmem>>[vector<16xi32>, vector<16xi32>], vector<16xf32>,
          %broadcast_in_dim3A_190 = arith.constant 20 : i32
          %broadcast_in_dim3A_191 = vector.broadcast %broadcast_in_dim3A_190 : i32 to vector<16xi32>
          %gather3A_192 = tpu.vector_load_idx %arg12[%select_n3A, %broadcast_in_dim3A_191] masked %and3A_123 : memref<64x32xf32, #tpu.memory_space<vmem>>[vector<16xi32>, vector<16xi32>], vector<16xf32>, vector<16xi1>
          tpu.vector_store_idx %arg10[%add3A_129, %broadcast_in_dim3A_191], %gather3A_192 : memref<64x128xf32, #tpu.memory_space<vmem>>[vector<16xi32>, vector<16xi32>], vector<16xf32>,
          %broadcast_in_dim3A_193 = arith.constant 21 : i32
          %broadcast_in_dim3A_194 = vector.broadcast %broadcast_in_dim3A_193 : i32 to vector<16xi32>
          %gather3A_195 = tpu.vector_load_idx %arg12[%select_n3A, %broadcast_in_dim3A_194] masked %and3A_123 : memref<64x32xf32, #tpu.memory_space<vmem>>[vector<16xi32>, vector<16xi32>], vector<16xf32>, vector<16xi1>
          tpu.vector_store_idx %arg10[%add3A_129, %broadcast_in_dim3A_194], %gather3A_195 : memref<64x128xf32, #tpu.memory_space<vmem>>[vector<16xi32>, vector<16xi32>], vector<16xf32>,
          %broadcast_in_dim3A_196 = arith.constant 22 : i32
          %broadcast_in_dim3A_197 = vector.broadcast %broadcast_in_dim3A_196 : i32 to vector<16xi32>
          %gather3A_198 = tpu.vector_load_idx %arg12[%select_n3A, %broadcast_in_dim3A_197] masked %and3A_123 : memref<64x32xf32, #tpu.memory_space<vmem>>[vector<16xi32>, vector<16xi32>], vector<16xf32>, vector<16xi1>
          tpu.vector_store_idx %arg10[%add3A_129, %broadcast_in_dim3A_197], %gather3A_198 : memref<64x128xf32, #tpu.memory_space<vmem>>[vector<16xi32>, vector<16xi32>], vector<16xf32>,
          %broadcast_in_dim3A_199 = arith.constant 23 : i32
          %broadcast_in_dim3A_200 = vector.broadcast %broadcast_in_dim3A_199 : i32 to vector<16xi32>
          %gather3A_201 = tpu.vector_load_idx %arg12[%select_n3A, %broadcast_in_dim3A_200] masked %and3A_123 : memref<64x32xf32, #tpu.memory_space<vmem>>[vector<16xi32>, vector<16xi32>], vector<16xf32>, vector<16xi1>
          tpu.vector_store_idx %arg10[%add3A_129, %broadcast_in_dim3A_200], %gather3A_201 : memref<64x128xf32, #tpu.memory_space<vmem>>[vector<16xi32>, vector<16xi32>], vector<16xf32>,
          %broadcast_in_dim3A_202 = arith.constant 24 : i32
          %broadcast_in_dim3A_203 = vector.broadcast %broadcast_in_dim3A_202 : i32 to vector<16xi32>
          %gather3A_204 = tpu.vector_load_idx %arg12[%select_n3A, %broadcast_in_dim3A_203] masked %and3A_123 : memref<64x32xf32, #tpu.memory_space<vmem>>[vector<16xi32>, vector<16xi32>], vector<16xf32>, vector<16xi1>
          tpu.vector_store_idx %arg10[%add3A_129, %broadcast_in_dim3A_203], %gather3A_204 : memref<64x128xf32, #tpu.memory_space<vmem>>[vector<16xi32>, vector<16xi32>], vector<16xf32>,
          %broadcast_in_dim3A_205 = arith.constant 25 : i32
          %broadcast_in_dim3A_206 = vector.broadcast %broadcast_in_dim3A_205 : i32 to vector<16xi32>
          %gather3A_207 = tpu.vector_load_idx %arg12[%select_n3A, %broadcast_in_dim3A_206] masked %and3A_123 : memref<64x32xf32, #tpu.memory_space<vmem>>[vector<16xi32>, vector<16xi32>], vector<16xf32>, vector<16xi1>
          tpu.vector_store_idx %arg10[%add3A_129, %broadcast_in_dim3A_206], %gather3A_207 : memref<64x128xf32, #tpu.memory_space<vmem>>[vector<16xi32>, vector<16xi32>], vector<16xf32>,
          %broadcast_in_dim3A_208 = arith.constant 26 : i32
          %broadcast_in_dim3A_209 = vector.broadcast %broadcast_in_dim3A_208 : i32 to vector<16xi32>
          %gather3A_210 = tpu.vector_load_idx %arg12[%select_n3A, %broadcast_in_dim3A_209] masked %and3A_123 : memref<64x32xf32, #tpu.memory_space<vmem>>[vector<16xi32>, vector<16xi32>], vector<16xf32>, vector<16xi1>
          tpu.vector_store_idx %arg10[%add3A_129, %broadcast_in_dim3A_209], %gather3A_210 : memref<64x128xf32, #tpu.memory_space<vmem>>[vector<16xi32>, vector<16xi32>], vector<16xf32>,
          %broadcast_in_dim3A_211 = arith.constant 27 : i32
          %broadcast_in_dim3A_212 = vector.broadcast %broadcast_in_dim3A_211 : i32 to vector<16xi32>
          %gather3A_213 = tpu.vector_load_idx %arg12[%select_n3A, %broadcast_in_dim3A_212] masked %and3A_123 : memref<64x32xf32, #tpu.memory_space<vmem>>[vector<16xi32>, vector<16xi32>], vector<16xf32>, vector<16xi1>
          tpu.vector_store_idx %arg10[%add3A_129, %broadcast_in_dim3A_212], %gather3A_213 : memref<64x128xf32, #tpu.memory_space<vmem>>[vector<16xi32>, vector<16xi32>], vector<16xf32>,
          %broadcast_in_dim3A_214 = arith.constant 28 : i32
          %broadcast_in_dim3A_215 = vector.broadcast %broadcast_in_dim3A_214 : i32 to vector<16xi32>
          %gather3A_216 = tpu.vector_load_idx %arg12[%select_n3A, %broadcast_in_dim3A_215] masked %and3A_123 : memref<64x32xf32, #tpu.memory_space<vmem>>[vector<16xi32>, vector<16xi32>], vector<16xf32>, vector<16xi1>
          tpu.vector_store_idx %arg10[%add3A_129, %broadcast_in_dim3A_215], %gather3A_216 : memref<64x128xf32, #tpu.memory_space<vmem>>[vector<16xi32>, vector<16xi32>], vector<16xf32>,
          %broadcast_in_dim3A_217 = arith.constant 29 : i32
          %broadcast_in_dim3A_218 = vector.broadcast %broadcast_in_dim3A_217 : i32 to vector<16xi32>
          %gather3A_219 = tpu.vector_load_idx %arg12[%select_n3A, %broadcast_in_dim3A_218] masked %and3A_123 : memref<64x32xf32, #tpu.memory_space<vmem>>[vector<16xi32>, vector<16xi32>], vector<16xf32>, vector<16xi1>
          tpu.vector_store_idx %arg10[%add3A_129, %broadcast_in_dim3A_218], %gather3A_219 : memref<64x128xf32, #tpu.memory_space<vmem>>[vector<16xi32>, vector<16xi32>], vector<16xf32>,
          %broadcast_in_dim3A_220 = arith.constant 30 : i32
          %broadcast_in_dim3A_221 = vector.broadcast %broadcast_in_dim3A_220 : i32 to vector<16xi32>
          %gather3A_222 = tpu.vector_load_idx %arg12[%select_n3A, %broadcast_in_dim3A_221] masked %and3A_123 : memref<64x32xf32, #tpu.memory_space<vmem>>[vector<16xi32>, vector<16xi32>], vector<16xf32>, vector<16xi1>
          tpu.vector_store_idx %arg10[%add3A_129, %broadcast_in_dim3A_221], %gather3A_222 : memref<64x128xf32, #tpu.memory_space<vmem>>[vector<16xi32>, vector<16xi32>], vector<16xf32>,
          %broadcast_in_dim3A_223 = arith.constant 31 : i32
          %broadcast_in_dim3A_224 = vector.broadcast %broadcast_in_dim3A_223 : i32 to vector<16xi32>
          %gather3A_225 = tpu.vector_load_idx %arg12[%select_n3A, %broadcast_in_dim3A_224] masked %and3A_123 : memref<64x32xf32, #tpu.memory_space<vmem>>[vector<16xi32>, vector<16xi32>], vector<16xf32>, vector<16xi1>
          tpu.vector_store_idx %arg10[%add3A_129, %broadcast_in_dim3A_224], %gather3A_225 : memref<64x128xf32, #tpu.memory_space<vmem>>[vector<16xi32>, vector<16xi32>], vector<16xf32>,
          %broadcast_in_dim3A_226 = arith.constant -1 : i32
          %broadcast_in_dim3A_227 = vector.broadcast %broadcast_in_dim3A_226 : i32 to vector<16xi32>
          %select_n3A_228 = arith.select %and3A_123, %and3A_114, %broadcast_in_dim3A_227 : vector<16xi1>, vector<16xi32>
          %mul3A_229 = arith.constant 16 : i32
          %mul3A_230 = arith.muli %while3A_101, %mul3A_229 : i32
          %swap3A_231 = arith.constant 0 : i32
          %swap3A_232 = arith.index_cast %swap3A_231 : i32 to index
          %swap3A_233 = arith.index_cast %mul3A_230 : i32 to index
          %swap3A_234 = tpu.vector_load %arg11[%swap3A_232, %swap3A_233] {strides = array<i32>} : memref<1x64xi32, #tpu.memory_space<vmem>>, vector<16xi32>,
          tpu.vector_store %arg11[%swap3A_232, %swap3A_233], %select_n3A_228 {strides = array<i32>} : memref<1x64xi32, #tpu.memory_space<vmem>>, vector<16xi32>,
          %while3A_235 = arith.constant 0 : i32
          scf.yield %while3A_235 : i32
        }
        %while3A_85 = arith.constant 1 : i32
        %while3A_86 = scf.for %while3A_101 = %while3A_82 to %while3A_78 step %while3A_85 iter_args(%while3A_102 = %while3A_84) -> (i32)  : i32 {
          %mul3A_103 = arith.constant 4 : i32
          %mul3A_104 = arith.muli %while3A_54, %mul3A_103 : i32
          %add3A_105 = arith.addi %mul3A_104, %while3A_101 : i32
          %mul3A_106 = arith.constant 16 : i32
          %mul3A_107 = arith.muli %add3A_105, %mul3A_106 : i32
          %get3A = arith.index_cast %mul3A_107 : i32 to index
          %get3A_108 = tpu.vector_load %arg8[%get3A] {strides = array<i32>} : memref<16400xi32, #tpu.memory_space<vmem>>, vector<16xi32>,
          %add3A_109 = vector.broadcast %mul3A_107 : i32 to vector<16xi32>
          %add3A_110 = arith.addi %add3A_109, %iota3A : vector<16xi32>
          %lt3A_111 = vector.broadcast %while3A_32 : i32 to vector<16xi32>
          %lt3A_112 = arith.cmpi slt, %add3A_110, %lt3A_111 : vector<16xi32>
          %and3A = arith.constant 16383 : i32
          %and3A_113 = vector.broadcast %and3A : i32 to vector<16xi32>
          %and3A_114 = arith.andi %get3A_108, %and3A_113 : vector<16xi32>
          %gather3A = tpu.vector_load_idx %arg6[%and3A_114] : memref<16384xi32, #tpu.memory_space<vmem>>[vector<16xi32>], vector<16xi32>,
          %sub3A_115 = vector.broadcast %while3A_41 : i32 to vector<16xi32>
          %sub3A_116 = arith.subi %gather3A, %sub3A_115 : vector<16xi32>
          %ge3A = arith.constant 0 : i32
          %ge3A_117 = vector.broadcast %ge3A : i32 to vector<16xi32>
          %ge3A_118 = arith.cmpi sge, %sub3A_116, %ge3A_117 : vector<16xi32>
          %and3A_119 = arith.andi %lt3A_112, %ge3A_118 : vector<16xi1>
          %lt3A_120 = arith.constant 64 : i32
          %lt3A_121 = vector.broadcast %lt3A_120 : i32 to vector<16xi32>
          %lt3A_122 = arith.cmpi slt, %sub3A_116, %lt3A_121 : vector<16xi32>
          %and3A_123 = arith.andi %and3A_119, %lt3A_122 : vector<16xi1>
          %broadcast_in_dim3A_124 = arith.constant 0 : i32
          %broadcast_in_dim3A_125 = vector.broadcast %broadcast_in_dim3A_124 : i32 to vector<16xi32>
          %select_n3A = arith.select %and3A_123, %sub3A_116, %broadcast_in_dim3A_125 : vector<16xi1>, vector<16xi32>
          %mul3A_126 = arith.constant 16 : i32
          %mul3A_127 = arith.muli %while3A_101, %mul3A_126 : i32
          %add3A_128 = vector.broadcast %mul3A_127 : i32 to vector<16xi32>
          %add3A_129 = arith.addi %add3A_128, %iota3A : vector<16xi32>
          %broadcast_in_dim3A_130 = arith.constant 0 : i32
          %broadcast_in_dim3A_131 = vector.broadcast %broadcast_in_dim3A_130 : i32 to vector<16xi32>
          %gather3A_132 = tpu.vector_load_idx %arg12[%select_n3A, %broadcast_in_dim3A_131] masked %and3A_123 : memref<64x32xf32, #tpu.memory_space<vmem>>[vector<16xi32>, vector<16xi32>], vector<16xf32>, vector<16xi1>
          tpu.vector_store_idx %arg10[%add3A_129, %broadcast_in_dim3A_131], %gather3A_132 : memref<64x128xf32, #tpu.memory_space<vmem>>[vector<16xi32>, vector<16xi32>], vector<16xf32>,
          %broadcast_in_dim3A_133 = arith.constant 1 : i32
          %broadcast_in_dim3A_134 = vector.broadcast %broadcast_in_dim3A_133 : i32 to vector<16xi32>
          %gather3A_135 = tpu.vector_load_idx %arg12[%select_n3A, %broadcast_in_dim3A_134] masked %and3A_123 : memref<64x32xf32, #tpu.memory_space<vmem>>[vector<16xi32>, vector<16xi32>], vector<16xf32>, vector<16xi1>
          tpu.vector_store_idx %arg10[%add3A_129, %broadcast_in_dim3A_134], %gather3A_135 : memref<64x128xf32, #tpu.memory_space<vmem>>[vector<16xi32>, vector<16xi32>], vector<16xf32>,
          %broadcast_in_dim3A_136 = arith.constant 2 : i32
          %broadcast_in_dim3A_137 = vector.broadcast %broadcast_in_dim3A_136 : i32 to vector<16xi32>
          %gather3A_138 = tpu.vector_load_idx %arg12[%select_n3A, %broadcast_in_dim3A_137] masked %and3A_123 : memref<64x32xf32, #tpu.memory_space<vmem>>[vector<16xi32>, vector<16xi32>], vector<16xf32>, vector<16xi1>
          tpu.vector_store_idx %arg10[%add3A_129, %broadcast_in_dim3A_137], %gather3A_138 : memref<64x128xf32, #tpu.memory_space<vmem>>[vector<16xi32>, vector<16xi32>], vector<16xf32>,
          %broadcast_in_dim3A_139 = arith.constant 3 : i32
          %broadcast_in_dim3A_140 = vector.broadcast %broadcast_in_dim3A_139 : i32 to vector<16xi32>
          %gather3A_141 = tpu.vector_load_idx %arg12[%select_n3A, %broadcast_in_dim3A_140] masked %and3A_123 : memref<64x32xf32, #tpu.memory_space<vmem>>[vector<16xi32>, vector<16xi32>], vector<16xf32>, vector<16xi1>
          tpu.vector_store_idx %arg10[%add3A_129, %broadcast_in_dim3A_140], %gather3A_141 : memref<64x128xf32, #tpu.memory_space<vmem>>[vector<16xi32>, vector<16xi32>], vector<16xf32>,
          %broadcast_in_dim3A_142 = arith.constant 4 : i32
          %broadcast_in_dim3A_143 = vector.broadcast %broadcast_in_dim3A_142 : i32 to vector<16xi32>
          %gather3A_144 = tpu.vector_load_idx %arg12[%select_n3A, %broadcast_in_dim3A_143] masked %and3A_123 : memref<64x32xf32, #tpu.memory_space<vmem>>[vector<16xi32>, vector<16xi32>], vector<16xf32>, vector<16xi1>
          tpu.vector_store_idx %arg10[%add3A_129, %broadcast_in_dim3A_143], %gather3A_144 : memref<64x128xf32, #tpu.memory_space<vmem>>[vector<16xi32>, vector<16xi32>], vector<16xf32>,
          %broadcast_in_dim3A_145 = arith.constant 5 : i32
          %broadcast_in_dim3A_146 = vector.broadcast %broadcast_in_dim3A_145 : i32 to vector<16xi32>
          %gather3A_147 = tpu.vector_load_idx %arg12[%select_n3A, %broadcast_in_dim3A_146] masked %and3A_123 : memref<64x32xf32, #tpu.memory_space<vmem>>[vector<16xi32>, vector<16xi32>], vector<16xf32>, vector<16xi1>
          tpu.vector_store_idx %arg10[%add3A_129, %broadcast_in_dim3A_146], %gather3A_147 : memref<64x128xf32, #tpu.memory_space<vmem>>[vector<16xi32>, vector<16xi32>], vector<16xf32>,
          %broadcast_in_dim3A_148 = arith.constant 6 : i32
          %broadcast_in_dim3A_149 = vector.broadcast %broadcast_in_dim3A_148 : i32 to vector<16xi32>
          %gather3A_150 = tpu.vector_load_idx %arg12[%select_n3A, %broadcast_in_dim3A_149] masked %and3A_123 : memref<64x32xf32, #tpu.memory_space<vmem>>[vector<16xi32>, vector<16xi32>], vector<16xf32>, vector<16xi1>
          tpu.vector_store_idx %arg10[%add3A_129, %broadcast_in_dim3A_149], %gather3A_150 : memref<64x128xf32, #tpu.memory_space<vmem>>[vector<16xi32>, vector<16xi32>], vector<16xf32>,
          %broadcast_in_dim3A_151 = arith.constant 7 : i32
          %broadcast_in_dim3A_152 = vector.broadcast %broadcast_in_dim3A_151 : i32 to vector<16xi32>
          %gather3A_153 = tpu.vector_load_idx %arg12[%select_n3A, %broadcast_in_dim3A_152] masked %and3A_123 : memref<64x32xf32, #tpu.memory_space<vmem>>[vector<16xi32>, vector<16xi32>], vector<16xf32>, vector<16xi1>
          tpu.vector_store_idx %arg10[%add3A_129, %broadcast_in_dim3A_152], %gather3A_153 : memref<64x128xf32, #tpu.memory_space<vmem>>[vector<16xi32>, vector<16xi32>], vector<16xf32>,
          %broadcast_in_dim3A_154 = arith.constant 8 : i32
          %broadcast_in_dim3A_155 = vector.broadcast %broadcast_in_dim3A_154 : i32 to vector<16xi32>
          %gather3A_156 = tpu.vector_load_idx %arg12[%select_n3A, %broadcast_in_dim3A_155] masked %and3A_123 : memref<64x32xf32, #tpu.memory_space<vmem>>[vector<16xi32>, vector<16xi32>], vector<16xf32>, vector<16xi1>
          tpu.vector_store_idx %arg10[%add3A_129, %broadcast_in_dim3A_155], %gather3A_156 : memref<64x128xf32, #tpu.memory_space<vmem>>[vector<16xi32>, vector<16xi32>], vector<16xf32>,
          %broadcast_in_dim3A_157 = arith.constant 9 : i32
          %broadcast_in_dim3A_158 = vector.broadcast %broadcast_in_dim3A_157 : i32 to vector<16xi32>
          %gather3A_159 = tpu.vector_load_idx %arg12[%select_n3A, %broadcast_in_dim3A_158] masked %and3A_123 : memref<64x32xf32, #tpu.memory_space<vmem>>[vector<16xi32>, vector<16xi32>], vector<16xf32>, vector<16xi1>
          tpu.vector_store_idx %arg10[%add3A_129, %broadcast_in_dim3A_158], %gather3A_159 : memref<64x128xf32, #tpu.memory_space<vmem>>[vector<16xi32>, vector<16xi32>], vector<16xf32>,
          %broadcast_in_dim3A_160 = arith.constant 10 : i32
          %broadcast_in_dim3A_161 = vector.broadcast %broadcast_in_dim3A_160 : i32 to vector<16xi32>
          %gather3A_162 = tpu.vector_load_idx %arg12[%select_n3A, %broadcast_in_dim3A_161] masked %and3A_123 : memref<64x32xf32, #tpu.memory_space<vmem>>[vector<16xi32>, vector<16xi32>], vector<16xf32>, vector<16xi1>
          tpu.vector_store_idx %arg10[%add3A_129, %broadcast_in_dim3A_161], %gather3A_162 : memref<64x128xf32, #tpu.memory_space<vmem>>[vector<16xi32>, vector<16xi32>], vector<16xf32>,
          %broadcast_in_dim3A_163 = arith.constant 11 : i32
          %broadcast_in_dim3A_164 = vector.broadcast %broadcast_in_dim3A_163 : i32 to vector<16xi32>
          %gather3A_165 = tpu.vector_load_idx %arg12[%select_n3A, %broadcast_in_dim3A_164] masked %and3A_123 : memref<64x32xf32, #tpu.memory_space<vmem>>[vector<16xi32>, vector<16xi32>], vector<16xf32>, vector<16xi1>
          tpu.vector_store_idx %arg10[%add3A_129, %broadcast_in_dim3A_164], %gather3A_165 : memref<64x128xf32, #tpu.memory_space<vmem>>[vector<16xi32>, vector<16xi32>], vector<16xf32>,
          %broadcast_in_dim3A_166 = arith.constant 12 : i32
          %broadcast_in_dim3A_167 = vector.broadcast %broadcast_in_dim3A_166 : i32 to vector<16xi32>
          %gather3A_168 = tpu.vector_load_idx %arg12[%select_n3A, %broadcast_in_dim3A_167] masked %and3A_123 : memref<64x32xf32, #tpu.memory_space<vmem>>[vector<16xi32>, vector<16xi32>], vector<16xf32>, vector<16xi1>
          tpu.vector_store_idx %arg10[%add3A_129, %broadcast_in_dim3A_167], %gather3A_168 : memref<64x128xf32, #tpu.memory_space<vmem>>[vector<16xi32>, vector<16xi32>], vector<16xf32>,
          %broadcast_in_dim3A_169 = arith.constant 13 : i32
          %broadcast_in_dim3A_170 = vector.broadcast %broadcast_in_dim3A_169 : i32 to vector<16xi32>
          %gather3A_171 = tpu.vector_load_idx %arg12[%select_n3A, %broadcast_in_dim3A_170] masked %and3A_123 : memref<64x32xf32, #tpu.memory_space<vmem>>[vector<16xi32>, vector<16xi32>], vector<16xf32>, vector<16xi1>
          tpu.vector_store_idx %arg10[%add3A_129, %broadcast_in_dim3A_170], %gather3A_171 : memref<64x128xf32, #tpu.memory_space<vmem>>[vector<16xi32>, vector<16xi32>], vector<16xf32>,
          %broadcast_in_dim3A_172 = arith.constant 14 : i32
          %broadcast_in_dim3A_173 = vector.broadcast %broadcast_in_dim3A_172 : i32 to vector<16xi32>
          %gather3A_174 = tpu.vector_load_idx %arg12[%select_n3A, %broadcast_in_dim3A_173] masked %and3A_123 : memref<64x32xf32, #tpu.memory_space<vmem>>[vector<16xi32>, vector<16xi32>], vector<16xf32>, vector<16xi1>
          tpu.vector_store_idx %arg10[%add3A_129, %broadcast_in_dim3A_173], %gather3A_174 : memref<64x128xf32, #tpu.memory_space<vmem>>[vector<16xi32>, vector<16xi32>], vector<16xf32>,
          %broadcast_in_dim3A_175 = arith.constant 15 : i32
          %broadcast_in_dim3A_176 = vector.broadcast %broadcast_in_dim3A_175 : i32 to vector<16xi32>
          %gather3A_177 = tpu.vector_load_idx %arg12[%select_n3A, %broadcast_in_dim3A_176] masked %and3A_123 : memref<64x32xf32, #tpu.memory_space<vmem>>[vector<16xi32>, vector<16xi32>], vector<16xf32>, vector<16xi1>
          tpu.vector_store_idx %arg10[%add3A_129, %broadcast_in_dim3A_176], %gather3A_177 : memref<64x128xf32, #tpu.memory_space<vmem>>[vector<16xi32>, vector<16xi32>], vector<16xf32>,
          %broadcast_in_dim3A_178 = arith.constant 16 : i32
          %broadcast_in_dim3A_179 = vector.broadcast %broadcast_in_dim3A_178 : i32 to vector<16xi32>
          %gather3A_180 = tpu.vector_load_idx %arg12[%select_n3A, %broadcast_in_dim3A_179] masked %and3A_123 : memref<64x32xf32, #tpu.memory_space<vmem>>[vector<16xi32>, vector<16xi32>], vector<16xf32>, vector<16xi1>
          tpu.vector_store_idx %arg10[%add3A_129, %broadcast_in_dim3A_179], %gather3A_180 : memref<64x128xf32, #tpu.memory_space<vmem>>[vector<16xi32>, vector<16xi32>], vector<16xf32>,
          %broadcast_in_dim3A_181 = arith.constant 17 : i32
          %broadcast_in_dim3A_182 = vector.broadcast %broadcast_in_dim3A_181 : i32 to vector<16xi32>
          %gather3A_183 = tpu.vector_load_idx %arg12[%select_n3A, %broadcast_in_dim3A_182] masked %and3A_123 : memref<64x32xf32, #tpu.memory_space<vmem>>[vector<16xi32>, vector<16xi32>], vector<16xf32>, vector<16xi1>
          tpu.vector_store_idx %arg10[%add3A_129, %broadcast_in_dim3A_182], %gather3A_183 : memref<64x128xf32, #tpu.memory_space<vmem>>[vector<16xi32>, vector<16xi32>], vector<16xf32>,
          %broadcast_in_dim3A_184 = arith.constant 18 : i32
          %broadcast_in_dim3A_185 = vector.broadcast %broadcast_in_dim3A_184 : i32 to vector<16xi32>
          %gather3A_186 = tpu.vector_load_idx %arg12[%select_n3A, %broadcast_in_dim3A_185] masked %and3A_123 : memref<64x32xf32, #tpu.memory_space<vmem>>[vector<16xi32>, vector<16xi32>], vector<16xf32>, vector<16xi1>
          tpu.vector_store_idx %arg10[%add3A_129, %broadcast_in_dim3A_185], %gather3A_186 : memref<64x128xf32, #tpu.memory_space<vmem>>[vector<16xi32>, vector<16xi32>], vector<16xf32>,
          %broadcast_in_dim3A_187 = arith.constant 19 : i32
          %broadcast_in_dim3A_188 = vector.broadcast %broadcast_in_dim3A_187 : i32 to vector<16xi32>
          %gather3A_189 = tpu.vector_load_idx %arg12[%select_n3A, %broadcast_in_dim3A_188] masked %and3A_123 : memref<64x32xf32, #tpu.memory_space<vmem>>[vector<16xi32>, vector<16xi32>], vector<16xf32>, vector<16xi1>
          tpu.vector_store_idx %arg10[%add3A_129, %broadcast_in_dim3A_188], %gather3A_189 : memref<64x128xf32, #tpu.memory_space<vmem>>[vector<16xi32>, vector<16xi32>], vector<16xf32>,
          %broadcast_in_dim3A_190 = arith.constant 20 : i32
          %broadcast_in_dim3A_191 = vector.broadcast %broadcast_in_dim3A_190 : i32 to vector<16xi32>
          %gather3A_192 = tpu.vector_load_idx %arg12[%select_n3A, %broadcast_in_dim3A_191] masked %and3A_123 : memref<64x32xf32, #tpu.memory_space<vmem>>[vector<16xi32>, vector<16xi32>], vector<16xf32>, vector<16xi1>
          tpu.vector_store_idx %arg10[%add3A_129, %broadcast_in_dim3A_191], %gather3A_192 : memref<64x128xf32, #tpu.memory_space<vmem>>[vector<16xi32>, vector<16xi32>], vector<16xf32>,
          %broadcast_in_dim3A_193 = arith.constant 21 : i32
          %broadcast_in_dim3A_194 = vector.broadcast %broadcast_in_dim3A_193 : i32 to vector<16xi32>
          %gather3A_195 = tpu.vector_load_idx %arg12[%select_n3A, %broadcast_in_dim3A_194] masked %and3A_123 : memref<64x32xf32, #tpu.memory_space<vmem>>[vector<16xi32>, vector<16xi32>], vector<16xf32>, vector<16xi1>
          tpu.vector_store_idx %arg10[%add3A_129, %broadcast_in_dim3A_194], %gather3A_195 : memref<64x128xf32, #tpu.memory_space<vmem>>[vector<16xi32>, vector<16xi32>], vector<16xf32>,
          %broadcast_in_dim3A_196 = arith.constant 22 : i32
          %broadcast_in_dim3A_197 = vector.broadcast %broadcast_in_dim3A_196 : i32 to vector<16xi32>
          %gather3A_198 = tpu.vector_load_idx %arg12[%select_n3A, %broadcast_in_dim3A_197] masked %and3A_123 : memref<64x32xf32, #tpu.memory_space<vmem>>[vector<16xi32>, vector<16xi32>], vector<16xf32>, vector<16xi1>
          tpu.vector_store_idx %arg10[%add3A_129, %broadcast_in_dim3A_197], %gather3A_198 : memref<64x128xf32, #tpu.memory_space<vmem>>[vector<16xi32>, vector<16xi32>], vector<16xf32>,
          %broadcast_in_dim3A_199 = arith.constant 23 : i32
          %broadcast_in_dim3A_200 = vector.broadcast %broadcast_in_dim3A_199 : i32 to vector<16xi32>
          %gather3A_201 = tpu.vector_load_idx %arg12[%select_n3A, %broadcast_in_dim3A_200] masked %and3A_123 : memref<64x32xf32, #tpu.memory_space<vmem>>[vector<16xi32>, vector<16xi32>], vector<16xf32>, vector<16xi1>
          tpu.vector_store_idx %arg10[%add3A_129, %broadcast_in_dim3A_200], %gather3A_201 : memref<64x128xf32, #tpu.memory_space<vmem>>[vector<16xi32>, vector<16xi32>], vector<16xf32>,
          %broadcast_in_dim3A_202 = arith.constant 24 : i32
          %broadcast_in_dim3A_203 = vector.broadcast %broadcast_in_dim3A_202 : i32 to vector<16xi32>
          %gather3A_204 = tpu.vector_load_idx %arg12[%select_n3A, %broadcast_in_dim3A_203] masked %and3A_123 : memref<64x32xf32, #tpu.memory_space<vmem>>[vector<16xi32>, vector<16xi32>], vector<16xf32>, vector<16xi1>
          tpu.vector_store_idx %arg10[%add3A_129, %broadcast_in_dim3A_203], %gather3A_204 : memref<64x128xf32, #tpu.memory_space<vmem>>[vector<16xi32>, vector<16xi32>], vector<16xf32>,
          %broadcast_in_dim3A_205 = arith.constant 25 : i32
          %broadcast_in_dim3A_206 = vector.broadcast %broadcast_in_dim3A_205 : i32 to vector<16xi32>
          %gather3A_207 = tpu.vector_load_idx %arg12[%select_n3A, %broadcast_in_dim3A_206] masked %and3A_123 : memref<64x32xf32, #tpu.memory_space<vmem>>[vector<16xi32>, vector<16xi32>], vector<16xf32>, vector<16xi1>
          tpu.vector_store_idx %arg10[%add3A_129, %broadcast_in_dim3A_206], %gather3A_207 : memref<64x128xf32, #tpu.memory_space<vmem>>[vector<16xi32>, vector<16xi32>], vector<16xf32>,
          %broadcast_in_dim3A_208 = arith.constant 26 : i32
          %broadcast_in_dim3A_209 = vector.broadcast %broadcast_in_dim3A_208 : i32 to vector<16xi32>
          %gather3A_210 = tpu.vector_load_idx %arg12[%select_n3A, %broadcast_in_dim3A_209] masked %and3A_123 : memref<64x32xf32, #tpu.memory_space<vmem>>[vector<16xi32>, vector<16xi32>], vector<16xf32>, vector<16xi1>
          tpu.vector_store_idx %arg10[%add3A_129, %broadcast_in_dim3A_209], %gather3A_210 : memref<64x128xf32, #tpu.memory_space<vmem>>[vector<16xi32>, vector<16xi32>], vector<16xf32>,
          %broadcast_in_dim3A_211 = arith.constant 27 : i32
          %broadcast_in_dim3A_212 = vector.broadcast %broadcast_in_dim3A_211 : i32 to vector<16xi32>
          %gather3A_213 = tpu.vector_load_idx %arg12[%select_n3A, %broadcast_in_dim3A_212] masked %and3A_123 : memref<64x32xf32, #tpu.memory_space<vmem>>[vector<16xi32>, vector<16xi32>], vector<16xf32>, vector<16xi1>
          tpu.vector_store_idx %arg10[%add3A_129, %broadcast_in_dim3A_212], %gather3A_213 : memref<64x128xf32, #tpu.memory_space<vmem>>[vector<16xi32>, vector<16xi32>], vector<16xf32>,
          %broadcast_in_dim3A_214 = arith.constant 28 : i32
          %broadcast_in_dim3A_215 = vector.broadcast %broadcast_in_dim3A_214 : i32 to vector<16xi32>
          %gather3A_216 = tpu.vector_load_idx %arg12[%select_n3A, %broadcast_in_dim3A_215] masked %and3A_123 : memref<64x32xf32, #tpu.memory_space<vmem>>[vector<16xi32>, vector<16xi32>], vector<16xf32>, vector<16xi1>
          tpu.vector_store_idx %arg10[%add3A_129, %broadcast_in_dim3A_215], %gather3A_216 : memref<64x128xf32, #tpu.memory_space<vmem>>[vector<16xi32>, vector<16xi32>], vector<16xf32>,
          %broadcast_in_dim3A_217 = arith.constant 29 : i32
          %broadcast_in_dim3A_218 = vector.broadcast %broadcast_in_dim3A_217 : i32 to vector<16xi32>
          %gather3A_219 = tpu.vector_load_idx %arg12[%select_n3A, %broadcast_in_dim3A_218] masked %and3A_123 : memref<64x32xf32, #tpu.memory_space<vmem>>[vector<16xi32>, vector<16xi32>], vector<16xf32>, vector<16xi1>
          tpu.vector_store_idx %arg10[%add3A_129, %broadcast_in_dim3A_218], %gather3A_219 : memref<64x128xf32, #tpu.memory_space<vmem>>[vector<16xi32>, vector<16xi32>], vector<16xf32>,
          %broadcast_in_dim3A_220 = arith.constant 30 : i32
          %broadcast_in_dim3A_221 = vector.broadcast %broadcast_in_dim3A_220 : i32 to vector<16xi32>
          %gather3A_222 = tpu.vector_load_idx %arg12[%select_n3A, %broadcast_in_dim3A_221] masked %and3A_123 : memref<64x32xf32, #tpu.memory_space<vmem>>[vector<16xi32>, vector<16xi32>], vector<16xf32>, vector<16xi1>
          tpu.vector_store_idx %arg10[%add3A_129, %broadcast_in_dim3A_221], %gather3A_222 : memref<64x128xf32, #tpu.memory_space<vmem>>[vector<16xi32>, vector<16xi32>], vector<16xf32>,
          %broadcast_in_dim3A_223 = arith.constant 31 : i32
          %broadcast_in_dim3A_224 = vector.broadcast %broadcast_in_dim3A_223 : i32 to vector<16xi32>
          %gather3A_225 = tpu.vector_load_idx %arg12[%select_n3A, %broadcast_in_dim3A_224] masked %and3A_123 : memref<64x32xf32, #tpu.memory_space<vmem>>[vector<16xi32>, vector<16xi32>], vector<16xf32>, vector<16xi1>
          tpu.vector_store_idx %arg10[%add3A_129, %broadcast_in_dim3A_224], %gather3A_225 : memref<64x128xf32, #tpu.memory_space<vmem>>[vector<16xi32>, vector<16xi32>], vector<16xf32>,
          %broadcast_in_dim3A_226 = arith.constant -1 : i32
          %broadcast_in_dim3A_227 = vector.broadcast %broadcast_in_dim3A_226 : i32 to vector<16xi32>
          %select_n3A_228 = arith.select %and3A_123, %and3A_114, %broadcast_in_dim3A_227 : vector<16xi1>, vector<16xi32>
          %mul3A_229 = arith.constant 16 : i32
          %mul3A_230 = arith.muli %while3A_101, %mul3A_229 : i32
          %swap3A_231 = arith.constant 0 : i32
          %swap3A_232 = arith.index_cast %swap3A_231 : i32 to index
          %swap3A_233 = arith.index_cast %mul3A_230 : i32 to index
          %swap3A_234 = tpu.vector_load %arg11[%swap3A_232, %swap3A_233] {strides = array<i32>} : memref<1x64xi32, #tpu.memory_space<vmem>>, vector<16xi32>,
          tpu.vector_store %arg11[%swap3A_232, %swap3A_233], %select_n3A_228 {strides = array<i32>} : memref<1x64xi32, #tpu.memory_space<vmem>>, vector<16xi32>,
          %while3A_235 = arith.constant 0 : i32
          scf.yield %while3A_235 : i32
        }
        %dma_start3A = arith.constant 0 : i32
        %dma_start3A_87 = arith.constant 0 : i32
        %dma_start3A_88 = tpu.memref_slice %arg11[%dma_start3A, %dma_start3A_87] : memref<1x64xi32, #tpu.memory_space<vmem>> -> memref<1x64xi32, #tpu.memory_space<vmem>>
        %dma_start3A_89 = tpu.memref_squeeze %dma_start3A_88 : memref<1x64xi32, #tpu.memory_space<vmem>> -> memref<64xi32, #tpu.memory_space<vmem>>
        %dma_start3A_90 = arith.constant 0 : i32
        %dma_start3A_91 = arith.constant 0 : i32
        %dma_start3A_92 = tpu.memref_slice %arg5[%dma_start3A_90, %dma_start3A_91] : memref<16384x128xf32, #tpu.memory_space<hbm>> -> memref<16384x128xf32, #tpu.memory_space<hbm>>
        %dma_start3A_93 = arith.constant -1 : i32
        tpu.enqueue_indirect_dma source(%arg10 : memref<64x128xf32, #tpu.memory_space<vmem>>) target(%dma_start3A_92 : memref<16384x128xf32, #tpu.memory_space<hbm>>) offsets(%dma_start3A_89 : memref<64xi32, #tpu.memory_space<vmem>>) offset_filter(%dma_start3A_93) semaphore(%arg15 : memref<!tpu.dma_semaphore, #tpu.memory_space<semaphore_mem>>)
        %dma_wait3A = arith.constant 0 : i32
        %dma_wait3A_94 = arith.constant 0 : i32
        %dma_wait3A_95 = tpu.memref_slice %arg11[%dma_wait3A, %dma_wait3A_94] : memref<1x64xi32, #tpu.memory_space<vmem>> -> memref<1x64xi32, #tpu.memory_space<vmem>>
        %dma_wait3A_96 = tpu.memref_squeeze %dma_wait3A_95 : memref<1x64xi32, #tpu.memory_space<vmem>> -> memref<64xi32, #tpu.memory_space<vmem>>
        %dma_wait3A_97 = arith.constant 0 : i32
        %dma_wait3A_98 = arith.constant 0 : i32
        %dma_wait3A_99 = tpu.memref_slice %arg5[%dma_wait3A_97, %dma_wait3A_98] : memref<16384x128xf32, #tpu.memory_space<hbm>> -> memref<16384x128xf32, #tpu.memory_space<hbm>>
        tpu.wait_indirect_dma semaphore(%arg15 : memref<!tpu.dma_semaphore, #tpu.memory_space<semaphore_mem>>) src(%arg10 : memref<64x128xf32, #tpu.memory_space<vmem>>) dst(%dma_wait3A_99 : memref<16384x128xf32, #tpu.memory_space<hbm>>)
        %while3A_100 = arith.constant 0 : i32
        scf.yield %while3A_100 : i32
      }
    } else {
    }
    return
  }
}

</mosaic_0001>

<sc_bundles>
// kernel: kernel.3.cloned.1.call-start
scs
__scs_entry_jumppad:
0x0: {  	(pc) =	sbr.rel $0x88, $3  }
0x1: {  	(tag) =	ssettag $0x0;
	lr =	simm.s32 $0x1  }
0x2: {  	[smem:$0x3F9F] =	sst lr;
	_ =	strace $0xD0000000  }
0x3: {  	_ = 	snop  }
0x4: {  	_ = 	snop  }
0x5: {  	_ = 	snop  }
0x6: {  	_ = 	snop  }
0x7: {  	_ = 	snop  }
__scs_overlays_trampoline_lowered:
0x8: {  	[smem:$0x3FAE] =	sst s0  }
0x9: {  	[smem:$0x3FAF] =	sst s1  }
0xa: {  	[smem:$0x3FB0] =	sst s2  }
0xb: {  	[smem:$0x3FB1] =	sst s3  }
0xc: {  	[smem:$0x3FB2] =	sst s4  }
0xd: {  	[smem:$0x3FB3] =	sst s5  }
0xe: {  	[smem:$0x3FB4] =	sst s6  }
0xf: {  	[smem:$0x3FB5] =	sst s7  }
0x10: {  	[smem:$0x3FB6] =	sst s8  }
0x11: {  	[smem:$0x3FB7] =	sst s9;
	s0 =	simm.s32 @!p0 $0x0  }
0x12: {  	s1 =	sld [smem:$0x3F9D];
	s0 =	simm.s32 @p0 $0x1  }
0x13: {  	[smem:$0x3FB8] =	sst s0;
	s0 =	simm.s32 @!p1 $0x0  }
0x14: {  	s2 =	sld [smem:$0x3F9C];
	s0 =	simm.s32 @p1 $0x1  }
0x15: {  	[smem:$0x3FB9] =	sst s0;
	s0 =	simm.s32 @!p2 $0x0  }
0x16: {  	s3 =	sld [smem:$0x3FDB];
	s0 =	simm.s32 @p2 $0x1  }
0x17: {  	s4 =	simm.s32 $0x1BF5;
	[smem:$0x3FBB] =	sst s0  }
0x18: {  	s0 =	sld [smem:$0x3F9E];
	_ =	swait.ge [sflag:s4], $0x0  }
0x19: {  	s7 =	sld [smem:$0x3F9F]  }
0x1a: {  	s8 =	sadd.s32 $0xFFFFE003, lr  }
0x1b: {  	s9 =	sadd.s32 $0xFFFFFEF7, lr;
	s5 =	simm.s32 $0xFFFFFFFF;
	p2 =	slt.u32 s8, $0xFFFFF086  }
0x1c: {  	p1 =	slt.u32 s9, $0xF7A;
	s5 =	simm.s32 @!p2 $0x0  }
0x1d: {  	s5 =	simm.s32 @p1 $0x1;
	p0 =	seq.s32 s7, s2  }
0x1e: {  	s7 =	smul.u32 @!p0 $0xF7A, s2;
	p2 =	seq.s32 @!p0 s5, $0x0  }
0x1f: {  	s9 =	smul.u32 $0xF7A, s1;
	s8 =	simm.s32 @!p0 $0x1BF5;
	p2 =	por !p2, p0  }
0x20: {  	[sflag:s8] =	ssyncset.s32 @!p0 $0xFFFFF086;
	s6 =	sadd.s32 @!p0 s3, s7;
	s7 =	simm.s32 @!p0 $0x108  }
0x21: {  	s3 =	sadd.s32 s3, s9;
	s6 =	sadd.s32 @!p0 $0x88, s6;
	s7 =	simm.s32 @p2 $0x1082  }
0x22: {  	[simem:s7], [sflag:s8] =	dma.local @!p0 [hbm:s6], $0xF7A  }
0x23: {  	s9 =	sor.u32 $0xD0000000, s2;
	s6 =	simm.s32 $0x108;
	_ =	swait.ge @!p0 [sflag:s8], $0x0  }
0x24: {  	s3 =	sadd.s32 $0x88, s3;
	s6 =	simm.s32 @!p1 $0x1082;
	[sflag:s4] =	ssyncset.s32 $0xFFFFF086  }
0x25: {  	[simem:s6], [sflag:s4] =	dma.local [hbm:s3], $0xF7A  }
0x26: {  	[smem:$0x3F9F] =	sst s1;
	(tag) =	ssettag s2;
	_ =	strace s9  }
0x27: {  	s1 =	sld [smem:$0x3FAF]  }
0x28: {  	s2 =	sld [smem:$0x3FB0]  }
0x29: {  	s4 =	sld [smem:$0x3FB2]  }
0x2a: {  	p0 =	seq.s32 s5, $0x0;
	s5 =	sld [smem:$0x3FB3]  }
0x2b: {  	s6 =	sld [smem:$0x3FB4]  }
0x2c: {  	s7 =	sld [smem:$0x3FB5]  }
0x2d: {  	s3 =	simm.s32 $0x108;
	s8 =	sld [smem:$0x3FB6]  }
0x2e: {  	s3 =	simm.s32 @!p0 $0x1082;
	s9 =	sld [smem:$0x3FB7]  }
0x2f: {  	lr =	sadd.s32 s0, s3;
	s0 =	sld [smem:$0x3FAE]  }
0x30: {  	s3 =	sld [smem:$0x3FB1]  }
0x31: {  	[smem:$0x3FBA] =	sst s10  }
0x32: {  	s10 =	sld [smem:$0x3FB8];
	_ =	sdelay $0x3  }
0x33: {  	p0 =	seq.s32 s10, $0x1;
	s10 =	sld [smem:$0x3FBA];
	_ =	sdelay $0x3  }
0x34: {  	[smem:$0x3FBA] =	sst s10  }
0x35: {  	s10 =	sld [smem:$0x3FB9];
	_ =	sdelay $0x3  }
0x36: {  	p1 =	seq.s32 s10, $0x1;
	s10 =	sld [smem:$0x3FBA];
	_ =	sdelay $0x3  }
0x37: {  	[smem:$0x3FBA] =	sst s10  }
0x38: {  	s10 =	sld [smem:$0x3FBB]  }
0x39: {  	_ = 	snop;
	(pc) =	sbr.ind lr, $3  }
0x3a: {  	_ = 	snop  }
0x3b: {  	_ = 	snop  }
0x3c: {  	p2 =	seq.s32 s10, $0x1;
	s10 =	sld [smem:$0x3FBA]  }
0x3d: {  	_ =	shalt  }
0x3e: {  	_ =	shalt  }
0x3f: {  	_ =	shalt  }
0x40: {  	_ =	shalt  }
0x41: {  	_ =	shalt  }
0x42: {  	_ =	shalt  }
0x43: {  	_ =	shalt  }
0x44: {  	_ =	shalt  }
0x45: {  	_ =	shalt  }
0x46: {  	_ =	shalt  }
0x47: {  	_ =	shalt  }
0x48: {  	_ =	shalt  }
0x49: {  	_ =	shalt  }
0x4a: {  	_ =	shalt  }
0x4b: {  	_ =	shalt  }
0x4c: {  	_ =	shalt  }
0x4d: {  	_ =	shalt  }
0x4e: {  	_ =	shalt  }
0x4f: {  	_ =	shalt  }
0x50: {  	_ =	shalt  }
0x51: {  	_ =	shalt  }
0x52: {  	_ =	shalt  }
0x53: {  	_ =	shalt  }
0x54: {  	_ =	shalt  }
0x55: {  	_ =	shalt  }
0x56: {  	_ =	shalt  }
0x57: {  	_ =	shalt  }
0x58: {  	_ =	shalt  }
0x59: {  	_ =	shalt  }
0x5a: {  	_ =	shalt  }
0x5b: {  	_ =	shalt  }
0x5c: {  	_ =	shalt  }
0x5d: {  	_ =	shalt  }
0x5e: {  	_ =	shalt  }
0x5f: {  	_ =	shalt  }
0x60: {  	_ =	shalt  }
0x61: {  	_ =	shalt  }
0x62: {  	_ =	shalt  }
0x63: {  	_ =	shalt  }
0x64: {  	_ =	shalt  }
0x65: {  	_ =	shalt  }
0x66: {  	_ =	shalt  }
0x67: {  	_ =	shalt  }
0x68: {  	_ =	shalt  }
0x69: {  	_ =	shalt  }
0x6a: {  	_ =	shalt  }
0x6b: {  	_ =	shalt  }
0x6c: {  	_ =	shalt  }
0x6d: {  	_ =	shalt  }
0x6e: {  	_ =	shalt  }
0x6f: {  	_ =	shalt  }
0x70: {  	_ =	shalt  }
0x71: {  	_ =	shalt  }
0x72: {  	_ =	shalt  }
0x73: {  	_ =	shalt  }
0x74: {  	_ =	shalt  }
0x75: {  	_ =	shalt  }
0x76: {  	_ =	shalt  }
0x77: {  	_ =	shalt  }
0x78: {  	_ =	shalt  }
0x79: {  	_ =	shalt  }
0x7a: {  	_ =	shalt  }
0x7b: {  	_ =	shalt  }
0x7c: {  	_ =	shalt  }
0x7d: {  	_ =	shalt  }
0x7e: {  	_ =	shalt  }
0x7f: {  	_ =	shalt  }
0x80: {  	_ =	shalt  }
0x81: {  	_ =	shalt  }
0x82: {  	_ =	shalt  }
0x83: {  	_ =	shalt  }
0x84: {  	_ =	shalt  }
0x85: {  	_ =	shalt  }
0x86: {  	_ =	shalt  }
0x87: {  	_ =	shalt  }
.Lfunc_end0:
.L_simem_size_0:
called_computation_lowered:
.L_overlay_start_0:
0x88: {  	s2 =	sld [smem:$0x3FD9]  }
0x89: {  	s3 =	sld [smem:$0x3FFE];
	_ =	sdelay $0x1  }
0x8a: {  	s1 =	srdreg.scid  }
0x8b: {  	s0 =	sand.u32 $0x1, s1  }
0x8c: {  	s17 =	sshll.u32 s0, $0xA;
	s2 =	sadd.s32 s3, s2  }
0x8d: {  	s2 =	sadd.s32 s2, s17  }
0x8e: {  	[smem:$0x3FC6] =	sst s2  }
0x8f: {  	_ = 	snop  }
0x90: {  	s2 =	sld [smem:$0x3FC9]  }
0x91: {  	s18 =	sld [smem:$0x3FC8]  }
0x92: {  	s4 =	sld [smem:$0x3FD0];
	(tm) =	ssettm $0x1  }
0x93: {  	s5 =	sld [smem:$0x3FFB];
	_ =	sdelay $0x3  }
0x94: {  	_ =	strace s5  }
0x95: {  	s5 =	sld [smem:$0x3FFC];
	_ =	sdelay $0x3  }
0x96: {  	_ =	strace s5  }
0x97: {  	s5 =	sld [smem:$0x3FFD];
	_ =	sdelay $0x3  }
0x98: {  	_ =	strace s5  }
0x99: {  	_ =	strace $0x8FFFFFFF  }
0x9a: {  	s19 =	sld [smem:$0x3FDB];
	_ =	sdelay $0x1  }
0x9b: {  	s6 =	simm.s32 $_scs_section_size  }
0x9c: {  	s7 =	simm.s32 $_size__tile_overlayer_lowered;
	s8 =	simm.s32 $_tile_overlayer_lowered  }
0x9d: {  	s22 =	simm.s32 $0x1BFF;
	s21 =	sshll.u32 s8, $0x1;
	s5 =	sadd.s32 s6, s19  }
0x9e: {  	s9 =	simm.s32 $0x0;
	s20 =	sshll.u32 s7, $0x1;
	s7 =	sadd.s32 s21, s5  }
0x9f: {  	[timem:s9], [sflag:s22] =	dma.local [hbm:s7], s20  }
0xa0: {  	_ =	swait.ge [sflag:s22], s20  }
0xa1: {  	s6 =	ssub.s32 $0x0, s20;
	[sflag:s22] =	ssyncset.done $0x0  }
0xa2: {  	[sflag:s22] =	ssyncadd.s32 s6;
	_ =	sdelay $0x1  }
0xa3: {  	s23 =	simm.s32 $0x1B8B  }
0xa4: {  	_ =	swait.ge [sflag:s23], $0x1  }
0xa5: {  	[sflag:s23] =	ssyncset.done $0x0  }
0xa6: {  	s25 =	simm.s32 $0x1B8E;
	s24 =	sld [smem:$0x3FFE];
	[sflag:s23] =	ssyncadd.s32 $0xFFFFFFFF  }
0xa7: {  	s26 =	simm.s32 $execute0_lowered;
	[smem:$0x3FD2] =	sst s25  }
0xa8: {  	s7 =	sshll.u32 s26, $0x1;
	_ =	strace $0x80000046;
	[dreg:$0x1] =	wrdreg $0xFFFFFFFF  }
0xa9: {  	s28 =	simm.s32 $_size_execute0_lowered;
	s5 =	sadd.s32 s5, s7;
	[dreg:$0x0] =	wrdreg $0x0  }
0xaa: {  	s7 =	sshll.u32 s28, $0x1;
	[dreg:$0x2] =	wrdreg s5  }
0xab: {  	[dreg:$0x3] =	wrdreg s7  }
0xac: {  	[dreg:$0x4] =	wrdreg $0xC0  }
0xad: {  	_ =	task [dreg:s9], $0x5FFFF  }
0xae: {  	[dreg:$0x1] =	wrdreg $0xFFFFFFFF  }
0xaf: {  	[dreg:$0x0] =	wrdreg $0x60  }
0xb0: {  	[dreg:$0x2] =	wrdreg s18  }
0xb1: {  	[dreg:$0x3] =	wrdreg s4  }
0xb2: {  	[dreg:$0x4] =	wrdreg s2  }
0xb3: {  	[dreg:$0x5] =	wrdreg s24  }
0xb4: {  	[dreg:$0x6] =	wrdreg $0x9  }
0xb5: {  	_ =	task.clear_ibuf [dreg:s9], $0x7FFFF;
	_ =	strace $0x90000046  }
0xb6: {  	s29 =	simm.s32 $0x9;
	_ =	strace $0x80000048  }
0xb7: {  	_ =	swait.ge [sflag:s29], $0x1  }
0xb8: {  	[sflag:s29] =	ssyncadd.s32 $0xFFFFFFFF  }
0xb9: {  	_ =	strace $0x90000048  }
0xba: {  	_ =	sfence  }
0xbb: {  	s30 =	sld [smem:$0x0];
	_ =	sdelay $0x2  }
0xbc: {  	s31 =	sshll.u32 s1, $0xD;
	s1 =	sshrl.u32 s1, $0x2  }
0xbd: {  	s3 =	sand.u32 $0x4000, s31;
	s1 =	sadd.s32 s1, s30  }
0xbe: {  	s0 =	sor.u32 s3, s0;
	s1 =	sshll.u32 s1, $0x11  }
0xbf: {  	s0 =	sor.u32 s1, s0  }
0xc0: {  	s0 =	sadd.s32 $0x8F2B, s0  }
0xc1: {  	[sflag:s0] =	ssyncadd.remote.s32 $0x1  }
0xc2: {  	_ =	sfence.sel $0xFFFF  }
0xc3: {  	[dreg:$0x0] =	wrdreg $0xFFFFFFFF;
	(pc) =	sbr.abs _section_cstart, $3  }
0xc4: {  	[dreg:$0x1] =	wrdreg $0xFFFFFFFF  }
0xc5: {  	_ =	task.clear_ibuf [dreg:s9], $0x2FFFF;
	_ =	strace $0x9FFFFFFF  }
0xc6: {  	(tm) =	ssettm $0x7FFFFFFF  }
0xc7: {  	_ =	shalt  }
tec
execute0_lowered:
.L_overlay_start_1:
0x0: {  	(tag) =	ssettag $0x1  }
0x1: {  	s31 =	rddreg [dreg:$0x0]  }
0x2: {  	s0 =	srdreg.scid;
	s6 =	rddreg [dreg:$0x2]  }
0x3: {  	s1 =	stileid.u32;
	s3 =	rddreg [dreg:$0x3]  }
0x4: {  	s5 =	simm.s32 $0x0;
	s13 =	simm.s32 $0x1800;
	s14 =	simm.s32 $0x7A1400  }
0x5: {  	s15 =	simm.s32 $0x12100;
	s16 =	simm.s32 $0x1;
	s17 =	simm.s32 $0xC100  }
0x6: {  	s18 =	simm.s32 $0x18100;
	s19 =	simm.s32 $0x40;
	s20 =	simm.s32 $0x1A100  }
0x7: {  	s21 =	simm.s32 $0x3;
	s22 =	simm.s32 $0x2;
	s23 =	simm.s32 $0x1A180  }
0x8: {  	s30 =	simm.s32 $0x0;
	s0 =	sand.u32 $0x1, s0;
	s2 =	sshll.u32 s1, $0x1  }
0x9: {  	[smem:$0x7FF] =	sst s5;
	s7 =	sadd.s32 $0x400, s3;
	s2 =	sor.u32 s0, s2  }
0xa: {  	s0 =	ssub.s32 $0x2, s0;
	_ =	strace $0x80000047;
	s25 =	sshll.u32 s2, $0x8  }
.Ltmp0:
0xb: {  	s8 =	sshrl.u32 s0, $0x1;
	p0 =	seq.s32 s2, $0x1F;
	(pc) =	sbr.rel .LBB2_1-.Ltmp0, $4  }
0xc: {  	s4 =	smin.u32 s25, $0x1E7E;
	s0 =	ssub.s32 s0, s8;
	s26 =	sor.u32 $0x6, s25  }
0xd: {  	s4 =	sshll.u32 s4, $0x7;
	[dreg:$0x6] =	wrdreg s26;
	s29 =	smax.u32 s0, $0x1  }
0xe: {  	v0 =	vlaneseq.u32;
	p1 =	sne.s32 s2, $0x1E;
	s28 =	sadd.s32 s31, s4;
	[dreg:$0x7] =	wrdreg s29  }
0xf: {  	v2 =	vimm.s32 $0xFFFFFFFF;
	v3 =	vmul.u32 $0x80, v0;
	v1 =	vmov s2;
	s9 =	smov.u32 s25;
	s10 =	sor.u32 $0xC, s25;
	[dreg:$0x5] =	wrdreg s28  }
.LBB2_44:
0x10: {  	s30 =	sadd.s32 $0x1, s30  }
0x11: {  	p2 =	sne.s32 s30, s29  }
.Ltmp1:
0x12: {  	_ = 	snop;
	(pc) =	sbr.rel @!p2 .LBB2_45-.Ltmp1, $1  }
0x13: {  	_ =	sdelay $0x3  }
.LBB2_1:
0x14: {  	s0 =	simm.s32 @!p0 $0x1800;
	s2 =	simm.s32 @!p0 $0x7A1400;
	s3 =	simm.s32 @!p0 $0xC100  }
0x15: {  	[tilespmem:s3], [sflag:$0x1] =	stream.strided.gather @!p0 [hbm4b:s28+s0], $0x6000, s2, s0, $0x38;
	[tilespmem:$0x1C180] =	vst v63  }
0x16: {  	s26 =	simm.s32 $0x4  }
0x17: {  	[tilespmem:s5], [sflag:$0x4] =	stream.linear.gather [hbm4b:s6+s5], $0x4000, $0x38;
	[tilespmem:$0x1C180] =	vst v63  }
0x18: {  	_ =	swait.ge [sflag:s26], $0x4000  }
0x19: {  	[sflag:s26] =	ssyncset.done $0x0  }
0x1a: {  	[sflag:s26] =	ssyncadd.s32 $0xFFFFC000  }
0x1b: {  	v4 =	vld [tilespmem:s5+$0x0];
	_ =	sdelay $0x4  }
0x1c: {  	v4 =	vshrl.u32 v4, $0xF  }
0x1d: {  	vm0 =	veq.s32 v4, v1  }
0x1e: {  	v4 =	vmpcnt.ones.xlane vm0;
	_ =	sdelay $0x1  }
0x1f: {  	v4 =	vxor.u32 $0x80000000, v4  }
0x20: {  	(xrf0) =	vmax.scan.msk.u32 $0xffff, v4;
	_ =	sdelay $0x5  }
0x21: {  	v4 =	vor.u32 s5, v0;
	v5, _, _ =	vpop (xrf0)  }
0x22: {  	s0 =	simm.s32 $0x10;
	[tilespmem:s5+$0x4000] =	vst.msk vm0, v4;
	(v2sf) =	vpush v5, $0xF  }
0x23: {  	s4 =	simm.s32 $0x10;
	s3 =	simm.s32 $0x20;
	s2 =	simm.s32 $0x0;
	v4 =	vld [tilespmem:s0+$0x0]  }
.LBB2_2:
0x24: {  	p2 =	sne.s32 s3, $0x3FF0;
	_ =	sdelay $0x3  }
0x25: {  	v4 =	vshrl.u32 v4, $0xF  }
0x26: {  	vm0 =	veq.s32 v4, v1  }
0x27: {  	v4 =	vmpcnt.ones.xlane vm0;
	_ =	sdelay $0x1  }
0x28: {  	v4 =	vxor.u32 $0x80000000, v4  }
0x29: {  	(xrf0) =	vmax.scan.msk.u32 $0xffff, v4;
	_ =	sdelay $0x3  }
.Ltmp2:
0x2a: {  	s8 =	spop (v2sf);
	(pc) =	sbr.rel @p2 .LBB2_2-.Ltmp2, $4  }
0x2b: {  	s2 =	sadd.s32 s8, s2  }
0x2c: {  	v4 =	vor.u32 s0, v0;
	s0 =	smov.u32 s3;
	v5, _, _ =	vpop (xrf0);
	s2 =	sadd.s32 $0x80000000, s2  }
0x2d: {  	s4 =	sadd.s32 $0x10, s4;
	[tilespmem:s2+$0x4000] =	vst.msk vm0, v4;
	(v2sf) =	vpush v5, $0xF  }
0x2e: {  	s3 =	sadd.s32 $0x10, s3;
	v4 =	vld [tilespmem:s4+$0x0]  }
0x2f: {  	_ =	sdelay $0x3  }
0x30: {  	v4 =	vshrl.u32 v4, $0xF  }
0x31: {  	vm0 =	veq.s32 v4, v1  }
0x32: {  	v4 =	vmpcnt.ones.xlane vm0;
	_ =	sdelay $0x1  }
0x33: {  	v4 =	vxor.u32 $0x80000000, v4  }
0x34: {  	(xrf0) =	vmax.scan.msk.u32 $0xffff, v4;
	_ =	sdelay $0x5  }
0x35: {  	v4, _, _ =	vpop (xrf0)  }
0x36: {  	(v2sf) =	vpush v4, $0xF;
	_ =	sdelay $0xc  }
.Ltmp3:
0x37: {  	s3 =	spop (v2sf);
	(pc) =	sbr.rel @p0 .LBB2_44-.Ltmp3, $4  }
0x38: {  	s2 =	sadd.s32 s3, s2  }
0x39: {  	s2 =	sadd.s32 $0x80000000, s2;
	s25 =	spop (v2sf)  }
0x3a: {  	v4 =	vor.u32 s0, v0;
	s26 =	sadd.s32 s25, s2  }
0x3b: {  	[tilespmem:s2+$0x4000] =	vst.msk vm0, v4;
	s0 =	sadd.s32 $0x80000000, s26  }
.Ltmp4:
0x3c: {  	s1 =	sadd.s32 $0xF, s0;
	(pc) =	sbr.rel .LBB2_5-.Ltmp4, $4  }
0x3d: {  	s2 =	sshra.s32 s1, $0x1F  }
0x3e: {  	s2 =	sshrl.u32 s2, $0x1C  }
0x3f: {  	[dreg:$0x8] =	wrdreg s30;
	s28 =	simm.s32 $0x0;
	s2 =	sadd.s32 s2, s1  }
0x40: {  	v4 =	vmov s0;
	[dreg:$0x9] =	wrdreg s1;
	p2 =	slt.s32 s1, $0x10;
	s25 =	sshra.s32 s2, $0x4  }
.LBB2_31:
0x41: {  	s28 =	sadd.s32 $0x1, s28  }
0x42: {  	p3 =	sne.s32 s28, $0x16  }
.Ltmp5:
0x43: {  	_ = 	snop;
	(pc) =	sbr.rel @!p3 .LBB2_32-.Ltmp5, $1  }
0x44: {  	_ =	sdelay $0x3  }
.LBB2_5:
0x45: {  	s30 =	smul.u32 $0xC, s28  }
0x46: {  	s0 =	rddreg [dreg:$0x6]  }
0x47: {  	s0 =	sadd.s32 s0, s30  }
0x48: {  	p3 =	slt.s32 s0, $0x1E7E  }
0x49: {  	s0 =	simm.s32 @!p3 $0x1E7E  }
0x4a: {  	s29 =	sshll.u32 s0, $0x7  }
0x4b: {  	s0 =	sadd.s32 s31, s29  }
0x4c: {  	[tilespmem:s15], [sflag:$0x2] =	stream.strided.gather [hbm4b:s0+s13], $0x6000, s14, s13, $0x38;
	[tilespmem:$0x1C180] =	vst v63  }
.Ltmp6:
0x4d: {  	s0 =	sadd.s32 s9, s30;
	(pc) =	sbr.rel @p2 .LBB2_12-.Ltmp6, $4  }
0x4e: {  	p3 =	slt.s32 s0, $0x1E7E  }
0x4f: {  	s0 =	simm.s32 @!p3 $0x1E7E  }
0x50: {  	s0 =	sshll.u32 s0, $0x7  }
0x51: {  	p3 =	sne.s32 s25, $0x1;
	v5 =	vmov s0;
	s0 =	simm.s32 $0x0  }
.Ltmp7:
0x52: {  	(pc) =	sbr.rel @!p3 .LBB2_7-.Ltmp7, $3  }
0x53: {  	_ =	sdelay $0x1  }
0x54: {  	s2 =	simm.s32 $0x4000  }
0x55: {  	s0 =	simm.s32 $0x0;
	p4 =	por $0x0, $0x0;
	v6 =	vld [tilespmem:s2+$0x0];
	s2 =	sadd.s32 $0xFFFFFFFF, s25  }
0x56: {  	_ =	sdelay $0x3  }
0x57: {  	v6 =	vand.u32 $0x3FFF, v6;
	_ =	sdelay $0x4  }
0x58: {  	v7 =	vld.idx.msk [tilespmem:v6+s5+$0x0], $0xffff;
	_ =	sdelay $0x4  }
0x59: {  	v8 =	vor.u32 s0, v0;
	v7 =	vsub.s32 v7, v5  }
0x5a: {  	vm0 =	vlt.s32 v8, v4;
	vm1 =	vlt.u32 v7, $0x300  }
0x5b: {  	vm0 =	vmand vm0, vm1  }
0x5c: {  	p5 =	sne.s32 s2, $0x1;
	v7 =	vmpcnt.ones.xlane vm0  }
.Ltmp8:
0x5d: {  	_ = 	snop;
	(pc) =	sbr.rel @!p5 .LBB2_9-.Ltmp8, $4  }
0x5e: {  	v7 =	vxor.u32 $0x80000000, v7  }
0x5f: {  	(xrf0) =	vmax.scan.msk.u32 $0xffff, v7  }
0x60: {  	s4 =	simm.s32 $0x4010;
	s8 =	sadd.s32 $0xFFFFFFFF, s2;
	[tilespmem:s0+$0x8080] =	vst.msk vm0, v6  }
0x61: {  	p4 =	por $0x1, $0x1;
	s3 =	simm.s32 $0x0;
	s2 =	simm.s32 $0x0;
	v6 =	vld [tilespmem:s4+$0x0]  }
.LBB2_10:
0x62: {  	p5 =	sne.s32 s8, $0x1;
	_ =	sdelay $0x2  }
0x63: {  	v7, _, _ =	vpop (xrf0)  }
0x64: {  	v6 =	vand.u32 $0x3FFF, v6;
	(v2sf) =	vpush v7, $0xF;
	_ =	sdelay $0x4  }
0x65: {  	v7 =	vld.idx.msk [tilespmem:v6+s5+$0x0], $0xffff;
	_ =	sdelay $0x4  }
0x66: {  	s3 =	sadd.s32 $0x10, s3  }
0x67: {  	v8 =	vor.u32 s3, v0;
	v7 =	vsub.s32 v7, v5  }
0x68: {  	vm0 =	vlt.s32 v8, v4;
	vm1 =	vlt.u32 v7, $0x300  }
0x69: {  	vm0 =	vmand vm0, vm1  }
0x6a: {  	v7 =	vmpcnt.ones.xlane vm0  }
.Ltmp9:
0x6b: {  	s11 =	spop (v2sf);
	(pc) =	sbr.rel @p5 .LBB2_10-.Ltmp9, $4  }
0x6c: {  	v7 =	vxor.u32 $0x80000000, v7;
	s2 =	sadd.s32 s11, s2  }
0x6d: {  	(xrf0) =	vmax.scan.msk.u32 $0xffff, v7;
	s2 =	sadd.s32 $0x80000000, s2  }
0x6e: {  	s4 =	sadd.s32 $0x10, s4;
	[tilespmem:s2+$0x8080] =	vst.msk vm0, v6  }
0x6f: {  	s8 =	sadd.s32 $0xFFFFFFFF, s8;
	v6 =	vld [tilespmem:s4+$0x0]  }
.LBB2_11:
0x70: {  	_ =	sdelay $0x3  }
0x71: {  	v6 =	vand.u32 $0x3FFF, v6;
	_ =	sdelay $0x4  }
0x72: {  	v7 =	vld.idx.msk [tilespmem:v6+s5+$0x0], $0xffff;
	_ =	sdelay $0x2  }
0x73: {  	s3 =	sadd.s32 @p4 $0x10, s3;
	s4 =	simm.s32 $0x0  }
0x74: {  	s4 =	smov.u32 @p4 s3  }
0x75: {  	v8 =	vor.u32 s4, v0;
	v7 =	vsub.s32 v7, v5  }
0x76: {  	vm0 =	vlt.s32 v8, v4;
	vm1 =	vlt.u32 v7, $0x300  }
0x77: {  	vm0 =	vmand vm0, vm1  }
0x78: {  	v7 =	vmpcnt.ones.xlane vm0;
	_ =	sdelay $0x1  }
0x79: {  	v7 =	vxor.u32 $0x80000000, v7  }
0x7a: {  	(xrf0) =	vmax.scan.msk.u32 $0xffff, v7;
	_ =	sdelay $0x2  }
0x7b: {  	v7, _, _ =	vpop @p4 (xrf0)  }
0x7c: {  	(v2sf) =	vpush @p4 v7, $0xF;
	_ =	sdelay $0x1  }
0x7d: {  	v7, _, _ =	vpop (xrf0)  }
0x7e: {  	(v2sf) =	vpush v7, $0xF;
	_ =	sdelay $0xb  }
0x7f: {  	s3 =	spop @p4 (v2sf)  }
0x80: {  	s2 =	sadd.s32 @p4 s3, s2  }
0x81: {  	s2 =	sadd.s32 @p4 $0x80000000, s2  }
0x82: {  	s0 =	smov.u32 @p4 s2;
	s26 =	spop (v2sf)  }
0x83: {  	s2 =	sadd.s32 s26, s0  }
0x84: {  	[tilespmem:s0+$0x8080] =	vst.msk vm0, v6;
	s0 =	sadd.s32 $0x80000000, s2  }
.LBB2_12:
0x85: {  	s2 =	sadd.s32 $0xF, s0  }
0x86: {  	p4 =	slt.s32 s2, $0x10  }
.Ltmp10:
0x87: {  	_ = 	snop;
	(pc) =	sbr.rel @p4 .LBB2_18-.Ltmp10, $4  }
0x88: {  	_ = 	snop  }
0x89: {  	_ =	swait.ge [sflag:s16], $0x6000  }
0x8a: {  	[sflag:s16] =	ssyncset.done $0x0  }
0x8b: {  	s6 =	smov.u32 s31;
	[sflag:s16] =	ssyncadd.s32 $0xFFFFA000  }
0x8c: {  	s3 =	sshra.s32 s2, $0x1F  }
0x8d: {  	s3 =	sshrl.u32 s3, $0x1C  }
.Ltmp11:
0x8e: {  	s26 =	sadd.s32 s3, s2;
	(pc) =	sbr.rel .LBB2_14-.Ltmp11, $4  }
0x8f: {  	s4 =	sshra.s32 s26, $0x4  }
0x90: {  	s2 =	sadd.s32 $0x3, s4  }
0x91: {  	s8 =	simm.s32 $0x0;
	s26 =	simm.s32 $0x8080;
	s2 =	sshrl.u32 s2, $0x2  }
0x92: {  	v6 =	vmov s0;
	s31 =	smov.u32 s4;
	s3 =	smax.u32 s2, $0x1;
	s2 =	simm.s32 $0x0  }
.LBB2_17:
0x93: {  	s8 =	sadd.s32 $0x1, s8  }
0x94: {  	(ifvalue) =	ssetifvalue $0xFFFFFFFF;
	p4 =	sne.s32 s8, s3  }
.Ltmp12:
0x95: {  	(ifvalue) =	ssetifvalue $0xFFFFFFFF;
	(pc) =	sbr.rel @!p4 .LBB2_18-.Ltmp12, $4  }
0x96: {  	[hbm4b:s7+s19] =	stream.indirect.scatter [tilespmem:s18], [sflag:$0x3], $0x80, s20, s19, $0x40b8;
	[tilespmem:$0x1C180] =	vst v63  }
0x97: {  	_ =	swait.ge [sflag:s21], $0x2000  }
0x98: {  	s31 =	sadd.s32 $0xFFFFFFFC, s31;
	[sflag:s21] =	ssyncset.done $0x0  }
0x99: {  	s26 =	sadd.s32 $0x40, s26;
	s2 =	sadd.s32 $0x40, s2;
	[sflag:s21] =	ssyncadd.s32 $0xFFFFE000  }
.LBB2_14:
0x9a: {  	s0 =	sshll.u32 s8, $0x2  }
0x9b: {  	p4 =	sle.s32 s4, s0  }
.Ltmp13:
0x9c: {  	_ = 	snop;
	(pc) =	sbr.rel @p4 .LBB2_17-.Ltmp13, $4  }
0x9d: {  	[tilespmem:$0x1A100] =	vst v2  }
0x9e: {  	[tilespmem:$0x1A110] =	vst v2  }
0x9f: {  	[tilespmem:$0x1A120] =	vst v2  }
0xa0: {  	[tilespmem:$0x1A130] =	vst v2  }
0xa1: {  	p4 =	sgt.s32 s31, $0x1;
	s0 =	smov.u32 s31  }
0xa2: {  	s0 =	simm.s32 @!p4 $0x1  }
0xa3: {  	s12 =	simm.s32 $0x1A100;
	s0 =	smin.u32 s0, $0x4  }
0xa4: {  	s24 =	simm.s32 $0x0;
	s11 =	sshll.u32 s0, $0x4;
	s0 =	smov.u32 s26  }
.LBB2_16:
0xa5: {  	v7 =	vld [tilespmem:s0+$0x0];
	_ =	sdelay $0x4  }
0xa6: {  	v7 =	vand.u32 $0x3FFF, v7;
	_ =	sdelay $0x4  }
0xa7: {  	v8 =	vld.idx.msk [tilespmem:v7+s5+$0x0], $0xffff;
	_ =	sdelay $0x3  }
0xa8: {  	s1 =	sadd.s32 s24, s2  }
0xa9: {  	v9 =	vor.u32 s1, v0;
	v8 =	vsub.s32 v8, v5  }
0xaa: {  	vm0 =	vlt.s32 v9, v6;
	vm1 =	vlt.u32 v8, $0x300  }
0xab: {  	vm0 =	vmand vm0, vm1  }
0xac: {  	v8 =	vnsel vm0, $0x0, v8  }
0xad: {  	v52 =	vshll.u32 v8, $0x3  }
0xae: {  	v8 =	vand.u32 $0x7F, v8;
	v9 =	vand.u32 $0xFFFFFC00, v52  }
0xaf: {  	v8 =	vor.u32 v8, v9;
	_ =	sdelay $0x2  }
0xb0: {  	v53 =	vmov s24  }
0xb1: {  	v9 =	vshll.u32 v53, $0x7  }
0xb2: {  	v9 =	vor.u32 v3, v9;
	v10 =	vld.idx.msk [tilespmem:v8+s17+$0x0], vm0  }
0xb3: {  	v11 =	vor.u32 $0x80, v8;
	_ =	sdelay $0x3  }
0xb4: {  	[tilespmem:v9+s18+$0x0] =	vst.idx.msk $0xffff, v10  }
0xb5: {  	v54 =	vor.u32 $0x1, v9;
	v10 =	vld.idx.msk [tilespmem:v11+s17+$0x0], vm0  }
0xb6: {  	v12 =	vor.u32 $0x100, v8;
	_ =	sdelay $0x3  }
0xb7: {  	[tilespmem:v54+s18+$0x0] =	vst.idx.msk $0xffff, v10  }
0xb8: {  	v55 =	vor.u32 $0x2, v9;
	v10 =	vld.idx.msk [tilespmem:v12+s17+$0x0], vm0  }
0xb9: {  	v56 =	vor.u32 $0x180, v8;
	_ =	sdelay $0x3  }
0xba: {  	[tilespmem:v55+s18+$0x0] =	vst.idx.msk $0xffff, v10  }
0xbb: {  	v57 =	vor.u32 $0x3, v9;
	v10 =	vld.idx.msk [tilespmem:v56+s17+$0x0], vm0  }
0xbc: {  	v58 =	vor.u32 $0x200, v8;
	_ =	sdelay $0x3  }
0xbd: {  	[tilespmem:v57+s18+$0x0] =	vst.idx.msk $0xffff, v10  }
0xbe: {  	v59 =	vor.u32 $0x4, v9;
	v10 =	vld.idx.msk [tilespmem:v58+s17+$0x0], vm0  }
0xbf: {  	v60 =	vor.u32 $0x280, v8;
	_ =	sdelay $0x3  }
0xc0: {  	[tilespmem:v59+s18+$0x0] =	vst.idx.msk $0xffff, v10  }
0xc1: {  	v61 =	vor.u32 $0x5, v9;
	v10 =	vld.idx.msk [tilespmem:v60+s17+$0x0], vm0  }
0xc2: {  	v62 =	vor.u32 $0x300, v8;
	_ =	sdelay $0x3  }
0xc3: {  	[tilespmem:v61+s18+$0x0] =	vst.idx.msk $0xffff, v10  }
0xc4: {  	v63 =	vor.u32 $0x6, v9;
	v10 =	vld.idx.msk [tilespmem:v62+s17+$0x0], vm0  }
0xc5: {  	v16 =	vor.u32 $0x380, v8;
	_ =	sdelay $0x3  }
0xc6: {  	[tilespmem:v63+s18+$0x0] =	vst.idx.msk $0xffff, v10  }
0xc7: {  	v17 =	vor.u32 $0x7, v9;
	v10 =	vld.idx.msk [tilespmem:v16+s17+$0x0], vm0  }
0xc8: {  	v18 =	vadd.s32 $0x1800, v8;
	_ =	sdelay $0x3  }
0xc9: {  	[tilespmem:v17+s18+$0x0] =	vst.idx.msk $0xffff, v10  }
0xca: {  	v19 =	vor.u32 $0x8, v9;
	v10 =	vld.idx.msk [tilespmem:v18+s17+$0x0], vm0  }
0xcb: {  	v20 =	vadd.s32 $0x1880, v8;
	_ =	sdelay $0x3  }
0xcc: {  	[tilespmem:v19+s18+$0x0] =	vst.idx.msk $0xffff, v10  }
0xcd: {  	v21 =	vor.u32 $0x9, v9;
	v10 =	vld.idx.msk [tilespmem:v20+s17+$0x0], vm0  }
0xce: {  	v22 =	vadd.s32 $0x1900, v8;
	_ =	sdelay $0x3  }
0xcf: {  	[tilespmem:v21+s18+$0x0] =	vst.idx.msk $0xffff, v10  }
0xd0: {  	v23 =	vor.u32 $0xA, v9;
	v10 =	vld.idx.msk [tilespmem:v22+s17+$0x0], vm0  }
0xd1: {  	v24 =	vadd.s32 $0x1980, v8;
	_ =	sdelay $0x3  }
0xd2: {  	[tilespmem:v23+s18+$0x0] =	vst.idx.msk $0xffff, v10  }
0xd3: {  	v25 =	vor.u32 $0xB, v9;
	v10 =	vld.idx.msk [tilespmem:v24+s17+$0x0], vm0  }
0xd4: {  	v26 =	vadd.s32 $0x1A00, v8;
	_ =	sdelay $0x3  }
0xd5: {  	[tilespmem:v25+s18+$0x0] =	vst.idx.msk $0xffff, v10  }
0xd6: {  	v27 =	vor.u32 $0xC, v9;
	v10 =	vld.idx.msk [tilespmem:v26+s17+$0x0], vm0  }
0xd7: {  	v28 =	vadd.s32 $0x1A80, v8;
	_ =	sdelay $0x3  }
0xd8: {  	[tilespmem:v27+s18+$0x0] =	vst.idx.msk $0xffff, v10  }
0xd9: {  	v29 =	vor.u32 $0xD, v9;
	v10 =	vld.idx.msk [tilespmem:v28+s17+$0x0], vm0  }
0xda: {  	v30 =	vadd.s32 $0x1B00, v8;
	_ =	sdelay $0x3  }
0xdb: {  	[tilespmem:v29+s18+$0x0] =	vst.idx.msk $0xffff, v10  }
0xdc: {  	v31 =	vor.u32 $0xE, v9;
	v10 =	vld.idx.msk [tilespmem:v30+s17+$0x0], vm0  }
0xdd: {  	v32 =	vadd.s32 $0x1B80, v8;
	_ =	sdelay $0x3  }
0xde: {  	[tilespmem:v31+s18+$0x0] =	vst.idx.msk $0xffff, v10  }
0xdf: {  	v33 =	vor.u32 $0xF, v9;
	v10 =	vld.idx.msk [tilespmem:v32+s17+$0x0], vm0  }
0xe0: {  	v34 =	vadd.s32 $0x3000, v8;
	_ =	sdelay $0x3  }
0xe1: {  	[tilespmem:v33+s18+$0x0] =	vst.idx.msk $0xffff, v10  }
0xe2: {  	v35 =	vor.u32 $0x10, v9;
	v10 =	vld.idx.msk [tilespmem:v34+s17+$0x0], vm0  }
0xe3: {  	v36 =	vadd.s32 $0x3080, v8;
	_ =	sdelay $0x3  }
0xe4: {  	[tilespmem:v35+s18+$0x0] =	vst.idx.msk $0xffff, v10  }
0xe5: {  	v37 =	vor.u32 $0x11, v9;
	v10 =	vld.idx.msk [tilespmem:v36+s17+$0x0], vm0  }
0xe6: {  	v38 =	vadd.s32 $0x3100, v8;
	_ =	sdelay $0x3  }
0xe7: {  	[tilespmem:v37+s18+$0x0] =	vst.idx.msk $0xffff, v10  }
0xe8: {  	v39 =	vor.u32 $0x12, v9;
	v10 =	vld.idx.msk [tilespmem:v38+s17+$0x0], vm0  }
0xe9: {  	v40 =	vadd.s32 $0x3180, v8;
	_ =	sdelay $0x3  }
0xea: {  	[tilespmem:v39+s18+$0x0] =	vst.idx.msk $0xffff, v10  }
0xeb: {  	v41 =	vor.u32 $0x13, v9;
	v10 =	vld.idx.msk [tilespmem:v40+s17+$0x0], vm0  }
0xec: {  	v42 =	vadd.s32 $0x3200, v8;
	_ =	sdelay $0x3  }
0xed: {  	[tilespmem:v41+s18+$0x0] =	vst.idx.msk $0xffff, v10  }
0xee: {  	v43 =	vor.u32 $0x14, v9;
	v10 =	vld.idx.msk [tilespmem:v42+s17+$0x0], vm0  }
0xef: {  	v44 =	vadd.s32 $0x3280, v8;
	_ =	sdelay $0x3  }
0xf0: {  	[tilespmem:v43+s18+$0x0] =	vst.idx.msk $0xffff, v10  }
0xf1: {  	v45 =	vor.u32 $0x15, v9;
	v10 =	vld.idx.msk [tilespmem:v44+s17+$0x0], vm0  }
0xf2: {  	v46 =	vadd.s32 $0x3300, v8;
	_ =	sdelay $0x3  }
0xf3: {  	[tilespmem:v45+s18+$0x0] =	vst.idx.msk $0xffff, v10  }
0xf4: {  	v47 =	vor.u32 $0x16, v9;
	v10 =	vld.idx.msk [tilespmem:v46+s17+$0x0], vm0  }
0xf5: {  	v48 =	vadd.s32 $0x3380, v8;
	_ =	sdelay $0x3  }
0xf6: {  	[tilespmem:v47+s18+$0x0] =	vst.idx.msk $0xffff, v10  }
0xf7: {  	v49 =	vor.u32 $0x17, v9;
	v10 =	vld.idx.msk [tilespmem:v48+s17+$0x0], vm0  }
0xf8: {  	v50 =	vadd.s32 $0x4800, v8;
	_ =	sdelay $0x3  }
0xf9: {  	[tilespmem:v49+s18+$0x0] =	vst.idx.msk $0xffff, v10  }
0xfa: {  	v51 =	vor.u32 $0x18, v9;
	v10 =	vld.idx.msk [tilespmem:v50+s17+$0x0], vm0  }
0xfb: {  	v52 =	vadd.s32 $0x4880, v8;
	_ =	sdelay $0x3  }
0xfc: {  	[tilespmem:v51+s18+$0x0] =	vst.idx.msk $0xffff, v10  }
0xfd: {  	v53 =	vor.u32 $0x19, v9;
	v10 =	vld.idx.msk [tilespmem:v52+s17+$0x0], vm0  }
0xfe: {  	v54 =	vadd.s32 $0x4900, v8;
	_ =	sdelay $0x3  }
0xff: {  	[tilespmem:v53+s18+$0x0] =	vst.idx.msk $0xffff, v10  }
0x100: {  	v55 =	vor.u32 $0x1A, v9;
	v10 =	vld.idx.msk [tilespmem:v54+s17+$0x0], vm0  }
0x101: {  	v56 =	vadd.s32 $0x4980, v8;
	_ =	sdelay $0x3  }
0x102: {  	[tilespmem:v55+s18+$0x0] =	vst.idx.msk $0xffff, v10  }
0x103: {  	v57 =	vor.u32 $0x1B, v9;
	v10 =	vld.idx.msk [tilespmem:v56+s17+$0x0], vm0  }
0x104: {  	v58 =	vadd.s32 $0x4A00, v8;
	_ =	sdelay $0x3  }
0x105: {  	[tilespmem:v57+s18+$0x0] =	vst.idx.msk $0xffff, v10  }
0x106: {  	v59 =	vor.u32 $0x1C, v9;
	v10 =	vld.idx.msk [tilespmem:v58+s17+$0x0], vm0  }
0x107: {  	v60 =	vadd.s32 $0x4A80, v8;
	_ =	sdelay $0x3  }
0x108: {  	[tilespmem:v59+s18+$0x0] =	vst.idx.msk $0xffff, v10  }
0x109: {  	v61 =	vor.u32 $0x1D, v9;
	v10 =	vld.idx.msk [tilespmem:v60+s17+$0x0], vm0  }
0x10a: {  	v62 =	vadd.s32 $0x4B00, v8;
	_ =	sdelay $0x3  }
0x10b: {  	[tilespmem:v61+s18+$0x0] =	vst.idx.msk $0xffff, v10  }
0x10c: {  	v63 =	vor.u32 $0x1E, v9;
	v10 =	vld.idx.msk [tilespmem:v62+s17+$0x0], vm0  }
0x10d: {  	v8 =	vadd.s32 $0x4B80, v8;
	_ =	sdelay $0x3  }
0x10e: {  	[tilespmem:v63+s18+$0x0] =	vst.idx.msk $0xffff, v10  }
0x10f: {  	s24 =	sadd.s32 $0x10, s24;
	v9 =	vor.u32 $0x1F, v9;
	v8 =	vld.idx.msk [tilespmem:v8+s17+$0x0], vm0  }
0x110: {  	p4 =	sne.s32 s11, s24  }
.Ltmp14:
0x111: {  	_ = 	snop;
	(pc) =	sbr.rel @p4 .LBB2_16-.Ltmp14, $3  }
0x112: {  	_ =	sdelay $0x1  }
0x113: {  	v7 =	vnsel vm0, $0xFFFFFFFF, v7;
	[tilespmem:v9+s18+$0x0] =	vst.idx.msk $0xffff, v8  }
0x114: {  	s0 =	sadd.s32 $0x10, s0;
	[tilespmem:s12+$0x0] =	vst v7;
	s12 =	sadd.s32 $0x10, s12  }
.Ltmp15:
0x115: {  	_ = 	snop;
	(pc) =	sbr.rel .LBB2_17-.Ltmp15, $1  }
0x116: {  	_ =	sdelay $0x3  }
.LBB2_18:
0x117: {  	s0 =	sadd.s32 s10, s30  }
0x118: {  	p4 =	slt.s32 s0, $0x1E7E  }
.Ltmp16:
0x119: {  	s0 =	simm.s32 @!p4 $0x1E7E;
	(pc) =	sbr.rel @p2 .LBB2_25-.Ltmp16, $4  }
0x11a: {  	s0 =	sshll.u32 s0, $0x7  }
0x11b: {  	s0 =	sadd.s32 s6, s0  }
0x11c: {  	[tilespmem:s17], [sflag:$0x1] =	stream.strided.gather [hbm4b:s0+s13], $0x6000, s14, s13, $0x38;
	[tilespmem:$0x1C180] =	vst v63  }
0x11d: {  	s31 =	smov.u32 s6;
	v5 =	vmov s29;
	s0 =	simm.s32 $0x0  }
.Ltmp17:
0x11e: {  	(pc) =	sbr.rel @!p3 .LBB2_20-.Ltmp17, $3  }
0x11f: {  	_ =	sdelay $0x1  }
0x120: {  	s1 =	simm.s32 $0x4000  }
0x121: {  	s0 =	simm.s32 $0x0;
	s2 =	sadd.s32 $0xFFFFFFFF, s25;
	p4 =	por $0x0, $0x0;
	v6 =	vld [tilespmem:s1+$0x0]  }
0x122: {  	_ =	sdelay $0x3  }
0x123: {  	v6 =	vand.u32 $0x3FFF, v6;
	_ =	sdelay $0x4  }
0x124: {  	v7 =	vld.idx.msk [tilespmem:v6+s5+$0x0], $0xffff;
	_ =	sdelay $0x4  }
0x125: {  	v8 =	vor.u32 s0, v0;
	v7 =	vsub.s32 v7, v5  }
0x126: {  	vm0 =	vlt.s32 v8, v4;
	vm1 =	vlt.u32 v7, $0x300  }
0x127: {  	vm0 =	vmand vm0, vm1  }
0x128: {  	p3 =	sne.s32 s2, $0x1;
	v7 =	vmpcnt.ones.xlane vm0  }
.Ltmp18:
0x129: {  	_ = 	snop;
	(pc) =	sbr.rel @!p3 .LBB2_22-.Ltmp18, $4  }
0x12a: {  	v7 =	vxor.u32 $0x80000000, v7  }
0x12b: {  	(xrf0) =	vmax.scan.msk.u32 $0xffff, v7  }
0x12c: {  	s4 =	simm.s32 $0x4010;
	s8 =	sadd.s32 $0xFFFFFFFF, s2;
	[tilespmem:s0+$0x8080] =	vst.msk vm0, v6  }
0x12d: {  	p4 =	por $0x1, $0x1;
	s3 =	simm.s32 $0x0;
	s2 =	simm.s32 $0x0;
	v6 =	vld [tilespmem:s4+$0x0]  }
.LBB2_23:
0x12e: {  	p3 =	sne.s32 s8, $0x1;
	_ =	sdelay $0x2  }
0x12f: {  	v7, _, _ =	vpop (xrf0)  }
0x130: {  	v6 =	vand.u32 $0x3FFF, v6;
	(v2sf) =	vpush v7, $0xF;
	_ =	sdelay $0x4  }
0x131: {  	v7 =	vld.idx.msk [tilespmem:v6+s5+$0x0], $0xffff;
	_ =	sdelay $0x4  }
0x132: {  	s3 =	sadd.s32 $0x10, s3  }
0x133: {  	v8 =	vor.u32 s3, v0;
	v7 =	vsub.s32 v7, v5  }
0x134: {  	vm0 =	vlt.s32 v8, v4;
	vm1 =	vlt.u32 v7, $0x300  }
0x135: {  	vm0 =	vmand vm0, vm1  }
0x136: {  	v7 =	vmpcnt.ones.xlane vm0  }
.Ltmp19:
0x137: {  	s1 =	spop (v2sf);
	(pc) =	sbr.rel @p3 .LBB2_23-.Ltmp19, $4  }
0x138: {  	v7 =	vxor.u32 $0x80000000, v7;
	s1 =	sadd.s32 s1, s2  }
0x139: {  	(xrf0) =	vmax.scan.msk.u32 $0xffff, v7;
	s2 =	sadd.s32 $0x80000000, s1  }
0x13a: {  	s4 =	sadd.s32 $0x10, s4;
	[tilespmem:s2+$0x8080] =	vst.msk vm0, v6  }
0x13b: {  	s8 =	sadd.s32 $0xFFFFFFFF, s8;
	v6 =	vld [tilespmem:s4+$0x0]  }
.LBB2_24:
0x13c: {  	_ =	sdelay $0x3  }
0x13d: {  	v6 =	vand.u32 $0x3FFF, v6;
	_ =	sdelay $0x4  }
0x13e: {  	v7 =	vld.idx.msk [tilespmem:v6+s5+$0x0], $0xffff;
	_ =	sdelay $0x2  }
0x13f: {  	s1 =	sadd.s32 @p4 $0x10, s3;
	s3 =	simm.s32 $0x0  }
0x140: {  	s3 =	smov.u32 @p4 s1  }
0x141: {  	v8 =	vor.u32 s3, v0;
	v7 =	vsub.s32 v7, v5  }
0x142: {  	vm0 =	vlt.s32 v8, v4;
	vm1 =	vlt.u32 v7, $0x300  }
0x143: {  	vm0 =	vmand vm0, vm1  }
0x144: {  	v7 =	vmpcnt.ones.xlane vm0;
	_ =	sdelay $0x1  }
0x145: {  	v7 =	vxor.u32 $0x80000000, v7  }
0x146: {  	(xrf0) =	vmax.scan.msk.u32 $0xffff, v7;
	_ =	sdelay $0x2  }
0x147: {  	v7, _, _ =	vpop @p4 (xrf0)  }
0x148: {  	(v2sf) =	vpush @p4 v7, $0xF;
	_ =	sdelay $0x1  }
0x149: {  	v7, _, _ =	vpop (xrf0)  }
0x14a: {  	(v2sf) =	vpush v7, $0xF;
	_ =	sdelay $0xb  }
0x14b: {  	s1 =	spop @p4 (v2sf)  }
0x14c: {  	s1 =	sadd.s32 @p4 s1, s2  }
0x14d: {  	s1 =	sadd.s32 @p4 $0x80000000, s1  }
0x14e: {  	s0 =	smov.u32 @p4 s1;
	s30 =	spop (v2sf)  }
0x14f: {  	s1 =	sadd.s32 s30, s0  }
0x150: {  	[tilespmem:s0+$0x8080] =	vst.msk vm0, v6;
	s0 =	sadd.s32 $0x80000000, s1  }
.LBB2_25:
0x151: {  	s2 =	sadd.s32 $0xF, s0  }
0x152: {  	p3 =	slt.s32 s2, $0x10  }
.Ltmp20:
0x153: {  	_ = 	snop;
	(pc) =	sbr.rel @p3 .LBB2_31-.Ltmp20, $4  }
0x154: {  	_ = 	snop  }
0x155: {  	_ =	swait.ge [sflag:s22], $0x6000  }
0x156: {  	[sflag:s22] =	ssyncset.done $0x0  }
0x157: {  	[sflag:s22] =	ssyncadd.s32 $0xFFFFA000  }
0x158: {  	s1 =	sshra.s32 s2, $0x1F  }
0x159: {  	s1 =	sshrl.u32 s1, $0x1C  }
.Ltmp21:
0x15a: {  	s1 =	sadd.s32 s1, s2;
	(pc) =	sbr.rel .LBB2_27-.Ltmp21, $4  }
0x15b: {  	s29 =	sshra.s32 s1, $0x4  }
0x15c: {  	s1 =	sadd.s32 $0x3, s29  }
0x15d: {  	v6 =	vmov s0;
	s0 =	simm.s32 $0x8080;
	s8 =	simm.s32 $0x0;
	s1 =	sshrl.u32 s1, $0x2  }
0x15e: {  	s2 =	simm.s32 $0x0;
	s4 =	smov.u32 s29;
	s3 =	smax.u32 s1, $0x1  }
.LBB2_30:
0x15f: {  	s8 =	sadd.s32 $0x1, s8  }
0x160: {  	(ifvalue) =	ssetifvalue $0xFFFFFFFF;
	p3 =	sne.s32 s8, s3  }
.Ltmp22:
0x161: {  	(ifvalue) =	ssetifvalue $0xFFFFFFFF;
	(pc) =	sbr.rel @!p3 .LBB2_31-.Ltmp22, $4  }
0x162: {  	[hbm4b:s7+s19] =	stream.indirect.scatter [tilespmem:s18], [sflag:$0x3], $0x80, s20, s19, $0x40b8;
	[tilespmem:$0x1C180] =	vst v63  }
0x163: {  	_ =	swait.ge [sflag:s21], $0x2000  }
0x164: {  	s4 =	sadd.s32 $0xFFFFFFFC, s4;
	[sflag:s21] =	ssyncset.done $0x0  }
0x165: {  	s0 =	sadd.s32 $0x40, s0;
	s2 =	sadd.s32 $0x40, s2;
	[sflag:s21] =	ssyncadd.s32 $0xFFFFE000  }
.LBB2_27:
0x166: {  	s1 =	sshll.u32 s8, $0x2  }
0x167: {  	p3 =	sle.s32 s29, s1  }
.Ltmp23:
0x168: {  	_ = 	snop;
	(pc) =	sbr.rel @p3 .LBB2_30-.Ltmp23, $4  }
0x169: {  	[tilespmem:$0x1A100] =	vst v2  }
0x16a: {  	[tilespmem:$0x1A110] =	vst v2  }
0x16b: {  	[tilespmem:$0x1A120] =	vst v2  }
0x16c: {  	[tilespmem:$0x1A130] =	vst v2  }
0x16d: {  	p3 =	sgt.s32 s4, $0x1;
	s1 =	smov.u32 s4  }
0x16e: {  	s1 =	simm.s32 @!p3 $0x1  }
0x16f: {  	s12 =	simm.s32 $0x1A100;
	s1 =	smin.u32 s1, $0x4  }
0x170: {  	s26 =	smov.u32 s0;
	s24 =	simm.s32 $0x0;
	s11 =	sshll.u32 s1, $0x4  }
.LBB2_29:
0x171: {  	v7 =	vld [tilespmem:s26+$0x0];
	_ =	sdelay $0x4  }
0x172: {  	v7 =	vand.u32 $0x3FFF, v7;
	_ =	sdelay $0x4  }
0x173: {  	v8 =	vld.idx.msk [tilespmem:v7+s5+$0x0], $0xffff;
	_ =	sdelay $0x3  }
0x174: {  	s1 =	sadd.s32 s24, s2  }
0x175: {  	v9 =	vor.u32 s1, v0;
	v8 =	vsub.s32 v8, v5  }
0x176: {  	vm0 =	vlt.s32 v9, v6;
	vm1 =	vlt.u32 v8, $0x300  }
0x177: {  	vm0 =	vmand vm0, vm1  }
0x178: {  	v8 =	vnsel vm0, $0x0, v8  }
0x179: {  	v52 =	vshll.u32 v8, $0x3  }
0x17a: {  	v8 =	vand.u32 $0x7F, v8;
	v9 =	vand.u32 $0xFFFFFC00, v52  }
0x17b: {  	v8 =	vor.u32 v8, v9;
	_ =	sdelay $0x2  }
0x17c: {  	v53 =	vmov s24  }
0x17d: {  	v9 =	vshll.u32 v53, $0x7  }
0x17e: {  	v9 =	vor.u32 v3, v9;
	v10 =	vld.idx.msk [tilespmem:v8+s15+$0x0], vm0  }
0x17f: {  	v11 =	vor.u32 $0x80, v8;
	_ =	sdelay $0x3  }
0x180: {  	[tilespmem:v9+s18+$0x0] =	vst.idx.msk $0xffff, v10  }
0x181: {  	v54 =	vor.u32 $0x1, v9;
	v10 =	vld.idx.msk [tilespmem:v11+s15+$0x0], vm0  }
0x182: {  	v12 =	vor.u32 $0x100, v8;
	_ =	sdelay $0x3  }
0x183: {  	[tilespmem:v54+s18+$0x0] =	vst.idx.msk $0xffff, v10  }
0x184: {  	v55 =	vor.u32 $0x2, v9;
	v10 =	vld.idx.msk [tilespmem:v12+s15+$0x0], vm0  }
0x185: {  	v56 =	vor.u32 $0x180, v8;
	_ =	sdelay $0x3  }
0x186: {  	[tilespmem:v55+s18+$0x0] =	vst.idx.msk $0xffff, v10  }
0x187: {  	v57 =	vor.u32 $0x3, v9;
	v10 =	vld.idx.msk [tilespmem:v56+s15+$0x0], vm0  }
0x188: {  	v58 =	vor.u32 $0x200, v8;
	_ =	sdelay $0x3  }
0x189: {  	[tilespmem:v57+s18+$0x0] =	vst.idx.msk $0xffff, v10  }
0x18a: {  	v59 =	vor.u32 $0x4, v9;
	v10 =	vld.idx.msk [tilespmem:v58+s15+$0x0], vm0  }
0x18b: {  	v60 =	vor.u32 $0x280, v8;
	_ =	sdelay $0x3  }
0x18c: {  	[tilespmem:v59+s18+$0x0] =	vst.idx.msk $0xffff, v10  }
0x18d: {  	v61 =	vor.u32 $0x5, v9;
	v10 =	vld.idx.msk [tilespmem:v60+s15+$0x0], vm0  }
0x18e: {  	v62 =	vor.u32 $0x300, v8;
	_ =	sdelay $0x3  }
0x18f: {  	[tilespmem:v61+s18+$0x0] =	vst.idx.msk $0xffff, v10  }
0x190: {  	v63 =	vor.u32 $0x6, v9;
	v10 =	vld.idx.msk [tilespmem:v62+s15+$0x0], vm0  }
0x191: {  	v16 =	vor.u32 $0x380, v8;
	_ =	sdelay $0x3  }
0x192: {  	[tilespmem:v63+s18+$0x0] =	vst.idx.msk $0xffff, v10  }
0x193: {  	v17 =	vor.u32 $0x7, v9;
	v10 =	vld.idx.msk [tilespmem:v16+s15+$0x0], vm0  }
0x194: {  	v18 =	vadd.s32 $0x1800, v8;
	_ =	sdelay $0x3  }
0x195: {  	[tilespmem:v17+s18+$0x0] =	vst.idx.msk $0xffff, v10  }
0x196: {  	v19 =	vor.u32 $0x8, v9;
	v10 =	vld.idx.msk [tilespmem:v18+s15+$0x0], vm0  }
0x197: {  	v20 =	vadd.s32 $0x1880, v8;
	_ =	sdelay $0x3  }
0x198: {  	[tilespmem:v19+s18+$0x0] =	vst.idx.msk $0xffff, v10  }
0x199: {  	v21 =	vor.u32 $0x9, v9;
	v10 =	vld.idx.msk [tilespmem:v20+s15+$0x0], vm0  }
0x19a: {  	v22 =	vadd.s32 $0x1900, v8;
	_ =	sdelay $0x3  }
0x19b: {  	[tilespmem:v21+s18+$0x0] =	vst.idx.msk $0xffff, v10  }
0x19c: {  	v23 =	vor.u32 $0xA, v9;
	v10 =	vld.idx.msk [tilespmem:v22+s15+$0x0], vm0  }
0x19d: {  	v24 =	vadd.s32 $0x1980, v8;
	_ =	sdelay $0x3  }
0x19e: {  	[tilespmem:v23+s18+$0x0] =	vst.idx.msk $0xffff, v10  }
0x19f: {  	v25 =	vor.u32 $0xB, v9;
	v10 =	vld.idx.msk [tilespmem:v24+s15+$0x0], vm0  }
0x1a0: {  	v26 =	vadd.s32 $0x1A00, v8;
	_ =	sdelay $0x3  }
0x1a1: {  	[tilespmem:v25+s18+$0x0] =	vst.idx.msk $0xffff, v10  }
0x1a2: {  	v27 =	vor.u32 $0xC, v9;
	v10 =	vld.idx.msk [tilespmem:v26+s15+$0x0], vm0  }
0x1a3: {  	v28 =	vadd.s32 $0x1A80, v8;
	_ =	sdelay $0x3  }
0x1a4: {  	[tilespmem:v27+s18+$0x0] =	vst.idx.msk $0xffff, v10  }
0x1a5: {  	v29 =	vor.u32 $0xD, v9;
	v10 =	vld.idx.msk [tilespmem:v28+s15+$0x0], vm0  }
0x1a6: {  	v30 =	vadd.s32 $0x1B00, v8;
	_ =	sdelay $0x3  }
0x1a7: {  	[tilespmem:v29+s18+$0x0] =	vst.idx.msk $0xffff, v10  }
0x1a8: {  	v31 =	vor.u32 $0xE, v9;
	v10 =	vld.idx.msk [tilespmem:v30+s15+$0x0], vm0  }
0x1a9: {  	v32 =	vadd.s32 $0x1B80, v8;
	_ =	sdelay $0x3  }
0x1aa: {  	[tilespmem:v31+s18+$0x0] =	vst.idx.msk $0xffff, v10  }
0x1ab: {  	v33 =	vor.u32 $0xF, v9;
	v10 =	vld.idx.msk [tilespmem:v32+s15+$0x0], vm0  }
0x1ac: {  	v34 =	vadd.s32 $0x3000, v8;
	_ =	sdelay $0x3  }
0x1ad: {  	[tilespmem:v33+s18+$0x0] =	vst.idx.msk $0xffff, v10  }
0x1ae: {  	v35 =	vor.u32 $0x10, v9;
	v10 =	vld.idx.msk [tilespmem:v34+s15+$0x0], vm0  }
0x1af: {  	v36 =	vadd.s32 $0x3080, v8;
	_ =	sdelay $0x3  }
0x1b0: {  	[tilespmem:v35+s18+$0x0] =	vst.idx.msk $0xffff, v10  }
0x1b1: {  	v37 =	vor.u32 $0x11, v9;
	v10 =	vld.idx.msk [tilespmem:v36+s15+$0x0], vm0  }
0x1b2: {  	v38 =	vadd.s32 $0x3100, v8;
	_ =	sdelay $0x3  }
0x1b3: {  	[tilespmem:v37+s18+$0x0] =	vst.idx.msk $0xffff, v10  }
0x1b4: {  	v39 =	vor.u32 $0x12, v9;
	v10 =	vld.idx.msk [tilespmem:v38+s15+$0x0], vm0  }
0x1b5: {  	v40 =	vadd.s32 $0x3180, v8;
	_ =	sdelay $0x3  }
0x1b6: {  	[tilespmem:v39+s18+$0x0] =	vst.idx.msk $0xffff, v10  }
0x1b7: {  	v41 =	vor.u32 $0x13, v9;
	v10 =	vld.idx.msk [tilespmem:v40+s15+$0x0], vm0  }
0x1b8: {  	v42 =	vadd.s32 $0x3200, v8;
	_ =	sdelay $0x3  }
0x1b9: {  	[tilespmem:v41+s18+$0x0] =	vst.idx.msk $0xffff, v10  }
0x1ba: {  	v43 =	vor.u32 $0x14, v9;
	v10 =	vld.idx.msk [tilespmem:v42+s15+$0x0], vm0  }
0x1bb: {  	v44 =	vadd.s32 $0x3280, v8;
	_ =	sdelay $0x3  }
0x1bc: {  	[tilespmem:v43+s18+$0x0] =	vst.idx.msk $0xffff, v10  }
0x1bd: {  	v45 =	vor.u32 $0x15, v9;
	v10 =	vld.idx.msk [tilespmem:v44+s15+$0x0], vm0  }
0x1be: {  	v46 =	vadd.s32 $0x3300, v8;
	_ =	sdelay $0x3  }
0x1bf: {  	[tilespmem:v45+s18+$0x0] =	vst.idx.msk $0xffff, v10  }
0x1c0: {  	v47 =	vor.u32 $0x16, v9;
	v10 =	vld.idx.msk [tilespmem:v46+s15+$0x0], vm0  }
0x1c1: {  	v48 =	vadd.s32 $0x3380, v8;
	_ =	sdelay $0x3  }
0x1c2: {  	[tilespmem:v47+s18+$0x0] =	vst.idx.msk $0xffff, v10  }
0x1c3: {  	v49 =	vor.u32 $0x17, v9;
	v10 =	vld.idx.msk [tilespmem:v48+s15+$0x0], vm0  }
0x1c4: {  	v50 =	vadd.s32 $0x4800, v8;
	_ =	sdelay $0x3  }
0x1c5: {  	[tilespmem:v49+s18+$0x0] =	vst.idx.msk $0xffff, v10  }
0x1c6: {  	v51 =	vor.u32 $0x18, v9;
	v10 =	vld.idx.msk [tilespmem:v50+s15+$0x0], vm0  }
0x1c7: {  	v52 =	vadd.s32 $0x4880, v8;
	_ =	sdelay $0x3  }
0x1c8: {  	[tilespmem:v51+s18+$0x0] =	vst.idx.msk $0xffff, v10  }
0x1c9: {  	v53 =	vor.u32 $0x19, v9;
	v10 =	vld.idx.msk [tilespmem:v52+s15+$0x0], vm0  }
0x1ca: {  	v54 =	vadd.s32 $0x4900, v8;
	_ =	sdelay $0x3  }
0x1cb: {  	[tilespmem:v53+s18+$0x0] =	vst.idx.msk $0xffff, v10  }
0x1cc: {  	v55 =	vor.u32 $0x1A, v9;
	v10 =	vld.idx.msk [tilespmem:v54+s15+$0x0], vm0  }
0x1cd: {  	v56 =	vadd.s32 $0x4980, v8;
	_ =	sdelay $0x3  }
0x1ce: {  	[tilespmem:v55+s18+$0x0] =	vst.idx.msk $0xffff, v10  }
0x1cf: {  	v57 =	vor.u32 $0x1B, v9;
	v10 =	vld.idx.msk [tilespmem:v56+s15+$0x0], vm0  }
0x1d0: {  	v58 =	vadd.s32 $0x4A00, v8;
	_ =	sdelay $0x3  }
0x1d1: {  	[tilespmem:v57+s18+$0x0] =	vst.idx.msk $0xffff, v10  }
0x1d2: {  	v59 =	vor.u32 $0x1C, v9;
	v10 =	vld.idx.msk [tilespmem:v58+s15+$0x0], vm0  }
0x1d3: {  	v60 =	vadd.s32 $0x4A80, v8;
	_ =	sdelay $0x3  }
0x1d4: {  	[tilespmem:v59+s18+$0x0] =	vst.idx.msk $0xffff, v10  }
0x1d5: {  	v61 =	vor.u32 $0x1D, v9;
	v10 =	vld.idx.msk [tilespmem:v60+s15+$0x0], vm0  }
0x1d6: {  	v62 =	vadd.s32 $0x4B00, v8;
	_ =	sdelay $0x3  }
0x1d7: {  	[tilespmem:v61+s18+$0x0] =	vst.idx.msk $0xffff, v10  }
0x1d8: {  	v63 =	vor.u32 $0x1E, v9;
	v10 =	vld.idx.msk [tilespmem:v62+s15+$0x0], vm0  }
0x1d9: {  	v8 =	vadd.s32 $0x4B80, v8;
	_ =	sdelay $0x3  }
0x1da: {  	[tilespmem:v63+s18+$0x0] =	vst.idx.msk $0xffff, v10  }
0x1db: {  	s24 =	sadd.s32 $0x10, s24;
	v9 =	vor.u32 $0x1F, v9;
	v8 =	vld.idx.msk [tilespmem:v8+s15+$0x0], vm0  }
0x1dc: {  	p3 =	sne.s32 s11, s24  }
.Ltmp24:
0x1dd: {  	_ = 	snop;
	(pc) =	sbr.rel @p3 .LBB2_29-.Ltmp24, $3  }
0x1de: {  	_ =	sdelay $0x1  }
0x1df: {  	v7 =	vnsel vm0, $0xFFFFFFFF, v7;
	[tilespmem:v9+s18+$0x0] =	vst.idx.msk $0xffff, v8  }
0x1e0: {  	s26 =	sadd.s32 $0x10, s26;
	[tilespmem:s12+$0x0] =	vst v7;
	s12 =	sadd.s32 $0x10, s12  }
.Ltmp25:
0x1e1: {  	_ = 	snop;
	(pc) =	sbr.rel .LBB2_30-.Ltmp25, $1  }
0x1e2: {  	_ =	sdelay $0x3  }
.LBB2_7:
.Ltmp26:
0x1e3: {  	(pc) =	sbr.rel .LBB2_11-.Ltmp26, $2  }
0x1e4: {  	_ =	sdelay $0x2  }
0x1e5: {  	s3 =	simm.s32 $0x0;
	s2 =	simm.s32 $0x0  }
.LBB2_20:
.Ltmp27:
0x1e6: {  	(pc) =	sbr.rel .LBB2_24-.Ltmp27, $2  }
0x1e7: {  	_ =	sdelay $0x2  }
0x1e8: {  	s3 =	simm.s32 $0x0;
	s2 =	simm.s32 $0x0  }
.LBB2_9:
.Ltmp28:
0x1e9: {  	(pc) =	sbr.rel .LBB2_11-.Ltmp28, $2  }
0x1ea: {  	_ =	sdelay $0x2  }
0x1eb: {  	s3 =	simm.s32 $0x0;
	s2 =	simm.s32 $0x0  }
.LBB2_22:
.Ltmp29:
0x1ec: {  	(pc) =	sbr.rel .LBB2_24-.Ltmp29, $2  }
0x1ed: {  	_ =	sdelay $0x2  }
0x1ee: {  	s3 =	simm.s32 $0x0;
	s2 =	simm.s32 $0x0  }
.LBB2_32:
0x1ef: {  	_ =	swait.ge [sflag:s16], $0x6000  }
0x1f0: {  	[sflag:s16] =	ssyncset.done $0x0  }
0x1f1: {  	[sflag:s16] =	ssyncadd.s32 $0xFFFFA000  }
0x1f2: {  	s0 =	simm.s32 @!p1 $0x0;
	s1 =	simm.s32 @!p1 $0x1A180;
	s2 =	rddreg [dreg:$0x1]  }
0x1f3: {  	[tilespmem:s1], [sflag:$0x4] =	stream.linear.gather @!p1 [hbm4b:s2+s0], $0x2000, $0x38;
	[tilespmem:$0x1C180] =	vst v63  }
0x1f4: {  	s2 =	rddreg [dreg:$0x9]  }
0x1f5: {  	p2 =	slt.s32 @!p1 s2, $0x10  }
0x1f6: {  	s1 =	simm.s32 @!p1 $0x4;
	p2 =	por p1, p2  }
.Ltmp30:
0x1f7: {  	_ =	swait.ge @!p1 [sflag:s1], $0x2000;
	(pc) =	sbr.rel @p2 .LBB2_44-.Ltmp30, $4  }
0x1f8: {  	s28 =	rddreg [dreg:$0x5]  }
0x1f9: {  	[sflag:s1] =	ssyncset.done @!p1 $0x0;
	s29 =	rddreg [dreg:$0x7]  }
0x1fa: {  	s30 =	rddreg [dreg:$0x8];
	[sflag:s1] =	ssyncadd.s32 @!p1 $0xFFFFE000  }
0x1fb: {  	s2 =	simm.s32 @!p1 $0x4000;
	s6 =	rddreg [dreg:$0x2]  }
0x1fc: {  	p3 =	sne.s32 s25, $0x1  }
.Ltmp31:
0x1fd: {  	_ = 	snop;
	(pc) =	sbr.rel @!p3 .LBB2_34-.Ltmp31, $2  }
0x1fe: {  	_ =	sdelay $0x2  }
0x1ff: {  	v5 =	vld [tilespmem:s2+$0x0];
	s3 =	sadd.s32 $0xFFFFFFFF, s25;
	p2 =	por $0x0, $0x0  }
0x200: {  	_ =	sdelay $0x3  }
0x201: {  	v5 =	vand.u32 $0x3FFF, v5;
	_ =	sdelay $0x4  }
0x202: {  	v6 =	vld.idx.msk [tilespmem:v5+s5+$0x0], $0xffff;
	_ =	sdelay $0x4  }
0x203: {  	v7 =	vor.u32 s0, v0;
	v6 =	vand.u32 $0xFFFFFFC0, v6  }
0x204: {  	vm0 =	vlt.s32 v7, v4;
	vm1 =	veq.s32 v6, $0xF4200  }
0x205: {  	vm0 =	vmand vm0, vm1  }
0x206: {  	p3 =	sne.s32 s3, $0x1;
	v6 =	vmpcnt.ones.xlane vm0  }
.Ltmp32:
0x207: {  	_ = 	snop;
	(pc) =	sbr.rel @!p3 .LBB2_36-.Ltmp32, $4  }
0x208: {  	v6 =	vxor.u32 $0x80000000, v6  }
0x209: {  	(xrf0) =	vmax.scan.msk.u32 $0xffff, v6  }
0x20a: {  	s4 =	sadd.s32 $0x10, s2;
	s8 =	sadd.s32 $0xFFFFFFFF, s3;
	[tilespmem:s0+$0x8080] =	vst.msk vm0, v5  }
0x20b: {  	p2 =	por $0x1, $0x1;
	s3 =	simm.s32 @!p1 $0x0;
	s2 =	simm.s32 @!p1 $0x0;
	v5 =	vld [tilespmem:s4+$0x0]  }
.LBB2_37:
0x20c: {  	p3 =	sne.s32 s8, $0x1;
	_ =	sdelay $0x2  }
0x20d: {  	v6, _, _ =	vpop (xrf0)  }
0x20e: {  	v5 =	vand.u32 $0x3FFF, v5;
	(v2sf) =	vpush v6, $0xF;
	_ =	sdelay $0x4  }
0x20f: {  	v6 =	vld.idx.msk [tilespmem:v5+s5+$0x0], $0xffff;
	_ =	sdelay $0x4  }
0x210: {  	s3 =	sadd.s32 $0x10, s3  }
0x211: {  	v7 =	vor.u32 s3, v0;
	v6 =	vand.u32 $0xFFFFFFC0, v6  }
0x212: {  	vm0 =	vlt.s32 v7, v4;
	vm1 =	veq.s32 v6, $0xF4200  }
0x213: {  	vm0 =	vmand vm0, vm1  }
0x214: {  	v6 =	vmpcnt.ones.xlane vm0  }
.Ltmp33:
0x215: {  	s1 =	spop (v2sf);
	(pc) =	sbr.rel @p3 .LBB2_37-.Ltmp33, $4  }
0x216: {  	v6 =	vxor.u32 $0x80000000, v6;
	s1 =	sadd.s32 s1, s2  }
0x217: {  	(xrf0) =	vmax.scan.msk.u32 $0xffff, v6;
	s2 =	sadd.s32 $0x80000000, s1  }
0x218: {  	s4 =	sadd.s32 $0x10, s4;
	[tilespmem:s2+$0x8080] =	vst.msk vm0, v5  }
0x219: {  	s8 =	sadd.s32 $0xFFFFFFFF, s8;
	v5 =	vld [tilespmem:s4+$0x0]  }
.LBB2_38:
0x21a: {  	_ =	sdelay $0x3  }
0x21b: {  	v5 =	vand.u32 $0x3FFF, v5;
	_ =	sdelay $0x4  }
0x21c: {  	v6 =	vld.idx.msk [tilespmem:v5+s5+$0x0], $0xffff;
	_ =	sdelay $0x2  }
0x21d: {  	s1 =	sadd.s32 @p2 $0x10, s3;
	s3 =	simm.s32 @!p1 $0x0  }
0x21e: {  	s3 =	smov.u32 @p2 s1  }
0x21f: {  	v7 =	vor.u32 s3, v0;
	v6 =	vand.u32 $0xFFFFFFC0, v6  }
0x220: {  	vm0 =	vlt.s32 v7, v4;
	vm1 =	veq.s32 v6, $0xF4200  }
0x221: {  	vm0 =	vmand vm0, vm1  }
0x222: {  	v4 =	vmpcnt.ones.xlane vm0;
	_ =	sdelay $0x1  }
0x223: {  	v4 =	vxor.u32 $0x80000000, v4  }
0x224: {  	(xrf0) =	vmax.scan.msk.u32 $0xffff, v4;
	_ =	sdelay $0x2  }
0x225: {  	v4, _, _ =	vpop @p2 (xrf0)  }
0x226: {  	(v2sf) =	vpush @p2 v4, $0xF;
	_ =	sdelay $0x1  }
0x227: {  	v4, _, _ =	vpop (xrf0)  }
0x228: {  	(v2sf) =	vpush v4, $0xF;
	_ =	sdelay $0xb  }
0x229: {  	s1 =	spop @p2 (v2sf)  }
0x22a: {  	s1 =	sadd.s32 @p2 s1, s2  }
0x22b: {  	s1 =	sadd.s32 @p2 $0x80000000, s1  }
0x22c: {  	s0 =	smov.u32 @p2 s1;
	s26 =	spop (v2sf)  }
0x22d: {  	s1 =	sadd.s32 s26, s0  }
0x22e: {  	s2 =	sadd.s32 $0x80000000, s1  }
0x22f: {  	s3 =	sadd.s32 $0xF, s2  }
0x230: {  	p2 =	slt.s32 s3, $0x10  }
.Ltmp34:
0x231: {  	_ = 	snop;
	(pc) =	sbr.rel @p2 .LBB2_44-.Ltmp34, $2  }
0x232: {  	_ =	sdelay $0x2  }
0x233: {  	[tilespmem:s0+$0x8080] =	vst.msk vm0, v5  }
0x234: {  	s0 =	sshra.s32 s3, $0x1F  }
0x235: {  	s0 =	sshrl.u32 s0, $0x1C  }
.Ltmp35:
0x236: {  	s0 =	sadd.s32 s0, s3;
	(pc) =	sbr.rel .LBB2_40-.Ltmp35, $4  }
0x237: {  	s25 =	sshra.s32 s0, $0x4  }
0x238: {  	s0 =	sadd.s32 $0x3, s25  }
0x239: {  	v4 =	vmov s2;
	s2 =	simm.s32 $0x0;
	s8 =	simm.s32 $0x0;
	s0 =	sshrl.u32 s0, $0x2  }
0x23a: {  	s4 =	smov.u32 s25;
	s3 =	smax.u32 s0, $0x1;
	s0 =	simm.s32 $0x8080  }
.LBB2_43:
0x23b: {  	s8 =	sadd.s32 $0x1, s8  }
0x23c: {  	(ifvalue) =	ssetifvalue $0xFFFFFFFF;
	p2 =	sne.s32 s8, s3  }
.Ltmp36:
0x23d: {  	(ifvalue) =	ssetifvalue $0xFFFFFFFF;
	(pc) =	sbr.rel @!p2 .LBB2_44-.Ltmp36, $4  }
0x23e: {  	[hbm4b:s7+s19] =	stream.indirect.scatter [tilespmem:s18], [sflag:$0x3], $0x80, s20, s19, $0x40b8;
	[tilespmem:$0x1C180] =	vst v63  }
0x23f: {  	_ =	swait.ge [sflag:s21], $0x2000  }
0x240: {  	s4 =	sadd.s32 $0xFFFFFFFC, s4;
	[sflag:s21] =	ssyncset.done $0x0  }
0x241: {  	s0 =	sadd.s32 $0x40, s0;
	s2 =	sadd.s32 $0x40, s2;
	[sflag:s21] =	ssyncadd.s32 $0xFFFFE000  }
.LBB2_40:
0x242: {  	s1 =	sshll.u32 s8, $0x2  }
0x243: {  	p2 =	sle.s32 s25, s1  }
.Ltmp37:
0x244: {  	_ = 	snop;
	(pc) =	sbr.rel @p2 .LBB2_43-.Ltmp37, $4  }
0x245: {  	[tilespmem:$0x1A100] =	vst v2  }
0x246: {  	[tilespmem:$0x1A110] =	vst v2  }
0x247: {  	[tilespmem:$0x1A120] =	vst v2  }
0x248: {  	[tilespmem:$0x1A130] =	vst v2  }
0x249: {  	p2 =	sgt.s32 s4, $0x1;
	s1 =	smov.u32 s4  }
0x24a: {  	s1 =	simm.s32 @!p2 $0x1  }
0x24b: {  	s12 =	simm.s32 $0x1A100;
	s1 =	smin.u32 s1, $0x4  }
0x24c: {  	s24 =	smov.u32 s0;
	s26 =	simm.s32 $0x0;
	s11 =	sshll.u32 s1, $0x4  }
.LBB2_42:
0x24d: {  	v5 =	vld [tilespmem:s24+$0x0];
	_ =	sdelay $0x4  }
0x24e: {  	v5 =	vand.u32 $0x3FFF, v5;
	_ =	sdelay $0x4  }
0x24f: {  	v6 =	vld.idx.msk [tilespmem:v5+s5+$0x0], $0xffff;
	_ =	sdelay $0x3  }
0x250: {  	s1 =	sadd.s32 s26, s2  }
0x251: {  	v7 =	vor.u32 s1, v0;
	v8 =	vand.u32 $0xFFFFFFC0, v6  }
0x252: {  	vm0 =	vlt.s32 v7, v4;
	v6 =	vshll.u32 v6, $0x7;
	vm1 =	veq.s32 v8, $0xF4200  }
0x253: {  	v6 =	vadd.s32 $0xF85F0000, v6;
	vm0 =	vmand vm0, vm1  }
0x254: {  	v6 =	vnsel vm0, $0x0, v6;
	_ =	sdelay $0x2  }
0x255: {  	v7 =	vmov s26  }
0x256: {  	v7 =	vshll.u32 v7, $0x7  }
0x257: {  	v7 =	vor.u32 v3, v7;
	v57 =	vld.idx.msk [tilespmem:v6+s23+$0x0], vm0  }
0x258: {  	v9 =	vor.u32 $0x1, v6;
	_ =	sdelay $0x3  }
0x259: {  	[tilespmem:v7+s18+$0x0] =	vst.idx.msk $0xffff, v57  }
0x25a: {  	v58 =	vor.u32 $0x1, v7;
	v8 =	vld.idx.msk [tilespmem:v9+s23+$0x0], vm0  }
0x25b: {  	v10 =	vor.u32 $0x2, v6;
	_ =	sdelay $0x3  }
0x25c: {  	[tilespmem:v58+s18+$0x0] =	vst.idx.msk $0xffff, v8  }
0x25d: {  	v59 =	vor.u32 $0x2, v7;
	v8 =	vld.idx.msk [tilespmem:v10+s23+$0x0], vm0  }
0x25e: {  	v60 =	vor.u32 $0x3, v6;
	_ =	sdelay $0x3  }
0x25f: {  	[tilespmem:v59+s18+$0x0] =	vst.idx.msk $0xffff, v8  }
0x260: {  	v61 =	vor.u32 $0x3, v7;
	v8 =	vld.idx.msk [tilespmem:v60+s23+$0x0], vm0  }
0x261: {  	v62 =	vor.u32 $0x4, v6;
	_ =	sdelay $0x3  }
0x262: {  	[tilespmem:v61+s18+$0x0] =	vst.idx.msk $0xffff, v8  }
0x263: {  	v63 =	vor.u32 $0x4, v7;
	v8 =	vld.idx.msk [tilespmem:v62+s23+$0x0], vm0  }
0x264: {  	v12 =	vor.u32 $0x5, v6;
	_ =	sdelay $0x3  }
0x265: {  	[tilespmem:v63+s18+$0x0] =	vst.idx.msk $0xffff, v8  }
0x266: {  	v13 =	vor.u32 $0x5, v7;
	v8 =	vld.idx.msk [tilespmem:v12+s23+$0x0], vm0  }
0x267: {  	v14 =	vor.u32 $0x6, v6;
	_ =	sdelay $0x3  }
0x268: {  	[tilespmem:v13+s18+$0x0] =	vst.idx.msk $0xffff, v8  }
0x269: {  	v15 =	vor.u32 $0x6, v7;
	v8 =	vld.idx.msk [tilespmem:v14+s23+$0x0], vm0  }
0x26a: {  	v16 =	vor.u32 $0x7, v6;
	_ =	sdelay $0x3  }
0x26b: {  	[tilespmem:v15+s18+$0x0] =	vst.idx.msk $0xffff, v8  }
0x26c: {  	v17 =	vor.u32 $0x7, v7;
	v8 =	vld.idx.msk [tilespmem:v16+s23+$0x0], vm0  }
0x26d: {  	v18 =	vor.u32 $0x8, v6;
	_ =	sdelay $0x3  }
0x26e: {  	[tilespmem:v17+s18+$0x0] =	vst.idx.msk $0xffff, v8  }
0x26f: {  	v19 =	vor.u32 $0x8, v7;
	v8 =	vld.idx.msk [tilespmem:v18+s23+$0x0], vm0  }
0x270: {  	v20 =	vor.u32 $0x9, v6;
	_ =	sdelay $0x3  }
0x271: {  	[tilespmem:v19+s18+$0x0] =	vst.idx.msk $0xffff, v8  }
0x272: {  	v21 =	vor.u32 $0x9, v7;
	v8 =	vld.idx.msk [tilespmem:v20+s23+$0x0], vm0  }
0x273: {  	v22 =	vor.u32 $0xA, v6;
	_ =	sdelay $0x3  }
0x274: {  	[tilespmem:v21+s18+$0x0] =	vst.idx.msk $0xffff, v8  }
0x275: {  	v23 =	vor.u32 $0xA, v7;
	v8 =	vld.idx.msk [tilespmem:v22+s23+$0x0], vm0  }
0x276: {  	v24 =	vor.u32 $0xB, v6;
	_ =	sdelay $0x3  }
0x277: {  	[tilespmem:v23+s18+$0x0] =	vst.idx.msk $0xffff, v8  }
0x278: {  	v25 =	vor.u32 $0xB, v7;
	v8 =	vld.idx.msk [tilespmem:v24+s23+$0x0], vm0  }
0x279: {  	v26 =	vor.u32 $0xC, v6;
	_ =	sdelay $0x3  }
0x27a: {  	[tilespmem:v25+s18+$0x0] =	vst.idx.msk $0xffff, v8  }
0x27b: {  	v27 =	vor.u32 $0xC, v7;
	v8 =	vld.idx.msk [tilespmem:v26+s23+$0x0], vm0  }
0x27c: {  	v28 =	vor.u32 $0xD, v6;
	_ =	sdelay $0x3  }
0x27d: {  	[tilespmem:v27+s18+$0x0] =	vst.idx.msk $0xffff, v8  }
0x27e: {  	v29 =	vor.u32 $0xD, v7;
	v8 =	vld.idx.msk [tilespmem:v28+s23+$0x0], vm0  }
0x27f: {  	v30 =	vor.u32 $0xE, v6;
	_ =	sdelay $0x3  }
0x280: {  	[tilespmem:v29+s18+$0x0] =	vst.idx.msk $0xffff, v8  }
0x281: {  	v31 =	vor.u32 $0xE, v7;
	v8 =	vld.idx.msk [tilespmem:v30+s23+$0x0], vm0  }
0x282: {  	v32 =	vor.u32 $0xF, v6;
	_ =	sdelay $0x3  }
0x283: {  	[tilespmem:v31+s18+$0x0] =	vst.idx.msk $0xffff, v8  }
0x284: {  	v33 =	vor.u32 $0xF, v7;
	v8 =	vld.idx.msk [tilespmem:v32+s23+$0x0], vm0  }
0x285: {  	v34 =	vor.u32 $0x10, v6;
	_ =	sdelay $0x3  }
0x286: {  	[tilespmem:v33+s18+$0x0] =	vst.idx.msk $0xffff, v8  }
0x287: {  	v35 =	vor.u32 $0x10, v7;
	v8 =	vld.idx.msk [tilespmem:v34+s23+$0x0], vm0  }
0x288: {  	v36 =	vor.u32 $0x11, v6;
	_ =	sdelay $0x3  }
0x289: {  	[tilespmem:v35+s18+$0x0] =	vst.idx.msk $0xffff, v8  }
0x28a: {  	v37 =	vor.u32 $0x11, v7;
	v8 =	vld.idx.msk [tilespmem:v36+s23+$0x0], vm0  }
0x28b: {  	v38 =	vor.u32 $0x12, v6;
	_ =	sdelay $0x3  }
0x28c: {  	[tilespmem:v37+s18+$0x0] =	vst.idx.msk $0xffff, v8  }
0x28d: {  	v39 =	vor.u32 $0x12, v7;
	v8 =	vld.idx.msk [tilespmem:v38+s23+$0x0], vm0  }
0x28e: {  	v40 =	vor.u32 $0x13, v6;
	_ =	sdelay $0x3  }
0x28f: {  	[tilespmem:v39+s18+$0x0] =	vst.idx.msk $0xffff, v8  }
0x290: {  	v41 =	vor.u32 $0x13, v7;
	v8 =	vld.idx.msk [tilespmem:v40+s23+$0x0], vm0  }
0x291: {  	v42 =	vor.u32 $0x14, v6;
	_ =	sdelay $0x3  }
0x292: {  	[tilespmem:v41+s18+$0x0] =	vst.idx.msk $0xffff, v8  }
0x293: {  	v43 =	vor.u32 $0x14, v7;
	v8 =	vld.idx.msk [tilespmem:v42+s23+$0x0], vm0  }
0x294: {  	v44 =	vor.u32 $0x15, v6;
	_ =	sdelay $0x3  }
0x295: {  	[tilespmem:v43+s18+$0x0] =	vst.idx.msk $0xffff, v8  }
0x296: {  	v45 =	vor.u32 $0x15, v7;
	v8 =	vld.idx.msk [tilespmem:v44+s23+$0x0], vm0  }
0x297: {  	v46 =	vor.u32 $0x16, v6;
	_ =	sdelay $0x3  }
0x298: {  	[tilespmem:v45+s18+$0x0] =	vst.idx.msk $0xffff, v8  }
0x299: {  	v47 =	vor.u32 $0x16, v7;
	v8 =	vld.idx.msk [tilespmem:v46+s23+$0x0], vm0  }
0x29a: {  	v48 =	vor.u32 $0x17, v6;
	_ =	sdelay $0x3  }
0x29b: {  	[tilespmem:v47+s18+$0x0] =	vst.idx.msk $0xffff, v8  }
0x29c: {  	v49 =	vor.u32 $0x17, v7;
	v8 =	vld.idx.msk [tilespmem:v48+s23+$0x0], vm0  }
0x29d: {  	v50 =	vor.u32 $0x18, v6;
	_ =	sdelay $0x3  }
0x29e: {  	[tilespmem:v49+s18+$0x0] =	vst.idx.msk $0xffff, v8  }
0x29f: {  	v51 =	vor.u32 $0x18, v7;
	v8 =	vld.idx.msk [tilespmem:v50+s23+$0x0], vm0  }
0x2a0: {  	v52 =	vor.u32 $0x19, v6;
	_ =	sdelay $0x3  }
0x2a1: {  	[tilespmem:v51+s18+$0x0] =	vst.idx.msk $0xffff, v8  }
0x2a2: {  	v53 =	vor.u32 $0x19, v7;
	v8 =	vld.idx.msk [tilespmem:v52+s23+$0x0], vm0  }
0x2a3: {  	v54 =	vor.u32 $0x1A, v6;
	_ =	sdelay $0x3  }
0x2a4: {  	[tilespmem:v53+s18+$0x0] =	vst.idx.msk $0xffff, v8  }
0x2a5: {  	v55 =	vor.u32 $0x1A, v7;
	v8 =	vld.idx.msk [tilespmem:v54+s23+$0x0], vm0  }
0x2a6: {  	v56 =	vor.u32 $0x1B, v6;
	_ =	sdelay $0x3  }
0x2a7: {  	[tilespmem:v55+s18+$0x0] =	vst.idx.msk $0xffff, v8  }
0x2a8: {  	v57 =	vor.u32 $0x1B, v7;
	v8 =	vld.idx.msk [tilespmem:v56+s23+$0x0], vm0  }
0x2a9: {  	v58 =	vor.u32 $0x1C, v6;
	_ =	sdelay $0x3  }
0x2aa: {  	[tilespmem:v57+s18+$0x0] =	vst.idx.msk $0xffff, v8  }
0x2ab: {  	v59 =	vor.u32 $0x1C, v7;
	v8 =	vld.idx.msk [tilespmem:v58+s23+$0x0], vm0  }
0x2ac: {  	v60 =	vor.u32 $0x1D, v6;
	_ =	sdelay $0x3  }
0x2ad: {  	[tilespmem:v59+s18+$0x0] =	vst.idx.msk $0xffff, v8  }
0x2ae: {  	v61 =	vor.u32 $0x1D, v7;
	v8 =	vld.idx.msk [tilespmem:v60+s23+$0x0], vm0  }
0x2af: {  	v62 =	vor.u32 $0x1E, v6;
	_ =	sdelay $0x3  }
0x2b0: {  	[tilespmem:v61+s18+$0x0] =	vst.idx.msk $0xffff, v8  }
0x2b1: {  	v63 =	vor.u32 $0x1E, v7;
	v8 =	vld.idx.msk [tilespmem:v62+s23+$0x0], vm0  }
0x2b2: {  	v6 =	vor.u32 $0x1F, v6;
	_ =	sdelay $0x3  }
0x2b3: {  	[tilespmem:v63+s18+$0x0] =	vst.idx.msk $0xffff, v8  }
0x2b4: {  	s26 =	sadd.s32 $0x10, s26;
	v7 =	vor.u32 $0x1F, v7;
	v6 =	vld.idx.msk [tilespmem:v6+s23+$0x0], vm0  }
0x2b5: {  	p2 =	sne.s32 s11, s26  }
.Ltmp38:
0x2b6: {  	_ = 	snop;
	(pc) =	sbr.rel @p2 .LBB2_42-.Ltmp38, $3  }
0x2b7: {  	_ =	sdelay $0x1  }
0x2b8: {  	v5 =	vnsel vm0, $0xFFFFFFFF, v5;
	[tilespmem:v7+s18+$0x0] =	vst.idx.msk $0xffff, v6  }
0x2b9: {  	s24 =	sadd.s32 $0x10, s24;
	[tilespmem:s12+$0x0] =	vst v5;
	s12 =	sadd.s32 $0x10, s12  }
.Ltmp39:
0x2ba: {  	_ = 	snop;
	(pc) =	sbr.rel .LBB2_43-.Ltmp39, $1  }
0x2bb: {  	_ =	sdelay $0x3  }
.LBB2_34:
.Ltmp40:
0x2bc: {  	(pc) =	sbr.rel .LBB2_38-.Ltmp40, $2  }
0x2bd: {  	_ =	sdelay $0x2  }
0x2be: {  	s3 =	simm.s32 @!p1 $0x0;
	s2 =	simm.s32 @!p1 $0x0  }
.LBB2_36:
.Ltmp41:
0x2bf: {  	(pc) =	sbr.rel .LBB2_38-.Ltmp41, $2  }
0x2c0: {  	_ =	sdelay $0x2  }
0x2c1: {  	s3 =	simm.s32 @!p1 $0x0;
	s2 =	simm.s32 @!p1 $0x0  }
.LBB2_45:
0x2c2: {  	_ =	sfence.sel $0x180000  }
0x2c3: {  	[bflag:$0x0] =	sbarrier.arrive $0xFFFF  }
0x2c4: {  	_ =	strace $0x90000047  }
0x2c5: {  	s0 =	stileid.u32;
	[bflag:$0x2] =	sbarrier.arrive $0xFFFF  }
0x2c6: {  	p0 =	sne.s32 s0, $0x0;
	s0 =	rddreg [dreg:$0x4]  }
0x2c7: {  	s0 =	sadd.s32 @!p0 $0x100000, s0  }
0x2c8: {  	[sflag:s0] =	ssyncadd.tile.s32 @!p0 $0x1;
	_ =	shalt  }
.Lfunc_end2:
_tile_overlayer_lowered:
.L_overlay_start_2:
0x2c9: {  	(tag) =	ssettag $0x2  }
0x2ca: {  	s0 =	rddreg [dreg:$0x0];
	s2 =	stileid.u32  }
0x2cb: {  	s1 =	rddreg [dreg:$0x1];
	p0 =	sne.s32 s2, $0x0  }
0x2cc: {  	s3 =	rddreg [dreg:$0x2];
	[bflag:$0x3] =	sbarrier.arrive $0xFFFF;
	s2 =	simm.s32 @!p0 $0x1C04  }
0x2cd: {  	[timem:s3], [sflag:s2] =	dma.local @!p0 [hbm:s0], s1  }
0x2ce: {  	s0 =	simm.s32 @!p0 $0x4  }
0x2cf: {  	_ =	swait.ge @!p0 [sflag:s0], s1  }
0x2d0: {  	s1 =	ssub.s32 @!p0 $0x0, s1;
	[sflag:s0] =	ssyncset.done @!p0 $0x0  }
0x2d1: {  	[sflag:s0] =	ssyncadd.s32 @!p0 s1  }
0x2d2: {  	[bflag:$0x3] =	sbarrier.arrive $0xFFFF  }
0x2d3: {  	_ =	shalt  }

</sc_bundles>
